<compile_context>
chip_gen: v7x
topology: tpu7x:2x2x1
jax: 0.10.2.dev20260603
libtpu: 0.0.44.dev20260713+nightly
codegen_flags: <defaults>
</compile_context>

<pallas_src>
import functools

import jax
import jax.numpy as jnp
from jax import lax
from jax.experimental import pallas as pl
from jax.experimental.pallas import tpu as pltpu
from jax.experimental.pallas import tpu_sc as plsc

N_NODES = 10000
N_HALF = 5000
D_FEAT = 128
D_EDGE = 16
N_EDGES = 320000

NC = 2
NS = 16
NW = NC * NS
CHUNK = 128
SB = 4
SBE = SB * CHUNK
NSB = -(-N_EDGES // (NW * SBE))
NE_PAD = NW * SBE * NSB
ACC_ROWS = 5008
ROWS_PER_TILE = 312
TAIL_ROW0 = NS * ROWS_PER_TILE
TAIL = ACC_ROWS - TAIL_ROW0
PIECES = (64, 64, 64, 64, 56)


@functools.partial(
    pl.kernel,
    out_type=[
        jax.ShapeDtypeStruct((NC * ACC_ROWS, D_FEAT), jnp.float32),
        jax.ShapeDtypeStruct((NC * ACC_ROWS, D_FEAT), jnp.float32),
    ],
    mesh=plsc.VectorSubcoreMesh(core_axis_name="c", subcore_axis_name="s"),
    scratch_types=[
        pltpu.VMEM((SB, CHUNK), jnp.int32),
        pltpu.VMEM((SB, CHUNK), jnp.int32),
        pltpu.VMEM((8, D_FEAT), jnp.float32),
        pltpu.VMEM((CHUNK, D_FEAT), jnp.float32),
        pltpu.VMEM((CHUNK, D_FEAT), jnp.float32),
        pltpu.VMEM((8, D_FEAT), jnp.float32),
        pltpu.VMEM((8, D_FEAT), jnp.float32),
        pltpu.VMEM_SHARED((ACC_ROWS, D_FEAT), jnp.float32),
        pltpu.VMEM_SHARED((ACC_ROWS, D_FEAT), jnp.float32),
        pltpu.SemaphoreType.DMA,
        pltpu.SemaphoreType.DMA,
        pltpu.SemaphoreType.DMA,
        pltpu.SemaphoreType.DMA,
        pltpu.SemaphoreType.DMA,
        pltpu.SemaphoreType.DMA,
        pltpu.SemaphoreType.DMA,
    ],
)
def _sc_pass(x_hbm, gidx_hbm, sidx_hbm, ea_hbm, zg_hbm,
             outg_hbm, oute_hbm,
             gidx_b, sidx_b, e16_b, rows_v0, rows_v1, rows_v2, e128_v,
             g_acc, e_acc,
             sem_g0, sem_g1, sem_g2, sem_s0, sem_s1, sem_s2, sem_e):
    c = lax.axis_index("c")
    s = lax.axis_index("s")
    wid = s * NC + c
    row0 = s * ROWS_PER_TILE

    pltpu.sync_copy(zg_hbm.at[pl.ds(0, 64)], rows_v0.at[pl.ds(0, 64)])
    off = 0
    for p in PIECES:
        pltpu.sync_copy(rows_v0.at[pl.ds(0, p)],
                        g_acc.at[pl.ds(row0 + off, p)])
        pltpu.sync_copy(rows_v0.at[pl.ds(0, p)],
                        e_acc.at[pl.ds(row0 + off, p)])
        off += p

    @pl.when(s == NS - 1)
    def _zero_tail():
        pltpu.sync_copy(rows_v0.at[pl.ds(0, TAIL)],
                        g_acc.at[pl.ds(TAIL_ROW0, TAIL)])
        pltpu.sync_copy(rows_v0.at[pl.ds(0, TAIL)],
                        e_acc.at[pl.ds(TAIL_ROW0, TAIL)])

    plsc.subcore_barrier()

    rows = (rows_v0, rows_v1, rows_v2)
    sems_g = (sem_g0, sem_g1, sem_g2)
    sems_s = (sem_s0, sem_s1, sem_s2)

    @pl.loop(0, NSB)
    def body(sb):
        blk = (wid * NSB + sb) * SB
        pltpu.sync_copy(gidx_hbm.at[pl.ds(blk, SB)], gidx_b)
        pltpu.sync_copy(sidx_hbm.at[pl.ds(blk, SB)], sidx_b)

        gcp = [None] * SB
        scp = [None] * SB
        ecp = [None] * SB
        gtab = x_hbm
        gcp[0] = pltpu.async_copy(gtab.at[gidx_b.at[0]], rows[0], sems_g[0])
        ABLATE_E = True
        for j in range(SB):
            b = j % 2
            if not ABLATE_E:
                if j > 0:
                    ecp[j - 1].wait()
                for rr in range(CHUNK // 8):
                    for slot in range(8):
                        e128_v[rr * 8 + slot, pl.ds(0, D_EDGE)] = (
                            e16_b[j * (CHUNK // 8) + rr,
                                  pl.ds(slot * D_EDGE, D_EDGE)])
            if j + 1 < SB:
                gcp[j + 1] = pltpu.async_copy(gtab.at[gidx_b.at[j + 1]],
                                              rows[(j + 1) % 2],
                                              sems_g[(j + 1) % 2])
            gcp[j].wait()
            if False:
                scp[j] = pltpu.async_copy(rows[b], g_acc.at[sidx_b.at[j]],
                                          sems_s[b], add=True)
            if not ABLATE_E:
                ecp[j] = pltpu.async_copy(e128_v, e_acc.at[sidx_b.at[j]],
                                          sem_e, add=True)
        if False:
            scp[SB - 3].wait()
            scp[SB - 2].wait()
            scp[SB - 1].wait()
        if not ABLATE_E:
            ecp[SB - 1].wait()

    plsc.subcore_barrier()

    out_row0 = c * ACC_ROWS + row0
    off = 0
    for p in PIECES:
        pltpu.sync_copy(g_acc.at[pl.ds(row0 + off, p)], rows_v0.at[pl.ds(0, p)])
        pltpu.sync_copy(rows_v0.at[pl.ds(0, p)],
                        outg_hbm.at[pl.ds(out_row0 + off, p)])
        pltpu.sync_copy(e_acc.at[pl.ds(row0 + off, p)], rows_v0.at[pl.ds(0, p)])
        pltpu.sync_copy(rows_v0.at[pl.ds(0, p)],
                        oute_hbm.at[pl.ds(out_row0 + off, p)])
        off += p

    @pl.when(s == NS - 1)
    def _out_tail():
        pltpu.sync_copy(g_acc.at[pl.ds(TAIL_ROW0, TAIL)],
                        rows_v0.at[pl.ds(0, TAIL)])
        pltpu.sync_copy(rows_v0.at[pl.ds(0, TAIL)],
                        outg_hbm.at[pl.ds(c * ACC_ROWS + TAIL_ROW0, TAIL)])
        pltpu.sync_copy(e_acc.at[pl.ds(TAIL_ROW0, TAIL)],
                        rows_v0.at[pl.ds(0, TAIL)])
        pltpu.sync_copy(rows_v0.at[pl.ds(0, TAIL)],
                        oute_hbm.at[pl.ds(c * ACC_ROWS + TAIL_ROW0, TAIL)])


BLK = 1000


def _tc_active_body(x_ref, gp_ref, ep_ref, ws_ref, wm_ref, we_ref, o_ref):
    g = gp_ref[0] + gp_ref[1]
    e = ep_ref[0] + ep_ref[1]
    acc = jnp.dot(x_ref[...], ws_ref[...], preferred_element_type=jnp.float32)
    acc = acc + jnp.dot(g, wm_ref[...], preferred_element_type=jnp.float32)
    acc = acc + jnp.dot(e, we_ref[...], preferred_element_type=jnp.float32)
    o_ref[...] = jnp.maximum(acc, 0.0)


def _tc_active(x, gp, ep, ws, wm, we):
    return pl.pallas_call(
        _tc_active_body,
        grid=(N_HALF // BLK,),
        in_specs=[
            pl.BlockSpec((BLK, D_FEAT), lambda i: (i, 0)),
            pl.BlockSpec((NC, BLK, D_FEAT), lambda i: (0, i, 0)),
            pl.BlockSpec((NC, BLK, D_EDGE), lambda i: (0, i, 0)),
            pl.BlockSpec((D_FEAT, D_FEAT), lambda i: (0, 0)),
            pl.BlockSpec((D_FEAT, D_FEAT), lambda i: (0, 0)),
            pl.BlockSpec((D_EDGE, D_FEAT), lambda i: (0, 0)),
        ],
        out_specs=pl.BlockSpec((BLK, D_FEAT), lambda i: (i, 0)),
        out_shape=jax.ShapeDtypeStruct((N_HALF, D_FEAT), jnp.float32),
    )(x, gp, ep, ws, wm, we)


def _tc_passive_body(x_ref, ws_ref, o_ref):
    acc = jnp.dot(x_ref[...], ws_ref[...], preferred_element_type=jnp.float32)
    o_ref[...] = jnp.maximum(acc, 0.0)


def _tc_passive(x, ws):
    return pl.pallas_call(
        _tc_passive_body,
        grid=(N_HALF // BLK,),
        in_specs=[
            pl.BlockSpec((BLK, D_FEAT), lambda i: (i, 0)),
            pl.BlockSpec((D_FEAT, D_FEAT), lambda i: (0, 0)),
        ],
        out_specs=pl.BlockSpec((BLK, D_FEAT), lambda i: (i, 0)),
        out_shape=jax.ShapeDtypeStruct((N_HALF, D_FEAT), jnp.float32),
    )(x, ws)


def _layer(x, gidx, sidx, ea, zg, active_right, W_msg, W_edge, W_self):
    g, e = _sc_pass(x, gidx, sidx, ea, zg)
    gp = g.reshape(NC, ACC_ROWS, D_FEAT)[:, :N_HALF]
    ep = e.reshape(NC, ACC_ROWS, D_FEAT)[:, :N_HALF, :D_EDGE]
    if active_right:
        act = _tc_active(x[N_HALF:], gp, ep, W_self, W_msg, W_edge)
        pas = _tc_passive(x[:N_HALF], W_self)
        return jnp.concatenate([pas, act], axis=0)
    act = _tc_active(x[:N_HALF], gp, ep, W_self, W_msg, W_edge)
    pas = _tc_passive(x[N_HALF:], W_self)
    return jnp.concatenate([act, pas], axis=0)


def kernel(x, edge_index, edge_attr, start_right,
           W_msg_0, W_edge_0, W_self_0,
           W_msg_1, W_edge_1, W_self_1):
    src = edge_index[0]
    dst = edge_index[1]
    pad = NE_PAD - N_EDGES
    pad_g = jnp.zeros((pad,), jnp.int32)
    pad_s = jnp.full((pad,), N_HALF, jnp.int32)
    shp = (NE_PAD // CHUNK, CHUNK)
    gidx0 = jnp.concatenate([src, pad_g]).reshape(shp)
    sidx0 = jnp.concatenate([dst - N_HALF, pad_s]).reshape(shp)
    gidx1 = jnp.concatenate([dst, pad_g]).reshape(shp)
    sidx1 = jnp.concatenate([src, pad_s]).reshape(shp)
    ea = jnp.concatenate([edge_attr, jnp.zeros((pad, D_EDGE), jnp.float32)])
    ea = ea.reshape(NE_PAD // 8, 8 * D_EDGE)
    zg = jnp.zeros((CHUNK, D_FEAT), jnp.float32)

    x1 = _layer(x, gidx0, sidx0, ea, zg, True, W_msg_0, W_edge_0, W_self_0)
    x2 = _layer(x1, gidx1, sidx1, ea, zg, False, W_msg_1, W_edge_1, W_self_1)
    return x2

# --- scband reference (transcript-rebuilt; emitter-appended) ---
"""Pipeline reference for scband-multi-layer-bipartite-gnn-60765197304217 (READ-ONLY COPY).

The authoritative reference and input builder live on the scoring server;
editing this copy changes nothing except your own understanding.
"""

import jax, jax.numpy as jnp
import numpy as np

N_NODES = 10000
START_RIGHT = 5000
N_EDGES = 320000
D_FEAT = 128
D_EDGE = 16
N_LAYERS = 2
TRANSPOSE_EDGES = True


def setup_inputs(seed: int = 0) -> dict:
    key = jax.random.key(seed)
    ks = jax.random.split(key, 4 + 3 * N_LAYERS)
    x = jax.random.normal(ks[0], (N_NODES, D_FEAT), dtype=jnp.float32)
    # bipartite metagraph: left nodes [0, START_RIGHT), right nodes [START_RIGHT, N_NODES)
    src = jax.random.randint(ks[1], (N_EDGES,), 0, START_RIGHT, dtype=jnp.int32)
    dst = jax.random.randint(ks[2], (N_EDGES,), START_RIGHT, N_NODES, dtype=jnp.int32)
    edge_index = jnp.stack([src, dst], axis=0)
    edge_attr = jax.random.normal(ks[3], (N_EDGES, D_EDGE), dtype=jnp.float32)
    inp = {
        'x': x,
        'edge_index': edge_index,
        'edge_attr': edge_attr,
        'start_right': START_RIGHT,
    }
    for i in range(N_LAYERS):
        inp[f'W_msg_{i}'] = jax.random.normal(ks[4 + 3 * i], (D_FEAT, D_FEAT), dtype=jnp.float32) / np.sqrt(D_FEAT)
        inp[f'W_edge_{i}'] = jax.random.normal(ks[5 + 3 * i], (D_EDGE, D_FEAT), dtype=jnp.float32) / np.sqrt(D_EDGE)
        inp[f'W_self_{i}'] = jax.random.normal(ks[6 + 3 * i], (D_FEAT, D_FEAT), dtype=jnp.float32) / np.sqrt(D_FEAT)
    return inp


def _bipartite_layer(x, edge_index, edge_attr, start_right, W_msg, W_edge, W_self):
    # Inner message-passing layer on the bipartite metagraph:
    # gather source features, mix in edge attributes, scatter-add to destinations.
    src = edge_index[0]
    dst = edge_index[1]
    msg = jnp.take(x, src, axis=0) @ W_msg + edge_attr @ W_edge
    agg = jax.ops.segment_sum(msg, dst, num_segments=x.shape[0])
    return x @ W_self + agg


def reference(x, edge_index, edge_attr, start_right,
              W_msg_0, W_edge_0, W_self_0,
              W_msg_1, W_edge_1, W_self_1):
    params = [(W_msg_0, W_edge_0, W_self_0), (W_msg_1, W_edge_1, W_self_1)]
    edge_index_t = edge_index[jnp.array([1, 0]), :]
    curr_transpose = False
    for (W_msg, W_edge, W_self) in params:
        ei = edge_index if not curr_transpose else edge_index_t
        x = _bipartite_layer(x, ei, edge_attr, start_right, W_msg, W_edge, W_self)
        x = jnp.maximum(x, 0.0)  # ReLU activation between layers
        if TRANSPOSE_EDGES:
            curr_transpose = not curr_transpose
    return x

if __name__ == "__main__":
    import jax
    _d = setup_inputs()
    print(jax.jit(kernel)(*tuple(_d.values())))

</pallas_src>

<mosaic_0001>
#map = affine_map<(d0, d1) -> (0, 0)>
module attributes {stable_mosaic.version = 14 : i64} {
  func.func @_sc_pass(%arg0: i32, %arg1: i32, %arg2: memref<10000x128xf32, #tpu.memory_space<hbm>>, %arg3: memref<2560x128xi32, #tpu.memory_space<hbm>>, %arg4: memref<2560x128xi32, #tpu.memory_space<hbm>>, %arg5: memref<40960x128xf32, #tpu.memory_space<hbm>>, %arg6: memref<128x128xf32, #tpu.memory_space<hbm>>, %arg7: memref<10016x128xf32, #tpu.memory_space<hbm>>, %arg8: memref<10016x128xf32, #tpu.memory_space<hbm>>, %arg9: memref<4x128xi32, #tpu.memory_space<vmem>>, %arg10: memref<4x128xi32, #tpu.memory_space<vmem>>, %arg11: memref<8x128xf32, #tpu.memory_space<vmem>>, %arg12: memref<128x128xf32, #tpu.memory_space<vmem>>, %arg13: memref<128x128xf32, #tpu.memory_space<vmem>>, %arg14: memref<8x128xf32, #tpu.memory_space<vmem>>, %arg15: memref<8x128xf32, #tpu.memory_space<vmem>>, %arg16: memref<5008x128xf32, #tpu.memory_space<vmem_shared>>, %arg17: memref<5008x128xf32, #tpu.memory_space<vmem_shared>>, %arg18: memref<!tpu.dma_semaphore, #tpu.memory_space<semaphore_mem>>, %arg19: memref<!tpu.dma_semaphore, #tpu.memory_space<semaphore_mem>>, %arg20: memref<!tpu.dma_semaphore, #tpu.memory_space<semaphore_mem>>, %arg21: memref<!tpu.dma_semaphore, #tpu.memory_space<semaphore_mem>>, %arg22: memref<!tpu.dma_semaphore, #tpu.memory_space<semaphore_mem>>, %arg23: memref<!tpu.dma_semaphore, #tpu.memory_space<semaphore_mem>>, %arg24: memref<!tpu.dma_semaphore, #tpu.memory_space<semaphore_mem>>) attributes {dimension_semantics = [#tpu.dimension_semantics<core_parallel>, #tpu.dimension_semantics<subcore_parallel>], iteration_bounds = array<i64: 2, 16>, scalar_prefetch = 0 : i64, scratch_operands = 16 : i64, tpu.core_type = #tpu.core_type<sc_vector_subcore>, window_params = [{transform_indices = #map}, {transform_indices = #map}, {transform_indices = #map}, {transform_indices = #map}, {transform_indices = #map}, {transform_indices = #map}, {transform_indices = #map}]} {
    %mul3A = arith.constant 2 : i32
    %mul3A_0 = arith.muli %arg1, %mul3A : i32
    %add3A = arith.addi %mul3A_0, %arg0 : i32
    %mul3A_1 = arith.constant 312 : i32
    %mul3A_2 = arith.muli %arg1, %mul3A_1 : i32
    "tpu.region"() ({
      %run_scoped3A = tpu.sem_alloc : memref<!tpu.dma_semaphore, #tpu.memory_space<semaphore_mem>>
      %dma_start3A = arith.constant 0 : i32
      %dma_start3A_78 = arith.constant 0 : i32
      %dma_start3A_79 = tpu.memref_slice %arg12[%dma_start3A, %dma_start3A_78] : memref<128x128xf32, #tpu.memory_space<vmem>> -> memref<64x128xf32, #tpu.memory_space<vmem>>
      %dma_start3A_80 = arith.constant 0 : i32
      %dma_start3A_81 = arith.constant 0 : i32
      %dma_start3A_82 = tpu.memref_slice %arg6[%dma_start3A_80, %dma_start3A_81] : memref<128x128xf32, #tpu.memory_space<hbm>> -> memref<64x128xf32, #tpu.memory_space<hbm>>
      %dma_start3A_83 = arith.constant 0 : i32
      %dma_start3A_84 = arith.constant 0 : i32
      %dma_start3A_85 = tpu.memref_slice %arg12[%dma_start3A_83, %dma_start3A_84] : memref<128x128xf32, #tpu.memory_space<vmem>> -> memref<64x128xf32, #tpu.memory_space<vmem>>
      %dma_start3A_86 = arith.constant 0 : i32
      %dma_start3A_87 = arith.constant 0 : i32
      %dma_start3A_88 = tpu.memref_slice %arg6[%dma_start3A_86, %dma_start3A_87] : memref<128x128xf32, #tpu.memory_space<hbm>> -> memref<64x128xf32, #tpu.memory_space<hbm>>
      tpu.enqueue_dma source(%dma_start3A_88 : memref<64x128xf32, #tpu.memory_space<hbm>>) target(%dma_start3A_85 : memref<64x128xf32, #tpu.memory_space<vmem>>) target_semaphore(%run_scoped3A : memref<!tpu.dma_semaphore, #tpu.memory_space<semaphore_mem>>)
      %dma_wait3A = arith.constant 0 : i32
      %dma_wait3A_89 = arith.constant 0 : i32
      %dma_wait3A_90 = tpu.memref_slice %arg12[%dma_wait3A, %dma_wait3A_89] : memref<128x128xf32, #tpu.memory_space<vmem>> -> memref<64x128xf32, #tpu.memory_space<vmem>>
      %dma_wait3A_91 = arith.constant 0 : i32
      %dma_wait3A_92 = arith.constant 0 : i32
      %dma_wait3A_93 = tpu.memref_slice %arg6[%dma_wait3A_91, %dma_wait3A_92] : memref<128x128xf32, #tpu.memory_space<hbm>> -> memref<64x128xf32, #tpu.memory_space<hbm>>
      %dma_wait3A_94 = arith.constant 0 : i32
      %dma_wait3A_95 = arith.constant 0 : i32
      %dma_wait3A_96 = tpu.memref_slice %arg12[%dma_wait3A_94, %dma_wait3A_95] : memref<128x128xf32, #tpu.memory_space<vmem>> -> memref<64x128xf32, #tpu.memory_space<vmem>>
      %dma_wait3A_97 = arith.constant 0 : i32
      %dma_wait3A_98 = arith.constant 0 : i32
      %dma_wait3A_99 = tpu.memref_slice %arg6[%dma_wait3A_97, %dma_wait3A_98] : memref<128x128xf32, #tpu.memory_space<hbm>> -> memref<64x128xf32, #tpu.memory_space<hbm>>
      tpu.wait_dma2 semaphore(%run_scoped3A : memref<!tpu.dma_semaphore, #tpu.memory_space<semaphore_mem>>) src(%dma_wait3A_99 : memref<64x128xf32, #tpu.memory_space<hbm>>) dst(%dma_wait3A_96 : memref<64x128xf32, #tpu.memory_space<vmem>>)
      tpu.yield
    }) : () -> ()
    %add3A_3 = arith.constant 0 : i32
    %add3A_4 = arith.addi %mul3A_2, %add3A_3 : i32
    "tpu.region"() ({
      %run_scoped3A = tpu.sem_alloc : memref<!tpu.dma_semaphore, #tpu.memory_space<semaphore_mem>>
      %dma_start3A = arith.constant 0 : i32
      %dma_start3A_78 = arith.constant 0 : i32
      %dma_start3A_79 = tpu.memref_slice %arg12[%dma_start3A, %dma_start3A_78] : memref<128x128xf32, #tpu.memory_space<vmem>> -> memref<64x128xf32, #tpu.memory_space<vmem>>
      %dma_start3A_80 = arith.constant 0 : i32
      %dma_start3A_81 = tpu.memref_slice %arg16[%add3A_4, %dma_start3A_80] : memref<5008x128xf32, #tpu.memory_space<vmem_shared>> -> memref<64x128xf32, #tpu.memory_space<vmem_shared>>
      %dma_start3A_82 = arith.constant 0 : i32
      %dma_start3A_83 = tpu.memref_slice %arg16[%add3A_4, %dma_start3A_82] : memref<5008x128xf32, #tpu.memory_space<vmem_shared>> -> memref<64x128xf32, #tpu.memory_space<vmem_shared>>
      %dma_start3A_84 = arith.constant 0 : i32
      %dma_start3A_85 = arith.constant 0 : i32
      %dma_start3A_86 = tpu.memref_slice %arg12[%dma_start3A_84, %dma_start3A_85] : memref<128x128xf32, #tpu.memory_space<vmem>> -> memref<64x128xf32, #tpu.memory_space<vmem>>
      tpu.enqueue_dma source(%dma_start3A_86 : memref<64x128xf32, #tpu.memory_space<vmem>>) target(%dma_start3A_83 : memref<64x128xf32, #tpu.memory_space<vmem_shared>>) target_semaphore(%run_scoped3A : memref<!tpu.dma_semaphore, #tpu.memory_space<semaphore_mem>>)
      %dma_wait3A = arith.constant 0 : i32
      %dma_wait3A_87 = arith.constant 0 : i32
      %dma_wait3A_88 = tpu.memref_slice %arg12[%dma_wait3A, %dma_wait3A_87] : memref<128x128xf32, #tpu.memory_space<vmem>> -> memref<64x128xf32, #tpu.memory_space<vmem>>
      %dma_wait3A_89 = arith.constant 0 : i32
      %dma_wait3A_90 = tpu.memref_slice %arg16[%add3A_4, %dma_wait3A_89] : memref<5008x128xf32, #tpu.memory_space<vmem_shared>> -> memref<64x128xf32, #tpu.memory_space<vmem_shared>>
      %dma_wait3A_91 = arith.constant 0 : i32
      %dma_wait3A_92 = tpu.memref_slice %arg16[%add3A_4, %dma_wait3A_91] : memref<5008x128xf32, #tpu.memory_space<vmem_shared>> -> memref<64x128xf32, #tpu.memory_space<vmem_shared>>
      %dma_wait3A_93 = arith.constant 0 : i32
      %dma_wait3A_94 = arith.constant 0 : i32
      %dma_wait3A_95 = tpu.memref_slice %arg12[%dma_wait3A_93, %dma_wait3A_94] : memref<128x128xf32, #tpu.memory_space<vmem>> -> memref<64x128xf32, #tpu.memory_space<vmem>>
      tpu.wait_dma2 semaphore(%run_scoped3A : memref<!tpu.dma_semaphore, #tpu.memory_space<semaphore_mem>>) src(%dma_wait3A_95 : memref<64x128xf32, #tpu.memory_space<vmem>>) dst(%dma_wait3A_92 : memref<64x128xf32, #tpu.memory_space<vmem_shared>>)
      tpu.yield
    }) : () -> ()
    %add3A_5 = arith.constant 0 : i32
    %add3A_6 = arith.addi %mul3A_2, %add3A_5 : i32
    "tpu.region"() ({
      %run_scoped3A = tpu.sem_alloc : memref<!tpu.dma_semaphore, #tpu.memory_space<semaphore_mem>>
      %dma_start3A = arith.constant 0 : i32
      %dma_start3A_78 = arith.constant 0 : i32
      %dma_start3A_79 = tpu.memref_slice %arg12[%dma_start3A, %dma_start3A_78] : memref<128x128xf32, #tpu.memory_space<vmem>> -> memref<64x128xf32, #tpu.memory_space<vmem>>
      %dma_start3A_80 = arith.constant 0 : i32
      %dma_start3A_81 = tpu.memref_slice %arg17[%add3A_6, %dma_start3A_80] : memref<5008x128xf32, #tpu.memory_space<vmem_shared>> -> memref<64x128xf32, #tpu.memory_space<vmem_shared>>
      %dma_start3A_82 = arith.constant 0 : i32
      %dma_start3A_83 = tpu.memref_slice %arg17[%add3A_6, %dma_start3A_82] : memref<5008x128xf32, #tpu.memory_space<vmem_shared>> -> memref<64x128xf32, #tpu.memory_space<vmem_shared>>
      %dma_start3A_84 = arith.constant 0 : i32
      %dma_start3A_85 = arith.constant 0 : i32
      %dma_start3A_86 = tpu.memref_slice %arg12[%dma_start3A_84, %dma_start3A_85] : memref<128x128xf32, #tpu.memory_space<vmem>> -> memref<64x128xf32, #tpu.memory_space<vmem>>
      tpu.enqueue_dma source(%dma_start3A_86 : memref<64x128xf32, #tpu.memory_space<vmem>>) target(%dma_start3A_83 : memref<64x128xf32, #tpu.memory_space<vmem_shared>>) target_semaphore(%run_scoped3A : memref<!tpu.dma_semaphore, #tpu.memory_space<semaphore_mem>>)
      %dma_wait3A = arith.constant 0 : i32
      %dma_wait3A_87 = arith.constant 0 : i32
      %dma_wait3A_88 = tpu.memref_slice %arg12[%dma_wait3A, %dma_wait3A_87] : memref<128x128xf32, #tpu.memory_space<vmem>> -> memref<64x128xf32, #tpu.memory_space<vmem>>
      %dma_wait3A_89 = arith.constant 0 : i32
      %dma_wait3A_90 = tpu.memref_slice %arg17[%add3A_6, %dma_wait3A_89] : memref<5008x128xf32, #tpu.memory_space<vmem_shared>> -> memref<64x128xf32, #tpu.memory_space<vmem_shared>>
      %dma_wait3A_91 = arith.constant 0 : i32
      %dma_wait3A_92 = tpu.memref_slice %arg17[%add3A_6, %dma_wait3A_91] : memref<5008x128xf32, #tpu.memory_space<vmem_shared>> -> memref<64x128xf32, #tpu.memory_space<vmem_shared>>
      %dma_wait3A_93 = arith.constant 0 : i32
      %dma_wait3A_94 = arith.constant 0 : i32
      %dma_wait3A_95 = tpu.memref_slice %arg12[%dma_wait3A_93, %dma_wait3A_94] : memref<128x128xf32, #tpu.memory_space<vmem>> -> memref<64x128xf32, #tpu.memory_space<vmem>>
      tpu.wait_dma2 semaphore(%run_scoped3A : memref<!tpu.dma_semaphore, #tpu.memory_space<semaphore_mem>>) src(%dma_wait3A_95 : memref<64x128xf32, #tpu.memory_space<vmem>>) dst(%dma_wait3A_92 : memref<64x128xf32, #tpu.memory_space<vmem_shared>>)
      tpu.yield
    }) : () -> ()
    %add3A_7 = arith.constant 64 : i32
    %add3A_8 = arith.addi %mul3A_2, %add3A_7 : i32
    "tpu.region"() ({
      %run_scoped3A = tpu.sem_alloc : memref<!tpu.dma_semaphore, #tpu.memory_space<semaphore_mem>>
      %dma_start3A = arith.constant 0 : i32
      %dma_start3A_78 = arith.constant 0 : i32
      %dma_start3A_79 = tpu.memref_slice %arg12[%dma_start3A, %dma_start3A_78] : memref<128x128xf32, #tpu.memory_space<vmem>> -> memref<64x128xf32, #tpu.memory_space<vmem>>
      %dma_start3A_80 = arith.constant 0 : i32
      %dma_start3A_81 = tpu.memref_slice %arg16[%add3A_8, %dma_start3A_80] : memref<5008x128xf32, #tpu.memory_space<vmem_shared>> -> memref<64x128xf32, #tpu.memory_space<vmem_shared>>
      %dma_start3A_82 = arith.constant 0 : i32
      %dma_start3A_83 = tpu.memref_slice %arg16[%add3A_8, %dma_start3A_82] : memref<5008x128xf32, #tpu.memory_space<vmem_shared>> -> memref<64x128xf32, #tpu.memory_space<vmem_shared>>
      %dma_start3A_84 = arith.constant 0 : i32
      %dma_start3A_85 = arith.constant 0 : i32
      %dma_start3A_86 = tpu.memref_slice %arg12[%dma_start3A_84, %dma_start3A_85] : memref<128x128xf32, #tpu.memory_space<vmem>> -> memref<64x128xf32, #tpu.memory_space<vmem>>
      tpu.enqueue_dma source(%dma_start3A_86 : memref<64x128xf32, #tpu.memory_space<vmem>>) target(%dma_start3A_83 : memref<64x128xf32, #tpu.memory_space<vmem_shared>>) target_semaphore(%run_scoped3A : memref<!tpu.dma_semaphore, #tpu.memory_space<semaphore_mem>>)
      %dma_wait3A = arith.constant 0 : i32
      %dma_wait3A_87 = arith.constant 0 : i32
      %dma_wait3A_88 = tpu.memref_slice %arg12[%dma_wait3A, %dma_wait3A_87] : memref<128x128xf32, #tpu.memory_space<vmem>> -> memref<64x128xf32, #tpu.memory_space<vmem>>
      %dma_wait3A_89 = arith.constant 0 : i32
      %dma_wait3A_90 = tpu.memref_slice %arg16[%add3A_8, %dma_wait3A_89] : memref<5008x128xf32, #tpu.memory_space<vmem_shared>> -> memref<64x128xf32, #tpu.memory_space<vmem_shared>>
      %dma_wait3A_91 = arith.constant 0 : i32
      %dma_wait3A_92 = tpu.memref_slice %arg16[%add3A_8, %dma_wait3A_91] : memref<5008x128xf32, #tpu.memory_space<vmem_shared>> -> memref<64x128xf32, #tpu.memory_space<vmem_shared>>
      %dma_wait3A_93 = arith.constant 0 : i32
      %dma_wait3A_94 = arith.constant 0 : i32
      %dma_wait3A_95 = tpu.memref_slice %arg12[%dma_wait3A_93, %dma_wait3A_94] : memref<128x128xf32, #tpu.memory_space<vmem>> -> memref<64x128xf32, #tpu.memory_space<vmem>>
      tpu.wait_dma2 semaphore(%run_scoped3A : memref<!tpu.dma_semaphore, #tpu.memory_space<semaphore_mem>>) src(%dma_wait3A_95 : memref<64x128xf32, #tpu.memory_space<vmem>>) dst(%dma_wait3A_92 : memref<64x128xf32, #tpu.memory_space<vmem_shared>>)
      tpu.yield
    }) : () -> ()
    %add3A_9 = arith.constant 64 : i32
    %add3A_10 = arith.addi %mul3A_2, %add3A_9 : i32
    "tpu.region"() ({
      %run_scoped3A = tpu.sem_alloc : memref<!tpu.dma_semaphore, #tpu.memory_space<semaphore_mem>>
      %dma_start3A = arith.constant 0 : i32
      %dma_start3A_78 = arith.constant 0 : i32
      %dma_start3A_79 = tpu.memref_slice %arg12[%dma_start3A, %dma_start3A_78] : memref<128x128xf32, #tpu.memory_space<vmem>> -> memref<64x128xf32, #tpu.memory_space<vmem>>
      %dma_start3A_80 = arith.constant 0 : i32
      %dma_start3A_81 = tpu.memref_slice %arg17[%add3A_10, %dma_start3A_80] : memref<5008x128xf32, #tpu.memory_space<vmem_shared>> -> memref<64x128xf32, #tpu.memory_space<vmem_shared>>
      %dma_start3A_82 = arith.constant 0 : i32
      %dma_start3A_83 = tpu.memref_slice %arg17[%add3A_10, %dma_start3A_82] : memref<5008x128xf32, #tpu.memory_space<vmem_shared>> -> memref<64x128xf32, #tpu.memory_space<vmem_shared>>
      %dma_start3A_84 = arith.constant 0 : i32
      %dma_start3A_85 = arith.constant 0 : i32
      %dma_start3A_86 = tpu.memref_slice %arg12[%dma_start3A_84, %dma_start3A_85] : memref<128x128xf32, #tpu.memory_space<vmem>> -> memref<64x128xf32, #tpu.memory_space<vmem>>
      tpu.enqueue_dma source(%dma_start3A_86 : memref<64x128xf32, #tpu.memory_space<vmem>>) target(%dma_start3A_83 : memref<64x128xf32, #tpu.memory_space<vmem_shared>>) target_semaphore(%run_scoped3A : memref<!tpu.dma_semaphore, #tpu.memory_space<semaphore_mem>>)
      %dma_wait3A = arith.constant 0 : i32
      %dma_wait3A_87 = arith.constant 0 : i32
      %dma_wait3A_88 = tpu.memref_slice %arg12[%dma_wait3A, %dma_wait3A_87] : memref<128x128xf32, #tpu.memory_space<vmem>> -> memref<64x128xf32, #tpu.memory_space<vmem>>
      %dma_wait3A_89 = arith.constant 0 : i32
      %dma_wait3A_90 = tpu.memref_slice %arg17[%add3A_10, %dma_wait3A_89] : memref<5008x128xf32, #tpu.memory_space<vmem_shared>> -> memref<64x128xf32, #tpu.memory_space<vmem_shared>>
      %dma_wait3A_91 = arith.constant 0 : i32
      %dma_wait3A_92 = tpu.memref_slice %arg17[%add3A_10, %dma_wait3A_91] : memref<5008x128xf32, #tpu.memory_space<vmem_shared>> -> memref<64x128xf32, #tpu.memory_space<vmem_shared>>
      %dma_wait3A_93 = arith.constant 0 : i32
      %dma_wait3A_94 = arith.constant 0 : i32
      %dma_wait3A_95 = tpu.memref_slice %arg12[%dma_wait3A_93, %dma_wait3A_94] : memref<128x128xf32, #tpu.memory_space<vmem>> -> memref<64x128xf32, #tpu.memory_space<vmem>>
      tpu.wait_dma2 semaphore(%run_scoped3A : memref<!tpu.dma_semaphore, #tpu.memory_space<semaphore_mem>>) src(%dma_wait3A_95 : memref<64x128xf32, #tpu.memory_space<vmem>>) dst(%dma_wait3A_92 : memref<64x128xf32, #tpu.memory_space<vmem_shared>>)
      tpu.yield
    }) : () -> ()
    %add3A_11 = arith.constant 128 : i32
    %add3A_12 = arith.addi %mul3A_2, %add3A_11 : i32
    "tpu.region"() ({
      %run_scoped3A = tpu.sem_alloc : memref<!tpu.dma_semaphore, #tpu.memory_space<semaphore_mem>>
      %dma_start3A = arith.constant 0 : i32
      %dma_start3A_78 = arith.constant 0 : i32
      %dma_start3A_79 = tpu.memref_slice %arg12[%dma_start3A, %dma_start3A_78] : memref<128x128xf32, #tpu.memory_space<vmem>> -> memref<64x128xf32, #tpu.memory_space<vmem>>
      %dma_start3A_80 = arith.constant 0 : i32
      %dma_start3A_81 = tpu.memref_slice %arg16[%add3A_12, %dma_start3A_80] : memref<5008x128xf32, #tpu.memory_space<vmem_shared>> -> memref<64x128xf32, #tpu.memory_space<vmem_shared>>
      %dma_start3A_82 = arith.constant 0 : i32
      %dma_start3A_83 = tpu.memref_slice %arg16[%add3A_12, %dma_start3A_82] : memref<5008x128xf32, #tpu.memory_space<vmem_shared>> -> memref<64x128xf32, #tpu.memory_space<vmem_shared>>
      %dma_start3A_84 = arith.constant 0 : i32
      %dma_start3A_85 = arith.constant 0 : i32
      %dma_start3A_86 = tpu.memref_slice %arg12[%dma_start3A_84, %dma_start3A_85] : memref<128x128xf32, #tpu.memory_space<vmem>> -> memref<64x128xf32, #tpu.memory_space<vmem>>
      tpu.enqueue_dma source(%dma_start3A_86 : memref<64x128xf32, #tpu.memory_space<vmem>>) target(%dma_start3A_83 : memref<64x128xf32, #tpu.memory_space<vmem_shared>>) target_semaphore(%run_scoped3A : memref<!tpu.dma_semaphore, #tpu.memory_space<semaphore_mem>>)
      %dma_wait3A = arith.constant 0 : i32
      %dma_wait3A_87 = arith.constant 0 : i32
      %dma_wait3A_88 = tpu.memref_slice %arg12[%dma_wait3A, %dma_wait3A_87] : memref<128x128xf32, #tpu.memory_space<vmem>> -> memref<64x128xf32, #tpu.memory_space<vmem>>
      %dma_wait3A_89 = arith.constant 0 : i32
      %dma_wait3A_90 = tpu.memref_slice %arg16[%add3A_12, %dma_wait3A_89] : memref<5008x128xf32, #tpu.memory_space<vmem_shared>> -> memref<64x128xf32, #tpu.memory_space<vmem_shared>>
      %dma_wait3A_91 = arith.constant 0 : i32
      %dma_wait3A_92 = tpu.memref_slice %arg16[%add3A_12, %dma_wait3A_91] : memref<5008x128xf32, #tpu.memory_space<vmem_shared>> -> memref<64x128xf32, #tpu.memory_space<vmem_shared>>
      %dma_wait3A_93 = arith.constant 0 : i32
      %dma_wait3A_94 = arith.constant 0 : i32
      %dma_wait3A_95 = tpu.memref_slice %arg12[%dma_wait3A_93, %dma_wait3A_94] : memref<128x128xf32, #tpu.memory_space<vmem>> -> memref<64x128xf32, #tpu.memory_space<vmem>>
      tpu.wait_dma2 semaphore(%run_scoped3A : memref<!tpu.dma_semaphore, #tpu.memory_space<semaphore_mem>>) src(%dma_wait3A_95 : memref<64x128xf32, #tpu.memory_space<vmem>>) dst(%dma_wait3A_92 : memref<64x128xf32, #tpu.memory_space<vmem_shared>>)
      tpu.yield
    }) : () -> ()
    %add3A_13 = arith.constant 128 : i32
    %add3A_14 = arith.addi %mul3A_2, %add3A_13 : i32
    "tpu.region"() ({
      %run_scoped3A = tpu.sem_alloc : memref<!tpu.dma_semaphore, #tpu.memory_space<semaphore_mem>>
      %dma_start3A = arith.constant 0 : i32
      %dma_start3A_78 = arith.constant 0 : i32
      %dma_start3A_79 = tpu.memref_slice %arg12[%dma_start3A, %dma_start3A_78] : memref<128x128xf32, #tpu.memory_space<vmem>> -> memref<64x128xf32, #tpu.memory_space<vmem>>
      %dma_start3A_80 = arith.constant 0 : i32
      %dma_start3A_81 = tpu.memref_slice %arg17[%add3A_14, %dma_start3A_80] : memref<5008x128xf32, #tpu.memory_space<vmem_shared>> -> memref<64x128xf32, #tpu.memory_space<vmem_shared>>
      %dma_start3A_82 = arith.constant 0 : i32
      %dma_start3A_83 = tpu.memref_slice %arg17[%add3A_14, %dma_start3A_82] : memref<5008x128xf32, #tpu.memory_space<vmem_shared>> -> memref<64x128xf32, #tpu.memory_space<vmem_shared>>
      %dma_start3A_84 = arith.constant 0 : i32
      %dma_start3A_85 = arith.constant 0 : i32
      %dma_start3A_86 = tpu.memref_slice %arg12[%dma_start3A_84, %dma_start3A_85] : memref<128x128xf32, #tpu.memory_space<vmem>> -> memref<64x128xf32, #tpu.memory_space<vmem>>
      tpu.enqueue_dma source(%dma_start3A_86 : memref<64x128xf32, #tpu.memory_space<vmem>>) target(%dma_start3A_83 : memref<64x128xf32, #tpu.memory_space<vmem_shared>>) target_semaphore(%run_scoped3A : memref<!tpu.dma_semaphore, #tpu.memory_space<semaphore_mem>>)
      %dma_wait3A = arith.constant 0 : i32
      %dma_wait3A_87 = arith.constant 0 : i32
      %dma_wait3A_88 = tpu.memref_slice %arg12[%dma_wait3A, %dma_wait3A_87] : memref<128x128xf32, #tpu.memory_space<vmem>> -> memref<64x128xf32, #tpu.memory_space<vmem>>
      %dma_wait3A_89 = arith.constant 0 : i32
      %dma_wait3A_90 = tpu.memref_slice %arg17[%add3A_14, %dma_wait3A_89] : memref<5008x128xf32, #tpu.memory_space<vmem_shared>> -> memref<64x128xf32, #tpu.memory_space<vmem_shared>>
      %dma_wait3A_91 = arith.constant 0 : i32
      %dma_wait3A_92 = tpu.memref_slice %arg17[%add3A_14, %dma_wait3A_91] : memref<5008x128xf32, #tpu.memory_space<vmem_shared>> -> memref<64x128xf32, #tpu.memory_space<vmem_shared>>
      %dma_wait3A_93 = arith.constant 0 : i32
      %dma_wait3A_94 = arith.constant 0 : i32
      %dma_wait3A_95 = tpu.memref_slice %arg12[%dma_wait3A_93, %dma_wait3A_94] : memref<128x128xf32, #tpu.memory_space<vmem>> -> memref<64x128xf32, #tpu.memory_space<vmem>>
      tpu.wait_dma2 semaphore(%run_scoped3A : memref<!tpu.dma_semaphore, #tpu.memory_space<semaphore_mem>>) src(%dma_wait3A_95 : memref<64x128xf32, #tpu.memory_space<vmem>>) dst(%dma_wait3A_92 : memref<64x128xf32, #tpu.memory_space<vmem_shared>>)
      tpu.yield
    }) : () -> ()
    %add3A_15 = arith.constant 192 : i32
    %add3A_16 = arith.addi %mul3A_2, %add3A_15 : i32
    "tpu.region"() ({
      %run_scoped3A = tpu.sem_alloc : memref<!tpu.dma_semaphore, #tpu.memory_space<semaphore_mem>>
      %dma_start3A = arith.constant 0 : i32
      %dma_start3A_78 = arith.constant 0 : i32
      %dma_start3A_79 = tpu.memref_slice %arg12[%dma_start3A, %dma_start3A_78] : memref<128x128xf32, #tpu.memory_space<vmem>> -> memref<64x128xf32, #tpu.memory_space<vmem>>
      %dma_start3A_80 = arith.constant 0 : i32
      %dma_start3A_81 = tpu.memref_slice %arg16[%add3A_16, %dma_start3A_80] : memref<5008x128xf32, #tpu.memory_space<vmem_shared>> -> memref<64x128xf32, #tpu.memory_space<vmem_shared>>
      %dma_start3A_82 = arith.constant 0 : i32
      %dma_start3A_83 = tpu.memref_slice %arg16[%add3A_16, %dma_start3A_82] : memref<5008x128xf32, #tpu.memory_space<vmem_shared>> -> memref<64x128xf32, #tpu.memory_space<vmem_shared>>
      %dma_start3A_84 = arith.constant 0 : i32
      %dma_start3A_85 = arith.constant 0 : i32
      %dma_start3A_86 = tpu.memref_slice %arg12[%dma_start3A_84, %dma_start3A_85] : memref<128x128xf32, #tpu.memory_space<vmem>> -> memref<64x128xf32, #tpu.memory_space<vmem>>
      tpu.enqueue_dma source(%dma_start3A_86 : memref<64x128xf32, #tpu.memory_space<vmem>>) target(%dma_start3A_83 : memref<64x128xf32, #tpu.memory_space<vmem_shared>>) target_semaphore(%run_scoped3A : memref<!tpu.dma_semaphore, #tpu.memory_space<semaphore_mem>>)
      %dma_wait3A = arith.constant 0 : i32
      %dma_wait3A_87 = arith.constant 0 : i32
      %dma_wait3A_88 = tpu.memref_slice %arg12[%dma_wait3A, %dma_wait3A_87] : memref<128x128xf32, #tpu.memory_space<vmem>> -> memref<64x128xf32, #tpu.memory_space<vmem>>
      %dma_wait3A_89 = arith.constant 0 : i32
      %dma_wait3A_90 = tpu.memref_slice %arg16[%add3A_16, %dma_wait3A_89] : memref<5008x128xf32, #tpu.memory_space<vmem_shared>> -> memref<64x128xf32, #tpu.memory_space<vmem_shared>>
      %dma_wait3A_91 = arith.constant 0 : i32
      %dma_wait3A_92 = tpu.memref_slice %arg16[%add3A_16, %dma_wait3A_91] : memref<5008x128xf32, #tpu.memory_space<vmem_shared>> -> memref<64x128xf32, #tpu.memory_space<vmem_shared>>
      %dma_wait3A_93 = arith.constant 0 : i32
      %dma_wait3A_94 = arith.constant 0 : i32
      %dma_wait3A_95 = tpu.memref_slice %arg12[%dma_wait3A_93, %dma_wait3A_94] : memref<128x128xf32, #tpu.memory_space<vmem>> -> memref<64x128xf32, #tpu.memory_space<vmem>>
      tpu.wait_dma2 semaphore(%run_scoped3A : memref<!tpu.dma_semaphore, #tpu.memory_space<semaphore_mem>>) src(%dma_wait3A_95 : memref<64x128xf32, #tpu.memory_space<vmem>>) dst(%dma_wait3A_92 : memref<64x128xf32, #tpu.memory_space<vmem_shared>>)
      tpu.yield
    }) : () -> ()
    %add3A_17 = arith.constant 192 : i32
    %add3A_18 = arith.addi %mul3A_2, %add3A_17 : i32
    "tpu.region"() ({
      %run_scoped3A = tpu.sem_alloc : memref<!tpu.dma_semaphore, #tpu.memory_space<semaphore_mem>>
      %dma_start3A = arith.constant 0 : i32
      %dma_start3A_78 = arith.constant 0 : i32
      %dma_start3A_79 = tpu.memref_slice %arg12[%dma_start3A, %dma_start3A_78] : memref<128x128xf32, #tpu.memory_space<vmem>> -> memref<64x128xf32, #tpu.memory_space<vmem>>
      %dma_start3A_80 = arith.constant 0 : i32
      %dma_start3A_81 = tpu.memref_slice %arg17[%add3A_18, %dma_start3A_80] : memref<5008x128xf32, #tpu.memory_space<vmem_shared>> -> memref<64x128xf32, #tpu.memory_space<vmem_shared>>
      %dma_start3A_82 = arith.constant 0 : i32
      %dma_start3A_83 = tpu.memref_slice %arg17[%add3A_18, %dma_start3A_82] : memref<5008x128xf32, #tpu.memory_space<vmem_shared>> -> memref<64x128xf32, #tpu.memory_space<vmem_shared>>
      %dma_start3A_84 = arith.constant 0 : i32
      %dma_start3A_85 = arith.constant 0 : i32
      %dma_start3A_86 = tpu.memref_slice %arg12[%dma_start3A_84, %dma_start3A_85] : memref<128x128xf32, #tpu.memory_space<vmem>> -> memref<64x128xf32, #tpu.memory_space<vmem>>
      tpu.enqueue_dma source(%dma_start3A_86 : memref<64x128xf32, #tpu.memory_space<vmem>>) target(%dma_start3A_83 : memref<64x128xf32, #tpu.memory_space<vmem_shared>>) target_semaphore(%run_scoped3A : memref<!tpu.dma_semaphore, #tpu.memory_space<semaphore_mem>>)
      %dma_wait3A = arith.constant 0 : i32
      %dma_wait3A_87 = arith.constant 0 : i32
      %dma_wait3A_88 = tpu.memref_slice %arg12[%dma_wait3A, %dma_wait3A_87] : memref<128x128xf32, #tpu.memory_space<vmem>> -> memref<64x128xf32, #tpu.memory_space<vmem>>
      %dma_wait3A_89 = arith.constant 0 : i32
      %dma_wait3A_90 = tpu.memref_slice %arg17[%add3A_18, %dma_wait3A_89] : memref<5008x128xf32, #tpu.memory_space<vmem_shared>> -> memref<64x128xf32, #tpu.memory_space<vmem_shared>>
      %dma_wait3A_91 = arith.constant 0 : i32
      %dma_wait3A_92 = tpu.memref_slice %arg17[%add3A_18, %dma_wait3A_91] : memref<5008x128xf32, #tpu.memory_space<vmem_shared>> -> memref<64x128xf32, #tpu.memory_space<vmem_shared>>
      %dma_wait3A_93 = arith.constant 0 : i32
      %dma_wait3A_94 = arith.constant 0 : i32
      %dma_wait3A_95 = tpu.memref_slice %arg12[%dma_wait3A_93, %dma_wait3A_94] : memref<128x128xf32, #tpu.memory_space<vmem>> -> memref<64x128xf32, #tpu.memory_space<vmem>>
      tpu.wait_dma2 semaphore(%run_scoped3A : memref<!tpu.dma_semaphore, #tpu.memory_space<semaphore_mem>>) src(%dma_wait3A_95 : memref<64x128xf32, #tpu.memory_space<vmem>>) dst(%dma_wait3A_92 : memref<64x128xf32, #tpu.memory_space<vmem_shared>>)
      tpu.yield
    }) : () -> ()
    %add3A_19 = arith.constant 256 : i32
    %add3A_20 = arith.addi %mul3A_2, %add3A_19 : i32
    "tpu.region"() ({
      %run_scoped3A = tpu.sem_alloc : memref<!tpu.dma_semaphore, #tpu.memory_space<semaphore_mem>>
      %dma_start3A = arith.constant 0 : i32
      %dma_start3A_78 = arith.constant 0 : i32
      %dma_start3A_79 = tpu.memref_slice %arg12[%dma_start3A, %dma_start3A_78] : memref<128x128xf32, #tpu.memory_space<vmem>> -> memref<56x128xf32, #tpu.memory_space<vmem>>
      %dma_start3A_80 = arith.constant 0 : i32
      %dma_start3A_81 = tpu.memref_slice %arg16[%add3A_20, %dma_start3A_80] : memref<5008x128xf32, #tpu.memory_space<vmem_shared>> -> memref<56x128xf32, #tpu.memory_space<vmem_shared>>
      %dma_start3A_82 = arith.constant 0 : i32
      %dma_start3A_83 = tpu.memref_slice %arg16[%add3A_20, %dma_start3A_82] : memref<5008x128xf32, #tpu.memory_space<vmem_shared>> -> memref<56x128xf32, #tpu.memory_space<vmem_shared>>
      %dma_start3A_84 = arith.constant 0 : i32
      %dma_start3A_85 = arith.constant 0 : i32
      %dma_start3A_86 = tpu.memref_slice %arg12[%dma_start3A_84, %dma_start3A_85] : memref<128x128xf32, #tpu.memory_space<vmem>> -> memref<56x128xf32, #tpu.memory_space<vmem>>
      tpu.enqueue_dma source(%dma_start3A_86 : memref<56x128xf32, #tpu.memory_space<vmem>>) target(%dma_start3A_83 : memref<56x128xf32, #tpu.memory_space<vmem_shared>>) target_semaphore(%run_scoped3A : memref<!tpu.dma_semaphore, #tpu.memory_space<semaphore_mem>>)
      %dma_wait3A = arith.constant 0 : i32
      %dma_wait3A_87 = arith.constant 0 : i32
      %dma_wait3A_88 = tpu.memref_slice %arg12[%dma_wait3A, %dma_wait3A_87] : memref<128x128xf32, #tpu.memory_space<vmem>> -> memref<56x128xf32, #tpu.memory_space<vmem>>
      %dma_wait3A_89 = arith.constant 0 : i32
      %dma_wait3A_90 = tpu.memref_slice %arg16[%add3A_20, %dma_wait3A_89] : memref<5008x128xf32, #tpu.memory_space<vmem_shared>> -> memref<56x128xf32, #tpu.memory_space<vmem_shared>>
      %dma_wait3A_91 = arith.constant 0 : i32
      %dma_wait3A_92 = tpu.memref_slice %arg16[%add3A_20, %dma_wait3A_91] : memref<5008x128xf32, #tpu.memory_space<vmem_shared>> -> memref<56x128xf32, #tpu.memory_space<vmem_shared>>
      %dma_wait3A_93 = arith.constant 0 : i32
      %dma_wait3A_94 = arith.constant 0 : i32
      %dma_wait3A_95 = tpu.memref_slice %arg12[%dma_wait3A_93, %dma_wait3A_94] : memref<128x128xf32, #tpu.memory_space<vmem>> -> memref<56x128xf32, #tpu.memory_space<vmem>>
      tpu.wait_dma2 semaphore(%run_scoped3A : memref<!tpu.dma_semaphore, #tpu.memory_space<semaphore_mem>>) src(%dma_wait3A_95 : memref<56x128xf32, #tpu.memory_space<vmem>>) dst(%dma_wait3A_92 : memref<56x128xf32, #tpu.memory_space<vmem_shared>>)
      tpu.yield
    }) : () -> ()
    %add3A_21 = arith.constant 256 : i32
    %add3A_22 = arith.addi %mul3A_2, %add3A_21 : i32
    "tpu.region"() ({
      %run_scoped3A = tpu.sem_alloc : memref<!tpu.dma_semaphore, #tpu.memory_space<semaphore_mem>>
      %dma_start3A = arith.constant 0 : i32
      %dma_start3A_78 = arith.constant 0 : i32
      %dma_start3A_79 = tpu.memref_slice %arg12[%dma_start3A, %dma_start3A_78] : memref<128x128xf32, #tpu.memory_space<vmem>> -> memref<56x128xf32, #tpu.memory_space<vmem>>
      %dma_start3A_80 = arith.constant 0 : i32
      %dma_start3A_81 = tpu.memref_slice %arg17[%add3A_22, %dma_start3A_80] : memref<5008x128xf32, #tpu.memory_space<vmem_shared>> -> memref<56x128xf32, #tpu.memory_space<vmem_shared>>
      %dma_start3A_82 = arith.constant 0 : i32
      %dma_start3A_83 = tpu.memref_slice %arg17[%add3A_22, %dma_start3A_82] : memref<5008x128xf32, #tpu.memory_space<vmem_shared>> -> memref<56x128xf32, #tpu.memory_space<vmem_shared>>
      %dma_start3A_84 = arith.constant 0 : i32
      %dma_start3A_85 = arith.constant 0 : i32
      %dma_start3A_86 = tpu.memref_slice %arg12[%dma_start3A_84, %dma_start3A_85] : memref<128x128xf32, #tpu.memory_space<vmem>> -> memref<56x128xf32, #tpu.memory_space<vmem>>
      tpu.enqueue_dma source(%dma_start3A_86 : memref<56x128xf32, #tpu.memory_space<vmem>>) target(%dma_start3A_83 : memref<56x128xf32, #tpu.memory_space<vmem_shared>>) target_semaphore(%run_scoped3A : memref<!tpu.dma_semaphore, #tpu.memory_space<semaphore_mem>>)
      %dma_wait3A = arith.constant 0 : i32
      %dma_wait3A_87 = arith.constant 0 : i32
      %dma_wait3A_88 = tpu.memref_slice %arg12[%dma_wait3A, %dma_wait3A_87] : memref<128x128xf32, #tpu.memory_space<vmem>> -> memref<56x128xf32, #tpu.memory_space<vmem>>
      %dma_wait3A_89 = arith.constant 0 : i32
      %dma_wait3A_90 = tpu.memref_slice %arg17[%add3A_22, %dma_wait3A_89] : memref<5008x128xf32, #tpu.memory_space<vmem_shared>> -> memref<56x128xf32, #tpu.memory_space<vmem_shared>>
      %dma_wait3A_91 = arith.constant 0 : i32
      %dma_wait3A_92 = tpu.memref_slice %arg17[%add3A_22, %dma_wait3A_91] : memref<5008x128xf32, #tpu.memory_space<vmem_shared>> -> memref<56x128xf32, #tpu.memory_space<vmem_shared>>
      %dma_wait3A_93 = arith.constant 0 : i32
      %dma_wait3A_94 = arith.constant 0 : i32
      %dma_wait3A_95 = tpu.memref_slice %arg12[%dma_wait3A_93, %dma_wait3A_94] : memref<128x128xf32, #tpu.memory_space<vmem>> -> memref<56x128xf32, #tpu.memory_space<vmem>>
      tpu.wait_dma2 semaphore(%run_scoped3A : memref<!tpu.dma_semaphore, #tpu.memory_space<semaphore_mem>>) src(%dma_wait3A_95 : memref<56x128xf32, #tpu.memory_space<vmem>>) dst(%dma_wait3A_92 : memref<56x128xf32, #tpu.memory_space<vmem_shared>>)
      tpu.yield
    }) : () -> ()
    %eq3A = arith.constant 15 : i32
    %eq3A_23 = arith.cmpi eq, %arg1, %eq3A : i32
    %convert_element_type3A = arith.extui %eq3A_23 : i1 to i32
    %cond3A = arith.constant 0 : i32
    %cond3A_24 = arith.cmpi ne, %convert_element_type3A, %cond3A : i32
    scf.if %cond3A_24 {
      "tpu.region"() ({
        %run_scoped3A = tpu.sem_alloc : memref<!tpu.dma_semaphore, #tpu.memory_space<semaphore_mem>>
        %dma_start3A = arith.constant 0 : i32
        %dma_start3A_78 = arith.constant 0 : i32
        %dma_start3A_79 = tpu.memref_slice %arg12[%dma_start3A, %dma_start3A_78] : memref<128x128xf32, #tpu.memory_space<vmem>> -> memref<16x128xf32, #tpu.memory_space<vmem>>
        %dma_start3A_80 = arith.constant 4992 : i32
        %dma_start3A_81 = arith.constant 0 : i32
        %dma_start3A_82 = tpu.memref_slice %arg16[%dma_start3A_80, %dma_start3A_81] : memref<5008x128xf32, #tpu.memory_space<vmem_shared>> -> memref<16x128xf32, #tpu.memory_space<vmem_shared>>
        %dma_start3A_83 = arith.constant 4992 : i32
        %dma_start3A_84 = arith.constant 0 : i32
        %dma_start3A_85 = tpu.memref_slice %arg16[%dma_start3A_83, %dma_start3A_84] : memref<5008x128xf32, #tpu.memory_space<vmem_shared>> -> memref<16x128xf32, #tpu.memory_space<vmem_shared>>
        %dma_start3A_86 = arith.constant 0 : i32
        %dma_start3A_87 = arith.constant 0 : i32
        %dma_start3A_88 = tpu.memref_slice %arg12[%dma_start3A_86, %dma_start3A_87] : memref<128x128xf32, #tpu.memory_space<vmem>> -> memref<16x128xf32, #tpu.memory_space<vmem>>
        tpu.enqueue_dma source(%dma_start3A_88 : memref<16x128xf32, #tpu.memory_space<vmem>>) target(%dma_start3A_85 : memref<16x128xf32, #tpu.memory_space<vmem_shared>>) target_semaphore(%run_scoped3A : memref<!tpu.dma_semaphore, #tpu.memory_space<semaphore_mem>>)
        %dma_wait3A = arith.constant 0 : i32
        %dma_wait3A_89 = arith.constant 0 : i32
        %dma_wait3A_90 = tpu.memref_slice %arg12[%dma_wait3A, %dma_wait3A_89] : memref<128x128xf32, #tpu.memory_space<vmem>> -> memref<16x128xf32, #tpu.memory_space<vmem>>
        %dma_wait3A_91 = arith.constant 4992 : i32
        %dma_wait3A_92 = arith.constant 0 : i32
        %dma_wait3A_93 = tpu.memref_slice %arg16[%dma_wait3A_91, %dma_wait3A_92] : memref<5008x128xf32, #tpu.memory_space<vmem_shared>> -> memref<16x128xf32, #tpu.memory_space<vmem_shared>>
        %dma_wait3A_94 = arith.constant 4992 : i32
        %dma_wait3A_95 = arith.constant 0 : i32
        %dma_wait3A_96 = tpu.memref_slice %arg16[%dma_wait3A_94, %dma_wait3A_95] : memref<5008x128xf32, #tpu.memory_space<vmem_shared>> -> memref<16x128xf32, #tpu.memory_space<vmem_shared>>
        %dma_wait3A_97 = arith.constant 0 : i32
        %dma_wait3A_98 = arith.constant 0 : i32
        %dma_wait3A_99 = tpu.memref_slice %arg12[%dma_wait3A_97, %dma_wait3A_98] : memref<128x128xf32, #tpu.memory_space<vmem>> -> memref<16x128xf32, #tpu.memory_space<vmem>>
        tpu.wait_dma2 semaphore(%run_scoped3A : memref<!tpu.dma_semaphore, #tpu.memory_space<semaphore_mem>>) src(%dma_wait3A_99 : memref<16x128xf32, #tpu.memory_space<vmem>>) dst(%dma_wait3A_96 : memref<16x128xf32, #tpu.memory_space<vmem_shared>>)
        tpu.yield
      }) : () -> ()
      "tpu.region"() ({
        %run_scoped3A = tpu.sem_alloc : memref<!tpu.dma_semaphore, #tpu.memory_space<semaphore_mem>>
        %dma_start3A = arith.constant 0 : i32
        %dma_start3A_78 = arith.constant 0 : i32
        %dma_start3A_79 = tpu.memref_slice %arg12[%dma_start3A, %dma_start3A_78] : memref<128x128xf32, #tpu.memory_space<vmem>> -> memref<16x128xf32, #tpu.memory_space<vmem>>
        %dma_start3A_80 = arith.constant 4992 : i32
        %dma_start3A_81 = arith.constant 0 : i32
        %dma_start3A_82 = tpu.memref_slice %arg17[%dma_start3A_80, %dma_start3A_81] : memref<5008x128xf32, #tpu.memory_space<vmem_shared>> -> memref<16x128xf32, #tpu.memory_space<vmem_shared>>
        %dma_start3A_83 = arith.constant 4992 : i32
        %dma_start3A_84 = arith.constant 0 : i32
        %dma_start3A_85 = tpu.memref_slice %arg17[%dma_start3A_83, %dma_start3A_84] : memref<5008x128xf32, #tpu.memory_space<vmem_shared>> -> memref<16x128xf32, #tpu.memory_space<vmem_shared>>
        %dma_start3A_86 = arith.constant 0 : i32
        %dma_start3A_87 = arith.constant 0 : i32
        %dma_start3A_88 = tpu.memref_slice %arg12[%dma_start3A_86, %dma_start3A_87] : memref<128x128xf32, #tpu.memory_space<vmem>> -> memref<16x128xf32, #tpu.memory_space<vmem>>
        tpu.enqueue_dma source(%dma_start3A_88 : memref<16x128xf32, #tpu.memory_space<vmem>>) target(%dma_start3A_85 : memref<16x128xf32, #tpu.memory_space<vmem_shared>>) target_semaphore(%run_scoped3A : memref<!tpu.dma_semaphore, #tpu.memory_space<semaphore_mem>>)
        %dma_wait3A = arith.constant 0 : i32
        %dma_wait3A_89 = arith.constant 0 : i32
        %dma_wait3A_90 = tpu.memref_slice %arg12[%dma_wait3A, %dma_wait3A_89] : memref<128x128xf32, #tpu.memory_space<vmem>> -> memref<16x128xf32, #tpu.memory_space<vmem>>
        %dma_wait3A_91 = arith.constant 4992 : i32
        %dma_wait3A_92 = arith.constant 0 : i32
        %dma_wait3A_93 = tpu.memref_slice %arg17[%dma_wait3A_91, %dma_wait3A_92] : memref<5008x128xf32, #tpu.memory_space<vmem_shared>> -> memref<16x128xf32, #tpu.memory_space<vmem_shared>>
        %dma_wait3A_94 = arith.constant 4992 : i32
        %dma_wait3A_95 = arith.constant 0 : i32
        %dma_wait3A_96 = tpu.memref_slice %arg17[%dma_wait3A_94, %dma_wait3A_95] : memref<5008x128xf32, #tpu.memory_space<vmem_shared>> -> memref<16x128xf32, #tpu.memory_space<vmem_shared>>
        %dma_wait3A_97 = arith.constant 0 : i32
        %dma_wait3A_98 = arith.constant 0 : i32
        %dma_wait3A_99 = tpu.memref_slice %arg12[%dma_wait3A_97, %dma_wait3A_98] : memref<128x128xf32, #tpu.memory_space<vmem>> -> memref<16x128xf32, #tpu.memory_space<vmem>>
        tpu.wait_dma2 semaphore(%run_scoped3A : memref<!tpu.dma_semaphore, #tpu.memory_space<semaphore_mem>>) src(%dma_wait3A_99 : memref<16x128xf32, #tpu.memory_space<vmem>>) dst(%dma_wait3A_96 : memref<16x128xf32, #tpu.memory_space<vmem_shared>>)
        tpu.yield
      }) : () -> ()
    } else {
    }
    %barrier3A = arith.constant 0 : index
    tpu.barrier barrier_id(%barrier3A)
    %scan3A = arith.constant 0 : i32
    %scan3A_25 = arith.constant 20 : i32
    %scan3A_26 = arith.addi %scan3A, %scan3A_25 : i32
    %scan3A_27 = arith.constant 1 : i32
    scf.for %scan3A_78 = %scan3A to %scan3A_26 step %scan3A_27  : i32 {
      %mul3A_79 = arith.constant 1 : i32
      %mul3A_80 = arith.muli %scan3A_78, %mul3A_79 : i32
      %add3A_81 = arith.constant 0 : i32
      %add3A_82 = arith.addi %add3A_81, %mul3A_80 : i32
      %mul3A_83 = arith.constant 20 : i32
      %mul3A_84 = arith.muli %add3A, %mul3A_83 : i32
      %add3A_85 = arith.addi %mul3A_84, %add3A_82 : i32
      %mul3A_86 = arith.constant 4 : i32
      %mul3A_87 = arith.muli %add3A_85, %mul3A_86 : i32
      "tpu.region"() ({
        %run_scoped3A = tpu.sem_alloc : memref<!tpu.dma_semaphore, #tpu.memory_space<semaphore_mem>>
        %dma_start3A_142 = arith.constant 0 : i32
        %dma_start3A_143 = tpu.memref_slice %arg3[%mul3A_87, %dma_start3A_142] : memref<2560x128xi32, #tpu.memory_space<hbm>> -> memref<4x128xi32, #tpu.memory_space<hbm>>
        %dma_start3A_144 = arith.constant 0 : i32
        %dma_start3A_145 = tpu.memref_slice %arg3[%mul3A_87, %dma_start3A_144] : memref<2560x128xi32, #tpu.memory_space<hbm>> -> memref<4x128xi32, #tpu.memory_space<hbm>>
        tpu.enqueue_dma source(%dma_start3A_145 : memref<4x128xi32, #tpu.memory_space<hbm>>) target(%arg9 : memref<4x128xi32, #tpu.memory_space<vmem>>) target_semaphore(%run_scoped3A : memref<!tpu.dma_semaphore, #tpu.memory_space<semaphore_mem>>)
        %dma_wait3A_146 = arith.constant 0 : i32
        %dma_wait3A_147 = tpu.memref_slice %arg3[%mul3A_87, %dma_wait3A_146] : memref<2560x128xi32, #tpu.memory_space<hbm>> -> memref<4x128xi32, #tpu.memory_space<hbm>>
        %dma_wait3A_148 = arith.constant 0 : i32
        %dma_wait3A_149 = tpu.memref_slice %arg3[%mul3A_87, %dma_wait3A_148] : memref<2560x128xi32, #tpu.memory_space<hbm>> -> memref<4x128xi32, #tpu.memory_space<hbm>>
        tpu.wait_dma2 semaphore(%run_scoped3A : memref<!tpu.dma_semaphore, #tpu.memory_space<semaphore_mem>>) src(%dma_wait3A_149 : memref<4x128xi32, #tpu.memory_space<hbm>>) dst(%arg9 : memref<4x128xi32, #tpu.memory_space<vmem>>)
        tpu.yield
      }) : () -> ()
      "tpu.region"() ({
        %run_scoped3A = tpu.sem_alloc : memref<!tpu.dma_semaphore, #tpu.memory_space<semaphore_mem>>
        %dma_start3A_142 = arith.constant 0 : i32
        %dma_start3A_143 = tpu.memref_slice %arg4[%mul3A_87, %dma_start3A_142] : memref<2560x128xi32, #tpu.memory_space<hbm>> -> memref<4x128xi32, #tpu.memory_space<hbm>>
        %dma_start3A_144 = arith.constant 0 : i32
        %dma_start3A_145 = tpu.memref_slice %arg4[%mul3A_87, %dma_start3A_144] : memref<2560x128xi32, #tpu.memory_space<hbm>> -> memref<4x128xi32, #tpu.memory_space<hbm>>
        tpu.enqueue_dma source(%dma_start3A_145 : memref<4x128xi32, #tpu.memory_space<hbm>>) target(%arg10 : memref<4x128xi32, #tpu.memory_space<vmem>>) target_semaphore(%run_scoped3A : memref<!tpu.dma_semaphore, #tpu.memory_space<semaphore_mem>>)
        %dma_wait3A_146 = arith.constant 0 : i32
        %dma_wait3A_147 = tpu.memref_slice %arg4[%mul3A_87, %dma_wait3A_146] : memref<2560x128xi32, #tpu.memory_space<hbm>> -> memref<4x128xi32, #tpu.memory_space<hbm>>
        %dma_wait3A_148 = arith.constant 0 : i32
        %dma_wait3A_149 = tpu.memref_slice %arg4[%mul3A_87, %dma_wait3A_148] : memref<2560x128xi32, #tpu.memory_space<hbm>> -> memref<4x128xi32, #tpu.memory_space<hbm>>
        tpu.wait_dma2 semaphore(%run_scoped3A : memref<!tpu.dma_semaphore, #tpu.memory_space<semaphore_mem>>) src(%dma_wait3A_149 : memref<4x128xi32, #tpu.memory_space<hbm>>) dst(%arg10 : memref<4x128xi32, #tpu.memory_space<vmem>>)
        tpu.yield
      }) : () -> ()
      %dma_start3A = arith.constant 0 : i32
      %dma_start3A_88 = arith.constant 0 : i32
      %dma_start3A_89 = tpu.memref_slice %arg9[%dma_start3A, %dma_start3A_88] : memref<4x128xi32, #tpu.memory_space<vmem>> -> memref<1x128xi32, #tpu.memory_space<vmem>>
      %dma_start3A_90 = tpu.memref_squeeze %dma_start3A_89 : memref<1x128xi32, #tpu.memory_space<vmem>> -> memref<128xi32, #tpu.memory_space<vmem>>
      %dma_start3A_91 = arith.constant 0 : i32
      %dma_start3A_92 = arith.constant 0 : i32
      %dma_start3A_93 = tpu.memref_slice %arg2[%dma_start3A_91, %dma_start3A_92] : memref<10000x128xf32, #tpu.memory_space<hbm>> -> memref<10000x128xf32, #tpu.memory_space<hbm>>
      tpu.enqueue_indirect_dma source(%dma_start3A_93 : memref<10000x128xf32, #tpu.memory_space<hbm>>) target(%arg12 : memref<128x128xf32, #tpu.memory_space<vmem>>) offsets(%dma_start3A_90 : memref<128xi32, #tpu.memory_space<vmem>>) semaphore(%arg18 : memref<!tpu.dma_semaphore, #tpu.memory_space<semaphore_mem>>)
      %dma_start3A_94 = arith.constant 1 : i32
      %dma_start3A_95 = arith.constant 0 : i32
      %dma_start3A_96 = tpu.memref_slice %arg9[%dma_start3A_94, %dma_start3A_95] : memref<4x128xi32, #tpu.memory_space<vmem>> -> memref<1x128xi32, #tpu.memory_space<vmem>>
      %dma_start3A_97 = tpu.memref_squeeze %dma_start3A_96 : memref<1x128xi32, #tpu.memory_space<vmem>> -> memref<128xi32, #tpu.memory_space<vmem>>
      %dma_start3A_98 = arith.constant 0 : i32
      %dma_start3A_99 = arith.constant 0 : i32
      %dma_start3A_100 = tpu.memref_slice %arg2[%dma_start3A_98, %dma_start3A_99] : memref<10000x128xf32, #tpu.memory_space<hbm>> -> memref<10000x128xf32, #tpu.memory_space<hbm>>
      tpu.enqueue_indirect_dma source(%dma_start3A_100 : memref<10000x128xf32, #tpu.memory_space<hbm>>) target(%arg13 : memref<128x128xf32, #tpu.memory_space<vmem>>) offsets(%dma_start3A_97 : memref<128xi32, #tpu.memory_space<vmem>>) semaphore(%arg19 : memref<!tpu.dma_semaphore, #tpu.memory_space<semaphore_mem>>)
      %dma_wait3A = arith.constant 0 : i32
      %dma_wait3A_101 = arith.constant 0 : i32
      %dma_wait3A_102 = tpu.memref_slice %arg9[%dma_wait3A, %dma_wait3A_101] : memref<4x128xi32, #tpu.memory_space<vmem>> -> memref<1x128xi32, #tpu.memory_space<vmem>>
      %dma_wait3A_103 = tpu.memref_squeeze %dma_wait3A_102 : memref<1x128xi32, #tpu.memory_space<vmem>> -> memref<128xi32, #tpu.memory_space<vmem>>
      %dma_wait3A_104 = arith.constant 0 : i32
      %dma_wait3A_105 = arith.constant 0 : i32
      %dma_wait3A_106 = tpu.memref_slice %arg2[%dma_wait3A_104, %dma_wait3A_105] : memref<10000x128xf32, #tpu.memory_space<hbm>> -> memref<10000x128xf32, #tpu.memory_space<hbm>>
      tpu.wait_indirect_dma semaphore(%arg18 : memref<!tpu.dma_semaphore, #tpu.memory_space<semaphore_mem>>) src(%dma_wait3A_106 : memref<10000x128xf32, #tpu.memory_space<hbm>>) dst(%arg12 : memref<128x128xf32, #tpu.memory_space<vmem>>)
      %dma_start3A_107 = arith.constant 2 : i32
      %dma_start3A_108 = arith.constant 0 : i32
      %dma_start3A_109 = tpu.memref_slice %arg9[%dma_start3A_107, %dma_start3A_108] : memref<4x128xi32, #tpu.memory_space<vmem>> -> memref<1x128xi32, #tpu.memory_space<vmem>>
      %dma_start3A_110 = tpu.memref_squeeze %dma_start3A_109 : memref<1x128xi32, #tpu.memory_space<vmem>> -> memref<128xi32, #tpu.memory_space<vmem>>
      %dma_start3A_111 = arith.constant 0 : i32
      %dma_start3A_112 = arith.constant 0 : i32
      %dma_start3A_113 = tpu.memref_slice %arg2[%dma_start3A_111, %dma_start3A_112] : memref<10000x128xf32, #tpu.memory_space<hbm>> -> memref<10000x128xf32, #tpu.memory_space<hbm>>
      tpu.enqueue_indirect_dma source(%dma_start3A_113 : memref<10000x128xf32, #tpu.memory_space<hbm>>) target(%arg12 : memref<128x128xf32, #tpu.memory_space<vmem>>) offsets(%dma_start3A_110 : memref<128xi32, #tpu.memory_space<vmem>>) semaphore(%arg18 : memref<!tpu.dma_semaphore, #tpu.memory_space<semaphore_mem>>)
      %dma_wait3A_114 = arith.constant 1 : i32
      %dma_wait3A_115 = arith.constant 0 : i32
      %dma_wait3A_116 = tpu.memref_slice %arg9[%dma_wait3A_114, %dma_wait3A_115] : memref<4x128xi32, #tpu.memory_space<vmem>> -> memref<1x128xi32, #tpu.memory_space<vmem>>
      %dma_wait3A_117 = tpu.memref_squeeze %dma_wait3A_116 : memref<1x128xi32, #tpu.memory_space<vmem>> -> memref<128xi32, #tpu.memory_space<vmem>>
      %dma_wait3A_118 = arith.constant 0 : i32
      %dma_wait3A_119 = arith.constant 0 : i32
      %dma_wait3A_120 = tpu.memref_slice %arg2[%dma_wait3A_118, %dma_wait3A_119] : memref<10000x128xf32, #tpu.memory_space<hbm>> -> memref<10000x128xf32, #tpu.memory_space<hbm>>
      tpu.wait_indirect_dma semaphore(%arg19 : memref<!tpu.dma_semaphore, #tpu.memory_space<semaphore_mem>>) src(%dma_wait3A_120 : memref<10000x128xf32, #tpu.memory_space<hbm>>) dst(%arg13 : memref<128x128xf32, #tpu.memory_space<vmem>>)
      %dma_start3A_121 = arith.constant 3 : i32
      %dma_start3A_122 = arith.constant 0 : i32
      %dma_start3A_123 = tpu.memref_slice %arg9[%dma_start3A_121, %dma_start3A_122] : memref<4x128xi32, #tpu.memory_space<vmem>> -> memref<1x128xi32, #tpu.memory_space<vmem>>
      %dma_start3A_124 = tpu.memref_squeeze %dma_start3A_123 : memref<1x128xi32, #tpu.memory_space<vmem>> -> memref<128xi32, #tpu.memory_space<vmem>>
      %dma_start3A_125 = arith.constant 0 : i32
      %dma_start3A_126 = arith.constant 0 : i32
      %dma_start3A_127 = tpu.memref_slice %arg2[%dma_start3A_125, %dma_start3A_126] : memref<10000x128xf32, #tpu.memory_space<hbm>> -> memref<10000x128xf32, #tpu.memory_space<hbm>>
      tpu.enqueue_indirect_dma source(%dma_start3A_127 : memref<10000x128xf32, #tpu.memory_space<hbm>>) target(%arg13 : memref<128x128xf32, #tpu.memory_space<vmem>>) offsets(%dma_start3A_124 : memref<128xi32, #tpu.memory_space<vmem>>) semaphore(%arg19 : memref<!tpu.dma_semaphore, #tpu.memory_space<semaphore_mem>>)
      %dma_wait3A_128 = arith.constant 2 : i32
      %dma_wait3A_129 = arith.constant 0 : i32
      %dma_wait3A_130 = tpu.memref_slice %arg9[%dma_wait3A_128, %dma_wait3A_129] : memref<4x128xi32, #tpu.memory_space<vmem>> -> memref<1x128xi32, #tpu.memory_space<vmem>>
      %dma_wait3A_131 = tpu.memref_squeeze %dma_wait3A_130 : memref<1x128xi32, #tpu.memory_space<vmem>> -> memref<128xi32, #tpu.memory_space<vmem>>
      %dma_wait3A_132 = arith.constant 0 : i32
      %dma_wait3A_133 = arith.constant 0 : i32
      %dma_wait3A_134 = tpu.memref_slice %arg2[%dma_wait3A_132, %dma_wait3A_133] : memref<10000x128xf32, #tpu.memory_space<hbm>> -> memref<10000x128xf32, #tpu.memory_space<hbm>>
      tpu.wait_indirect_dma semaphore(%arg18 : memref<!tpu.dma_semaphore, #tpu.memory_space<semaphore_mem>>) src(%dma_wait3A_134 : memref<10000x128xf32, #tpu.memory_space<hbm>>) dst(%arg12 : memref<128x128xf32, #tpu.memory_space<vmem>>)
      %dma_wait3A_135 = arith.constant 3 : i32
      %dma_wait3A_136 = arith.constant 0 : i32
      %dma_wait3A_137 = tpu.memref_slice %arg9[%dma_wait3A_135, %dma_wait3A_136] : memref<4x128xi32, #tpu.memory_space<vmem>> -> memref<1x128xi32, #tpu.memory_space<vmem>>
      %dma_wait3A_138 = tpu.memref_squeeze %dma_wait3A_137 : memref<1x128xi32, #tpu.memory_space<vmem>> -> memref<128xi32, #tpu.memory_space<vmem>>
      %dma_wait3A_139 = arith.constant 0 : i32
      %dma_wait3A_140 = arith.constant 0 : i32
      %dma_wait3A_141 = tpu.memref_slice %arg2[%dma_wait3A_139, %dma_wait3A_140] : memref<10000x128xf32, #tpu.memory_space<hbm>> -> memref<10000x128xf32, #tpu.memory_space<hbm>>
      tpu.wait_indirect_dma semaphore(%arg19 : memref<!tpu.dma_semaphore, #tpu.memory_space<semaphore_mem>>) src(%dma_wait3A_141 : memref<10000x128xf32, #tpu.memory_space<hbm>>) dst(%arg13 : memref<128x128xf32, #tpu.memory_space<vmem>>)
    }
    %scan3A_28 = arith.constant 20 : i32
    %barrier3A_29 = arith.constant 0 : index
    tpu.barrier barrier_id(%barrier3A_29)
    %mul3A_30 = arith.constant 5008 : i32
    %mul3A_31 = arith.muli %arg0, %mul3A_30 : i32
    %add3A_32 = arith.addi %mul3A_31, %mul3A_2 : i32
    %add3A_33 = arith.constant 0 : i32
    %add3A_34 = arith.addi %mul3A_2, %add3A_33 : i32
    "tpu.region"() ({
      %run_scoped3A = tpu.sem_alloc : memref<!tpu.dma_semaphore, #tpu.memory_space<semaphore_mem>>
      %dma_start3A = arith.constant 0 : i32
      %dma_start3A_78 = arith.constant 0 : i32
      %dma_start3A_79 = tpu.memref_slice %arg12[%dma_start3A, %dma_start3A_78] : memref<128x128xf32, #tpu.memory_space<vmem>> -> memref<64x128xf32, #tpu.memory_space<vmem>>
      %dma_start3A_80 = arith.constant 0 : i32
      %dma_start3A_81 = tpu.memref_slice %arg16[%add3A_34, %dma_start3A_80] : memref<5008x128xf32, #tpu.memory_space<vmem_shared>> -> memref<64x128xf32, #tpu.memory_space<vmem_shared>>
      %dma_start3A_82 = arith.constant 0 : i32
      %dma_start3A_83 = arith.constant 0 : i32
      %dma_start3A_84 = tpu.memref_slice %arg12[%dma_start3A_82, %dma_start3A_83] : memref<128x128xf32, #tpu.memory_space<vmem>> -> memref<64x128xf32, #tpu.memory_space<vmem>>
      %dma_start3A_85 = arith.constant 0 : i32
      %dma_start3A_86 = tpu.memref_slice %arg16[%add3A_34, %dma_start3A_85] : memref<5008x128xf32, #tpu.memory_space<vmem_shared>> -> memref<64x128xf32, #tpu.memory_space<vmem_shared>>
      tpu.enqueue_dma source(%dma_start3A_86 : memref<64x128xf32, #tpu.memory_space<vmem_shared>>) target(%dma_start3A_84 : memref<64x128xf32, #tpu.memory_space<vmem>>) target_semaphore(%run_scoped3A : memref<!tpu.dma_semaphore, #tpu.memory_space<semaphore_mem>>)
      %dma_wait3A = arith.constant 0 : i32
      %dma_wait3A_87 = arith.constant 0 : i32
      %dma_wait3A_88 = tpu.memref_slice %arg12[%dma_wait3A, %dma_wait3A_87] : memref<128x128xf32, #tpu.memory_space<vmem>> -> memref<64x128xf32, #tpu.memory_space<vmem>>
      %dma_wait3A_89 = arith.constant 0 : i32
      %dma_wait3A_90 = tpu.memref_slice %arg16[%add3A_34, %dma_wait3A_89] : memref<5008x128xf32, #tpu.memory_space<vmem_shared>> -> memref<64x128xf32, #tpu.memory_space<vmem_shared>>
      %dma_wait3A_91 = arith.constant 0 : i32
      %dma_wait3A_92 = arith.constant 0 : i32
      %dma_wait3A_93 = tpu.memref_slice %arg12[%dma_wait3A_91, %dma_wait3A_92] : memref<128x128xf32, #tpu.memory_space<vmem>> -> memref<64x128xf32, #tpu.memory_space<vmem>>
      %dma_wait3A_94 = arith.constant 0 : i32
      %dma_wait3A_95 = tpu.memref_slice %arg16[%add3A_34, %dma_wait3A_94] : memref<5008x128xf32, #tpu.memory_space<vmem_shared>> -> memref<64x128xf32, #tpu.memory_space<vmem_shared>>
      tpu.wait_dma2 semaphore(%run_scoped3A : memref<!tpu.dma_semaphore, #tpu.memory_space<semaphore_mem>>) src(%dma_wait3A_95 : memref<64x128xf32, #tpu.memory_space<vmem_shared>>) dst(%dma_wait3A_93 : memref<64x128xf32, #tpu.memory_space<vmem>>)
      tpu.yield
    }) : () -> ()
    %add3A_35 = arith.constant 0 : i32
    %add3A_36 = arith.addi %add3A_32, %add3A_35 : i32
    "tpu.region"() ({
      %run_scoped3A = tpu.sem_alloc : memref<!tpu.dma_semaphore, #tpu.memory_space<semaphore_mem>>
      %dma_start3A = arith.constant 0 : i32
      %dma_start3A_78 = arith.constant 0 : i32
      %dma_start3A_79 = tpu.memref_slice %arg12[%dma_start3A, %dma_start3A_78] : memref<128x128xf32, #tpu.memory_space<vmem>> -> memref<64x128xf32, #tpu.memory_space<vmem>>
      %dma_start3A_80 = arith.constant 0 : i32
      %dma_start3A_81 = tpu.memref_slice %arg7[%add3A_36, %dma_start3A_80] : memref<10016x128xf32, #tpu.memory_space<hbm>> -> memref<64x128xf32, #tpu.memory_space<hbm>>
      %dma_start3A_82 = arith.constant 0 : i32
      %dma_start3A_83 = tpu.memref_slice %arg7[%add3A_36, %dma_start3A_82] : memref<10016x128xf32, #tpu.memory_space<hbm>> -> memref<64x128xf32, #tpu.memory_space<hbm>>
      %dma_start3A_84 = arith.constant 0 : i32
      %dma_start3A_85 = arith.constant 0 : i32
      %dma_start3A_86 = tpu.memref_slice %arg12[%dma_start3A_84, %dma_start3A_85] : memref<128x128xf32, #tpu.memory_space<vmem>> -> memref<64x128xf32, #tpu.memory_space<vmem>>
      tpu.enqueue_dma source(%dma_start3A_86 : memref<64x128xf32, #tpu.memory_space<vmem>>) target(%dma_start3A_83 : memref<64x128xf32, #tpu.memory_space<hbm>>) target_semaphore(%run_scoped3A : memref<!tpu.dma_semaphore, #tpu.memory_space<semaphore_mem>>)
      %dma_wait3A = arith.constant 0 : i32
      %dma_wait3A_87 = arith.constant 0 : i32
      %dma_wait3A_88 = tpu.memref_slice %arg12[%dma_wait3A, %dma_wait3A_87] : memref<128x128xf32, #tpu.memory_space<vmem>> -> memref<64x128xf32, #tpu.memory_space<vmem>>
      %dma_wait3A_89 = arith.constant 0 : i32
      %dma_wait3A_90 = tpu.memref_slice %arg7[%add3A_36, %dma_wait3A_89] : memref<10016x128xf32, #tpu.memory_space<hbm>> -> memref<64x128xf32, #tpu.memory_space<hbm>>
      %dma_wait3A_91 = arith.constant 0 : i32
      %dma_wait3A_92 = tpu.memref_slice %arg7[%add3A_36, %dma_wait3A_91] : memref<10016x128xf32, #tpu.memory_space<hbm>> -> memref<64x128xf32, #tpu.memory_space<hbm>>
      %dma_wait3A_93 = arith.constant 0 : i32
      %dma_wait3A_94 = arith.constant 0 : i32
      %dma_wait3A_95 = tpu.memref_slice %arg12[%dma_wait3A_93, %dma_wait3A_94] : memref<128x128xf32, #tpu.memory_space<vmem>> -> memref<64x128xf32, #tpu.memory_space<vmem>>
      tpu.wait_dma2 semaphore(%run_scoped3A : memref<!tpu.dma_semaphore, #tpu.memory_space<semaphore_mem>>) src(%dma_wait3A_95 : memref<64x128xf32, #tpu.memory_space<vmem>>) dst(%dma_wait3A_92 : memref<64x128xf32, #tpu.memory_space<hbm>>)
      tpu.yield
    }) : () -> ()
    %add3A_37 = arith.constant 0 : i32
    %add3A_38 = arith.addi %mul3A_2, %add3A_37 : i32
    "tpu.region"() ({
      %run_scoped3A = tpu.sem_alloc : memref<!tpu.dma_semaphore, #tpu.memory_space<semaphore_mem>>
      %dma_start3A = arith.constant 0 : i32
      %dma_start3A_78 = arith.constant 0 : i32
      %dma_start3A_79 = tpu.memref_slice %arg12[%dma_start3A, %dma_start3A_78] : memref<128x128xf32, #tpu.memory_space<vmem>> -> memref<64x128xf32, #tpu.memory_space<vmem>>
      %dma_start3A_80 = arith.constant 0 : i32
      %dma_start3A_81 = tpu.memref_slice %arg17[%add3A_38, %dma_start3A_80] : memref<5008x128xf32, #tpu.memory_space<vmem_shared>> -> memref<64x128xf32, #tpu.memory_space<vmem_shared>>
      %dma_start3A_82 = arith.constant 0 : i32
      %dma_start3A_83 = arith.constant 0 : i32
      %dma_start3A_84 = tpu.memref_slice %arg12[%dma_start3A_82, %dma_start3A_83] : memref<128x128xf32, #tpu.memory_space<vmem>> -> memref<64x128xf32, #tpu.memory_space<vmem>>
      %dma_start3A_85 = arith.constant 0 : i32
      %dma_start3A_86 = tpu.memref_slice %arg17[%add3A_38, %dma_start3A_85] : memref<5008x128xf32, #tpu.memory_space<vmem_shared>> -> memref<64x128xf32, #tpu.memory_space<vmem_shared>>
      tpu.enqueue_dma source(%dma_start3A_86 : memref<64x128xf32, #tpu.memory_space<vmem_shared>>) target(%dma_start3A_84 : memref<64x128xf32, #tpu.memory_space<vmem>>) target_semaphore(%run_scoped3A : memref<!tpu.dma_semaphore, #tpu.memory_space<semaphore_mem>>)
      %dma_wait3A = arith.constant 0 : i32
      %dma_wait3A_87 = arith.constant 0 : i32
      %dma_wait3A_88 = tpu.memref_slice %arg12[%dma_wait3A, %dma_wait3A_87] : memref<128x128xf32, #tpu.memory_space<vmem>> -> memref<64x128xf32, #tpu.memory_space<vmem>>
      %dma_wait3A_89 = arith.constant 0 : i32
      %dma_wait3A_90 = tpu.memref_slice %arg17[%add3A_38, %dma_wait3A_89] : memref<5008x128xf32, #tpu.memory_space<vmem_shared>> -> memref<64x128xf32, #tpu.memory_space<vmem_shared>>
      %dma_wait3A_91 = arith.constant 0 : i32
      %dma_wait3A_92 = arith.constant 0 : i32
      %dma_wait3A_93 = tpu.memref_slice %arg12[%dma_wait3A_91, %dma_wait3A_92] : memref<128x128xf32, #tpu.memory_space<vmem>> -> memref<64x128xf32, #tpu.memory_space<vmem>>
      %dma_wait3A_94 = arith.constant 0 : i32
      %dma_wait3A_95 = tpu.memref_slice %arg17[%add3A_38, %dma_wait3A_94] : memref<5008x128xf32, #tpu.memory_space<vmem_shared>> -> memref<64x128xf32, #tpu.memory_space<vmem_shared>>
      tpu.wait_dma2 semaphore(%run_scoped3A : memref<!tpu.dma_semaphore, #tpu.memory_space<semaphore_mem>>) src(%dma_wait3A_95 : memref<64x128xf32, #tpu.memory_space<vmem_shared>>) dst(%dma_wait3A_93 : memref<64x128xf32, #tpu.memory_space<vmem>>)
      tpu.yield
    }) : () -> ()
    %add3A_39 = arith.constant 0 : i32
    %add3A_40 = arith.addi %add3A_32, %add3A_39 : i32
    "tpu.region"() ({
      %run_scoped3A = tpu.sem_alloc : memref<!tpu.dma_semaphore, #tpu.memory_space<semaphore_mem>>
      %dma_start3A = arith.constant 0 : i32
      %dma_start3A_78 = arith.constant 0 : i32
      %dma_start3A_79 = tpu.memref_slice %arg12[%dma_start3A, %dma_start3A_78] : memref<128x128xf32, #tpu.memory_space<vmem>> -> memref<64x128xf32, #tpu.memory_space<vmem>>
      %dma_start3A_80 = arith.constant 0 : i32
      %dma_start3A_81 = tpu.memref_slice %arg8[%add3A_40, %dma_start3A_80] : memref<10016x128xf32, #tpu.memory_space<hbm>> -> memref<64x128xf32, #tpu.memory_space<hbm>>
      %dma_start3A_82 = arith.constant 0 : i32
      %dma_start3A_83 = tpu.memref_slice %arg8[%add3A_40, %dma_start3A_82] : memref<10016x128xf32, #tpu.memory_space<hbm>> -> memref<64x128xf32, #tpu.memory_space<hbm>>
      %dma_start3A_84 = arith.constant 0 : i32
      %dma_start3A_85 = arith.constant 0 : i32
      %dma_start3A_86 = tpu.memref_slice %arg12[%dma_start3A_84, %dma_start3A_85] : memref<128x128xf32, #tpu.memory_space<vmem>> -> memref<64x128xf32, #tpu.memory_space<vmem>>
      tpu.enqueue_dma source(%dma_start3A_86 : memref<64x128xf32, #tpu.memory_space<vmem>>) target(%dma_start3A_83 : memref<64x128xf32, #tpu.memory_space<hbm>>) target_semaphore(%run_scoped3A : memref<!tpu.dma_semaphore, #tpu.memory_space<semaphore_mem>>)
      %dma_wait3A = arith.constant 0 : i32
      %dma_wait3A_87 = arith.constant 0 : i32
      %dma_wait3A_88 = tpu.memref_slice %arg12[%dma_wait3A, %dma_wait3A_87] : memref<128x128xf32, #tpu.memory_space<vmem>> -> memref<64x128xf32, #tpu.memory_space<vmem>>
      %dma_wait3A_89 = arith.constant 0 : i32
      %dma_wait3A_90 = tpu.memref_slice %arg8[%add3A_40, %dma_wait3A_89] : memref<10016x128xf32, #tpu.memory_space<hbm>> -> memref<64x128xf32, #tpu.memory_space<hbm>>
      %dma_wait3A_91 = arith.constant 0 : i32
      %dma_wait3A_92 = tpu.memref_slice %arg8[%add3A_40, %dma_wait3A_91] : memref<10016x128xf32, #tpu.memory_space<hbm>> -> memref<64x128xf32, #tpu.memory_space<hbm>>
      %dma_wait3A_93 = arith.constant 0 : i32
      %dma_wait3A_94 = arith.constant 0 : i32
      %dma_wait3A_95 = tpu.memref_slice %arg12[%dma_wait3A_93, %dma_wait3A_94] : memref<128x128xf32, #tpu.memory_space<vmem>> -> memref<64x128xf32, #tpu.memory_space<vmem>>
      tpu.wait_dma2 semaphore(%run_scoped3A : memref<!tpu.dma_semaphore, #tpu.memory_space<semaphore_mem>>) src(%dma_wait3A_95 : memref<64x128xf32, #tpu.memory_space<vmem>>) dst(%dma_wait3A_92 : memref<64x128xf32, #tpu.memory_space<hbm>>)
      tpu.yield
    }) : () -> ()
    %add3A_41 = arith.constant 64 : i32
    %add3A_42 = arith.addi %mul3A_2, %add3A_41 : i32
    "tpu.region"() ({
      %run_scoped3A = tpu.sem_alloc : memref<!tpu.dma_semaphore, #tpu.memory_space<semaphore_mem>>
      %dma_start3A = arith.constant 0 : i32
      %dma_start3A_78 = arith.constant 0 : i32
      %dma_start3A_79 = tpu.memref_slice %arg12[%dma_start3A, %dma_start3A_78] : memref<128x128xf32, #tpu.memory_space<vmem>> -> memref<64x128xf32, #tpu.memory_space<vmem>>
      %dma_start3A_80 = arith.constant 0 : i32
      %dma_start3A_81 = tpu.memref_slice %arg16[%add3A_42, %dma_start3A_80] : memref<5008x128xf32, #tpu.memory_space<vmem_shared>> -> memref<64x128xf32, #tpu.memory_space<vmem_shared>>
      %dma_start3A_82 = arith.constant 0 : i32
      %dma_start3A_83 = arith.constant 0 : i32
      %dma_start3A_84 = tpu.memref_slice %arg12[%dma_start3A_82, %dma_start3A_83] : memref<128x128xf32, #tpu.memory_space<vmem>> -> memref<64x128xf32, #tpu.memory_space<vmem>>
      %dma_start3A_85 = arith.constant 0 : i32
      %dma_start3A_86 = tpu.memref_slice %arg16[%add3A_42, %dma_start3A_85] : memref<5008x128xf32, #tpu.memory_space<vmem_shared>> -> memref<64x128xf32, #tpu.memory_space<vmem_shared>>
      tpu.enqueue_dma source(%dma_start3A_86 : memref<64x128xf32, #tpu.memory_space<vmem_shared>>) target(%dma_start3A_84 : memref<64x128xf32, #tpu.memory_space<vmem>>) target_semaphore(%run_scoped3A : memref<!tpu.dma_semaphore, #tpu.memory_space<semaphore_mem>>)
      %dma_wait3A = arith.constant 0 : i32
      %dma_wait3A_87 = arith.constant 0 : i32
      %dma_wait3A_88 = tpu.memref_slice %arg12[%dma_wait3A, %dma_wait3A_87] : memref<128x128xf32, #tpu.memory_space<vmem>> -> memref<64x128xf32, #tpu.memory_space<vmem>>
      %dma_wait3A_89 = arith.constant 0 : i32
      %dma_wait3A_90 = tpu.memref_slice %arg16[%add3A_42, %dma_wait3A_89] : memref<5008x128xf32, #tpu.memory_space<vmem_shared>> -> memref<64x128xf32, #tpu.memory_space<vmem_shared>>
      %dma_wait3A_91 = arith.constant 0 : i32
      %dma_wait3A_92 = arith.constant 0 : i32
      %dma_wait3A_93 = tpu.memref_slice %arg12[%dma_wait3A_91, %dma_wait3A_92] : memref<128x128xf32, #tpu.memory_space<vmem>> -> memref<64x128xf32, #tpu.memory_space<vmem>>
      %dma_wait3A_94 = arith.constant 0 : i32
      %dma_wait3A_95 = tpu.memref_slice %arg16[%add3A_42, %dma_wait3A_94] : memref<5008x128xf32, #tpu.memory_space<vmem_shared>> -> memref<64x128xf32, #tpu.memory_space<vmem_shared>>
      tpu.wait_dma2 semaphore(%run_scoped3A : memref<!tpu.dma_semaphore, #tpu.memory_space<semaphore_mem>>) src(%dma_wait3A_95 : memref<64x128xf32, #tpu.memory_space<vmem_shared>>) dst(%dma_wait3A_93 : memref<64x128xf32, #tpu.memory_space<vmem>>)
      tpu.yield
    }) : () -> ()
    %add3A_43 = arith.constant 64 : i32
    %add3A_44 = arith.addi %add3A_32, %add3A_43 : i32
    "tpu.region"() ({
      %run_scoped3A = tpu.sem_alloc : memref<!tpu.dma_semaphore, #tpu.memory_space<semaphore_mem>>
      %dma_start3A = arith.constant 0 : i32
      %dma_start3A_78 = arith.constant 0 : i32
      %dma_start3A_79 = tpu.memref_slice %arg12[%dma_start3A, %dma_start3A_78] : memref<128x128xf32, #tpu.memory_space<vmem>> -> memref<64x128xf32, #tpu.memory_space<vmem>>
      %dma_start3A_80 = arith.constant 0 : i32
      %dma_start3A_81 = tpu.memref_slice %arg7[%add3A_44, %dma_start3A_80] : memref<10016x128xf32, #tpu.memory_space<hbm>> -> memref<64x128xf32, #tpu.memory_space<hbm>>
      %dma_start3A_82 = arith.constant 0 : i32
      %dma_start3A_83 = tpu.memref_slice %arg7[%add3A_44, %dma_start3A_82] : memref<10016x128xf32, #tpu.memory_space<hbm>> -> memref<64x128xf32, #tpu.memory_space<hbm>>
      %dma_start3A_84 = arith.constant 0 : i32
      %dma_start3A_85 = arith.constant 0 : i32
      %dma_start3A_86 = tpu.memref_slice %arg12[%dma_start3A_84, %dma_start3A_85] : memref<128x128xf32, #tpu.memory_space<vmem>> -> memref<64x128xf32, #tpu.memory_space<vmem>>
      tpu.enqueue_dma source(%dma_start3A_86 : memref<64x128xf32, #tpu.memory_space<vmem>>) target(%dma_start3A_83 : memref<64x128xf32, #tpu.memory_space<hbm>>) target_semaphore(%run_scoped3A : memref<!tpu.dma_semaphore, #tpu.memory_space<semaphore_mem>>)
      %dma_wait3A = arith.constant 0 : i32
      %dma_wait3A_87 = arith.constant 0 : i32
      %dma_wait3A_88 = tpu.memref_slice %arg12[%dma_wait3A, %dma_wait3A_87] : memref<128x128xf32, #tpu.memory_space<vmem>> -> memref<64x128xf32, #tpu.memory_space<vmem>>
      %dma_wait3A_89 = arith.constant 0 : i32
      %dma_wait3A_90 = tpu.memref_slice %arg7[%add3A_44, %dma_wait3A_89] : memref<10016x128xf32, #tpu.memory_space<hbm>> -> memref<64x128xf32, #tpu.memory_space<hbm>>
      %dma_wait3A_91 = arith.constant 0 : i32
      %dma_wait3A_92 = tpu.memref_slice %arg7[%add3A_44, %dma_wait3A_91] : memref<10016x128xf32, #tpu.memory_space<hbm>> -> memref<64x128xf32, #tpu.memory_space<hbm>>
      %dma_wait3A_93 = arith.constant 0 : i32
      %dma_wait3A_94 = arith.constant 0 : i32
      %dma_wait3A_95 = tpu.memref_slice %arg12[%dma_wait3A_93, %dma_wait3A_94] : memref<128x128xf32, #tpu.memory_space<vmem>> -> memref<64x128xf32, #tpu.memory_space<vmem>>
      tpu.wait_dma2 semaphore(%run_scoped3A : memref<!tpu.dma_semaphore, #tpu.memory_space<semaphore_mem>>) src(%dma_wait3A_95 : memref<64x128xf32, #tpu.memory_space<vmem>>) dst(%dma_wait3A_92 : memref<64x128xf32, #tpu.memory_space<hbm>>)
      tpu.yield
    }) : () -> ()
    %add3A_45 = arith.constant 64 : i32
    %add3A_46 = arith.addi %mul3A_2, %add3A_45 : i32
    "tpu.region"() ({
      %run_scoped3A = tpu.sem_alloc : memref<!tpu.dma_semaphore, #tpu.memory_space<semaphore_mem>>
      %dma_start3A = arith.constant 0 : i32
      %dma_start3A_78 = arith.constant 0 : i32
      %dma_start3A_79 = tpu.memref_slice %arg12[%dma_start3A, %dma_start3A_78] : memref<128x128xf32, #tpu.memory_space<vmem>> -> memref<64x128xf32, #tpu.memory_space<vmem>>
      %dma_start3A_80 = arith.constant 0 : i32
      %dma_start3A_81 = tpu.memref_slice %arg17[%add3A_46, %dma_start3A_80] : memref<5008x128xf32, #tpu.memory_space<vmem_shared>> -> memref<64x128xf32, #tpu.memory_space<vmem_shared>>
      %dma_start3A_82 = arith.constant 0 : i32
      %dma_start3A_83 = arith.constant 0 : i32
      %dma_start3A_84 = tpu.memref_slice %arg12[%dma_start3A_82, %dma_start3A_83] : memref<128x128xf32, #tpu.memory_space<vmem>> -> memref<64x128xf32, #tpu.memory_space<vmem>>
      %dma_start3A_85 = arith.constant 0 : i32
      %dma_start3A_86 = tpu.memref_slice %arg17[%add3A_46, %dma_start3A_85] : memref<5008x128xf32, #tpu.memory_space<vmem_shared>> -> memref<64x128xf32, #tpu.memory_space<vmem_shared>>
      tpu.enqueue_dma source(%dma_start3A_86 : memref<64x128xf32, #tpu.memory_space<vmem_shared>>) target(%dma_start3A_84 : memref<64x128xf32, #tpu.memory_space<vmem>>) target_semaphore(%run_scoped3A : memref<!tpu.dma_semaphore, #tpu.memory_space<semaphore_mem>>)
      %dma_wait3A = arith.constant 0 : i32
      %dma_wait3A_87 = arith.constant 0 : i32
      %dma_wait3A_88 = tpu.memref_slice %arg12[%dma_wait3A, %dma_wait3A_87] : memref<128x128xf32, #tpu.memory_space<vmem>> -> memref<64x128xf32, #tpu.memory_space<vmem>>
      %dma_wait3A_89 = arith.constant 0 : i32
      %dma_wait3A_90 = tpu.memref_slice %arg17[%add3A_46, %dma_wait3A_89] : memref<5008x128xf32, #tpu.memory_space<vmem_shared>> -> memref<64x128xf32, #tpu.memory_space<vmem_shared>>
      %dma_wait3A_91 = arith.constant 0 : i32
      %dma_wait3A_92 = arith.constant 0 : i32
      %dma_wait3A_93 = tpu.memref_slice %arg12[%dma_wait3A_91, %dma_wait3A_92] : memref<128x128xf32, #tpu.memory_space<vmem>> -> memref<64x128xf32, #tpu.memory_space<vmem>>
      %dma_wait3A_94 = arith.constant 0 : i32
      %dma_wait3A_95 = tpu.memref_slice %arg17[%add3A_46, %dma_wait3A_94] : memref<5008x128xf32, #tpu.memory_space<vmem_shared>> -> memref<64x128xf32, #tpu.memory_space<vmem_shared>>
      tpu.wait_dma2 semaphore(%run_scoped3A : memref<!tpu.dma_semaphore, #tpu.memory_space<semaphore_mem>>) src(%dma_wait3A_95 : memref<64x128xf32, #tpu.memory_space<vmem_shared>>) dst(%dma_wait3A_93 : memref<64x128xf32, #tpu.memory_space<vmem>>)
      tpu.yield
    }) : () -> ()
    %add3A_47 = arith.constant 64 : i32
    %add3A_48 = arith.addi %add3A_32, %add3A_47 : i32
    "tpu.region"() ({
      %run_scoped3A = tpu.sem_alloc : memref<!tpu.dma_semaphore, #tpu.memory_space<semaphore_mem>>
      %dma_start3A = arith.constant 0 : i32
      %dma_start3A_78 = arith.constant 0 : i32
      %dma_start3A_79 = tpu.memref_slice %arg12[%dma_start3A, %dma_start3A_78] : memref<128x128xf32, #tpu.memory_space<vmem>> -> memref<64x128xf32, #tpu.memory_space<vmem>>
      %dma_start3A_80 = arith.constant 0 : i32
      %dma_start3A_81 = tpu.memref_slice %arg8[%add3A_48, %dma_start3A_80] : memref<10016x128xf32, #tpu.memory_space<hbm>> -> memref<64x128xf32, #tpu.memory_space<hbm>>
      %dma_start3A_82 = arith.constant 0 : i32
      %dma_start3A_83 = tpu.memref_slice %arg8[%add3A_48, %dma_start3A_82] : memref<10016x128xf32, #tpu.memory_space<hbm>> -> memref<64x128xf32, #tpu.memory_space<hbm>>
      %dma_start3A_84 = arith.constant 0 : i32
      %dma_start3A_85 = arith.constant 0 : i32
      %dma_start3A_86 = tpu.memref_slice %arg12[%dma_start3A_84, %dma_start3A_85] : memref<128x128xf32, #tpu.memory_space<vmem>> -> memref<64x128xf32, #tpu.memory_space<vmem>>
      tpu.enqueue_dma source(%dma_start3A_86 : memref<64x128xf32, #tpu.memory_space<vmem>>) target(%dma_start3A_83 : memref<64x128xf32, #tpu.memory_space<hbm>>) target_semaphore(%run_scoped3A : memref<!tpu.dma_semaphore, #tpu.memory_space<semaphore_mem>>)
      %dma_wait3A = arith.constant 0 : i32
      %dma_wait3A_87 = arith.constant 0 : i32
      %dma_wait3A_88 = tpu.memref_slice %arg12[%dma_wait3A, %dma_wait3A_87] : memref<128x128xf32, #tpu.memory_space<vmem>> -> memref<64x128xf32, #tpu.memory_space<vmem>>
      %dma_wait3A_89 = arith.constant 0 : i32
      %dma_wait3A_90 = tpu.memref_slice %arg8[%add3A_48, %dma_wait3A_89] : memref<10016x128xf32, #tpu.memory_space<hbm>> -> memref<64x128xf32, #tpu.memory_space<hbm>>
      %dma_wait3A_91 = arith.constant 0 : i32
      %dma_wait3A_92 = tpu.memref_slice %arg8[%add3A_48, %dma_wait3A_91] : memref<10016x128xf32, #tpu.memory_space<hbm>> -> memref<64x128xf32, #tpu.memory_space<hbm>>
      %dma_wait3A_93 = arith.constant 0 : i32
      %dma_wait3A_94 = arith.constant 0 : i32
      %dma_wait3A_95 = tpu.memref_slice %arg12[%dma_wait3A_93, %dma_wait3A_94] : memref<128x128xf32, #tpu.memory_space<vmem>> -> memref<64x128xf32, #tpu.memory_space<vmem>>
      tpu.wait_dma2 semaphore(%run_scoped3A : memref<!tpu.dma_semaphore, #tpu.memory_space<semaphore_mem>>) src(%dma_wait3A_95 : memref<64x128xf32, #tpu.memory_space<vmem>>) dst(%dma_wait3A_92 : memref<64x128xf32, #tpu.memory_space<hbm>>)
      tpu.yield
    }) : () -> ()
    %add3A_49 = arith.constant 128 : i32
    %add3A_50 = arith.addi %mul3A_2, %add3A_49 : i32
    "tpu.region"() ({
      %run_scoped3A = tpu.sem_alloc : memref<!tpu.dma_semaphore, #tpu.memory_space<semaphore_mem>>
      %dma_start3A = arith.constant 0 : i32
      %dma_start3A_78 = arith.constant 0 : i32
      %dma_start3A_79 = tpu.memref_slice %arg12[%dma_start3A, %dma_start3A_78] : memref<128x128xf32, #tpu.memory_space<vmem>> -> memref<64x128xf32, #tpu.memory_space<vmem>>
      %dma_start3A_80 = arith.constant 0 : i32
      %dma_start3A_81 = tpu.memref_slice %arg16[%add3A_50, %dma_start3A_80] : memref<5008x128xf32, #tpu.memory_space<vmem_shared>> -> memref<64x128xf32, #tpu.memory_space<vmem_shared>>
      %dma_start3A_82 = arith.constant 0 : i32
      %dma_start3A_83 = arith.constant 0 : i32
      %dma_start3A_84 = tpu.memref_slice %arg12[%dma_start3A_82, %dma_start3A_83] : memref<128x128xf32, #tpu.memory_space<vmem>> -> memref<64x128xf32, #tpu.memory_space<vmem>>
      %dma_start3A_85 = arith.constant 0 : i32
      %dma_start3A_86 = tpu.memref_slice %arg16[%add3A_50, %dma_start3A_85] : memref<5008x128xf32, #tpu.memory_space<vmem_shared>> -> memref<64x128xf32, #tpu.memory_space<vmem_shared>>
      tpu.enqueue_dma source(%dma_start3A_86 : memref<64x128xf32, #tpu.memory_space<vmem_shared>>) target(%dma_start3A_84 : memref<64x128xf32, #tpu.memory_space<vmem>>) target_semaphore(%run_scoped3A : memref<!tpu.dma_semaphore, #tpu.memory_space<semaphore_mem>>)
      %dma_wait3A = arith.constant 0 : i32
      %dma_wait3A_87 = arith.constant 0 : i32
      %dma_wait3A_88 = tpu.memref_slice %arg12[%dma_wait3A, %dma_wait3A_87] : memref<128x128xf32, #tpu.memory_space<vmem>> -> memref<64x128xf32, #tpu.memory_space<vmem>>
      %dma_wait3A_89 = arith.constant 0 : i32
      %dma_wait3A_90 = tpu.memref_slice %arg16[%add3A_50, %dma_wait3A_89] : memref<5008x128xf32, #tpu.memory_space<vmem_shared>> -> memref<64x128xf32, #tpu.memory_space<vmem_shared>>
      %dma_wait3A_91 = arith.constant 0 : i32
      %dma_wait3A_92 = arith.constant 0 : i32
      %dma_wait3A_93 = tpu.memref_slice %arg12[%dma_wait3A_91, %dma_wait3A_92] : memref<128x128xf32, #tpu.memory_space<vmem>> -> memref<64x128xf32, #tpu.memory_space<vmem>>
      %dma_wait3A_94 = arith.constant 0 : i32
      %dma_wait3A_95 = tpu.memref_slice %arg16[%add3A_50, %dma_wait3A_94] : memref<5008x128xf32, #tpu.memory_space<vmem_shared>> -> memref<64x128xf32, #tpu.memory_space<vmem_shared>>
      tpu.wait_dma2 semaphore(%run_scoped3A : memref<!tpu.dma_semaphore, #tpu.memory_space<semaphore_mem>>) src(%dma_wait3A_95 : memref<64x128xf32, #tpu.memory_space<vmem_shared>>) dst(%dma_wait3A_93 : memref<64x128xf32, #tpu.memory_space<vmem>>)
      tpu.yield
    }) : () -> ()
    %add3A_51 = arith.constant 128 : i32
    %add3A_52 = arith.addi %add3A_32, %add3A_51 : i32
    "tpu.region"() ({
      %run_scoped3A = tpu.sem_alloc : memref<!tpu.dma_semaphore, #tpu.memory_space<semaphore_mem>>
      %dma_start3A = arith.constant 0 : i32
      %dma_start3A_78 = arith.constant 0 : i32
      %dma_start3A_79 = tpu.memref_slice %arg12[%dma_start3A, %dma_start3A_78] : memref<128x128xf32, #tpu.memory_space<vmem>> -> memref<64x128xf32, #tpu.memory_space<vmem>>
      %dma_start3A_80 = arith.constant 0 : i32
      %dma_start3A_81 = tpu.memref_slice %arg7[%add3A_52, %dma_start3A_80] : memref<10016x128xf32, #tpu.memory_space<hbm>> -> memref<64x128xf32, #tpu.memory_space<hbm>>
      %dma_start3A_82 = arith.constant 0 : i32
      %dma_start3A_83 = tpu.memref_slice %arg7[%add3A_52, %dma_start3A_82] : memref<10016x128xf32, #tpu.memory_space<hbm>> -> memref<64x128xf32, #tpu.memory_space<hbm>>
      %dma_start3A_84 = arith.constant 0 : i32
      %dma_start3A_85 = arith.constant 0 : i32
      %dma_start3A_86 = tpu.memref_slice %arg12[%dma_start3A_84, %dma_start3A_85] : memref<128x128xf32, #tpu.memory_space<vmem>> -> memref<64x128xf32, #tpu.memory_space<vmem>>
      tpu.enqueue_dma source(%dma_start3A_86 : memref<64x128xf32, #tpu.memory_space<vmem>>) target(%dma_start3A_83 : memref<64x128xf32, #tpu.memory_space<hbm>>) target_semaphore(%run_scoped3A : memref<!tpu.dma_semaphore, #tpu.memory_space<semaphore_mem>>)
      %dma_wait3A = arith.constant 0 : i32
      %dma_wait3A_87 = arith.constant 0 : i32
      %dma_wait3A_88 = tpu.memref_slice %arg12[%dma_wait3A, %dma_wait3A_87] : memref<128x128xf32, #tpu.memory_space<vmem>> -> memref<64x128xf32, #tpu.memory_space<vmem>>
      %dma_wait3A_89 = arith.constant 0 : i32
      %dma_wait3A_90 = tpu.memref_slice %arg7[%add3A_52, %dma_wait3A_89] : memref<10016x128xf32, #tpu.memory_space<hbm>> -> memref<64x128xf32, #tpu.memory_space<hbm>>
      %dma_wait3A_91 = arith.constant 0 : i32
      %dma_wait3A_92 = tpu.memref_slice %arg7[%add3A_52, %dma_wait3A_91] : memref<10016x128xf32, #tpu.memory_space<hbm>> -> memref<64x128xf32, #tpu.memory_space<hbm>>
      %dma_wait3A_93 = arith.constant 0 : i32
      %dma_wait3A_94 = arith.constant 0 : i32
      %dma_wait3A_95 = tpu.memref_slice %arg12[%dma_wait3A_93, %dma_wait3A_94] : memref<128x128xf32, #tpu.memory_space<vmem>> -> memref<64x128xf32, #tpu.memory_space<vmem>>
      tpu.wait_dma2 semaphore(%run_scoped3A : memref<!tpu.dma_semaphore, #tpu.memory_space<semaphore_mem>>) src(%dma_wait3A_95 : memref<64x128xf32, #tpu.memory_space<vmem>>) dst(%dma_wait3A_92 : memref<64x128xf32, #tpu.memory_space<hbm>>)
      tpu.yield
    }) : () -> ()
    %add3A_53 = arith.constant 128 : i32
    %add3A_54 = arith.addi %mul3A_2, %add3A_53 : i32
    "tpu.region"() ({
      %run_scoped3A = tpu.sem_alloc : memref<!tpu.dma_semaphore, #tpu.memory_space<semaphore_mem>>
      %dma_start3A = arith.constant 0 : i32
      %dma_start3A_78 = arith.constant 0 : i32
      %dma_start3A_79 = tpu.memref_slice %arg12[%dma_start3A, %dma_start3A_78] : memref<128x128xf32, #tpu.memory_space<vmem>> -> memref<64x128xf32, #tpu.memory_space<vmem>>
      %dma_start3A_80 = arith.constant 0 : i32
      %dma_start3A_81 = tpu.memref_slice %arg17[%add3A_54, %dma_start3A_80] : memref<5008x128xf32, #tpu.memory_space<vmem_shared>> -> memref<64x128xf32, #tpu.memory_space<vmem_shared>>
      %dma_start3A_82 = arith.constant 0 : i32
      %dma_start3A_83 = arith.constant 0 : i32
      %dma_start3A_84 = tpu.memref_slice %arg12[%dma_start3A_82, %dma_start3A_83] : memref<128x128xf32, #tpu.memory_space<vmem>> -> memref<64x128xf32, #tpu.memory_space<vmem>>
      %dma_start3A_85 = arith.constant 0 : i32
      %dma_start3A_86 = tpu.memref_slice %arg17[%add3A_54, %dma_start3A_85] : memref<5008x128xf32, #tpu.memory_space<vmem_shared>> -> memref<64x128xf32, #tpu.memory_space<vmem_shared>>
      tpu.enqueue_dma source(%dma_start3A_86 : memref<64x128xf32, #tpu.memory_space<vmem_shared>>) target(%dma_start3A_84 : memref<64x128xf32, #tpu.memory_space<vmem>>) target_semaphore(%run_scoped3A : memref<!tpu.dma_semaphore, #tpu.memory_space<semaphore_mem>>)
      %dma_wait3A = arith.constant 0 : i32
      %dma_wait3A_87 = arith.constant 0 : i32
      %dma_wait3A_88 = tpu.memref_slice %arg12[%dma_wait3A, %dma_wait3A_87] : memref<128x128xf32, #tpu.memory_space<vmem>> -> memref<64x128xf32, #tpu.memory_space<vmem>>
      %dma_wait3A_89 = arith.constant 0 : i32
      %dma_wait3A_90 = tpu.memref_slice %arg17[%add3A_54, %dma_wait3A_89] : memref<5008x128xf32, #tpu.memory_space<vmem_shared>> -> memref<64x128xf32, #tpu.memory_space<vmem_shared>>
      %dma_wait3A_91 = arith.constant 0 : i32
      %dma_wait3A_92 = arith.constant 0 : i32
      %dma_wait3A_93 = tpu.memref_slice %arg12[%dma_wait3A_91, %dma_wait3A_92] : memref<128x128xf32, #tpu.memory_space<vmem>> -> memref<64x128xf32, #tpu.memory_space<vmem>>
      %dma_wait3A_94 = arith.constant 0 : i32
      %dma_wait3A_95 = tpu.memref_slice %arg17[%add3A_54, %dma_wait3A_94] : memref<5008x128xf32, #tpu.memory_space<vmem_shared>> -> memref<64x128xf32, #tpu.memory_space<vmem_shared>>
      tpu.wait_dma2 semaphore(%run_scoped3A : memref<!tpu.dma_semaphore, #tpu.memory_space<semaphore_mem>>) src(%dma_wait3A_95 : memref<64x128xf32, #tpu.memory_space<vmem_shared>>) dst(%dma_wait3A_93 : memref<64x128xf32, #tpu.memory_space<vmem>>)
      tpu.yield
    }) : () -> ()
    %add3A_55 = arith.constant 128 : i32
    %add3A_56 = arith.addi %add3A_32, %add3A_55 : i32
    "tpu.region"() ({
      %run_scoped3A = tpu.sem_alloc : memref<!tpu.dma_semaphore, #tpu.memory_space<semaphore_mem>>
      %dma_start3A = arith.constant 0 : i32
      %dma_start3A_78 = arith.constant 0 : i32
      %dma_start3A_79 = tpu.memref_slice %arg12[%dma_start3A, %dma_start3A_78] : memref<128x128xf32, #tpu.memory_space<vmem>> -> memref<64x128xf32, #tpu.memory_space<vmem>>
      %dma_start3A_80 = arith.constant 0 : i32
      %dma_start3A_81 = tpu.memref_slice %arg8[%add3A_56, %dma_start3A_80] : memref<10016x128xf32, #tpu.memory_space<hbm>> -> memref<64x128xf32, #tpu.memory_space<hbm>>
      %dma_start3A_82 = arith.constant 0 : i32
      %dma_start3A_83 = tpu.memref_slice %arg8[%add3A_56, %dma_start3A_82] : memref<10016x128xf32, #tpu.memory_space<hbm>> -> memref<64x128xf32, #tpu.memory_space<hbm>>
      %dma_start3A_84 = arith.constant 0 : i32
      %dma_start3A_85 = arith.constant 0 : i32
      %dma_start3A_86 = tpu.memref_slice %arg12[%dma_start3A_84, %dma_start3A_85] : memref<128x128xf32, #tpu.memory_space<vmem>> -> memref<64x128xf32, #tpu.memory_space<vmem>>
      tpu.enqueue_dma source(%dma_start3A_86 : memref<64x128xf32, #tpu.memory_space<vmem>>) target(%dma_start3A_83 : memref<64x128xf32, #tpu.memory_space<hbm>>) target_semaphore(%run_scoped3A : memref<!tpu.dma_semaphore, #tpu.memory_space<semaphore_mem>>)
      %dma_wait3A = arith.constant 0 : i32
      %dma_wait3A_87 = arith.constant 0 : i32
      %dma_wait3A_88 = tpu.memref_slice %arg12[%dma_wait3A, %dma_wait3A_87] : memref<128x128xf32, #tpu.memory_space<vmem>> -> memref<64x128xf32, #tpu.memory_space<vmem>>
      %dma_wait3A_89 = arith.constant 0 : i32
      %dma_wait3A_90 = tpu.memref_slice %arg8[%add3A_56, %dma_wait3A_89] : memref<10016x128xf32, #tpu.memory_space<hbm>> -> memref<64x128xf32, #tpu.memory_space<hbm>>
      %dma_wait3A_91 = arith.constant 0 : i32
      %dma_wait3A_92 = tpu.memref_slice %arg8[%add3A_56, %dma_wait3A_91] : memref<10016x128xf32, #tpu.memory_space<hbm>> -> memref<64x128xf32, #tpu.memory_space<hbm>>
      %dma_wait3A_93 = arith.constant 0 : i32
      %dma_wait3A_94 = arith.constant 0 : i32
      %dma_wait3A_95 = tpu.memref_slice %arg12[%dma_wait3A_93, %dma_wait3A_94] : memref<128x128xf32, #tpu.memory_space<vmem>> -> memref<64x128xf32, #tpu.memory_space<vmem>>
      tpu.wait_dma2 semaphore(%run_scoped3A : memref<!tpu.dma_semaphore, #tpu.memory_space<semaphore_mem>>) src(%dma_wait3A_95 : memref<64x128xf32, #tpu.memory_space<vmem>>) dst(%dma_wait3A_92 : memref<64x128xf32, #tpu.memory_space<hbm>>)
      tpu.yield
    }) : () -> ()
    %add3A_57 = arith.constant 192 : i32
    %add3A_58 = arith.addi %mul3A_2, %add3A_57 : i32
    "tpu.region"() ({
      %run_scoped3A = tpu.sem_alloc : memref<!tpu.dma_semaphore, #tpu.memory_space<semaphore_mem>>
      %dma_start3A = arith.constant 0 : i32
      %dma_start3A_78 = arith.constant 0 : i32
      %dma_start3A_79 = tpu.memref_slice %arg12[%dma_start3A, %dma_start3A_78] : memref<128x128xf32, #tpu.memory_space<vmem>> -> memref<64x128xf32, #tpu.memory_space<vmem>>
      %dma_start3A_80 = arith.constant 0 : i32
      %dma_start3A_81 = tpu.memref_slice %arg16[%add3A_58, %dma_start3A_80] : memref<5008x128xf32, #tpu.memory_space<vmem_shared>> -> memref<64x128xf32, #tpu.memory_space<vmem_shared>>
      %dma_start3A_82 = arith.constant 0 : i32
      %dma_start3A_83 = arith.constant 0 : i32
      %dma_start3A_84 = tpu.memref_slice %arg12[%dma_start3A_82, %dma_start3A_83] : memref<128x128xf32, #tpu.memory_space<vmem>> -> memref<64x128xf32, #tpu.memory_space<vmem>>
      %dma_start3A_85 = arith.constant 0 : i32
      %dma_start3A_86 = tpu.memref_slice %arg16[%add3A_58, %dma_start3A_85] : memref<5008x128xf32, #tpu.memory_space<vmem_shared>> -> memref<64x128xf32, #tpu.memory_space<vmem_shared>>
      tpu.enqueue_dma source(%dma_start3A_86 : memref<64x128xf32, #tpu.memory_space<vmem_shared>>) target(%dma_start3A_84 : memref<64x128xf32, #tpu.memory_space<vmem>>) target_semaphore(%run_scoped3A : memref<!tpu.dma_semaphore, #tpu.memory_space<semaphore_mem>>)
      %dma_wait3A = arith.constant 0 : i32
      %dma_wait3A_87 = arith.constant 0 : i32
      %dma_wait3A_88 = tpu.memref_slice %arg12[%dma_wait3A, %dma_wait3A_87] : memref<128x128xf32, #tpu.memory_space<vmem>> -> memref<64x128xf32, #tpu.memory_space<vmem>>
      %dma_wait3A_89 = arith.constant 0 : i32
      %dma_wait3A_90 = tpu.memref_slice %arg16[%add3A_58, %dma_wait3A_89] : memref<5008x128xf32, #tpu.memory_space<vmem_shared>> -> memref<64x128xf32, #tpu.memory_space<vmem_shared>>
      %dma_wait3A_91 = arith.constant 0 : i32
      %dma_wait3A_92 = arith.constant 0 : i32
      %dma_wait3A_93 = tpu.memref_slice %arg12[%dma_wait3A_91, %dma_wait3A_92] : memref<128x128xf32, #tpu.memory_space<vmem>> -> memref<64x128xf32, #tpu.memory_space<vmem>>
      %dma_wait3A_94 = arith.constant 0 : i32
      %dma_wait3A_95 = tpu.memref_slice %arg16[%add3A_58, %dma_wait3A_94] : memref<5008x128xf32, #tpu.memory_space<vmem_shared>> -> memref<64x128xf32, #tpu.memory_space<vmem_shared>>
      tpu.wait_dma2 semaphore(%run_scoped3A : memref<!tpu.dma_semaphore, #tpu.memory_space<semaphore_mem>>) src(%dma_wait3A_95 : memref<64x128xf32, #tpu.memory_space<vmem_shared>>) dst(%dma_wait3A_93 : memref<64x128xf32, #tpu.memory_space<vmem>>)
      tpu.yield
    }) : () -> ()
    %add3A_59 = arith.constant 192 : i32
    %add3A_60 = arith.addi %add3A_32, %add3A_59 : i32
    "tpu.region"() ({
      %run_scoped3A = tpu.sem_alloc : memref<!tpu.dma_semaphore, #tpu.memory_space<semaphore_mem>>
      %dma_start3A = arith.constant 0 : i32
      %dma_start3A_78 = arith.constant 0 : i32
      %dma_start3A_79 = tpu.memref_slice %arg12[%dma_start3A, %dma_start3A_78] : memref<128x128xf32, #tpu.memory_space<vmem>> -> memref<64x128xf32, #tpu.memory_space<vmem>>
      %dma_start3A_80 = arith.constant 0 : i32
      %dma_start3A_81 = tpu.memref_slice %arg7[%add3A_60, %dma_start3A_80] : memref<10016x128xf32, #tpu.memory_space<hbm>> -> memref<64x128xf32, #tpu.memory_space<hbm>>
      %dma_start3A_82 = arith.constant 0 : i32
      %dma_start3A_83 = tpu.memref_slice %arg7[%add3A_60, %dma_start3A_82] : memref<10016x128xf32, #tpu.memory_space<hbm>> -> memref<64x128xf32, #tpu.memory_space<hbm>>
      %dma_start3A_84 = arith.constant 0 : i32
      %dma_start3A_85 = arith.constant 0 : i32
      %dma_start3A_86 = tpu.memref_slice %arg12[%dma_start3A_84, %dma_start3A_85] : memref<128x128xf32, #tpu.memory_space<vmem>> -> memref<64x128xf32, #tpu.memory_space<vmem>>
      tpu.enqueue_dma source(%dma_start3A_86 : memref<64x128xf32, #tpu.memory_space<vmem>>) target(%dma_start3A_83 : memref<64x128xf32, #tpu.memory_space<hbm>>) target_semaphore(%run_scoped3A : memref<!tpu.dma_semaphore, #tpu.memory_space<semaphore_mem>>)
      %dma_wait3A = arith.constant 0 : i32
      %dma_wait3A_87 = arith.constant 0 : i32
      %dma_wait3A_88 = tpu.memref_slice %arg12[%dma_wait3A, %dma_wait3A_87] : memref<128x128xf32, #tpu.memory_space<vmem>> -> memref<64x128xf32, #tpu.memory_space<vmem>>
      %dma_wait3A_89 = arith.constant 0 : i32
      %dma_wait3A_90 = tpu.memref_slice %arg7[%add3A_60, %dma_wait3A_89] : memref<10016x128xf32, #tpu.memory_space<hbm>> -> memref<64x128xf32, #tpu.memory_space<hbm>>
      %dma_wait3A_91 = arith.constant 0 : i32
      %dma_wait3A_92 = tpu.memref_slice %arg7[%add3A_60, %dma_wait3A_91] : memref<10016x128xf32, #tpu.memory_space<hbm>> -> memref<64x128xf32, #tpu.memory_space<hbm>>
      %dma_wait3A_93 = arith.constant 0 : i32
      %dma_wait3A_94 = arith.constant 0 : i32
      %dma_wait3A_95 = tpu.memref_slice %arg12[%dma_wait3A_93, %dma_wait3A_94] : memref<128x128xf32, #tpu.memory_space<vmem>> -> memref<64x128xf32, #tpu.memory_space<vmem>>
      tpu.wait_dma2 semaphore(%run_scoped3A : memref<!tpu.dma_semaphore, #tpu.memory_space<semaphore_mem>>) src(%dma_wait3A_95 : memref<64x128xf32, #tpu.memory_space<vmem>>) dst(%dma_wait3A_92 : memref<64x128xf32, #tpu.memory_space<hbm>>)
      tpu.yield
    }) : () -> ()
    %add3A_61 = arith.constant 192 : i32
    %add3A_62 = arith.addi %mul3A_2, %add3A_61 : i32
    "tpu.region"() ({
      %run_scoped3A = tpu.sem_alloc : memref<!tpu.dma_semaphore, #tpu.memory_space<semaphore_mem>>
      %dma_start3A = arith.constant 0 : i32
      %dma_start3A_78 = arith.constant 0 : i32
      %dma_start3A_79 = tpu.memref_slice %arg12[%dma_start3A, %dma_start3A_78] : memref<128x128xf32, #tpu.memory_space<vmem>> -> memref<64x128xf32, #tpu.memory_space<vmem>>
      %dma_start3A_80 = arith.constant 0 : i32
      %dma_start3A_81 = tpu.memref_slice %arg17[%add3A_62, %dma_start3A_80] : memref<5008x128xf32, #tpu.memory_space<vmem_shared>> -> memref<64x128xf32, #tpu.memory_space<vmem_shared>>
      %dma_start3A_82 = arith.constant 0 : i32
      %dma_start3A_83 = arith.constant 0 : i32
      %dma_start3A_84 = tpu.memref_slice %arg12[%dma_start3A_82, %dma_start3A_83] : memref<128x128xf32, #tpu.memory_space<vmem>> -> memref<64x128xf32, #tpu.memory_space<vmem>>
      %dma_start3A_85 = arith.constant 0 : i32
      %dma_start3A_86 = tpu.memref_slice %arg17[%add3A_62, %dma_start3A_85] : memref<5008x128xf32, #tpu.memory_space<vmem_shared>> -> memref<64x128xf32, #tpu.memory_space<vmem_shared>>
      tpu.enqueue_dma source(%dma_start3A_86 : memref<64x128xf32, #tpu.memory_space<vmem_shared>>) target(%dma_start3A_84 : memref<64x128xf32, #tpu.memory_space<vmem>>) target_semaphore(%run_scoped3A : memref<!tpu.dma_semaphore, #tpu.memory_space<semaphore_mem>>)
      %dma_wait3A = arith.constant 0 : i32
      %dma_wait3A_87 = arith.constant 0 : i32
      %dma_wait3A_88 = tpu.memref_slice %arg12[%dma_wait3A, %dma_wait3A_87] : memref<128x128xf32, #tpu.memory_space<vmem>> -> memref<64x128xf32, #tpu.memory_space<vmem>>
      %dma_wait3A_89 = arith.constant 0 : i32
      %dma_wait3A_90 = tpu.memref_slice %arg17[%add3A_62, %dma_wait3A_89] : memref<5008x128xf32, #tpu.memory_space<vmem_shared>> -> memref<64x128xf32, #tpu.memory_space<vmem_shared>>
      %dma_wait3A_91 = arith.constant 0 : i32
      %dma_wait3A_92 = arith.constant 0 : i32
      %dma_wait3A_93 = tpu.memref_slice %arg12[%dma_wait3A_91, %dma_wait3A_92] : memref<128x128xf32, #tpu.memory_space<vmem>> -> memref<64x128xf32, #tpu.memory_space<vmem>>
      %dma_wait3A_94 = arith.constant 0 : i32
      %dma_wait3A_95 = tpu.memref_slice %arg17[%add3A_62, %dma_wait3A_94] : memref<5008x128xf32, #tpu.memory_space<vmem_shared>> -> memref<64x128xf32, #tpu.memory_space<vmem_shared>>
      tpu.wait_dma2 semaphore(%run_scoped3A : memref<!tpu.dma_semaphore, #tpu.memory_space<semaphore_mem>>) src(%dma_wait3A_95 : memref<64x128xf32, #tpu.memory_space<vmem_shared>>) dst(%dma_wait3A_93 : memref<64x128xf32, #tpu.memory_space<vmem>>)
      tpu.yield
    }) : () -> ()
    %add3A_63 = arith.constant 192 : i32
    %add3A_64 = arith.addi %add3A_32, %add3A_63 : i32
    "tpu.region"() ({
      %run_scoped3A = tpu.sem_alloc : memref<!tpu.dma_semaphore, #tpu.memory_space<semaphore_mem>>
      %dma_start3A = arith.constant 0 : i32
      %dma_start3A_78 = arith.constant 0 : i32
      %dma_start3A_79 = tpu.memref_slice %arg12[%dma_start3A, %dma_start3A_78] : memref<128x128xf32, #tpu.memory_space<vmem>> -> memref<64x128xf32, #tpu.memory_space<vmem>>
      %dma_start3A_80 = arith.constant 0 : i32
      %dma_start3A_81 = tpu.memref_slice %arg8[%add3A_64, %dma_start3A_80] : memref<10016x128xf32, #tpu.memory_space<hbm>> -> memref<64x128xf32, #tpu.memory_space<hbm>>
      %dma_start3A_82 = arith.constant 0 : i32
      %dma_start3A_83 = tpu.memref_slice %arg8[%add3A_64, %dma_start3A_82] : memref<10016x128xf32, #tpu.memory_space<hbm>> -> memref<64x128xf32, #tpu.memory_space<hbm>>
      %dma_start3A_84 = arith.constant 0 : i32
      %dma_start3A_85 = arith.constant 0 : i32
      %dma_start3A_86 = tpu.memref_slice %arg12[%dma_start3A_84, %dma_start3A_85] : memref<128x128xf32, #tpu.memory_space<vmem>> -> memref<64x128xf32, #tpu.memory_space<vmem>>
      tpu.enqueue_dma source(%dma_start3A_86 : memref<64x128xf32, #tpu.memory_space<vmem>>) target(%dma_start3A_83 : memref<64x128xf32, #tpu.memory_space<hbm>>) target_semaphore(%run_scoped3A : memref<!tpu.dma_semaphore, #tpu.memory_space<semaphore_mem>>)
      %dma_wait3A = arith.constant 0 : i32
      %dma_wait3A_87 = arith.constant 0 : i32
      %dma_wait3A_88 = tpu.memref_slice %arg12[%dma_wait3A, %dma_wait3A_87] : memref<128x128xf32, #tpu.memory_space<vmem>> -> memref<64x128xf32, #tpu.memory_space<vmem>>
      %dma_wait3A_89 = arith.constant 0 : i32
      %dma_wait3A_90 = tpu.memref_slice %arg8[%add3A_64, %dma_wait3A_89] : memref<10016x128xf32, #tpu.memory_space<hbm>> -> memref<64x128xf32, #tpu.memory_space<hbm>>
      %dma_wait3A_91 = arith.constant 0 : i32
      %dma_wait3A_92 = tpu.memref_slice %arg8[%add3A_64, %dma_wait3A_91] : memref<10016x128xf32, #tpu.memory_space<hbm>> -> memref<64x128xf32, #tpu.memory_space<hbm>>
      %dma_wait3A_93 = arith.constant 0 : i32
      %dma_wait3A_94 = arith.constant 0 : i32
      %dma_wait3A_95 = tpu.memref_slice %arg12[%dma_wait3A_93, %dma_wait3A_94] : memref<128x128xf32, #tpu.memory_space<vmem>> -> memref<64x128xf32, #tpu.memory_space<vmem>>
      tpu.wait_dma2 semaphore(%run_scoped3A : memref<!tpu.dma_semaphore, #tpu.memory_space<semaphore_mem>>) src(%dma_wait3A_95 : memref<64x128xf32, #tpu.memory_space<vmem>>) dst(%dma_wait3A_92 : memref<64x128xf32, #tpu.memory_space<hbm>>)
      tpu.yield
    }) : () -> ()
    %add3A_65 = arith.constant 256 : i32
    %add3A_66 = arith.addi %mul3A_2, %add3A_65 : i32
    "tpu.region"() ({
      %run_scoped3A = tpu.sem_alloc : memref<!tpu.dma_semaphore, #tpu.memory_space<semaphore_mem>>
      %dma_start3A = arith.constant 0 : i32
      %dma_start3A_78 = arith.constant 0 : i32
      %dma_start3A_79 = tpu.memref_slice %arg12[%dma_start3A, %dma_start3A_78] : memref<128x128xf32, #tpu.memory_space<vmem>> -> memref<56x128xf32, #tpu.memory_space<vmem>>
      %dma_start3A_80 = arith.constant 0 : i32
      %dma_start3A_81 = tpu.memref_slice %arg16[%add3A_66, %dma_start3A_80] : memref<5008x128xf32, #tpu.memory_space<vmem_shared>> -> memref<56x128xf32, #tpu.memory_space<vmem_shared>>
      %dma_start3A_82 = arith.constant 0 : i32
      %dma_start3A_83 = arith.constant 0 : i32
      %dma_start3A_84 = tpu.memref_slice %arg12[%dma_start3A_82, %dma_start3A_83] : memref<128x128xf32, #tpu.memory_space<vmem>> -> memref<56x128xf32, #tpu.memory_space<vmem>>
      %dma_start3A_85 = arith.constant 0 : i32
      %dma_start3A_86 = tpu.memref_slice %arg16[%add3A_66, %dma_start3A_85] : memref<5008x128xf32, #tpu.memory_space<vmem_shared>> -> memref<56x128xf32, #tpu.memory_space<vmem_shared>>
      tpu.enqueue_dma source(%dma_start3A_86 : memref<56x128xf32, #tpu.memory_space<vmem_shared>>) target(%dma_start3A_84 : memref<56x128xf32, #tpu.memory_space<vmem>>) target_semaphore(%run_scoped3A : memref<!tpu.dma_semaphore, #tpu.memory_space<semaphore_mem>>)
      %dma_wait3A = arith.constant 0 : i32
      %dma_wait3A_87 = arith.constant 0 : i32
      %dma_wait3A_88 = tpu.memref_slice %arg12[%dma_wait3A, %dma_wait3A_87] : memref<128x128xf32, #tpu.memory_space<vmem>> -> memref<56x128xf32, #tpu.memory_space<vmem>>
      %dma_wait3A_89 = arith.constant 0 : i32
      %dma_wait3A_90 = tpu.memref_slice %arg16[%add3A_66, %dma_wait3A_89] : memref<5008x128xf32, #tpu.memory_space<vmem_shared>> -> memref<56x128xf32, #tpu.memory_space<vmem_shared>>
      %dma_wait3A_91 = arith.constant 0 : i32
      %dma_wait3A_92 = arith.constant 0 : i32
      %dma_wait3A_93 = tpu.memref_slice %arg12[%dma_wait3A_91, %dma_wait3A_92] : memref<128x128xf32, #tpu.memory_space<vmem>> -> memref<56x128xf32, #tpu.memory_space<vmem>>
      %dma_wait3A_94 = arith.constant 0 : i32
      %dma_wait3A_95 = tpu.memref_slice %arg16[%add3A_66, %dma_wait3A_94] : memref<5008x128xf32, #tpu.memory_space<vmem_shared>> -> memref<56x128xf32, #tpu.memory_space<vmem_shared>>
      tpu.wait_dma2 semaphore(%run_scoped3A : memref<!tpu.dma_semaphore, #tpu.memory_space<semaphore_mem>>) src(%dma_wait3A_95 : memref<56x128xf32, #tpu.memory_space<vmem_shared>>) dst(%dma_wait3A_93 : memref<56x128xf32, #tpu.memory_space<vmem>>)
      tpu.yield
    }) : () -> ()
    %add3A_67 = arith.constant 256 : i32
    %add3A_68 = arith.addi %add3A_32, %add3A_67 : i32
    "tpu.region"() ({
      %run_scoped3A = tpu.sem_alloc : memref<!tpu.dma_semaphore, #tpu.memory_space<semaphore_mem>>
      %dma_start3A = arith.constant 0 : i32
      %dma_start3A_78 = arith.constant 0 : i32
      %dma_start3A_79 = tpu.memref_slice %arg12[%dma_start3A, %dma_start3A_78] : memref<128x128xf32, #tpu.memory_space<vmem>> -> memref<56x128xf32, #tpu.memory_space<vmem>>
      %dma_start3A_80 = arith.constant 0 : i32
      %dma_start3A_81 = tpu.memref_slice %arg7[%add3A_68, %dma_start3A_80] : memref<10016x128xf32, #tpu.memory_space<hbm>> -> memref<56x128xf32, #tpu.memory_space<hbm>>
      %dma_start3A_82 = arith.constant 0 : i32
      %dma_start3A_83 = tpu.memref_slice %arg7[%add3A_68, %dma_start3A_82] : memref<10016x128xf32, #tpu.memory_space<hbm>> -> memref<56x128xf32, #tpu.memory_space<hbm>>
      %dma_start3A_84 = arith.constant 0 : i32
      %dma_start3A_85 = arith.constant 0 : i32
      %dma_start3A_86 = tpu.memref_slice %arg12[%dma_start3A_84, %dma_start3A_85] : memref<128x128xf32, #tpu.memory_space<vmem>> -> memref<56x128xf32, #tpu.memory_space<vmem>>
      tpu.enqueue_dma source(%dma_start3A_86 : memref<56x128xf32, #tpu.memory_space<vmem>>) target(%dma_start3A_83 : memref<56x128xf32, #tpu.memory_space<hbm>>) target_semaphore(%run_scoped3A : memref<!tpu.dma_semaphore, #tpu.memory_space<semaphore_mem>>)
      %dma_wait3A = arith.constant 0 : i32
      %dma_wait3A_87 = arith.constant 0 : i32
      %dma_wait3A_88 = tpu.memref_slice %arg12[%dma_wait3A, %dma_wait3A_87] : memref<128x128xf32, #tpu.memory_space<vmem>> -> memref<56x128xf32, #tpu.memory_space<vmem>>
      %dma_wait3A_89 = arith.constant 0 : i32
      %dma_wait3A_90 = tpu.memref_slice %arg7[%add3A_68, %dma_wait3A_89] : memref<10016x128xf32, #tpu.memory_space<hbm>> -> memref<56x128xf32, #tpu.memory_space<hbm>>
      %dma_wait3A_91 = arith.constant 0 : i32
      %dma_wait3A_92 = tpu.memref_slice %arg7[%add3A_68, %dma_wait3A_91] : memref<10016x128xf32, #tpu.memory_space<hbm>> -> memref<56x128xf32, #tpu.memory_space<hbm>>
      %dma_wait3A_93 = arith.constant 0 : i32
      %dma_wait3A_94 = arith.constant 0 : i32
      %dma_wait3A_95 = tpu.memref_slice %arg12[%dma_wait3A_93, %dma_wait3A_94] : memref<128x128xf32, #tpu.memory_space<vmem>> -> memref<56x128xf32, #tpu.memory_space<vmem>>
      tpu.wait_dma2 semaphore(%run_scoped3A : memref<!tpu.dma_semaphore, #tpu.memory_space<semaphore_mem>>) src(%dma_wait3A_95 : memref<56x128xf32, #tpu.memory_space<vmem>>) dst(%dma_wait3A_92 : memref<56x128xf32, #tpu.memory_space<hbm>>)
      tpu.yield
    }) : () -> ()
    %add3A_69 = arith.constant 256 : i32
    %add3A_70 = arith.addi %mul3A_2, %add3A_69 : i32
    "tpu.region"() ({
      %run_scoped3A = tpu.sem_alloc : memref<!tpu.dma_semaphore, #tpu.memory_space<semaphore_mem>>
      %dma_start3A = arith.constant 0 : i32
      %dma_start3A_78 = arith.constant 0 : i32
      %dma_start3A_79 = tpu.memref_slice %arg12[%dma_start3A, %dma_start3A_78] : memref<128x128xf32, #tpu.memory_space<vmem>> -> memref<56x128xf32, #tpu.memory_space<vmem>>
      %dma_start3A_80 = arith.constant 0 : i32
      %dma_start3A_81 = tpu.memref_slice %arg17[%add3A_70, %dma_start3A_80] : memref<5008x128xf32, #tpu.memory_space<vmem_shared>> -> memref<56x128xf32, #tpu.memory_space<vmem_shared>>
      %dma_start3A_82 = arith.constant 0 : i32
      %dma_start3A_83 = arith.constant 0 : i32
      %dma_start3A_84 = tpu.memref_slice %arg12[%dma_start3A_82, %dma_start3A_83] : memref<128x128xf32, #tpu.memory_space<vmem>> -> memref<56x128xf32, #tpu.memory_space<vmem>>
      %dma_start3A_85 = arith.constant 0 : i32
      %dma_start3A_86 = tpu.memref_slice %arg17[%add3A_70, %dma_start3A_85] : memref<5008x128xf32, #tpu.memory_space<vmem_shared>> -> memref<56x128xf32, #tpu.memory_space<vmem_shared>>
      tpu.enqueue_dma source(%dma_start3A_86 : memref<56x128xf32, #tpu.memory_space<vmem_shared>>) target(%dma_start3A_84 : memref<56x128xf32, #tpu.memory_space<vmem>>) target_semaphore(%run_scoped3A : memref<!tpu.dma_semaphore, #tpu.memory_space<semaphore_mem>>)
      %dma_wait3A = arith.constant 0 : i32
      %dma_wait3A_87 = arith.constant 0 : i32
      %dma_wait3A_88 = tpu.memref_slice %arg12[%dma_wait3A, %dma_wait3A_87] : memref<128x128xf32, #tpu.memory_space<vmem>> -> memref<56x128xf32, #tpu.memory_space<vmem>>
      %dma_wait3A_89 = arith.constant 0 : i32
      %dma_wait3A_90 = tpu.memref_slice %arg17[%add3A_70, %dma_wait3A_89] : memref<5008x128xf32, #tpu.memory_space<vmem_shared>> -> memref<56x128xf32, #tpu.memory_space<vmem_shared>>
      %dma_wait3A_91 = arith.constant 0 : i32
      %dma_wait3A_92 = arith.constant 0 : i32
      %dma_wait3A_93 = tpu.memref_slice %arg12[%dma_wait3A_91, %dma_wait3A_92] : memref<128x128xf32, #tpu.memory_space<vmem>> -> memref<56x128xf32, #tpu.memory_space<vmem>>
      %dma_wait3A_94 = arith.constant 0 : i32
      %dma_wait3A_95 = tpu.memref_slice %arg17[%add3A_70, %dma_wait3A_94] : memref<5008x128xf32, #tpu.memory_space<vmem_shared>> -> memref<56x128xf32, #tpu.memory_space<vmem_shared>>
      tpu.wait_dma2 semaphore(%run_scoped3A : memref<!tpu.dma_semaphore, #tpu.memory_space<semaphore_mem>>) src(%dma_wait3A_95 : memref<56x128xf32, #tpu.memory_space<vmem_shared>>) dst(%dma_wait3A_93 : memref<56x128xf32, #tpu.memory_space<vmem>>)
      tpu.yield
    }) : () -> ()
    %add3A_71 = arith.constant 256 : i32
    %add3A_72 = arith.addi %add3A_32, %add3A_71 : i32
    "tpu.region"() ({
      %run_scoped3A = tpu.sem_alloc : memref<!tpu.dma_semaphore, #tpu.memory_space<semaphore_mem>>
      %dma_start3A = arith.constant 0 : i32
      %dma_start3A_78 = arith.constant 0 : i32
      %dma_start3A_79 = tpu.memref_slice %arg12[%dma_start3A, %dma_start3A_78] : memref<128x128xf32, #tpu.memory_space<vmem>> -> memref<56x128xf32, #tpu.memory_space<vmem>>
      %dma_start3A_80 = arith.constant 0 : i32
      %dma_start3A_81 = tpu.memref_slice %arg8[%add3A_72, %dma_start3A_80] : memref<10016x128xf32, #tpu.memory_space<hbm>> -> memref<56x128xf32, #tpu.memory_space<hbm>>
      %dma_start3A_82 = arith.constant 0 : i32
      %dma_start3A_83 = tpu.memref_slice %arg8[%add3A_72, %dma_start3A_82] : memref<10016x128xf32, #tpu.memory_space<hbm>> -> memref<56x128xf32, #tpu.memory_space<hbm>>
      %dma_start3A_84 = arith.constant 0 : i32
      %dma_start3A_85 = arith.constant 0 : i32
      %dma_start3A_86 = tpu.memref_slice %arg12[%dma_start3A_84, %dma_start3A_85] : memref<128x128xf32, #tpu.memory_space<vmem>> -> memref<56x128xf32, #tpu.memory_space<vmem>>
      tpu.enqueue_dma source(%dma_start3A_86 : memref<56x128xf32, #tpu.memory_space<vmem>>) target(%dma_start3A_83 : memref<56x128xf32, #tpu.memory_space<hbm>>) target_semaphore(%run_scoped3A : memref<!tpu.dma_semaphore, #tpu.memory_space<semaphore_mem>>)
      %dma_wait3A = arith.constant 0 : i32
      %dma_wait3A_87 = arith.constant 0 : i32
      %dma_wait3A_88 = tpu.memref_slice %arg12[%dma_wait3A, %dma_wait3A_87] : memref<128x128xf32, #tpu.memory_space<vmem>> -> memref<56x128xf32, #tpu.memory_space<vmem>>
      %dma_wait3A_89 = arith.constant 0 : i32
      %dma_wait3A_90 = tpu.memref_slice %arg8[%add3A_72, %dma_wait3A_89] : memref<10016x128xf32, #tpu.memory_space<hbm>> -> memref<56x128xf32, #tpu.memory_space<hbm>>
      %dma_wait3A_91 = arith.constant 0 : i32
      %dma_wait3A_92 = tpu.memref_slice %arg8[%add3A_72, %dma_wait3A_91] : memref<10016x128xf32, #tpu.memory_space<hbm>> -> memref<56x128xf32, #tpu.memory_space<hbm>>
      %dma_wait3A_93 = arith.constant 0 : i32
      %dma_wait3A_94 = arith.constant 0 : i32
      %dma_wait3A_95 = tpu.memref_slice %arg12[%dma_wait3A_93, %dma_wait3A_94] : memref<128x128xf32, #tpu.memory_space<vmem>> -> memref<56x128xf32, #tpu.memory_space<vmem>>
      tpu.wait_dma2 semaphore(%run_scoped3A : memref<!tpu.dma_semaphore, #tpu.memory_space<semaphore_mem>>) src(%dma_wait3A_95 : memref<56x128xf32, #tpu.memory_space<vmem>>) dst(%dma_wait3A_92 : memref<56x128xf32, #tpu.memory_space<hbm>>)
      tpu.yield
    }) : () -> ()
    %eq3A_73 = arith.constant 15 : i32
    %eq3A_74 = arith.cmpi eq, %arg1, %eq3A_73 : i32
    %convert_element_type3A_75 = arith.extui %eq3A_74 : i1 to i32
    %cond3A_76 = arith.constant 0 : i32
    %cond3A_77 = arith.cmpi ne, %convert_element_type3A_75, %cond3A_76 : i32
    scf.if %cond3A_77 {
      "tpu.region"() ({
        %run_scoped3A = tpu.sem_alloc : memref<!tpu.dma_semaphore, #tpu.memory_space<semaphore_mem>>
        %dma_start3A = arith.constant 0 : i32
        %dma_start3A_86 = arith.constant 0 : i32
        %dma_start3A_87 = tpu.memref_slice %arg12[%dma_start3A, %dma_start3A_86] : memref<128x128xf32, #tpu.memory_space<vmem>> -> memref<16x128xf32, #tpu.memory_space<vmem>>
        %dma_start3A_88 = arith.constant 4992 : i32
        %dma_start3A_89 = arith.constant 0 : i32
        %dma_start3A_90 = tpu.memref_slice %arg16[%dma_start3A_88, %dma_start3A_89] : memref<5008x128xf32, #tpu.memory_space<vmem_shared>> -> memref<16x128xf32, #tpu.memory_space<vmem_shared>>
        %dma_start3A_91 = arith.constant 0 : i32
        %dma_start3A_92 = arith.constant 0 : i32
        %dma_start3A_93 = tpu.memref_slice %arg12[%dma_start3A_91, %dma_start3A_92] : memref<128x128xf32, #tpu.memory_space<vmem>> -> memref<16x128xf32, #tpu.memory_space<vmem>>
        %dma_start3A_94 = arith.constant 4992 : i32
        %dma_start3A_95 = arith.constant 0 : i32
        %dma_start3A_96 = tpu.memref_slice %arg16[%dma_start3A_94, %dma_start3A_95] : memref<5008x128xf32, #tpu.memory_space<vmem_shared>> -> memref<16x128xf32, #tpu.memory_space<vmem_shared>>
        tpu.enqueue_dma source(%dma_start3A_96 : memref<16x128xf32, #tpu.memory_space<vmem_shared>>) target(%dma_start3A_93 : memref<16x128xf32, #tpu.memory_space<vmem>>) target_semaphore(%run_scoped3A : memref<!tpu.dma_semaphore, #tpu.memory_space<semaphore_mem>>)
        %dma_wait3A = arith.constant 0 : i32
        %dma_wait3A_97 = arith.constant 0 : i32
        %dma_wait3A_98 = tpu.memref_slice %arg12[%dma_wait3A, %dma_wait3A_97] : memref<128x128xf32, #tpu.memory_space<vmem>> -> memref<16x128xf32, #tpu.memory_space<vmem>>
        %dma_wait3A_99 = arith.constant 4992 : i32
        %dma_wait3A_100 = arith.constant 0 : i32
        %dma_wait3A_101 = tpu.memref_slice %arg16[%dma_wait3A_99, %dma_wait3A_100] : memref<5008x128xf32, #tpu.memory_space<vmem_shared>> -> memref<16x128xf32, #tpu.memory_space<vmem_shared>>
        %dma_wait3A_102 = arith.constant 0 : i32
        %dma_wait3A_103 = arith.constant 0 : i32
        %dma_wait3A_104 = tpu.memref_slice %arg12[%dma_wait3A_102, %dma_wait3A_103] : memref<128x128xf32, #tpu.memory_space<vmem>> -> memref<16x128xf32, #tpu.memory_space<vmem>>
        %dma_wait3A_105 = arith.constant 4992 : i32
        %dma_wait3A_106 = arith.constant 0 : i32
        %dma_wait3A_107 = tpu.memref_slice %arg16[%dma_wait3A_105, %dma_wait3A_106] : memref<5008x128xf32, #tpu.memory_space<vmem_shared>> -> memref<16x128xf32, #tpu.memory_space<vmem_shared>>
        tpu.wait_dma2 semaphore(%run_scoped3A : memref<!tpu.dma_semaphore, #tpu.memory_space<semaphore_mem>>) src(%dma_wait3A_107 : memref<16x128xf32, #tpu.memory_space<vmem_shared>>) dst(%dma_wait3A_104 : memref<16x128xf32, #tpu.memory_space<vmem>>)
        tpu.yield
      }) : () -> ()
      %mul3A_78 = arith.constant 5008 : i32
      %mul3A_79 = arith.muli %arg0, %mul3A_78 : i32
      %add3A_80 = arith.constant 4992 : i32
      %add3A_81 = arith.addi %mul3A_79, %add3A_80 : i32
      "tpu.region"() ({
        %run_scoped3A = tpu.sem_alloc : memref<!tpu.dma_semaphore, #tpu.memory_space<semaphore_mem>>
        %dma_start3A = arith.constant 0 : i32
        %dma_start3A_86 = arith.constant 0 : i32
        %dma_start3A_87 = tpu.memref_slice %arg12[%dma_start3A, %dma_start3A_86] : memref<128x128xf32, #tpu.memory_space<vmem>> -> memref<16x128xf32, #tpu.memory_space<vmem>>
        %dma_start3A_88 = arith.constant 0 : i32
        %dma_start3A_89 = tpu.memref_slice %arg7[%add3A_81, %dma_start3A_88] : memref<10016x128xf32, #tpu.memory_space<hbm>> -> memref<16x128xf32, #tpu.memory_space<hbm>>
        %dma_start3A_90 = arith.constant 0 : i32
        %dma_start3A_91 = tpu.memref_slice %arg7[%add3A_81, %dma_start3A_90] : memref<10016x128xf32, #tpu.memory_space<hbm>> -> memref<16x128xf32, #tpu.memory_space<hbm>>
        %dma_start3A_92 = arith.constant 0 : i32
        %dma_start3A_93 = arith.constant 0 : i32
        %dma_start3A_94 = tpu.memref_slice %arg12[%dma_start3A_92, %dma_start3A_93] : memref<128x128xf32, #tpu.memory_space<vmem>> -> memref<16x128xf32, #tpu.memory_space<vmem>>
        tpu.enqueue_dma source(%dma_start3A_94 : memref<16x128xf32, #tpu.memory_space<vmem>>) target(%dma_start3A_91 : memref<16x128xf32, #tpu.memory_space<hbm>>) target_semaphore(%run_scoped3A : memref<!tpu.dma_semaphore, #tpu.memory_space<semaphore_mem>>)
        %dma_wait3A = arith.constant 0 : i32
        %dma_wait3A_95 = arith.constant 0 : i32
        %dma_wait3A_96 = tpu.memref_slice %arg12[%dma_wait3A, %dma_wait3A_95] : memref<128x128xf32, #tpu.memory_space<vmem>> -> memref<16x128xf32, #tpu.memory_space<vmem>>
        %dma_wait3A_97 = arith.constant 0 : i32
        %dma_wait3A_98 = tpu.memref_slice %arg7[%add3A_81, %dma_wait3A_97] : memref<10016x128xf32, #tpu.memory_space<hbm>> -> memref<16x128xf32, #tpu.memory_space<hbm>>
        %dma_wait3A_99 = arith.constant 0 : i32
        %dma_wait3A_100 = tpu.memref_slice %arg7[%add3A_81, %dma_wait3A_99] : memref<10016x128xf32, #tpu.memory_space<hbm>> -> memref<16x128xf32, #tpu.memory_space<hbm>>
        %dma_wait3A_101 = arith.constant 0 : i32
        %dma_wait3A_102 = arith.constant 0 : i32
        %dma_wait3A_103 = tpu.memref_slice %arg12[%dma_wait3A_101, %dma_wait3A_102] : memref<128x128xf32, #tpu.memory_space<vmem>> -> memref<16x128xf32, #tpu.memory_space<vmem>>
        tpu.wait_dma2 semaphore(%run_scoped3A : memref<!tpu.dma_semaphore, #tpu.memory_space<semaphore_mem>>) src(%dma_wait3A_103 : memref<16x128xf32, #tpu.memory_space<vmem>>) dst(%dma_wait3A_100 : memref<16x128xf32, #tpu.memory_space<hbm>>)
        tpu.yield
      }) : () -> ()
      "tpu.region"() ({
        %run_scoped3A = tpu.sem_alloc : memref<!tpu.dma_semaphore, #tpu.memory_space<semaphore_mem>>
        %dma_start3A = arith.constant 0 : i32
        %dma_start3A_86 = arith.constant 0 : i32
        %dma_start3A_87 = tpu.memref_slice %arg12[%dma_start3A, %dma_start3A_86] : memref<128x128xf32, #tpu.memory_space<vmem>> -> memref<16x128xf32, #tpu.memory_space<vmem>>
        %dma_start3A_88 = arith.constant 4992 : i32
        %dma_start3A_89 = arith.constant 0 : i32
        %dma_start3A_90 = tpu.memref_slice %arg17[%dma_start3A_88, %dma_start3A_89] : memref<5008x128xf32, #tpu.memory_space<vmem_shared>> -> memref<16x128xf32, #tpu.memory_space<vmem_shared>>
        %dma_start3A_91 = arith.constant 0 : i32
        %dma_start3A_92 = arith.constant 0 : i32
        %dma_start3A_93 = tpu.memref_slice %arg12[%dma_start3A_91, %dma_start3A_92] : memref<128x128xf32, #tpu.memory_space<vmem>> -> memref<16x128xf32, #tpu.memory_space<vmem>>
        %dma_start3A_94 = arith.constant 4992 : i32
        %dma_start3A_95 = arith.constant 0 : i32
        %dma_start3A_96 = tpu.memref_slice %arg17[%dma_start3A_94, %dma_start3A_95] : memref<5008x128xf32, #tpu.memory_space<vmem_shared>> -> memref<16x128xf32, #tpu.memory_space<vmem_shared>>
        tpu.enqueue_dma source(%dma_start3A_96 : memref<16x128xf32, #tpu.memory_space<vmem_shared>>) target(%dma_start3A_93 : memref<16x128xf32, #tpu.memory_space<vmem>>) target_semaphore(%run_scoped3A : memref<!tpu.dma_semaphore, #tpu.memory_space<semaphore_mem>>)
        %dma_wait3A = arith.constant 0 : i32
        %dma_wait3A_97 = arith.constant 0 : i32
        %dma_wait3A_98 = tpu.memref_slice %arg12[%dma_wait3A, %dma_wait3A_97] : memref<128x128xf32, #tpu.memory_space<vmem>> -> memref<16x128xf32, #tpu.memory_space<vmem>>
        %dma_wait3A_99 = arith.constant 4992 : i32
        %dma_wait3A_100 = arith.constant 0 : i32
        %dma_wait3A_101 = tpu.memref_slice %arg17[%dma_wait3A_99, %dma_wait3A_100] : memref<5008x128xf32, #tpu.memory_space<vmem_shared>> -> memref<16x128xf32, #tpu.memory_space<vmem_shared>>
        %dma_wait3A_102 = arith.constant 0 : i32
        %dma_wait3A_103 = arith.constant 0 : i32
        %dma_wait3A_104 = tpu.memref_slice %arg12[%dma_wait3A_102, %dma_wait3A_103] : memref<128x128xf32, #tpu.memory_space<vmem>> -> memref<16x128xf32, #tpu.memory_space<vmem>>
        %dma_wait3A_105 = arith.constant 4992 : i32
        %dma_wait3A_106 = arith.constant 0 : i32
        %dma_wait3A_107 = tpu.memref_slice %arg17[%dma_wait3A_105, %dma_wait3A_106] : memref<5008x128xf32, #tpu.memory_space<vmem_shared>> -> memref<16x128xf32, #tpu.memory_space<vmem_shared>>
        tpu.wait_dma2 semaphore(%run_scoped3A : memref<!tpu.dma_semaphore, #tpu.memory_space<semaphore_mem>>) src(%dma_wait3A_107 : memref<16x128xf32, #tpu.memory_space<vmem_shared>>) dst(%dma_wait3A_104 : memref<16x128xf32, #tpu.memory_space<vmem>>)
        tpu.yield
      }) : () -> ()
      %mul3A_82 = arith.constant 5008 : i32
      %mul3A_83 = arith.muli %arg0, %mul3A_82 : i32
      %add3A_84 = arith.constant 4992 : i32
      %add3A_85 = arith.addi %mul3A_83, %add3A_84 : i32
      "tpu.region"() ({
        %run_scoped3A = tpu.sem_alloc : memref<!tpu.dma_semaphore, #tpu.memory_space<semaphore_mem>>
        %dma_start3A = arith.constant 0 : i32
        %dma_start3A_86 = arith.constant 0 : i32
        %dma_start3A_87 = tpu.memref_slice %arg12[%dma_start3A, %dma_start3A_86] : memref<128x128xf32, #tpu.memory_space<vmem>> -> memref<16x128xf32, #tpu.memory_space<vmem>>
        %dma_start3A_88 = arith.constant 0 : i32
        %dma_start3A_89 = tpu.memref_slice %arg8[%add3A_85, %dma_start3A_88] : memref<10016x128xf32, #tpu.memory_space<hbm>> -> memref<16x128xf32, #tpu.memory_space<hbm>>
        %dma_start3A_90 = arith.constant 0 : i32
        %dma_start3A_91 = tpu.memref_slice %arg8[%add3A_85, %dma_start3A_90] : memref<10016x128xf32, #tpu.memory_space<hbm>> -> memref<16x128xf32, #tpu.memory_space<hbm>>
        %dma_start3A_92 = arith.constant 0 : i32
        %dma_start3A_93 = arith.constant 0 : i32
        %dma_start3A_94 = tpu.memref_slice %arg12[%dma_start3A_92, %dma_start3A_93] : memref<128x128xf32, #tpu.memory_space<vmem>> -> memref<16x128xf32, #tpu.memory_space<vmem>>
        tpu.enqueue_dma source(%dma_start3A_94 : memref<16x128xf32, #tpu.memory_space<vmem>>) target(%dma_start3A_91 : memref<16x128xf32, #tpu.memory_space<hbm>>) target_semaphore(%run_scoped3A : memref<!tpu.dma_semaphore, #tpu.memory_space<semaphore_mem>>)
        %dma_wait3A = arith.constant 0 : i32
        %dma_wait3A_95 = arith.constant 0 : i32
        %dma_wait3A_96 = tpu.memref_slice %arg12[%dma_wait3A, %dma_wait3A_95] : memref<128x128xf32, #tpu.memory_space<vmem>> -> memref<16x128xf32, #tpu.memory_space<vmem>>
        %dma_wait3A_97 = arith.constant 0 : i32
        %dma_wait3A_98 = tpu.memref_slice %arg8[%add3A_85, %dma_wait3A_97] : memref<10016x128xf32, #tpu.memory_space<hbm>> -> memref<16x128xf32, #tpu.memory_space<hbm>>
        %dma_wait3A_99 = arith.constant 0 : i32
        %dma_wait3A_100 = tpu.memref_slice %arg8[%add3A_85, %dma_wait3A_99] : memref<10016x128xf32, #tpu.memory_space<hbm>> -> memref<16x128xf32, #tpu.memory_space<hbm>>
        %dma_wait3A_101 = arith.constant 0 : i32
        %dma_wait3A_102 = arith.constant 0 : i32
        %dma_wait3A_103 = tpu.memref_slice %arg12[%dma_wait3A_101, %dma_wait3A_102] : memref<128x128xf32, #tpu.memory_space<vmem>> -> memref<16x128xf32, #tpu.memory_space<vmem>>
        tpu.wait_dma2 semaphore(%run_scoped3A : memref<!tpu.dma_semaphore, #tpu.memory_space<semaphore_mem>>) src(%dma_wait3A_103 : memref<16x128xf32, #tpu.memory_space<vmem>>) dst(%dma_wait3A_100 : memref<16x128xf32, #tpu.memory_space<hbm>>)
        tpu.yield
      }) : () -> ()
    } else {
    }
    return
  }
}

#map = affine_map<(d0, d1) -> (0, 0)>
module attributes {stable_mosaic.version = 14 : i64} {
  func.func @_sc_pass(%arg0: i32, %arg1: i32, %arg2: memref<10000x128xf32, #tpu.memory_space<hbm>>, %arg3: memref<2560x128xi32, #tpu.memory_space<hbm>>, %arg4: memref<2560x128xi32, #tpu.memory_space<hbm>>, %arg5: memref<40960x128xf32, #tpu.memory_space<hbm>>, %arg6: memref<128x128xf32, #tpu.memory_space<hbm>>, %arg7: memref<10016x128xf32, #tpu.memory_space<hbm>>, %arg8: memref<10016x128xf32, #tpu.memory_space<hbm>>, %arg9: memref<4x128xi32, #tpu.memory_space<vmem>>, %arg10: memref<4x128xi32, #tpu.memory_space<vmem>>, %arg11: memref<8x128xf32, #tpu.memory_space<vmem>>, %arg12: memref<128x128xf32, #tpu.memory_space<vmem>>, %arg13: memref<128x128xf32, #tpu.memory_space<vmem>>, %arg14: memref<8x128xf32, #tpu.memory_space<vmem>>, %arg15: memref<8x128xf32, #tpu.memory_space<vmem>>, %arg16: memref<5008x128xf32, #tpu.memory_space<vmem_shared>>, %arg17: memref<5008x128xf32, #tpu.memory_space<vmem_shared>>, %arg18: memref<!tpu.dma_semaphore, #tpu.memory_space<semaphore_mem>>, %arg19: memref<!tpu.dma_semaphore, #tpu.memory_space<semaphore_mem>>, %arg20: memref<!tpu.dma_semaphore, #tpu.memory_space<semaphore_mem>>, %arg21: memref<!tpu.dma_semaphore, #tpu.memory_space<semaphore_mem>>, %arg22: memref<!tpu.dma_semaphore, #tpu.memory_space<semaphore_mem>>, %arg23: memref<!tpu.dma_semaphore, #tpu.memory_space<semaphore_mem>>, %arg24: memref<!tpu.dma_semaphore, #tpu.memory_space<semaphore_mem>>) attributes {dimension_semantics = [#tpu.dimension_semantics<core_parallel>, #tpu.dimension_semantics<subcore_parallel>], iteration_bounds = array<i64: 2, 16>, scalar_prefetch = 0 : i64, scratch_operands = 16 : i64, tpu.core_type = #tpu.core_type<sc_vector_subcore>, window_params = [{transform_indices = #map}, {transform_indices = #map}, {transform_indices = #map}, {transform_indices = #map}, {transform_indices = #map}, {transform_indices = #map}, {transform_indices = #map}]} {
    %mul3A = arith.constant 2 : i32
    %mul3A_0 = arith.muli %arg1, %mul3A : i32
    %add3A = arith.addi %mul3A_0, %arg0 : i32
    %mul3A_1 = arith.constant 312 : i32
    %mul3A_2 = arith.muli %arg1, %mul3A_1 : i32
    "tpu.region"() ({
      %run_scoped3A = tpu.sem_alloc : memref<!tpu.dma_semaphore, #tpu.memory_space<semaphore_mem>>
      %dma_start3A = arith.constant 0 : i32
      %dma_start3A_78 = arith.constant 0 : i32
      %dma_start3A_79 = tpu.memref_slice %arg12[%dma_start3A, %dma_start3A_78] : memref<128x128xf32, #tpu.memory_space<vmem>> -> memref<64x128xf32, #tpu.memory_space<vmem>>
      %dma_start3A_80 = arith.constant 0 : i32
      %dma_start3A_81 = arith.constant 0 : i32
      %dma_start3A_82 = tpu.memref_slice %arg6[%dma_start3A_80, %dma_start3A_81] : memref<128x128xf32, #tpu.memory_space<hbm>> -> memref<64x128xf32, #tpu.memory_space<hbm>>
      %dma_start3A_83 = arith.constant 0 : i32
      %dma_start3A_84 = arith.constant 0 : i32
      %dma_start3A_85 = tpu.memref_slice %arg12[%dma_start3A_83, %dma_start3A_84] : memref<128x128xf32, #tpu.memory_space<vmem>> -> memref<64x128xf32, #tpu.memory_space<vmem>>
      %dma_start3A_86 = arith.constant 0 : i32
      %dma_start3A_87 = arith.constant 0 : i32
      %dma_start3A_88 = tpu.memref_slice %arg6[%dma_start3A_86, %dma_start3A_87] : memref<128x128xf32, #tpu.memory_space<hbm>> -> memref<64x128xf32, #tpu.memory_space<hbm>>
      tpu.enqueue_dma source(%dma_start3A_88 : memref<64x128xf32, #tpu.memory_space<hbm>>) target(%dma_start3A_85 : memref<64x128xf32, #tpu.memory_space<vmem>>) target_semaphore(%run_scoped3A : memref<!tpu.dma_semaphore, #tpu.memory_space<semaphore_mem>>)
      %dma_wait3A = arith.constant 0 : i32
      %dma_wait3A_89 = arith.constant 0 : i32
      %dma_wait3A_90 = tpu.memref_slice %arg12[%dma_wait3A, %dma_wait3A_89] : memref<128x128xf32, #tpu.memory_space<vmem>> -> memref<64x128xf32, #tpu.memory_space<vmem>>
      %dma_wait3A_91 = arith.constant 0 : i32
      %dma_wait3A_92 = arith.constant 0 : i32
      %dma_wait3A_93 = tpu.memref_slice %arg6[%dma_wait3A_91, %dma_wait3A_92] : memref<128x128xf32, #tpu.memory_space<hbm>> -> memref<64x128xf32, #tpu.memory_space<hbm>>
      %dma_wait3A_94 = arith.constant 0 : i32
      %dma_wait3A_95 = arith.constant 0 : i32
      %dma_wait3A_96 = tpu.memref_slice %arg12[%dma_wait3A_94, %dma_wait3A_95] : memref<128x128xf32, #tpu.memory_space<vmem>> -> memref<64x128xf32, #tpu.memory_space<vmem>>
      %dma_wait3A_97 = arith.constant 0 : i32
      %dma_wait3A_98 = arith.constant 0 : i32
      %dma_wait3A_99 = tpu.memref_slice %arg6[%dma_wait3A_97, %dma_wait3A_98] : memref<128x128xf32, #tpu.memory_space<hbm>> -> memref<64x128xf32, #tpu.memory_space<hbm>>
      tpu.wait_dma2 semaphore(%run_scoped3A : memref<!tpu.dma_semaphore, #tpu.memory_space<semaphore_mem>>) src(%dma_wait3A_99 : memref<64x128xf32, #tpu.memory_space<hbm>>) dst(%dma_wait3A_96 : memref<64x128xf32, #tpu.memory_space<vmem>>)
      tpu.yield
    }) : () -> ()
    %add3A_3 = arith.constant 0 : i32
    %add3A_4 = arith.addi %mul3A_2, %add3A_3 : i32
    "tpu.region"() ({
      %run_scoped3A = tpu.sem_alloc : memref<!tpu.dma_semaphore, #tpu.memory_space<semaphore_mem>>
      %dma_start3A = arith.constant 0 : i32
      %dma_start3A_78 = arith.constant 0 : i32
      %dma_start3A_79 = tpu.memref_slice %arg12[%dma_start3A, %dma_start3A_78] : memref<128x128xf32, #tpu.memory_space<vmem>> -> memref<64x128xf32, #tpu.memory_space<vmem>>
      %dma_start3A_80 = arith.constant 0 : i32
      %dma_start3A_81 = tpu.memref_slice %arg16[%add3A_4, %dma_start3A_80] : memref<5008x128xf32, #tpu.memory_space<vmem_shared>> -> memref<64x128xf32, #tpu.memory_space<vmem_shared>>
      %dma_start3A_82 = arith.constant 0 : i32
      %dma_start3A_83 = tpu.memref_slice %arg16[%add3A_4, %dma_start3A_82] : memref<5008x128xf32, #tpu.memory_space<vmem_shared>> -> memref<64x128xf32, #tpu.memory_space<vmem_shared>>
      %dma_start3A_84 = arith.constant 0 : i32
      %dma_start3A_85 = arith.constant 0 : i32
      %dma_start3A_86 = tpu.memref_slice %arg12[%dma_start3A_84, %dma_start3A_85] : memref<128x128xf32, #tpu.memory_space<vmem>> -> memref<64x128xf32, #tpu.memory_space<vmem>>
      tpu.enqueue_dma source(%dma_start3A_86 : memref<64x128xf32, #tpu.memory_space<vmem>>) target(%dma_start3A_83 : memref<64x128xf32, #tpu.memory_space<vmem_shared>>) target_semaphore(%run_scoped3A : memref<!tpu.dma_semaphore, #tpu.memory_space<semaphore_mem>>)
      %dma_wait3A = arith.constant 0 : i32
      %dma_wait3A_87 = arith.constant 0 : i32
      %dma_wait3A_88 = tpu.memref_slice %arg12[%dma_wait3A, %dma_wait3A_87] : memref<128x128xf32, #tpu.memory_space<vmem>> -> memref<64x128xf32, #tpu.memory_space<vmem>>
      %dma_wait3A_89 = arith.constant 0 : i32
      %dma_wait3A_90 = tpu.memref_slice %arg16[%add3A_4, %dma_wait3A_89] : memref<5008x128xf32, #tpu.memory_space<vmem_shared>> -> memref<64x128xf32, #tpu.memory_space<vmem_shared>>
      %dma_wait3A_91 = arith.constant 0 : i32
      %dma_wait3A_92 = tpu.memref_slice %arg16[%add3A_4, %dma_wait3A_91] : memref<5008x128xf32, #tpu.memory_space<vmem_shared>> -> memref<64x128xf32, #tpu.memory_space<vmem_shared>>
      %dma_wait3A_93 = arith.constant 0 : i32
      %dma_wait3A_94 = arith.constant 0 : i32
      %dma_wait3A_95 = tpu.memref_slice %arg12[%dma_wait3A_93, %dma_wait3A_94] : memref<128x128xf32, #tpu.memory_space<vmem>> -> memref<64x128xf32, #tpu.memory_space<vmem>>
      tpu.wait_dma2 semaphore(%run_scoped3A : memref<!tpu.dma_semaphore, #tpu.memory_space<semaphore_mem>>) src(%dma_wait3A_95 : memref<64x128xf32, #tpu.memory_space<vmem>>) dst(%dma_wait3A_92 : memref<64x128xf32, #tpu.memory_space<vmem_shared>>)
      tpu.yield
    }) : () -> ()
    %add3A_5 = arith.constant 0 : i32
    %add3A_6 = arith.addi %mul3A_2, %add3A_5 : i32
    "tpu.region"() ({
      %run_scoped3A = tpu.sem_alloc : memref<!tpu.dma_semaphore, #tpu.memory_space<semaphore_mem>>
      %dma_start3A = arith.constant 0 : i32
      %dma_start3A_78 = arith.constant 0 : i32
      %dma_start3A_79 = tpu.memref_slice %arg12[%dma_start3A, %dma_start3A_78] : memref<128x128xf32, #tpu.memory_space<vmem>> -> memref<64x128xf32, #tpu.memory_space<vmem>>
      %dma_start3A_80 = arith.constant 0 : i32
      %dma_start3A_81 = tpu.memref_slice %arg17[%add3A_6, %dma_start3A_80] : memref<5008x128xf32, #tpu.memory_space<vmem_shared>> -> memref<64x128xf32, #tpu.memory_space<vmem_shared>>
      %dma_start3A_82 = arith.constant 0 : i32
      %dma_start3A_83 = tpu.memref_slice %arg17[%add3A_6, %dma_start3A_82] : memref<5008x128xf32, #tpu.memory_space<vmem_shared>> -> memref<64x128xf32, #tpu.memory_space<vmem_shared>>
      %dma_start3A_84 = arith.constant 0 : i32
      %dma_start3A_85 = arith.constant 0 : i32
      %dma_start3A_86 = tpu.memref_slice %arg12[%dma_start3A_84, %dma_start3A_85] : memref<128x128xf32, #tpu.memory_space<vmem>> -> memref<64x128xf32, #tpu.memory_space<vmem>>
      tpu.enqueue_dma source(%dma_start3A_86 : memref<64x128xf32, #tpu.memory_space<vmem>>) target(%dma_start3A_83 : memref<64x128xf32, #tpu.memory_space<vmem_shared>>) target_semaphore(%run_scoped3A : memref<!tpu.dma_semaphore, #tpu.memory_space<semaphore_mem>>)
      %dma_wait3A = arith.constant 0 : i32
      %dma_wait3A_87 = arith.constant 0 : i32
      %dma_wait3A_88 = tpu.memref_slice %arg12[%dma_wait3A, %dma_wait3A_87] : memref<128x128xf32, #tpu.memory_space<vmem>> -> memref<64x128xf32, #tpu.memory_space<vmem>>
      %dma_wait3A_89 = arith.constant 0 : i32
      %dma_wait3A_90 = tpu.memref_slice %arg17[%add3A_6, %dma_wait3A_89] : memref<5008x128xf32, #tpu.memory_space<vmem_shared>> -> memref<64x128xf32, #tpu.memory_space<vmem_shared>>
      %dma_wait3A_91 = arith.constant 0 : i32
      %dma_wait3A_92 = tpu.memref_slice %arg17[%add3A_6, %dma_wait3A_91] : memref<5008x128xf32, #tpu.memory_space<vmem_shared>> -> memref<64x128xf32, #tpu.memory_space<vmem_shared>>
      %dma_wait3A_93 = arith.constant 0 : i32
      %dma_wait3A_94 = arith.constant 0 : i32
      %dma_wait3A_95 = tpu.memref_slice %arg12[%dma_wait3A_93, %dma_wait3A_94] : memref<128x128xf32, #tpu.memory_space<vmem>> -> memref<64x128xf32, #tpu.memory_space<vmem>>
      tpu.wait_dma2 semaphore(%run_scoped3A : memref<!tpu.dma_semaphore, #tpu.memory_space<semaphore_mem>>) src(%dma_wait3A_95 : memref<64x128xf32, #tpu.memory_space<vmem>>) dst(%dma_wait3A_92 : memref<64x128xf32, #tpu.memory_space<vmem_shared>>)
      tpu.yield
    }) : () -> ()
    %add3A_7 = arith.constant 64 : i32
    %add3A_8 = arith.addi %mul3A_2, %add3A_7 : i32
    "tpu.region"() ({
      %run_scoped3A = tpu.sem_alloc : memref<!tpu.dma_semaphore, #tpu.memory_space<semaphore_mem>>
      %dma_start3A = arith.constant 0 : i32
      %dma_start3A_78 = arith.constant 0 : i32
      %dma_start3A_79 = tpu.memref_slice %arg12[%dma_start3A, %dma_start3A_78] : memref<128x128xf32, #tpu.memory_space<vmem>> -> memref<64x128xf32, #tpu.memory_space<vmem>>
      %dma_start3A_80 = arith.constant 0 : i32
      %dma_start3A_81 = tpu.memref_slice %arg16[%add3A_8, %dma_start3A_80] : memref<5008x128xf32, #tpu.memory_space<vmem_shared>> -> memref<64x128xf32, #tpu.memory_space<vmem_shared>>
      %dma_start3A_82 = arith.constant 0 : i32
      %dma_start3A_83 = tpu.memref_slice %arg16[%add3A_8, %dma_start3A_82] : memref<5008x128xf32, #tpu.memory_space<vmem_shared>> -> memref<64x128xf32, #tpu.memory_space<vmem_shared>>
      %dma_start3A_84 = arith.constant 0 : i32
      %dma_start3A_85 = arith.constant 0 : i32
      %dma_start3A_86 = tpu.memref_slice %arg12[%dma_start3A_84, %dma_start3A_85] : memref<128x128xf32, #tpu.memory_space<vmem>> -> memref<64x128xf32, #tpu.memory_space<vmem>>
      tpu.enqueue_dma source(%dma_start3A_86 : memref<64x128xf32, #tpu.memory_space<vmem>>) target(%dma_start3A_83 : memref<64x128xf32, #tpu.memory_space<vmem_shared>>) target_semaphore(%run_scoped3A : memref<!tpu.dma_semaphore, #tpu.memory_space<semaphore_mem>>)
      %dma_wait3A = arith.constant 0 : i32
      %dma_wait3A_87 = arith.constant 0 : i32
      %dma_wait3A_88 = tpu.memref_slice %arg12[%dma_wait3A, %dma_wait3A_87] : memref<128x128xf32, #tpu.memory_space<vmem>> -> memref<64x128xf32, #tpu.memory_space<vmem>>
      %dma_wait3A_89 = arith.constant 0 : i32
      %dma_wait3A_90 = tpu.memref_slice %arg16[%add3A_8, %dma_wait3A_89] : memref<5008x128xf32, #tpu.memory_space<vmem_shared>> -> memref<64x128xf32, #tpu.memory_space<vmem_shared>>
      %dma_wait3A_91 = arith.constant 0 : i32
      %dma_wait3A_92 = tpu.memref_slice %arg16[%add3A_8, %dma_wait3A_91] : memref<5008x128xf32, #tpu.memory_space<vmem_shared>> -> memref<64x128xf32, #tpu.memory_space<vmem_shared>>
      %dma_wait3A_93 = arith.constant 0 : i32
      %dma_wait3A_94 = arith.constant 0 : i32
      %dma_wait3A_95 = tpu.memref_slice %arg12[%dma_wait3A_93, %dma_wait3A_94] : memref<128x128xf32, #tpu.memory_space<vmem>> -> memref<64x128xf32, #tpu.memory_space<vmem>>
      tpu.wait_dma2 semaphore(%run_scoped3A : memref<!tpu.dma_semaphore, #tpu.memory_space<semaphore_mem>>) src(%dma_wait3A_95 : memref<64x128xf32, #tpu.memory_space<vmem>>) dst(%dma_wait3A_92 : memref<64x128xf32, #tpu.memory_space<vmem_shared>>)
      tpu.yield
    }) : () -> ()
    %add3A_9 = arith.constant 64 : i32
    %add3A_10 = arith.addi %mul3A_2, %add3A_9 : i32
    "tpu.region"() ({
      %run_scoped3A = tpu.sem_alloc : memref<!tpu.dma_semaphore, #tpu.memory_space<semaphore_mem>>
      %dma_start3A = arith.constant 0 : i32
      %dma_start3A_78 = arith.constant 0 : i32
      %dma_start3A_79 = tpu.memref_slice %arg12[%dma_start3A, %dma_start3A_78] : memref<128x128xf32, #tpu.memory_space<vmem>> -> memref<64x128xf32, #tpu.memory_space<vmem>>
      %dma_start3A_80 = arith.constant 0 : i32
      %dma_start3A_81 = tpu.memref_slice %arg17[%add3A_10, %dma_start3A_80] : memref<5008x128xf32, #tpu.memory_space<vmem_shared>> -> memref<64x128xf32, #tpu.memory_space<vmem_shared>>
      %dma_start3A_82 = arith.constant 0 : i32
      %dma_start3A_83 = tpu.memref_slice %arg17[%add3A_10, %dma_start3A_82] : memref<5008x128xf32, #tpu.memory_space<vmem_shared>> -> memref<64x128xf32, #tpu.memory_space<vmem_shared>>
      %dma_start3A_84 = arith.constant 0 : i32
      %dma_start3A_85 = arith.constant 0 : i32
      %dma_start3A_86 = tpu.memref_slice %arg12[%dma_start3A_84, %dma_start3A_85] : memref<128x128xf32, #tpu.memory_space<vmem>> -> memref<64x128xf32, #tpu.memory_space<vmem>>
      tpu.enqueue_dma source(%dma_start3A_86 : memref<64x128xf32, #tpu.memory_space<vmem>>) target(%dma_start3A_83 : memref<64x128xf32, #tpu.memory_space<vmem_shared>>) target_semaphore(%run_scoped3A : memref<!tpu.dma_semaphore, #tpu.memory_space<semaphore_mem>>)
      %dma_wait3A = arith.constant 0 : i32
      %dma_wait3A_87 = arith.constant 0 : i32
      %dma_wait3A_88 = tpu.memref_slice %arg12[%dma_wait3A, %dma_wait3A_87] : memref<128x128xf32, #tpu.memory_space<vmem>> -> memref<64x128xf32, #tpu.memory_space<vmem>>
      %dma_wait3A_89 = arith.constant 0 : i32
      %dma_wait3A_90 = tpu.memref_slice %arg17[%add3A_10, %dma_wait3A_89] : memref<5008x128xf32, #tpu.memory_space<vmem_shared>> -> memref<64x128xf32, #tpu.memory_space<vmem_shared>>
      %dma_wait3A_91 = arith.constant 0 : i32
      %dma_wait3A_92 = tpu.memref_slice %arg17[%add3A_10, %dma_wait3A_91] : memref<5008x128xf32, #tpu.memory_space<vmem_shared>> -> memref<64x128xf32, #tpu.memory_space<vmem_shared>>
      %dma_wait3A_93 = arith.constant 0 : i32
      %dma_wait3A_94 = arith.constant 0 : i32
      %dma_wait3A_95 = tpu.memref_slice %arg12[%dma_wait3A_93, %dma_wait3A_94] : memref<128x128xf32, #tpu.memory_space<vmem>> -> memref<64x128xf32, #tpu.memory_space<vmem>>
      tpu.wait_dma2 semaphore(%run_scoped3A : memref<!tpu.dma_semaphore, #tpu.memory_space<semaphore_mem>>) src(%dma_wait3A_95 : memref<64x128xf32, #tpu.memory_space<vmem>>) dst(%dma_wait3A_92 : memref<64x128xf32, #tpu.memory_space<vmem_shared>>)
      tpu.yield
    }) : () -> ()
    %add3A_11 = arith.constant 128 : i32
    %add3A_12 = arith.addi %mul3A_2, %add3A_11 : i32
    "tpu.region"() ({
      %run_scoped3A = tpu.sem_alloc : memref<!tpu.dma_semaphore, #tpu.memory_space<semaphore_mem>>
      %dma_start3A = arith.constant 0 : i32
      %dma_start3A_78 = arith.constant 0 : i32
      %dma_start3A_79 = tpu.memref_slice %arg12[%dma_start3A, %dma_start3A_78] : memref<128x128xf32, #tpu.memory_space<vmem>> -> memref<64x128xf32, #tpu.memory_space<vmem>>
      %dma_start3A_80 = arith.constant 0 : i32
      %dma_start3A_81 = tpu.memref_slice %arg16[%add3A_12, %dma_start3A_80] : memref<5008x128xf32, #tpu.memory_space<vmem_shared>> -> memref<64x128xf32, #tpu.memory_space<vmem_shared>>
      %dma_start3A_82 = arith.constant 0 : i32
      %dma_start3A_83 = tpu.memref_slice %arg16[%add3A_12, %dma_start3A_82] : memref<5008x128xf32, #tpu.memory_space<vmem_shared>> -> memref<64x128xf32, #tpu.memory_space<vmem_shared>>
      %dma_start3A_84 = arith.constant 0 : i32
      %dma_start3A_85 = arith.constant 0 : i32
      %dma_start3A_86 = tpu.memref_slice %arg12[%dma_start3A_84, %dma_start3A_85] : memref<128x128xf32, #tpu.memory_space<vmem>> -> memref<64x128xf32, #tpu.memory_space<vmem>>
      tpu.enqueue_dma source(%dma_start3A_86 : memref<64x128xf32, #tpu.memory_space<vmem>>) target(%dma_start3A_83 : memref<64x128xf32, #tpu.memory_space<vmem_shared>>) target_semaphore(%run_scoped3A : memref<!tpu.dma_semaphore, #tpu.memory_space<semaphore_mem>>)
      %dma_wait3A = arith.constant 0 : i32
      %dma_wait3A_87 = arith.constant 0 : i32
      %dma_wait3A_88 = tpu.memref_slice %arg12[%dma_wait3A, %dma_wait3A_87] : memref<128x128xf32, #tpu.memory_space<vmem>> -> memref<64x128xf32, #tpu.memory_space<vmem>>
      %dma_wait3A_89 = arith.constant 0 : i32
      %dma_wait3A_90 = tpu.memref_slice %arg16[%add3A_12, %dma_wait3A_89] : memref<5008x128xf32, #tpu.memory_space<vmem_shared>> -> memref<64x128xf32, #tpu.memory_space<vmem_shared>>
      %dma_wait3A_91 = arith.constant 0 : i32
      %dma_wait3A_92 = tpu.memref_slice %arg16[%add3A_12, %dma_wait3A_91] : memref<5008x128xf32, #tpu.memory_space<vmem_shared>> -> memref<64x128xf32, #tpu.memory_space<vmem_shared>>
      %dma_wait3A_93 = arith.constant 0 : i32
      %dma_wait3A_94 = arith.constant 0 : i32
      %dma_wait3A_95 = tpu.memref_slice %arg12[%dma_wait3A_93, %dma_wait3A_94] : memref<128x128xf32, #tpu.memory_space<vmem>> -> memref<64x128xf32, #tpu.memory_space<vmem>>
      tpu.wait_dma2 semaphore(%run_scoped3A : memref<!tpu.dma_semaphore, #tpu.memory_space<semaphore_mem>>) src(%dma_wait3A_95 : memref<64x128xf32, #tpu.memory_space<vmem>>) dst(%dma_wait3A_92 : memref<64x128xf32, #tpu.memory_space<vmem_shared>>)
      tpu.yield
    }) : () -> ()
    %add3A_13 = arith.constant 128 : i32
    %add3A_14 = arith.addi %mul3A_2, %add3A_13 : i32
    "tpu.region"() ({
      %run_scoped3A = tpu.sem_alloc : memref<!tpu.dma_semaphore, #tpu.memory_space<semaphore_mem>>
      %dma_start3A = arith.constant 0 : i32
      %dma_start3A_78 = arith.constant 0 : i32
      %dma_start3A_79 = tpu.memref_slice %arg12[%dma_start3A, %dma_start3A_78] : memref<128x128xf32, #tpu.memory_space<vmem>> -> memref<64x128xf32, #tpu.memory_space<vmem>>
      %dma_start3A_80 = arith.constant 0 : i32
      %dma_start3A_81 = tpu.memref_slice %arg17[%add3A_14, %dma_start3A_80] : memref<5008x128xf32, #tpu.memory_space<vmem_shared>> -> memref<64x128xf32, #tpu.memory_space<vmem_shared>>
      %dma_start3A_82 = arith.constant 0 : i32
      %dma_start3A_83 = tpu.memref_slice %arg17[%add3A_14, %dma_start3A_82] : memref<5008x128xf32, #tpu.memory_space<vmem_shared>> -> memref<64x128xf32, #tpu.memory_space<vmem_shared>>
      %dma_start3A_84 = arith.constant 0 : i32
      %dma_start3A_85 = arith.constant 0 : i32
      %dma_start3A_86 = tpu.memref_slice %arg12[%dma_start3A_84, %dma_start3A_85] : memref<128x128xf32, #tpu.memory_space<vmem>> -> memref<64x128xf32, #tpu.memory_space<vmem>>
      tpu.enqueue_dma source(%dma_start3A_86 : memref<64x128xf32, #tpu.memory_space<vmem>>) target(%dma_start3A_83 : memref<64x128xf32, #tpu.memory_space<vmem_shared>>) target_semaphore(%run_scoped3A : memref<!tpu.dma_semaphore, #tpu.memory_space<semaphore_mem>>)
      %dma_wait3A = arith.constant 0 : i32
      %dma_wait3A_87 = arith.constant 0 : i32
      %dma_wait3A_88 = tpu.memref_slice %arg12[%dma_wait3A, %dma_wait3A_87] : memref<128x128xf32, #tpu.memory_space<vmem>> -> memref<64x128xf32, #tpu.memory_space<vmem>>
      %dma_wait3A_89 = arith.constant 0 : i32
      %dma_wait3A_90 = tpu.memref_slice %arg17[%add3A_14, %dma_wait3A_89] : memref<5008x128xf32, #tpu.memory_space<vmem_shared>> -> memref<64x128xf32, #tpu.memory_space<vmem_shared>>
      %dma_wait3A_91 = arith.constant 0 : i32
      %dma_wait3A_92 = tpu.memref_slice %arg17[%add3A_14, %dma_wait3A_91] : memref<5008x128xf32, #tpu.memory_space<vmem_shared>> -> memref<64x128xf32, #tpu.memory_space<vmem_shared>>
      %dma_wait3A_93 = arith.constant 0 : i32
      %dma_wait3A_94 = arith.constant 0 : i32
      %dma_wait3A_95 = tpu.memref_slice %arg12[%dma_wait3A_93, %dma_wait3A_94] : memref<128x128xf32, #tpu.memory_space<vmem>> -> memref<64x128xf32, #tpu.memory_space<vmem>>
      tpu.wait_dma2 semaphore(%run_scoped3A : memref<!tpu.dma_semaphore, #tpu.memory_space<semaphore_mem>>) src(%dma_wait3A_95 : memref<64x128xf32, #tpu.memory_space<vmem>>) dst(%dma_wait3A_92 : memref<64x128xf32, #tpu.memory_space<vmem_shared>>)
      tpu.yield
    }) : () -> ()
    %add3A_15 = arith.constant 192 : i32
    %add3A_16 = arith.addi %mul3A_2, %add3A_15 : i32
    "tpu.region"() ({
      %run_scoped3A = tpu.sem_alloc : memref<!tpu.dma_semaphore, #tpu.memory_space<semaphore_mem>>
      %dma_start3A = arith.constant 0 : i32
      %dma_start3A_78 = arith.constant 0 : i32
      %dma_start3A_79 = tpu.memref_slice %arg12[%dma_start3A, %dma_start3A_78] : memref<128x128xf32, #tpu.memory_space<vmem>> -> memref<64x128xf32, #tpu.memory_space<vmem>>
      %dma_start3A_80 = arith.constant 0 : i32
      %dma_start3A_81 = tpu.memref_slice %arg16[%add3A_16, %dma_start3A_80] : memref<5008x128xf32, #tpu.memory_space<vmem_shared>> -> memref<64x128xf32, #tpu.memory_space<vmem_shared>>
      %dma_start3A_82 = arith.constant 0 : i32
      %dma_start3A_83 = tpu.memref_slice %arg16[%add3A_16, %dma_start3A_82] : memref<5008x128xf32, #tpu.memory_space<vmem_shared>> -> memref<64x128xf32, #tpu.memory_space<vmem_shared>>
      %dma_start3A_84 = arith.constant 0 : i32
      %dma_start3A_85 = arith.constant 0 : i32
      %dma_start3A_86 = tpu.memref_slice %arg12[%dma_start3A_84, %dma_start3A_85] : memref<128x128xf32, #tpu.memory_space<vmem>> -> memref<64x128xf32, #tpu.memory_space<vmem>>
      tpu.enqueue_dma source(%dma_start3A_86 : memref<64x128xf32, #tpu.memory_space<vmem>>) target(%dma_start3A_83 : memref<64x128xf32, #tpu.memory_space<vmem_shared>>) target_semaphore(%run_scoped3A : memref<!tpu.dma_semaphore, #tpu.memory_space<semaphore_mem>>)
      %dma_wait3A = arith.constant 0 : i32
      %dma_wait3A_87 = arith.constant 0 : i32
      %dma_wait3A_88 = tpu.memref_slice %arg12[%dma_wait3A, %dma_wait3A_87] : memref<128x128xf32, #tpu.memory_space<vmem>> -> memref<64x128xf32, #tpu.memory_space<vmem>>
      %dma_wait3A_89 = arith.constant 0 : i32
      %dma_wait3A_90 = tpu.memref_slice %arg16[%add3A_16, %dma_wait3A_89] : memref<5008x128xf32, #tpu.memory_space<vmem_shared>> -> memref<64x128xf32, #tpu.memory_space<vmem_shared>>
      %dma_wait3A_91 = arith.constant 0 : i32
      %dma_wait3A_92 = tpu.memref_slice %arg16[%add3A_16, %dma_wait3A_91] : memref<5008x128xf32, #tpu.memory_space<vmem_shared>> -> memref<64x128xf32, #tpu.memory_space<vmem_shared>>
      %dma_wait3A_93 = arith.constant 0 : i32
      %dma_wait3A_94 = arith.constant 0 : i32
      %dma_wait3A_95 = tpu.memref_slice %arg12[%dma_wait3A_93, %dma_wait3A_94] : memref<128x128xf32, #tpu.memory_space<vmem>> -> memref<64x128xf32, #tpu.memory_space<vmem>>
      tpu.wait_dma2 semaphore(%run_scoped3A : memref<!tpu.dma_semaphore, #tpu.memory_space<semaphore_mem>>) src(%dma_wait3A_95 : memref<64x128xf32, #tpu.memory_space<vmem>>) dst(%dma_wait3A_92 : memref<64x128xf32, #tpu.memory_space<vmem_shared>>)
      tpu.yield
    }) : () -> ()
    %add3A_17 = arith.constant 192 : i32
    %add3A_18 = arith.addi %mul3A_2, %add3A_17 : i32
    "tpu.region"() ({
      %run_scoped3A = tpu.sem_alloc : memref<!tpu.dma_semaphore, #tpu.memory_space<semaphore_mem>>
      %dma_start3A = arith.constant 0 : i32
      %dma_start3A_78 = arith.constant 0 : i32
      %dma_start3A_79 = tpu.memref_slice %arg12[%dma_start3A, %dma_start3A_78] : memref<128x128xf32, #tpu.memory_space<vmem>> -> memref<64x128xf32, #tpu.memory_space<vmem>>
      %dma_start3A_80 = arith.constant 0 : i32
      %dma_start3A_81 = tpu.memref_slice %arg17[%add3A_18, %dma_start3A_80] : memref<5008x128xf32, #tpu.memory_space<vmem_shared>> -> memref<64x128xf32, #tpu.memory_space<vmem_shared>>
      %dma_start3A_82 = arith.constant 0 : i32
      %dma_start3A_83 = tpu.memref_slice %arg17[%add3A_18, %dma_start3A_82] : memref<5008x128xf32, #tpu.memory_space<vmem_shared>> -> memref<64x128xf32, #tpu.memory_space<vmem_shared>>
      %dma_start3A_84 = arith.constant 0 : i32
      %dma_start3A_85 = arith.constant 0 : i32
      %dma_start3A_86 = tpu.memref_slice %arg12[%dma_start3A_84, %dma_start3A_85] : memref<128x128xf32, #tpu.memory_space<vmem>> -> memref<64x128xf32, #tpu.memory_space<vmem>>
      tpu.enqueue_dma source(%dma_start3A_86 : memref<64x128xf32, #tpu.memory_space<vmem>>) target(%dma_start3A_83 : memref<64x128xf32, #tpu.memory_space<vmem_shared>>) target_semaphore(%run_scoped3A : memref<!tpu.dma_semaphore, #tpu.memory_space<semaphore_mem>>)
      %dma_wait3A = arith.constant 0 : i32
      %dma_wait3A_87 = arith.constant 0 : i32
      %dma_wait3A_88 = tpu.memref_slice %arg12[%dma_wait3A, %dma_wait3A_87] : memref<128x128xf32, #tpu.memory_space<vmem>> -> memref<64x128xf32, #tpu.memory_space<vmem>>
      %dma_wait3A_89 = arith.constant 0 : i32
      %dma_wait3A_90 = tpu.memref_slice %arg17[%add3A_18, %dma_wait3A_89] : memref<5008x128xf32, #tpu.memory_space<vmem_shared>> -> memref<64x128xf32, #tpu.memory_space<vmem_shared>>
      %dma_wait3A_91 = arith.constant 0 : i32
      %dma_wait3A_92 = tpu.memref_slice %arg17[%add3A_18, %dma_wait3A_91] : memref<5008x128xf32, #tpu.memory_space<vmem_shared>> -> memref<64x128xf32, #tpu.memory_space<vmem_shared>>
      %dma_wait3A_93 = arith.constant 0 : i32
      %dma_wait3A_94 = arith.constant 0 : i32
      %dma_wait3A_95 = tpu.memref_slice %arg12[%dma_wait3A_93, %dma_wait3A_94] : memref<128x128xf32, #tpu.memory_space<vmem>> -> memref<64x128xf32, #tpu.memory_space<vmem>>
      tpu.wait_dma2 semaphore(%run_scoped3A : memref<!tpu.dma_semaphore, #tpu.memory_space<semaphore_mem>>) src(%dma_wait3A_95 : memref<64x128xf32, #tpu.memory_space<vmem>>) dst(%dma_wait3A_92 : memref<64x128xf32, #tpu.memory_space<vmem_shared>>)
      tpu.yield
    }) : () -> ()
    %add3A_19 = arith.constant 256 : i32
    %add3A_20 = arith.addi %mul3A_2, %add3A_19 : i32
    "tpu.region"() ({
      %run_scoped3A = tpu.sem_alloc : memref<!tpu.dma_semaphore, #tpu.memory_space<semaphore_mem>>
      %dma_start3A = arith.constant 0 : i32
      %dma_start3A_78 = arith.constant 0 : i32
      %dma_start3A_79 = tpu.memref_slice %arg12[%dma_start3A, %dma_start3A_78] : memref<128x128xf32, #tpu.memory_space<vmem>> -> memref<56x128xf32, #tpu.memory_space<vmem>>
      %dma_start3A_80 = arith.constant 0 : i32
      %dma_start3A_81 = tpu.memref_slice %arg16[%add3A_20, %dma_start3A_80] : memref<5008x128xf32, #tpu.memory_space<vmem_shared>> -> memref<56x128xf32, #tpu.memory_space<vmem_shared>>
      %dma_start3A_82 = arith.constant 0 : i32
      %dma_start3A_83 = tpu.memref_slice %arg16[%add3A_20, %dma_start3A_82] : memref<5008x128xf32, #tpu.memory_space<vmem_shared>> -> memref<56x128xf32, #tpu.memory_space<vmem_shared>>
      %dma_start3A_84 = arith.constant 0 : i32
      %dma_start3A_85 = arith.constant 0 : i32
      %dma_start3A_86 = tpu.memref_slice %arg12[%dma_start3A_84, %dma_start3A_85] : memref<128x128xf32, #tpu.memory_space<vmem>> -> memref<56x128xf32, #tpu.memory_space<vmem>>
      tpu.enqueue_dma source(%dma_start3A_86 : memref<56x128xf32, #tpu.memory_space<vmem>>) target(%dma_start3A_83 : memref<56x128xf32, #tpu.memory_space<vmem_shared>>) target_semaphore(%run_scoped3A : memref<!tpu.dma_semaphore, #tpu.memory_space<semaphore_mem>>)
      %dma_wait3A = arith.constant 0 : i32
      %dma_wait3A_87 = arith.constant 0 : i32
      %dma_wait3A_88 = tpu.memref_slice %arg12[%dma_wait3A, %dma_wait3A_87] : memref<128x128xf32, #tpu.memory_space<vmem>> -> memref<56x128xf32, #tpu.memory_space<vmem>>
      %dma_wait3A_89 = arith.constant 0 : i32
      %dma_wait3A_90 = tpu.memref_slice %arg16[%add3A_20, %dma_wait3A_89] : memref<5008x128xf32, #tpu.memory_space<vmem_shared>> -> memref<56x128xf32, #tpu.memory_space<vmem_shared>>
      %dma_wait3A_91 = arith.constant 0 : i32
      %dma_wait3A_92 = tpu.memref_slice %arg16[%add3A_20, %dma_wait3A_91] : memref<5008x128xf32, #tpu.memory_space<vmem_shared>> -> memref<56x128xf32, #tpu.memory_space<vmem_shared>>
      %dma_wait3A_93 = arith.constant 0 : i32
      %dma_wait3A_94 = arith.constant 0 : i32
      %dma_wait3A_95 = tpu.memref_slice %arg12[%dma_wait3A_93, %dma_wait3A_94] : memref<128x128xf32, #tpu.memory_space<vmem>> -> memref<56x128xf32, #tpu.memory_space<vmem>>
      tpu.wait_dma2 semaphore(%run_scoped3A : memref<!tpu.dma_semaphore, #tpu.memory_space<semaphore_mem>>) src(%dma_wait3A_95 : memref<56x128xf32, #tpu.memory_space<vmem>>) dst(%dma_wait3A_92 : memref<56x128xf32, #tpu.memory_space<vmem_shared>>)
      tpu.yield
    }) : () -> ()
    %add3A_21 = arith.constant 256 : i32
    %add3A_22 = arith.addi %mul3A_2, %add3A_21 : i32
    "tpu.region"() ({
      %run_scoped3A = tpu.sem_alloc : memref<!tpu.dma_semaphore, #tpu.memory_space<semaphore_mem>>
      %dma_start3A = arith.constant 0 : i32
      %dma_start3A_78 = arith.constant 0 : i32
      %dma_start3A_79 = tpu.memref_slice %arg12[%dma_start3A, %dma_start3A_78] : memref<128x128xf32, #tpu.memory_space<vmem>> -> memref<56x128xf32, #tpu.memory_space<vmem>>
      %dma_start3A_80 = arith.constant 0 : i32
      %dma_start3A_81 = tpu.memref_slice %arg17[%add3A_22, %dma_start3A_80] : memref<5008x128xf32, #tpu.memory_space<vmem_shared>> -> memref<56x128xf32, #tpu.memory_space<vmem_shared>>
      %dma_start3A_82 = arith.constant 0 : i32
      %dma_start3A_83 = tpu.memref_slice %arg17[%add3A_22, %dma_start3A_82] : memref<5008x128xf32, #tpu.memory_space<vmem_shared>> -> memref<56x128xf32, #tpu.memory_space<vmem_shared>>
      %dma_start3A_84 = arith.constant 0 : i32
      %dma_start3A_85 = arith.constant 0 : i32
      %dma_start3A_86 = tpu.memref_slice %arg12[%dma_start3A_84, %dma_start3A_85] : memref<128x128xf32, #tpu.memory_space<vmem>> -> memref<56x128xf32, #tpu.memory_space<vmem>>
      tpu.enqueue_dma source(%dma_start3A_86 : memref<56x128xf32, #tpu.memory_space<vmem>>) target(%dma_start3A_83 : memref<56x128xf32, #tpu.memory_space<vmem_shared>>) target_semaphore(%run_scoped3A : memref<!tpu.dma_semaphore, #tpu.memory_space<semaphore_mem>>)
      %dma_wait3A = arith.constant 0 : i32
      %dma_wait3A_87 = arith.constant 0 : i32
      %dma_wait3A_88 = tpu.memref_slice %arg12[%dma_wait3A, %dma_wait3A_87] : memref<128x128xf32, #tpu.memory_space<vmem>> -> memref<56x128xf32, #tpu.memory_space<vmem>>
      %dma_wait3A_89 = arith.constant 0 : i32
      %dma_wait3A_90 = tpu.memref_slice %arg17[%add3A_22, %dma_wait3A_89] : memref<5008x128xf32, #tpu.memory_space<vmem_shared>> -> memref<56x128xf32, #tpu.memory_space<vmem_shared>>
      %dma_wait3A_91 = arith.constant 0 : i32
      %dma_wait3A_92 = tpu.memref_slice %arg17[%add3A_22, %dma_wait3A_91] : memref<5008x128xf32, #tpu.memory_space<vmem_shared>> -> memref<56x128xf32, #tpu.memory_space<vmem_shared>>
      %dma_wait3A_93 = arith.constant 0 : i32
      %dma_wait3A_94 = arith.constant 0 : i32
      %dma_wait3A_95 = tpu.memref_slice %arg12[%dma_wait3A_93, %dma_wait3A_94] : memref<128x128xf32, #tpu.memory_space<vmem>> -> memref<56x128xf32, #tpu.memory_space<vmem>>
      tpu.wait_dma2 semaphore(%run_scoped3A : memref<!tpu.dma_semaphore, #tpu.memory_space<semaphore_mem>>) src(%dma_wait3A_95 : memref<56x128xf32, #tpu.memory_space<vmem>>) dst(%dma_wait3A_92 : memref<56x128xf32, #tpu.memory_space<vmem_shared>>)
      tpu.yield
    }) : () -> ()
    %eq3A = arith.constant 15 : i32
    %eq3A_23 = arith.cmpi eq, %arg1, %eq3A : i32
    %convert_element_type3A = arith.extui %eq3A_23 : i1 to i32
    %cond3A = arith.constant 0 : i32
    %cond3A_24 = arith.cmpi ne, %convert_element_type3A, %cond3A : i32
    scf.if %cond3A_24 {
      "tpu.region"() ({
        %run_scoped3A = tpu.sem_alloc : memref<!tpu.dma_semaphore, #tpu.memory_space<semaphore_mem>>
        %dma_start3A = arith.constant 0 : i32
        %dma_start3A_78 = arith.constant 0 : i32
        %dma_start3A_79 = tpu.memref_slice %arg12[%dma_start3A, %dma_start3A_78] : memref<128x128xf32, #tpu.memory_space<vmem>> -> memref<16x128xf32, #tpu.memory_space<vmem>>
        %dma_start3A_80 = arith.constant 4992 : i32
        %dma_start3A_81 = arith.constant 0 : i32
        %dma_start3A_82 = tpu.memref_slice %arg16[%dma_start3A_80, %dma_start3A_81] : memref<5008x128xf32, #tpu.memory_space<vmem_shared>> -> memref<16x128xf32, #tpu.memory_space<vmem_shared>>
        %dma_start3A_83 = arith.constant 4992 : i32
        %dma_start3A_84 = arith.constant 0 : i32
        %dma_start3A_85 = tpu.memref_slice %arg16[%dma_start3A_83, %dma_start3A_84] : memref<5008x128xf32, #tpu.memory_space<vmem_shared>> -> memref<16x128xf32, #tpu.memory_space<vmem_shared>>
        %dma_start3A_86 = arith.constant 0 : i32
        %dma_start3A_87 = arith.constant 0 : i32
        %dma_start3A_88 = tpu.memref_slice %arg12[%dma_start3A_86, %dma_start3A_87] : memref<128x128xf32, #tpu.memory_space<vmem>> -> memref<16x128xf32, #tpu.memory_space<vmem>>
        tpu.enqueue_dma source(%dma_start3A_88 : memref<16x128xf32, #tpu.memory_space<vmem>>) target(%dma_start3A_85 : memref<16x128xf32, #tpu.memory_space<vmem_shared>>) target_semaphore(%run_scoped3A : memref<!tpu.dma_semaphore, #tpu.memory_space<semaphore_mem>>)
        %dma_wait3A = arith.constant 0 : i32
        %dma_wait3A_89 = arith.constant 0 : i32
        %dma_wait3A_90 = tpu.memref_slice %arg12[%dma_wait3A, %dma_wait3A_89] : memref<128x128xf32, #tpu.memory_space<vmem>> -> memref<16x128xf32, #tpu.memory_space<vmem>>
        %dma_wait3A_91 = arith.constant 4992 : i32
        %dma_wait3A_92 = arith.constant 0 : i32
        %dma_wait3A_93 = tpu.memref_slice %arg16[%dma_wait3A_91, %dma_wait3A_92] : memref<5008x128xf32, #tpu.memory_space<vmem_shared>> -> memref<16x128xf32, #tpu.memory_space<vmem_shared>>
        %dma_wait3A_94 = arith.constant 4992 : i32
        %dma_wait3A_95 = arith.constant 0 : i32
        %dma_wait3A_96 = tpu.memref_slice %arg16[%dma_wait3A_94, %dma_wait3A_95] : memref<5008x128xf32, #tpu.memory_space<vmem_shared>> -> memref<16x128xf32, #tpu.memory_space<vmem_shared>>
        %dma_wait3A_97 = arith.constant 0 : i32
        %dma_wait3A_98 = arith.constant 0 : i32
        %dma_wait3A_99 = tpu.memref_slice %arg12[%dma_wait3A_97, %dma_wait3A_98] : memref<128x128xf32, #tpu.memory_space<vmem>> -> memref<16x128xf32, #tpu.memory_space<vmem>>
        tpu.wait_dma2 semaphore(%run_scoped3A : memref<!tpu.dma_semaphore, #tpu.memory_space<semaphore_mem>>) src(%dma_wait3A_99 : memref<16x128xf32, #tpu.memory_space<vmem>>) dst(%dma_wait3A_96 : memref<16x128xf32, #tpu.memory_space<vmem_shared>>)
        tpu.yield
      }) : () -> ()
      "tpu.region"() ({
        %run_scoped3A = tpu.sem_alloc : memref<!tpu.dma_semaphore, #tpu.memory_space<semaphore_mem>>
        %dma_start3A = arith.constant 0 : i32
        %dma_start3A_78 = arith.constant 0 : i32
        %dma_start3A_79 = tpu.memref_slice %arg12[%dma_start3A, %dma_start3A_78] : memref<128x128xf32, #tpu.memory_space<vmem>> -> memref<16x128xf32, #tpu.memory_space<vmem>>
        %dma_start3A_80 = arith.constant 4992 : i32
        %dma_start3A_81 = arith.constant 0 : i32
        %dma_start3A_82 = tpu.memref_slice %arg17[%dma_start3A_80, %dma_start3A_81] : memref<5008x128xf32, #tpu.memory_space<vmem_shared>> -> memref<16x128xf32, #tpu.memory_space<vmem_shared>>
        %dma_start3A_83 = arith.constant 4992 : i32
        %dma_start3A_84 = arith.constant 0 : i32
        %dma_start3A_85 = tpu.memref_slice %arg17[%dma_start3A_83, %dma_start3A_84] : memref<5008x128xf32, #tpu.memory_space<vmem_shared>> -> memref<16x128xf32, #tpu.memory_space<vmem_shared>>
        %dma_start3A_86 = arith.constant 0 : i32
        %dma_start3A_87 = arith.constant 0 : i32
        %dma_start3A_88 = tpu.memref_slice %arg12[%dma_start3A_86, %dma_start3A_87] : memref<128x128xf32, #tpu.memory_space<vmem>> -> memref<16x128xf32, #tpu.memory_space<vmem>>
        tpu.enqueue_dma source(%dma_start3A_88 : memref<16x128xf32, #tpu.memory_space<vmem>>) target(%dma_start3A_85 : memref<16x128xf32, #tpu.memory_space<vmem_shared>>) target_semaphore(%run_scoped3A : memref<!tpu.dma_semaphore, #tpu.memory_space<semaphore_mem>>)
        %dma_wait3A = arith.constant 0 : i32
        %dma_wait3A_89 = arith.constant 0 : i32
        %dma_wait3A_90 = tpu.memref_slice %arg12[%dma_wait3A, %dma_wait3A_89] : memref<128x128xf32, #tpu.memory_space<vmem>> -> memref<16x128xf32, #tpu.memory_space<vmem>>
        %dma_wait3A_91 = arith.constant 4992 : i32
        %dma_wait3A_92 = arith.constant 0 : i32
        %dma_wait3A_93 = tpu.memref_slice %arg17[%dma_wait3A_91, %dma_wait3A_92] : memref<5008x128xf32, #tpu.memory_space<vmem_shared>> -> memref<16x128xf32, #tpu.memory_space<vmem_shared>>
        %dma_wait3A_94 = arith.constant 4992 : i32
        %dma_wait3A_95 = arith.constant 0 : i32
        %dma_wait3A_96 = tpu.memref_slice %arg17[%dma_wait3A_94, %dma_wait3A_95] : memref<5008x128xf32, #tpu.memory_space<vmem_shared>> -> memref<16x128xf32, #tpu.memory_space<vmem_shared>>
        %dma_wait3A_97 = arith.constant 0 : i32
        %dma_wait3A_98 = arith.constant 0 : i32
        %dma_wait3A_99 = tpu.memref_slice %arg12[%dma_wait3A_97, %dma_wait3A_98] : memref<128x128xf32, #tpu.memory_space<vmem>> -> memref<16x128xf32, #tpu.memory_space<vmem>>
        tpu.wait_dma2 semaphore(%run_scoped3A : memref<!tpu.dma_semaphore, #tpu.memory_space<semaphore_mem>>) src(%dma_wait3A_99 : memref<16x128xf32, #tpu.memory_space<vmem>>) dst(%dma_wait3A_96 : memref<16x128xf32, #tpu.memory_space<vmem_shared>>)
        tpu.yield
      }) : () -> ()
    } else {
    }
    %barrier3A = arith.constant 0 : index
    tpu.barrier barrier_id(%barrier3A)
    %scan3A = arith.constant 0 : i32
    %scan3A_25 = arith.constant 20 : i32
    %scan3A_26 = arith.addi %scan3A, %scan3A_25 : i32
    %scan3A_27 = arith.constant 1 : i32
    scf.for %scan3A_78 = %scan3A to %scan3A_26 step %scan3A_27  : i32 {
      %mul3A_79 = arith.constant 1 : i32
      %mul3A_80 = arith.muli %scan3A_78, %mul3A_79 : i32
      %add3A_81 = arith.constant 0 : i32
      %add3A_82 = arith.addi %add3A_81, %mul3A_80 : i32
      %mul3A_83 = arith.constant 20 : i32
      %mul3A_84 = arith.muli %add3A, %mul3A_83 : i32
      %add3A_85 = arith.addi %mul3A_84, %add3A_82 : i32
      %mul3A_86 = arith.constant 4 : i32
      %mul3A_87 = arith.muli %add3A_85, %mul3A_86 : i32
      "tpu.region"() ({
        %run_scoped3A = tpu.sem_alloc : memref<!tpu.dma_semaphore, #tpu.memory_space<semaphore_mem>>
        %dma_start3A_142 = arith.constant 0 : i32
        %dma_start3A_143 = tpu.memref_slice %arg3[%mul3A_87, %dma_start3A_142] : memref<2560x128xi32, #tpu.memory_space<hbm>> -> memref<4x128xi32, #tpu.memory_space<hbm>>
        %dma_start3A_144 = arith.constant 0 : i32
        %dma_start3A_145 = tpu.memref_slice %arg3[%mul3A_87, %dma_start3A_144] : memref<2560x128xi32, #tpu.memory_space<hbm>> -> memref<4x128xi32, #tpu.memory_space<hbm>>
        tpu.enqueue_dma source(%dma_start3A_145 : memref<4x128xi32, #tpu.memory_space<hbm>>) target(%arg9 : memref<4x128xi32, #tpu.memory_space<vmem>>) target_semaphore(%run_scoped3A : memref<!tpu.dma_semaphore, #tpu.memory_space<semaphore_mem>>)
        %dma_wait3A_146 = arith.constant 0 : i32
        %dma_wait3A_147 = tpu.memref_slice %arg3[%mul3A_87, %dma_wait3A_146] : memref<2560x128xi32, #tpu.memory_space<hbm>> -> memref<4x128xi32, #tpu.memory_space<hbm>>
        %dma_wait3A_148 = arith.constant 0 : i32
        %dma_wait3A_149 = tpu.memref_slice %arg3[%mul3A_87, %dma_wait3A_148] : memref<2560x128xi32, #tpu.memory_space<hbm>> -> memref<4x128xi32, #tpu.memory_space<hbm>>
        tpu.wait_dma2 semaphore(%run_scoped3A : memref<!tpu.dma_semaphore, #tpu.memory_space<semaphore_mem>>) src(%dma_wait3A_149 : memref<4x128xi32, #tpu.memory_space<hbm>>) dst(%arg9 : memref<4x128xi32, #tpu.memory_space<vmem>>)
        tpu.yield
      }) : () -> ()
      "tpu.region"() ({
        %run_scoped3A = tpu.sem_alloc : memref<!tpu.dma_semaphore, #tpu.memory_space<semaphore_mem>>
        %dma_start3A_142 = arith.constant 0 : i32
        %dma_start3A_143 = tpu.memref_slice %arg4[%mul3A_87, %dma_start3A_142] : memref<2560x128xi32, #tpu.memory_space<hbm>> -> memref<4x128xi32, #tpu.memory_space<hbm>>
        %dma_start3A_144 = arith.constant 0 : i32
        %dma_start3A_145 = tpu.memref_slice %arg4[%mul3A_87, %dma_start3A_144] : memref<2560x128xi32, #tpu.memory_space<hbm>> -> memref<4x128xi32, #tpu.memory_space<hbm>>
        tpu.enqueue_dma source(%dma_start3A_145 : memref<4x128xi32, #tpu.memory_space<hbm>>) target(%arg10 : memref<4x128xi32, #tpu.memory_space<vmem>>) target_semaphore(%run_scoped3A : memref<!tpu.dma_semaphore, #tpu.memory_space<semaphore_mem>>)
        %dma_wait3A_146 = arith.constant 0 : i32
        %dma_wait3A_147 = tpu.memref_slice %arg4[%mul3A_87, %dma_wait3A_146] : memref<2560x128xi32, #tpu.memory_space<hbm>> -> memref<4x128xi32, #tpu.memory_space<hbm>>
        %dma_wait3A_148 = arith.constant 0 : i32
        %dma_wait3A_149 = tpu.memref_slice %arg4[%mul3A_87, %dma_wait3A_148] : memref<2560x128xi32, #tpu.memory_space<hbm>> -> memref<4x128xi32, #tpu.memory_space<hbm>>
        tpu.wait_dma2 semaphore(%run_scoped3A : memref<!tpu.dma_semaphore, #tpu.memory_space<semaphore_mem>>) src(%dma_wait3A_149 : memref<4x128xi32, #tpu.memory_space<hbm>>) dst(%arg10 : memref<4x128xi32, #tpu.memory_space<vmem>>)
        tpu.yield
      }) : () -> ()
      %dma_start3A = arith.constant 0 : i32
      %dma_start3A_88 = arith.constant 0 : i32
      %dma_start3A_89 = tpu.memref_slice %arg9[%dma_start3A, %dma_start3A_88] : memref<4x128xi32, #tpu.memory_space<vmem>> -> memref<1x128xi32, #tpu.memory_space<vmem>>
      %dma_start3A_90 = tpu.memref_squeeze %dma_start3A_89 : memref<1x128xi32, #tpu.memory_space<vmem>> -> memref<128xi32, #tpu.memory_space<vmem>>
      %dma_start3A_91 = arith.constant 0 : i32
      %dma_start3A_92 = arith.constant 0 : i32
      %dma_start3A_93 = tpu.memref_slice %arg2[%dma_start3A_91, %dma_start3A_92] : memref<10000x128xf32, #tpu.memory_space<hbm>> -> memref<10000x128xf32, #tpu.memory_space<hbm>>
      tpu.enqueue_indirect_dma source(%dma_start3A_93 : memref<10000x128xf32, #tpu.memory_space<hbm>>) target(%arg12 : memref<128x128xf32, #tpu.memory_space<vmem>>) offsets(%dma_start3A_90 : memref<128xi32, #tpu.memory_space<vmem>>) semaphore(%arg18 : memref<!tpu.dma_semaphore, #tpu.memory_space<semaphore_mem>>)
      %dma_start3A_94 = arith.constant 1 : i32
      %dma_start3A_95 = arith.constant 0 : i32
      %dma_start3A_96 = tpu.memref_slice %arg9[%dma_start3A_94, %dma_start3A_95] : memref<4x128xi32, #tpu.memory_space<vmem>> -> memref<1x128xi32, #tpu.memory_space<vmem>>
      %dma_start3A_97 = tpu.memref_squeeze %dma_start3A_96 : memref<1x128xi32, #tpu.memory_space<vmem>> -> memref<128xi32, #tpu.memory_space<vmem>>
      %dma_start3A_98 = arith.constant 0 : i32
      %dma_start3A_99 = arith.constant 0 : i32
      %dma_start3A_100 = tpu.memref_slice %arg2[%dma_start3A_98, %dma_start3A_99] : memref<10000x128xf32, #tpu.memory_space<hbm>> -> memref<10000x128xf32, #tpu.memory_space<hbm>>
      tpu.enqueue_indirect_dma source(%dma_start3A_100 : memref<10000x128xf32, #tpu.memory_space<hbm>>) target(%arg13 : memref<128x128xf32, #tpu.memory_space<vmem>>) offsets(%dma_start3A_97 : memref<128xi32, #tpu.memory_space<vmem>>) semaphore(%arg19 : memref<!tpu.dma_semaphore, #tpu.memory_space<semaphore_mem>>)
      %dma_wait3A = arith.constant 0 : i32
      %dma_wait3A_101 = arith.constant 0 : i32
      %dma_wait3A_102 = tpu.memref_slice %arg9[%dma_wait3A, %dma_wait3A_101] : memref<4x128xi32, #tpu.memory_space<vmem>> -> memref<1x128xi32, #tpu.memory_space<vmem>>
      %dma_wait3A_103 = tpu.memref_squeeze %dma_wait3A_102 : memref<1x128xi32, #tpu.memory_space<vmem>> -> memref<128xi32, #tpu.memory_space<vmem>>
      %dma_wait3A_104 = arith.constant 0 : i32
      %dma_wait3A_105 = arith.constant 0 : i32
      %dma_wait3A_106 = tpu.memref_slice %arg2[%dma_wait3A_104, %dma_wait3A_105] : memref<10000x128xf32, #tpu.memory_space<hbm>> -> memref<10000x128xf32, #tpu.memory_space<hbm>>
      tpu.wait_indirect_dma semaphore(%arg18 : memref<!tpu.dma_semaphore, #tpu.memory_space<semaphore_mem>>) src(%dma_wait3A_106 : memref<10000x128xf32, #tpu.memory_space<hbm>>) dst(%arg12 : memref<128x128xf32, #tpu.memory_space<vmem>>)
      %dma_start3A_107 = arith.constant 2 : i32
      %dma_start3A_108 = arith.constant 0 : i32
      %dma_start3A_109 = tpu.memref_slice %arg9[%dma_start3A_107, %dma_start3A_108] : memref<4x128xi32, #tpu.memory_space<vmem>> -> memref<1x128xi32, #tpu.memory_space<vmem>>
      %dma_start3A_110 = tpu.memref_squeeze %dma_start3A_109 : memref<1x128xi32, #tpu.memory_space<vmem>> -> memref<128xi32, #tpu.memory_space<vmem>>
      %dma_start3A_111 = arith.constant 0 : i32
      %dma_start3A_112 = arith.constant 0 : i32
      %dma_start3A_113 = tpu.memref_slice %arg2[%dma_start3A_111, %dma_start3A_112] : memref<10000x128xf32, #tpu.memory_space<hbm>> -> memref<10000x128xf32, #tpu.memory_space<hbm>>
      tpu.enqueue_indirect_dma source(%dma_start3A_113 : memref<10000x128xf32, #tpu.memory_space<hbm>>) target(%arg12 : memref<128x128xf32, #tpu.memory_space<vmem>>) offsets(%dma_start3A_110 : memref<128xi32, #tpu.memory_space<vmem>>) semaphore(%arg18 : memref<!tpu.dma_semaphore, #tpu.memory_space<semaphore_mem>>)
      %dma_wait3A_114 = arith.constant 1 : i32
      %dma_wait3A_115 = arith.constant 0 : i32
      %dma_wait3A_116 = tpu.memref_slice %arg9[%dma_wait3A_114, %dma_wait3A_115] : memref<4x128xi32, #tpu.memory_space<vmem>> -> memref<1x128xi32, #tpu.memory_space<vmem>>
      %dma_wait3A_117 = tpu.memref_squeeze %dma_wait3A_116 : memref<1x128xi32, #tpu.memory_space<vmem>> -> memref<128xi32, #tpu.memory_space<vmem>>
      %dma_wait3A_118 = arith.constant 0 : i32
      %dma_wait3A_119 = arith.constant 0 : i32
      %dma_wait3A_120 = tpu.memref_slice %arg2[%dma_wait3A_118, %dma_wait3A_119] : memref<10000x128xf32, #tpu.memory_space<hbm>> -> memref<10000x128xf32, #tpu.memory_space<hbm>>
      tpu.wait_indirect_dma semaphore(%arg19 : memref<!tpu.dma_semaphore, #tpu.memory_space<semaphore_mem>>) src(%dma_wait3A_120 : memref<10000x128xf32, #tpu.memory_space<hbm>>) dst(%arg13 : memref<128x128xf32, #tpu.memory_space<vmem>>)
      %dma_start3A_121 = arith.constant 3 : i32
      %dma_start3A_122 = arith.constant 0 : i32
      %dma_start3A_123 = tpu.memref_slice %arg9[%dma_start3A_121, %dma_start3A_122] : memref<4x128xi32, #tpu.memory_space<vmem>> -> memref<1x128xi32, #tpu.memory_space<vmem>>
      %dma_start3A_124 = tpu.memref_squeeze %dma_start3A_123 : memref<1x128xi32, #tpu.memory_space<vmem>> -> memref<128xi32, #tpu.memory_space<vmem>>
      %dma_start3A_125 = arith.constant 0 : i32
      %dma_start3A_126 = arith.constant 0 : i32
      %dma_start3A_127 = tpu.memref_slice %arg2[%dma_start3A_125, %dma_start3A_126] : memref<10000x128xf32, #tpu.memory_space<hbm>> -> memref<10000x128xf32, #tpu.memory_space<hbm>>
      tpu.enqueue_indirect_dma source(%dma_start3A_127 : memref<10000x128xf32, #tpu.memory_space<hbm>>) target(%arg13 : memref<128x128xf32, #tpu.memory_space<vmem>>) offsets(%dma_start3A_124 : memref<128xi32, #tpu.memory_space<vmem>>) semaphore(%arg19 : memref<!tpu.dma_semaphore, #tpu.memory_space<semaphore_mem>>)
      %dma_wait3A_128 = arith.constant 2 : i32
      %dma_wait3A_129 = arith.constant 0 : i32
      %dma_wait3A_130 = tpu.memref_slice %arg9[%dma_wait3A_128, %dma_wait3A_129] : memref<4x128xi32, #tpu.memory_space<vmem>> -> memref<1x128xi32, #tpu.memory_space<vmem>>
      %dma_wait3A_131 = tpu.memref_squeeze %dma_wait3A_130 : memref<1x128xi32, #tpu.memory_space<vmem>> -> memref<128xi32, #tpu.memory_space<vmem>>
      %dma_wait3A_132 = arith.constant 0 : i32
      %dma_wait3A_133 = arith.constant 0 : i32
      %dma_wait3A_134 = tpu.memref_slice %arg2[%dma_wait3A_132, %dma_wait3A_133] : memref<10000x128xf32, #tpu.memory_space<hbm>> -> memref<10000x128xf32, #tpu.memory_space<hbm>>
      tpu.wait_indirect_dma semaphore(%arg18 : memref<!tpu.dma_semaphore, #tpu.memory_space<semaphore_mem>>) src(%dma_wait3A_134 : memref<10000x128xf32, #tpu.memory_space<hbm>>) dst(%arg12 : memref<128x128xf32, #tpu.memory_space<vmem>>)
      %dma_wait3A_135 = arith.constant 3 : i32
      %dma_wait3A_136 = arith.constant 0 : i32
      %dma_wait3A_137 = tpu.memref_slice %arg9[%dma_wait3A_135, %dma_wait3A_136] : memref<4x128xi32, #tpu.memory_space<vmem>> -> memref<1x128xi32, #tpu.memory_space<vmem>>
      %dma_wait3A_138 = tpu.memref_squeeze %dma_wait3A_137 : memref<1x128xi32, #tpu.memory_space<vmem>> -> memref<128xi32, #tpu.memory_space<vmem>>
      %dma_wait3A_139 = arith.constant 0 : i32
      %dma_wait3A_140 = arith.constant 0 : i32
      %dma_wait3A_141 = tpu.memref_slice %arg2[%dma_wait3A_139, %dma_wait3A_140] : memref<10000x128xf32, #tpu.memory_space<hbm>> -> memref<10000x128xf32, #tpu.memory_space<hbm>>
      tpu.wait_indirect_dma semaphore(%arg19 : memref<!tpu.dma_semaphore, #tpu.memory_space<semaphore_mem>>) src(%dma_wait3A_141 : memref<10000x128xf32, #tpu.memory_space<hbm>>) dst(%arg13 : memref<128x128xf32, #tpu.memory_space<vmem>>)
    }
    %scan3A_28 = arith.constant 20 : i32
    %barrier3A_29 = arith.constant 0 : index
    tpu.barrier barrier_id(%barrier3A_29)
    %mul3A_30 = arith.constant 5008 : i32
    %mul3A_31 = arith.muli %arg0, %mul3A_30 : i32
    %add3A_32 = arith.addi %mul3A_31, %mul3A_2 : i32
    %add3A_33 = arith.constant 0 : i32
    %add3A_34 = arith.addi %mul3A_2, %add3A_33 : i32
    "tpu.region"() ({
      %run_scoped3A = tpu.sem_alloc : memref<!tpu.dma_semaphore, #tpu.memory_space<semaphore_mem>>
      %dma_start3A = arith.constant 0 : i32
      %dma_start3A_78 = arith.constant 0 : i32
      %dma_start3A_79 = tpu.memref_slice %arg12[%dma_start3A, %dma_start3A_78] : memref<128x128xf32, #tpu.memory_space<vmem>> -> memref<64x128xf32, #tpu.memory_space<vmem>>
      %dma_start3A_80 = arith.constant 0 : i32
      %dma_start3A_81 = tpu.memref_slice %arg16[%add3A_34, %dma_start3A_80] : memref<5008x128xf32, #tpu.memory_space<vmem_shared>> -> memref<64x128xf32, #tpu.memory_space<vmem_shared>>
      %dma_start3A_82 = arith.constant 0 : i32
      %dma_start3A_83 = arith.constant 0 : i32
      %dma_start3A_84 = tpu.memref_slice %arg12[%dma_start3A_82, %dma_start3A_83] : memref<128x128xf32, #tpu.memory_space<vmem>> -> memref<64x128xf32, #tpu.memory_space<vmem>>
      %dma_start3A_85 = arith.constant 0 : i32
      %dma_start3A_86 = tpu.memref_slice %arg16[%add3A_34, %dma_start3A_85] : memref<5008x128xf32, #tpu.memory_space<vmem_shared>> -> memref<64x128xf32, #tpu.memory_space<vmem_shared>>
      tpu.enqueue_dma source(%dma_start3A_86 : memref<64x128xf32, #tpu.memory_space<vmem_shared>>) target(%dma_start3A_84 : memref<64x128xf32, #tpu.memory_space<vmem>>) target_semaphore(%run_scoped3A : memref<!tpu.dma_semaphore, #tpu.memory_space<semaphore_mem>>)
      %dma_wait3A = arith.constant 0 : i32
      %dma_wait3A_87 = arith.constant 0 : i32
      %dma_wait3A_88 = tpu.memref_slice %arg12[%dma_wait3A, %dma_wait3A_87] : memref<128x128xf32, #tpu.memory_space<vmem>> -> memref<64x128xf32, #tpu.memory_space<vmem>>
      %dma_wait3A_89 = arith.constant 0 : i32
      %dma_wait3A_90 = tpu.memref_slice %arg16[%add3A_34, %dma_wait3A_89] : memref<5008x128xf32, #tpu.memory_space<vmem_shared>> -> memref<64x128xf32, #tpu.memory_space<vmem_shared>>
      %dma_wait3A_91 = arith.constant 0 : i32
      %dma_wait3A_92 = arith.constant 0 : i32
      %dma_wait3A_93 = tpu.memref_slice %arg12[%dma_wait3A_91, %dma_wait3A_92] : memref<128x128xf32, #tpu.memory_space<vmem>> -> memref<64x128xf32, #tpu.memory_space<vmem>>
      %dma_wait3A_94 = arith.constant 0 : i32
      %dma_wait3A_95 = tpu.memref_slice %arg16[%add3A_34, %dma_wait3A_94] : memref<5008x128xf32, #tpu.memory_space<vmem_shared>> -> memref<64x128xf32, #tpu.memory_space<vmem_shared>>
      tpu.wait_dma2 semaphore(%run_scoped3A : memref<!tpu.dma_semaphore, #tpu.memory_space<semaphore_mem>>) src(%dma_wait3A_95 : memref<64x128xf32, #tpu.memory_space<vmem_shared>>) dst(%dma_wait3A_93 : memref<64x128xf32, #tpu.memory_space<vmem>>)
      tpu.yield
    }) : () -> ()
    %add3A_35 = arith.constant 0 : i32
    %add3A_36 = arith.addi %add3A_32, %add3A_35 : i32
    "tpu.region"() ({
      %run_scoped3A = tpu.sem_alloc : memref<!tpu.dma_semaphore, #tpu.memory_space<semaphore_mem>>
      %dma_start3A = arith.constant 0 : i32
      %dma_start3A_78 = arith.constant 0 : i32
      %dma_start3A_79 = tpu.memref_slice %arg12[%dma_start3A, %dma_start3A_78] : memref<128x128xf32, #tpu.memory_space<vmem>> -> memref<64x128xf32, #tpu.memory_space<vmem>>
      %dma_start3A_80 = arith.constant 0 : i32
      %dma_start3A_81 = tpu.memref_slice %arg7[%add3A_36, %dma_start3A_80] : memref<10016x128xf32, #tpu.memory_space<hbm>> -> memref<64x128xf32, #tpu.memory_space<hbm>>
      %dma_start3A_82 = arith.constant 0 : i32
      %dma_start3A_83 = tpu.memref_slice %arg7[%add3A_36, %dma_start3A_82] : memref<10016x128xf32, #tpu.memory_space<hbm>> -> memref<64x128xf32, #tpu.memory_space<hbm>>
      %dma_start3A_84 = arith.constant 0 : i32
      %dma_start3A_85 = arith.constant 0 : i32
      %dma_start3A_86 = tpu.memref_slice %arg12[%dma_start3A_84, %dma_start3A_85] : memref<128x128xf32, #tpu.memory_space<vmem>> -> memref<64x128xf32, #tpu.memory_space<vmem>>
      tpu.enqueue_dma source(%dma_start3A_86 : memref<64x128xf32, #tpu.memory_space<vmem>>) target(%dma_start3A_83 : memref<64x128xf32, #tpu.memory_space<hbm>>) target_semaphore(%run_scoped3A : memref<!tpu.dma_semaphore, #tpu.memory_space<semaphore_mem>>)
      %dma_wait3A = arith.constant 0 : i32
      %dma_wait3A_87 = arith.constant 0 : i32
      %dma_wait3A_88 = tpu.memref_slice %arg12[%dma_wait3A, %dma_wait3A_87] : memref<128x128xf32, #tpu.memory_space<vmem>> -> memref<64x128xf32, #tpu.memory_space<vmem>>
      %dma_wait3A_89 = arith.constant 0 : i32
      %dma_wait3A_90 = tpu.memref_slice %arg7[%add3A_36, %dma_wait3A_89] : memref<10016x128xf32, #tpu.memory_space<hbm>> -> memref<64x128xf32, #tpu.memory_space<hbm>>
      %dma_wait3A_91 = arith.constant 0 : i32
      %dma_wait3A_92 = tpu.memref_slice %arg7[%add3A_36, %dma_wait3A_91] : memref<10016x128xf32, #tpu.memory_space<hbm>> -> memref<64x128xf32, #tpu.memory_space<hbm>>
      %dma_wait3A_93 = arith.constant 0 : i32
      %dma_wait3A_94 = arith.constant 0 : i32
      %dma_wait3A_95 = tpu.memref_slice %arg12[%dma_wait3A_93, %dma_wait3A_94] : memref<128x128xf32, #tpu.memory_space<vmem>> -> memref<64x128xf32, #tpu.memory_space<vmem>>
      tpu.wait_dma2 semaphore(%run_scoped3A : memref<!tpu.dma_semaphore, #tpu.memory_space<semaphore_mem>>) src(%dma_wait3A_95 : memref<64x128xf32, #tpu.memory_space<vmem>>) dst(%dma_wait3A_92 : memref<64x128xf32, #tpu.memory_space<hbm>>)
      tpu.yield
    }) : () -> ()
    %add3A_37 = arith.constant 0 : i32
    %add3A_38 = arith.addi %mul3A_2, %add3A_37 : i32
    "tpu.region"() ({
      %run_scoped3A = tpu.sem_alloc : memref<!tpu.dma_semaphore, #tpu.memory_space<semaphore_mem>>
      %dma_start3A = arith.constant 0 : i32
      %dma_start3A_78 = arith.constant 0 : i32
      %dma_start3A_79 = tpu.memref_slice %arg12[%dma_start3A, %dma_start3A_78] : memref<128x128xf32, #tpu.memory_space<vmem>> -> memref<64x128xf32, #tpu.memory_space<vmem>>
      %dma_start3A_80 = arith.constant 0 : i32
      %dma_start3A_81 = tpu.memref_slice %arg17[%add3A_38, %dma_start3A_80] : memref<5008x128xf32, #tpu.memory_space<vmem_shared>> -> memref<64x128xf32, #tpu.memory_space<vmem_shared>>
      %dma_start3A_82 = arith.constant 0 : i32
      %dma_start3A_83 = arith.constant 0 : i32
      %dma_start3A_84 = tpu.memref_slice %arg12[%dma_start3A_82, %dma_start3A_83] : memref<128x128xf32, #tpu.memory_space<vmem>> -> memref<64x128xf32, #tpu.memory_space<vmem>>
      %dma_start3A_85 = arith.constant 0 : i32
      %dma_start3A_86 = tpu.memref_slice %arg17[%add3A_38, %dma_start3A_85] : memref<5008x128xf32, #tpu.memory_space<vmem_shared>> -> memref<64x128xf32, #tpu.memory_space<vmem_shared>>
      tpu.enqueue_dma source(%dma_start3A_86 : memref<64x128xf32, #tpu.memory_space<vmem_shared>>) target(%dma_start3A_84 : memref<64x128xf32, #tpu.memory_space<vmem>>) target_semaphore(%run_scoped3A : memref<!tpu.dma_semaphore, #tpu.memory_space<semaphore_mem>>)
      %dma_wait3A = arith.constant 0 : i32
      %dma_wait3A_87 = arith.constant 0 : i32
      %dma_wait3A_88 = tpu.memref_slice %arg12[%dma_wait3A, %dma_wait3A_87] : memref<128x128xf32, #tpu.memory_space<vmem>> -> memref<64x128xf32, #tpu.memory_space<vmem>>
      %dma_wait3A_89 = arith.constant 0 : i32
      %dma_wait3A_90 = tpu.memref_slice %arg17[%add3A_38, %dma_wait3A_89] : memref<5008x128xf32, #tpu.memory_space<vmem_shared>> -> memref<64x128xf32, #tpu.memory_space<vmem_shared>>
      %dma_wait3A_91 = arith.constant 0 : i32
      %dma_wait3A_92 = arith.constant 0 : i32
      %dma_wait3A_93 = tpu.memref_slice %arg12[%dma_wait3A_91, %dma_wait3A_92] : memref<128x128xf32, #tpu.memory_space<vmem>> -> memref<64x128xf32, #tpu.memory_space<vmem>>
      %dma_wait3A_94 = arith.constant 0 : i32
      %dma_wait3A_95 = tpu.memref_slice %arg17[%add3A_38, %dma_wait3A_94] : memref<5008x128xf32, #tpu.memory_space<vmem_shared>> -> memref<64x128xf32, #tpu.memory_space<vmem_shared>>
      tpu.wait_dma2 semaphore(%run_scoped3A : memref<!tpu.dma_semaphore, #tpu.memory_space<semaphore_mem>>) src(%dma_wait3A_95 : memref<64x128xf32, #tpu.memory_space<vmem_shared>>) dst(%dma_wait3A_93 : memref<64x128xf32, #tpu.memory_space<vmem>>)
      tpu.yield
    }) : () -> ()
    %add3A_39 = arith.constant 0 : i32
    %add3A_40 = arith.addi %add3A_32, %add3A_39 : i32
    "tpu.region"() ({
      %run_scoped3A = tpu.sem_alloc : memref<!tpu.dma_semaphore, #tpu.memory_space<semaphore_mem>>
      %dma_start3A = arith.constant 0 : i32
      %dma_start3A_78 = arith.constant 0 : i32
      %dma_start3A_79 = tpu.memref_slice %arg12[%dma_start3A, %dma_start3A_78] : memref<128x128xf32, #tpu.memory_space<vmem>> -> memref<64x128xf32, #tpu.memory_space<vmem>>
      %dma_start3A_80 = arith.constant 0 : i32
      %dma_start3A_81 = tpu.memref_slice %arg8[%add3A_40, %dma_start3A_80] : memref<10016x128xf32, #tpu.memory_space<hbm>> -> memref<64x128xf32, #tpu.memory_space<hbm>>
      %dma_start3A_82 = arith.constant 0 : i32
      %dma_start3A_83 = tpu.memref_slice %arg8[%add3A_40, %dma_start3A_82] : memref<10016x128xf32, #tpu.memory_space<hbm>> -> memref<64x128xf32, #tpu.memory_space<hbm>>
      %dma_start3A_84 = arith.constant 0 : i32
      %dma_start3A_85 = arith.constant 0 : i32
      %dma_start3A_86 = tpu.memref_slice %arg12[%dma_start3A_84, %dma_start3A_85] : memref<128x128xf32, #tpu.memory_space<vmem>> -> memref<64x128xf32, #tpu.memory_space<vmem>>
      tpu.enqueue_dma source(%dma_start3A_86 : memref<64x128xf32, #tpu.memory_space<vmem>>) target(%dma_start3A_83 : memref<64x128xf32, #tpu.memory_space<hbm>>) target_semaphore(%run_scoped3A : memref<!tpu.dma_semaphore, #tpu.memory_space<semaphore_mem>>)
      %dma_wait3A = arith.constant 0 : i32
      %dma_wait3A_87 = arith.constant 0 : i32
      %dma_wait3A_88 = tpu.memref_slice %arg12[%dma_wait3A, %dma_wait3A_87] : memref<128x128xf32, #tpu.memory_space<vmem>> -> memref<64x128xf32, #tpu.memory_space<vmem>>
      %dma_wait3A_89 = arith.constant 0 : i32
      %dma_wait3A_90 = tpu.memref_slice %arg8[%add3A_40, %dma_wait3A_89] : memref<10016x128xf32, #tpu.memory_space<hbm>> -> memref<64x128xf32, #tpu.memory_space<hbm>>
      %dma_wait3A_91 = arith.constant 0 : i32
      %dma_wait3A_92 = tpu.memref_slice %arg8[%add3A_40, %dma_wait3A_91] : memref<10016x128xf32, #tpu.memory_space<hbm>> -> memref<64x128xf32, #tpu.memory_space<hbm>>
      %dma_wait3A_93 = arith.constant 0 : i32
      %dma_wait3A_94 = arith.constant 0 : i32
      %dma_wait3A_95 = tpu.memref_slice %arg12[%dma_wait3A_93, %dma_wait3A_94] : memref<128x128xf32, #tpu.memory_space<vmem>> -> memref<64x128xf32, #tpu.memory_space<vmem>>
      tpu.wait_dma2 semaphore(%run_scoped3A : memref<!tpu.dma_semaphore, #tpu.memory_space<semaphore_mem>>) src(%dma_wait3A_95 : memref<64x128xf32, #tpu.memory_space<vmem>>) dst(%dma_wait3A_92 : memref<64x128xf32, #tpu.memory_space<hbm>>)
      tpu.yield
    }) : () -> ()
    %add3A_41 = arith.constant 64 : i32
    %add3A_42 = arith.addi %mul3A_2, %add3A_41 : i32
    "tpu.region"() ({
      %run_scoped3A = tpu.sem_alloc : memref<!tpu.dma_semaphore, #tpu.memory_space<semaphore_mem>>
      %dma_start3A = arith.constant 0 : i32
      %dma_start3A_78 = arith.constant 0 : i32
      %dma_start3A_79 = tpu.memref_slice %arg12[%dma_start3A, %dma_start3A_78] : memref<128x128xf32, #tpu.memory_space<vmem>> -> memref<64x128xf32, #tpu.memory_space<vmem>>
      %dma_start3A_80 = arith.constant 0 : i32
      %dma_start3A_81 = tpu.memref_slice %arg16[%add3A_42, %dma_start3A_80] : memref<5008x128xf32, #tpu.memory_space<vmem_shared>> -> memref<64x128xf32, #tpu.memory_space<vmem_shared>>
      %dma_start3A_82 = arith.constant 0 : i32
      %dma_start3A_83 = arith.constant 0 : i32
      %dma_start3A_84 = tpu.memref_slice %arg12[%dma_start3A_82, %dma_start3A_83] : memref<128x128xf32, #tpu.memory_space<vmem>> -> memref<64x128xf32, #tpu.memory_space<vmem>>
      %dma_start3A_85 = arith.constant 0 : i32
      %dma_start3A_86 = tpu.memref_slice %arg16[%add3A_42, %dma_start3A_85] : memref<5008x128xf32, #tpu.memory_space<vmem_shared>> -> memref<64x128xf32, #tpu.memory_space<vmem_shared>>
      tpu.enqueue_dma source(%dma_start3A_86 : memref<64x128xf32, #tpu.memory_space<vmem_shared>>) target(%dma_start3A_84 : memref<64x128xf32, #tpu.memory_space<vmem>>) target_semaphore(%run_scoped3A : memref<!tpu.dma_semaphore, #tpu.memory_space<semaphore_mem>>)
      %dma_wait3A = arith.constant 0 : i32
      %dma_wait3A_87 = arith.constant 0 : i32
      %dma_wait3A_88 = tpu.memref_slice %arg12[%dma_wait3A, %dma_wait3A_87] : memref<128x128xf32, #tpu.memory_space<vmem>> -> memref<64x128xf32, #tpu.memory_space<vmem>>
      %dma_wait3A_89 = arith.constant 0 : i32
      %dma_wait3A_90 = tpu.memref_slice %arg16[%add3A_42, %dma_wait3A_89] : memref<5008x128xf32, #tpu.memory_space<vmem_shared>> -> memref<64x128xf32, #tpu.memory_space<vmem_shared>>
      %dma_wait3A_91 = arith.constant 0 : i32
      %dma_wait3A_92 = arith.constant 0 : i32
      %dma_wait3A_93 = tpu.memref_slice %arg12[%dma_wait3A_91, %dma_wait3A_92] : memref<128x128xf32, #tpu.memory_space<vmem>> -> memref<64x128xf32, #tpu.memory_space<vmem>>
      %dma_wait3A_94 = arith.constant 0 : i32
      %dma_wait3A_95 = tpu.memref_slice %arg16[%add3A_42, %dma_wait3A_94] : memref<5008x128xf32, #tpu.memory_space<vmem_shared>> -> memref<64x128xf32, #tpu.memory_space<vmem_shared>>
      tpu.wait_dma2 semaphore(%run_scoped3A : memref<!tpu.dma_semaphore, #tpu.memory_space<semaphore_mem>>) src(%dma_wait3A_95 : memref<64x128xf32, #tpu.memory_space<vmem_shared>>) dst(%dma_wait3A_93 : memref<64x128xf32, #tpu.memory_space<vmem>>)
      tpu.yield
    }) : () -> ()
    %add3A_43 = arith.constant 64 : i32
    %add3A_44 = arith.addi %add3A_32, %add3A_43 : i32
    "tpu.region"() ({
      %run_scoped3A = tpu.sem_alloc : memref<!tpu.dma_semaphore, #tpu.memory_space<semaphore_mem>>
      %dma_start3A = arith.constant 0 : i32
      %dma_start3A_78 = arith.constant 0 : i32
      %dma_start3A_79 = tpu.memref_slice %arg12[%dma_start3A, %dma_start3A_78] : memref<128x128xf32, #tpu.memory_space<vmem>> -> memref<64x128xf32, #tpu.memory_space<vmem>>
      %dma_start3A_80 = arith.constant 0 : i32
      %dma_start3A_81 = tpu.memref_slice %arg7[%add3A_44, %dma_start3A_80] : memref<10016x128xf32, #tpu.memory_space<hbm>> -> memref<64x128xf32, #tpu.memory_space<hbm>>
      %dma_start3A_82 = arith.constant 0 : i32
      %dma_start3A_83 = tpu.memref_slice %arg7[%add3A_44, %dma_start3A_82] : memref<10016x128xf32, #tpu.memory_space<hbm>> -> memref<64x128xf32, #tpu.memory_space<hbm>>
      %dma_start3A_84 = arith.constant 0 : i32
      %dma_start3A_85 = arith.constant 0 : i32
      %dma_start3A_86 = tpu.memref_slice %arg12[%dma_start3A_84, %dma_start3A_85] : memref<128x128xf32, #tpu.memory_space<vmem>> -> memref<64x128xf32, #tpu.memory_space<vmem>>
      tpu.enqueue_dma source(%dma_start3A_86 : memref<64x128xf32, #tpu.memory_space<vmem>>) target(%dma_start3A_83 : memref<64x128xf32, #tpu.memory_space<hbm>>) target_semaphore(%run_scoped3A : memref<!tpu.dma_semaphore, #tpu.memory_space<semaphore_mem>>)
      %dma_wait3A = arith.constant 0 : i32
      %dma_wait3A_87 = arith.constant 0 : i32
      %dma_wait3A_88 = tpu.memref_slice %arg12[%dma_wait3A, %dma_wait3A_87] : memref<128x128xf32, #tpu.memory_space<vmem>> -> memref<64x128xf32, #tpu.memory_space<vmem>>
      %dma_wait3A_89 = arith.constant 0 : i32
      %dma_wait3A_90 = tpu.memref_slice %arg7[%add3A_44, %dma_wait3A_89] : memref<10016x128xf32, #tpu.memory_space<hbm>> -> memref<64x128xf32, #tpu.memory_space<hbm>>
      %dma_wait3A_91 = arith.constant 0 : i32
      %dma_wait3A_92 = tpu.memref_slice %arg7[%add3A_44, %dma_wait3A_91] : memref<10016x128xf32, #tpu.memory_space<hbm>> -> memref<64x128xf32, #tpu.memory_space<hbm>>
      %dma_wait3A_93 = arith.constant 0 : i32
      %dma_wait3A_94 = arith.constant 0 : i32
      %dma_wait3A_95 = tpu.memref_slice %arg12[%dma_wait3A_93, %dma_wait3A_94] : memref<128x128xf32, #tpu.memory_space<vmem>> -> memref<64x128xf32, #tpu.memory_space<vmem>>
      tpu.wait_dma2 semaphore(%run_scoped3A : memref<!tpu.dma_semaphore, #tpu.memory_space<semaphore_mem>>) src(%dma_wait3A_95 : memref<64x128xf32, #tpu.memory_space<vmem>>) dst(%dma_wait3A_92 : memref<64x128xf32, #tpu.memory_space<hbm>>)
      tpu.yield
    }) : () -> ()
    %add3A_45 = arith.constant 64 : i32
    %add3A_46 = arith.addi %mul3A_2, %add3A_45 : i32
    "tpu.region"() ({
      %run_scoped3A = tpu.sem_alloc : memref<!tpu.dma_semaphore, #tpu.memory_space<semaphore_mem>>
      %dma_start3A = arith.constant 0 : i32
      %dma_start3A_78 = arith.constant 0 : i32
      %dma_start3A_79 = tpu.memref_slice %arg12[%dma_start3A, %dma_start3A_78] : memref<128x128xf32, #tpu.memory_space<vmem>> -> memref<64x128xf32, #tpu.memory_space<vmem>>
      %dma_start3A_80 = arith.constant 0 : i32
      %dma_start3A_81 = tpu.memref_slice %arg17[%add3A_46, %dma_start3A_80] : memref<5008x128xf32, #tpu.memory_space<vmem_shared>> -> memref<64x128xf32, #tpu.memory_space<vmem_shared>>
      %dma_start3A_82 = arith.constant 0 : i32
      %dma_start3A_83 = arith.constant 0 : i32
      %dma_start3A_84 = tpu.memref_slice %arg12[%dma_start3A_82, %dma_start3A_83] : memref<128x128xf32, #tpu.memory_space<vmem>> -> memref<64x128xf32, #tpu.memory_space<vmem>>
      %dma_start3A_85 = arith.constant 0 : i32
      %dma_start3A_86 = tpu.memref_slice %arg17[%add3A_46, %dma_start3A_85] : memref<5008x128xf32, #tpu.memory_space<vmem_shared>> -> memref<64x128xf32, #tpu.memory_space<vmem_shared>>
      tpu.enqueue_dma source(%dma_start3A_86 : memref<64x128xf32, #tpu.memory_space<vmem_shared>>) target(%dma_start3A_84 : memref<64x128xf32, #tpu.memory_space<vmem>>) target_semaphore(%run_scoped3A : memref<!tpu.dma_semaphore, #tpu.memory_space<semaphore_mem>>)
      %dma_wait3A = arith.constant 0 : i32
      %dma_wait3A_87 = arith.constant 0 : i32
      %dma_wait3A_88 = tpu.memref_slice %arg12[%dma_wait3A, %dma_wait3A_87] : memref<128x128xf32, #tpu.memory_space<vmem>> -> memref<64x128xf32, #tpu.memory_space<vmem>>
      %dma_wait3A_89 = arith.constant 0 : i32
      %dma_wait3A_90 = tpu.memref_slice %arg17[%add3A_46, %dma_wait3A_89] : memref<5008x128xf32, #tpu.memory_space<vmem_shared>> -> memref<64x128xf32, #tpu.memory_space<vmem_shared>>
      %dma_wait3A_91 = arith.constant 0 : i32
      %dma_wait3A_92 = arith.constant 0 : i32
      %dma_wait3A_93 = tpu.memref_slice %arg12[%dma_wait3A_91, %dma_wait3A_92] : memref<128x128xf32, #tpu.memory_space<vmem>> -> memref<64x128xf32, #tpu.memory_space<vmem>>
      %dma_wait3A_94 = arith.constant 0 : i32
      %dma_wait3A_95 = tpu.memref_slice %arg17[%add3A_46, %dma_wait3A_94] : memref<5008x128xf32, #tpu.memory_space<vmem_shared>> -> memref<64x128xf32, #tpu.memory_space<vmem_shared>>
      tpu.wait_dma2 semaphore(%run_scoped3A : memref<!tpu.dma_semaphore, #tpu.memory_space<semaphore_mem>>) src(%dma_wait3A_95 : memref<64x128xf32, #tpu.memory_space<vmem_shared>>) dst(%dma_wait3A_93 : memref<64x128xf32, #tpu.memory_space<vmem>>)
      tpu.yield
    }) : () -> ()
    %add3A_47 = arith.constant 64 : i32
    %add3A_48 = arith.addi %add3A_32, %add3A_47 : i32
    "tpu.region"() ({
      %run_scoped3A = tpu.sem_alloc : memref<!tpu.dma_semaphore, #tpu.memory_space<semaphore_mem>>
      %dma_start3A = arith.constant 0 : i32
      %dma_start3A_78 = arith.constant 0 : i32
      %dma_start3A_79 = tpu.memref_slice %arg12[%dma_start3A, %dma_start3A_78] : memref<128x128xf32, #tpu.memory_space<vmem>> -> memref<64x128xf32, #tpu.memory_space<vmem>>
      %dma_start3A_80 = arith.constant 0 : i32
      %dma_start3A_81 = tpu.memref_slice %arg8[%add3A_48, %dma_start3A_80] : memref<10016x128xf32, #tpu.memory_space<hbm>> -> memref<64x128xf32, #tpu.memory_space<hbm>>
      %dma_start3A_82 = arith.constant 0 : i32
      %dma_start3A_83 = tpu.memref_slice %arg8[%add3A_48, %dma_start3A_82] : memref<10016x128xf32, #tpu.memory_space<hbm>> -> memref<64x128xf32, #tpu.memory_space<hbm>>
      %dma_start3A_84 = arith.constant 0 : i32
      %dma_start3A_85 = arith.constant 0 : i32
      %dma_start3A_86 = tpu.memref_slice %arg12[%dma_start3A_84, %dma_start3A_85] : memref<128x128xf32, #tpu.memory_space<vmem>> -> memref<64x128xf32, #tpu.memory_space<vmem>>
      tpu.enqueue_dma source(%dma_start3A_86 : memref<64x128xf32, #tpu.memory_space<vmem>>) target(%dma_start3A_83 : memref<64x128xf32, #tpu.memory_space<hbm>>) target_semaphore(%run_scoped3A : memref<!tpu.dma_semaphore, #tpu.memory_space<semaphore_mem>>)
      %dma_wait3A = arith.constant 0 : i32
      %dma_wait3A_87 = arith.constant 0 : i32
      %dma_wait3A_88 = tpu.memref_slice %arg12[%dma_wait3A, %dma_wait3A_87] : memref<128x128xf32, #tpu.memory_space<vmem>> -> memref<64x128xf32, #tpu.memory_space<vmem>>
      %dma_wait3A_89 = arith.constant 0 : i32
      %dma_wait3A_90 = tpu.memref_slice %arg8[%add3A_48, %dma_wait3A_89] : memref<10016x128xf32, #tpu.memory_space<hbm>> -> memref<64x128xf32, #tpu.memory_space<hbm>>
      %dma_wait3A_91 = arith.constant 0 : i32
      %dma_wait3A_92 = tpu.memref_slice %arg8[%add3A_48, %dma_wait3A_91] : memref<10016x128xf32, #tpu.memory_space<hbm>> -> memref<64x128xf32, #tpu.memory_space<hbm>>
      %dma_wait3A_93 = arith.constant 0 : i32
      %dma_wait3A_94 = arith.constant 0 : i32
      %dma_wait3A_95 = tpu.memref_slice %arg12[%dma_wait3A_93, %dma_wait3A_94] : memref<128x128xf32, #tpu.memory_space<vmem>> -> memref<64x128xf32, #tpu.memory_space<vmem>>
      tpu.wait_dma2 semaphore(%run_scoped3A : memref<!tpu.dma_semaphore, #tpu.memory_space<semaphore_mem>>) src(%dma_wait3A_95 : memref<64x128xf32, #tpu.memory_space<vmem>>) dst(%dma_wait3A_92 : memref<64x128xf32, #tpu.memory_space<hbm>>)
      tpu.yield
    }) : () -> ()
    %add3A_49 = arith.constant 128 : i32
    %add3A_50 = arith.addi %mul3A_2, %add3A_49 : i32
    "tpu.region"() ({
      %run_scoped3A = tpu.sem_alloc : memref<!tpu.dma_semaphore, #tpu.memory_space<semaphore_mem>>
      %dma_start3A = arith.constant 0 : i32
      %dma_start3A_78 = arith.constant 0 : i32
      %dma_start3A_79 = tpu.memref_slice %arg12[%dma_start3A, %dma_start3A_78] : memref<128x128xf32, #tpu.memory_space<vmem>> -> memref<64x128xf32, #tpu.memory_space<vmem>>
      %dma_start3A_80 = arith.constant 0 : i32
      %dma_start3A_81 = tpu.memref_slice %arg16[%add3A_50, %dma_start3A_80] : memref<5008x128xf32, #tpu.memory_space<vmem_shared>> -> memref<64x128xf32, #tpu.memory_space<vmem_shared>>
      %dma_start3A_82 = arith.constant 0 : i32
      %dma_start3A_83 = arith.constant 0 : i32
      %dma_start3A_84 = tpu.memref_slice %arg12[%dma_start3A_82, %dma_start3A_83] : memref<128x128xf32, #tpu.memory_space<vmem>> -> memref<64x128xf32, #tpu.memory_space<vmem>>
      %dma_start3A_85 = arith.constant 0 : i32
      %dma_start3A_86 = tpu.memref_slice %arg16[%add3A_50, %dma_start3A_85] : memref<5008x128xf32, #tpu.memory_space<vmem_shared>> -> memref<64x128xf32, #tpu.memory_space<vmem_shared>>
      tpu.enqueue_dma source(%dma_start3A_86 : memref<64x128xf32, #tpu.memory_space<vmem_shared>>) target(%dma_start3A_84 : memref<64x128xf32, #tpu.memory_space<vmem>>) target_semaphore(%run_scoped3A : memref<!tpu.dma_semaphore, #tpu.memory_space<semaphore_mem>>)
      %dma_wait3A = arith.constant 0 : i32
      %dma_wait3A_87 = arith.constant 0 : i32
      %dma_wait3A_88 = tpu.memref_slice %arg12[%dma_wait3A, %dma_wait3A_87] : memref<128x128xf32, #tpu.memory_space<vmem>> -> memref<64x128xf32, #tpu.memory_space<vmem>>
      %dma_wait3A_89 = arith.constant 0 : i32
      %dma_wait3A_90 = tpu.memref_slice %arg16[%add3A_50, %dma_wait3A_89] : memref<5008x128xf32, #tpu.memory_space<vmem_shared>> -> memref<64x128xf32, #tpu.memory_space<vmem_shared>>
      %dma_wait3A_91 = arith.constant 0 : i32
      %dma_wait3A_92 = arith.constant 0 : i32
      %dma_wait3A_93 = tpu.memref_slice %arg12[%dma_wait3A_91, %dma_wait3A_92] : memref<128x128xf32, #tpu.memory_space<vmem>> -> memref<64x128xf32, #tpu.memory_space<vmem>>
      %dma_wait3A_94 = arith.constant 0 : i32
      %dma_wait3A_95 = tpu.memref_slice %arg16[%add3A_50, %dma_wait3A_94] : memref<5008x128xf32, #tpu.memory_space<vmem_shared>> -> memref<64x128xf32, #tpu.memory_space<vmem_shared>>
      tpu.wait_dma2 semaphore(%run_scoped3A : memref<!tpu.dma_semaphore, #tpu.memory_space<semaphore_mem>>) src(%dma_wait3A_95 : memref<64x128xf32, #tpu.memory_space<vmem_shared>>) dst(%dma_wait3A_93 : memref<64x128xf32, #tpu.memory_space<vmem>>)
      tpu.yield
    }) : () -> ()
    %add3A_51 = arith.constant 128 : i32
    %add3A_52 = arith.addi %add3A_32, %add3A_51 : i32
    "tpu.region"() ({
      %run_scoped3A = tpu.sem_alloc : memref<!tpu.dma_semaphore, #tpu.memory_space<semaphore_mem>>
      %dma_start3A = arith.constant 0 : i32
      %dma_start3A_78 = arith.constant 0 : i32
      %dma_start3A_79 = tpu.memref_slice %arg12[%dma_start3A, %dma_start3A_78] : memref<128x128xf32, #tpu.memory_space<vmem>> -> memref<64x128xf32, #tpu.memory_space<vmem>>
      %dma_start3A_80 = arith.constant 0 : i32
      %dma_start3A_81 = tpu.memref_slice %arg7[%add3A_52, %dma_start3A_80] : memref<10016x128xf32, #tpu.memory_space<hbm>> -> memref<64x128xf32, #tpu.memory_space<hbm>>
      %dma_start3A_82 = arith.constant 0 : i32
      %dma_start3A_83 = tpu.memref_slice %arg7[%add3A_52, %dma_start3A_82] : memref<10016x128xf32, #tpu.memory_space<hbm>> -> memref<64x128xf32, #tpu.memory_space<hbm>>
      %dma_start3A_84 = arith.constant 0 : i32
      %dma_start3A_85 = arith.constant 0 : i32
      %dma_start3A_86 = tpu.memref_slice %arg12[%dma_start3A_84, %dma_start3A_85] : memref<128x128xf32, #tpu.memory_space<vmem>> -> memref<64x128xf32, #tpu.memory_space<vmem>>
      tpu.enqueue_dma source(%dma_start3A_86 : memref<64x128xf32, #tpu.memory_space<vmem>>) target(%dma_start3A_83 : memref<64x128xf32, #tpu.memory_space<hbm>>) target_semaphore(%run_scoped3A : memref<!tpu.dma_semaphore, #tpu.memory_space<semaphore_mem>>)
      %dma_wait3A = arith.constant 0 : i32
      %dma_wait3A_87 = arith.constant 0 : i32
      %dma_wait3A_88 = tpu.memref_slice %arg12[%dma_wait3A, %dma_wait3A_87] : memref<128x128xf32, #tpu.memory_space<vmem>> -> memref<64x128xf32, #tpu.memory_space<vmem>>
      %dma_wait3A_89 = arith.constant 0 : i32
      %dma_wait3A_90 = tpu.memref_slice %arg7[%add3A_52, %dma_wait3A_89] : memref<10016x128xf32, #tpu.memory_space<hbm>> -> memref<64x128xf32, #tpu.memory_space<hbm>>
      %dma_wait3A_91 = arith.constant 0 : i32
      %dma_wait3A_92 = tpu.memref_slice %arg7[%add3A_52, %dma_wait3A_91] : memref<10016x128xf32, #tpu.memory_space<hbm>> -> memref<64x128xf32, #tpu.memory_space<hbm>>
      %dma_wait3A_93 = arith.constant 0 : i32
      %dma_wait3A_94 = arith.constant 0 : i32
      %dma_wait3A_95 = tpu.memref_slice %arg12[%dma_wait3A_93, %dma_wait3A_94] : memref<128x128xf32, #tpu.memory_space<vmem>> -> memref<64x128xf32, #tpu.memory_space<vmem>>
      tpu.wait_dma2 semaphore(%run_scoped3A : memref<!tpu.dma_semaphore, #tpu.memory_space<semaphore_mem>>) src(%dma_wait3A_95 : memref<64x128xf32, #tpu.memory_space<vmem>>) dst(%dma_wait3A_92 : memref<64x128xf32, #tpu.memory_space<hbm>>)
      tpu.yield
    }) : () -> ()
    %add3A_53 = arith.constant 128 : i32
    %add3A_54 = arith.addi %mul3A_2, %add3A_53 : i32
    "tpu.region"() ({
      %run_scoped3A = tpu.sem_alloc : memref<!tpu.dma_semaphore, #tpu.memory_space<semaphore_mem>>
      %dma_start3A = arith.constant 0 : i32
      %dma_start3A_78 = arith.constant 0 : i32
      %dma_start3A_79 = tpu.memref_slice %arg12[%dma_start3A, %dma_start3A_78] : memref<128x128xf32, #tpu.memory_space<vmem>> -> memref<64x128xf32, #tpu.memory_space<vmem>>
      %dma_start3A_80 = arith.constant 0 : i32
      %dma_start3A_81 = tpu.memref_slice %arg17[%add3A_54, %dma_start3A_80] : memref<5008x128xf32, #tpu.memory_space<vmem_shared>> -> memref<64x128xf32, #tpu.memory_space<vmem_shared>>
      %dma_start3A_82 = arith.constant 0 : i32
      %dma_start3A_83 = arith.constant 0 : i32
      %dma_start3A_84 = tpu.memref_slice %arg12[%dma_start3A_82, %dma_start3A_83] : memref<128x128xf32, #tpu.memory_space<vmem>> -> memref<64x128xf32, #tpu.memory_space<vmem>>
      %dma_start3A_85 = arith.constant 0 : i32
      %dma_start3A_86 = tpu.memref_slice %arg17[%add3A_54, %dma_start3A_85] : memref<5008x128xf32, #tpu.memory_space<vmem_shared>> -> memref<64x128xf32, #tpu.memory_space<vmem_shared>>
      tpu.enqueue_dma source(%dma_start3A_86 : memref<64x128xf32, #tpu.memory_space<vmem_shared>>) target(%dma_start3A_84 : memref<64x128xf32, #tpu.memory_space<vmem>>) target_semaphore(%run_scoped3A : memref<!tpu.dma_semaphore, #tpu.memory_space<semaphore_mem>>)
      %dma_wait3A = arith.constant 0 : i32
      %dma_wait3A_87 = arith.constant 0 : i32
      %dma_wait3A_88 = tpu.memref_slice %arg12[%dma_wait3A, %dma_wait3A_87] : memref<128x128xf32, #tpu.memory_space<vmem>> -> memref<64x128xf32, #tpu.memory_space<vmem>>
      %dma_wait3A_89 = arith.constant 0 : i32
      %dma_wait3A_90 = tpu.memref_slice %arg17[%add3A_54, %dma_wait3A_89] : memref<5008x128xf32, #tpu.memory_space<vmem_shared>> -> memref<64x128xf32, #tpu.memory_space<vmem_shared>>
      %dma_wait3A_91 = arith.constant 0 : i32
      %dma_wait3A_92 = arith.constant 0 : i32
      %dma_wait3A_93 = tpu.memref_slice %arg12[%dma_wait3A_91, %dma_wait3A_92] : memref<128x128xf32, #tpu.memory_space<vmem>> -> memref<64x128xf32, #tpu.memory_space<vmem>>
      %dma_wait3A_94 = arith.constant 0 : i32
      %dma_wait3A_95 = tpu.memref_slice %arg17[%add3A_54, %dma_wait3A_94] : memref<5008x128xf32, #tpu.memory_space<vmem_shared>> -> memref<64x128xf32, #tpu.memory_space<vmem_shared>>
      tpu.wait_dma2 semaphore(%run_scoped3A : memref<!tpu.dma_semaphore, #tpu.memory_space<semaphore_mem>>) src(%dma_wait3A_95 : memref<64x128xf32, #tpu.memory_space<vmem_shared>>) dst(%dma_wait3A_93 : memref<64x128xf32, #tpu.memory_space<vmem>>)
      tpu.yield
    }) : () -> ()
    %add3A_55 = arith.constant 128 : i32
    %add3A_56 = arith.addi %add3A_32, %add3A_55 : i32
    "tpu.region"() ({
      %run_scoped3A = tpu.sem_alloc : memref<!tpu.dma_semaphore, #tpu.memory_space<semaphore_mem>>
      %dma_start3A = arith.constant 0 : i32
      %dma_start3A_78 = arith.constant 0 : i32
      %dma_start3A_79 = tpu.memref_slice %arg12[%dma_start3A, %dma_start3A_78] : memref<128x128xf32, #tpu.memory_space<vmem>> -> memref<64x128xf32, #tpu.memory_space<vmem>>
      %dma_start3A_80 = arith.constant 0 : i32
      %dma_start3A_81 = tpu.memref_slice %arg8[%add3A_56, %dma_start3A_80] : memref<10016x128xf32, #tpu.memory_space<hbm>> -> memref<64x128xf32, #tpu.memory_space<hbm>>
      %dma_start3A_82 = arith.constant 0 : i32
      %dma_start3A_83 = tpu.memref_slice %arg8[%add3A_56, %dma_start3A_82] : memref<10016x128xf32, #tpu.memory_space<hbm>> -> memref<64x128xf32, #tpu.memory_space<hbm>>
      %dma_start3A_84 = arith.constant 0 : i32
      %dma_start3A_85 = arith.constant 0 : i32
      %dma_start3A_86 = tpu.memref_slice %arg12[%dma_start3A_84, %dma_start3A_85] : memref<128x128xf32, #tpu.memory_space<vmem>> -> memref<64x128xf32, #tpu.memory_space<vmem>>
      tpu.enqueue_dma source(%dma_start3A_86 : memref<64x128xf32, #tpu.memory_space<vmem>>) target(%dma_start3A_83 : memref<64x128xf32, #tpu.memory_space<hbm>>) target_semaphore(%run_scoped3A : memref<!tpu.dma_semaphore, #tpu.memory_space<semaphore_mem>>)
      %dma_wait3A = arith.constant 0 : i32
      %dma_wait3A_87 = arith.constant 0 : i32
      %dma_wait3A_88 = tpu.memref_slice %arg12[%dma_wait3A, %dma_wait3A_87] : memref<128x128xf32, #tpu.memory_space<vmem>> -> memref<64x128xf32, #tpu.memory_space<vmem>>
      %dma_wait3A_89 = arith.constant 0 : i32
      %dma_wait3A_90 = tpu.memref_slice %arg8[%add3A_56, %dma_wait3A_89] : memref<10016x128xf32, #tpu.memory_space<hbm>> -> memref<64x128xf32, #tpu.memory_space<hbm>>
      %dma_wait3A_91 = arith.constant 0 : i32
      %dma_wait3A_92 = tpu.memref_slice %arg8[%add3A_56, %dma_wait3A_91] : memref<10016x128xf32, #tpu.memory_space<hbm>> -> memref<64x128xf32, #tpu.memory_space<hbm>>
      %dma_wait3A_93 = arith.constant 0 : i32
      %dma_wait3A_94 = arith.constant 0 : i32
      %dma_wait3A_95 = tpu.memref_slice %arg12[%dma_wait3A_93, %dma_wait3A_94] : memref<128x128xf32, #tpu.memory_space<vmem>> -> memref<64x128xf32, #tpu.memory_space<vmem>>
      tpu.wait_dma2 semaphore(%run_scoped3A : memref<!tpu.dma_semaphore, #tpu.memory_space<semaphore_mem>>) src(%dma_wait3A_95 : memref<64x128xf32, #tpu.memory_space<vmem>>) dst(%dma_wait3A_92 : memref<64x128xf32, #tpu.memory_space<hbm>>)
      tpu.yield
    }) : () -> ()
    %add3A_57 = arith.constant 192 : i32
    %add3A_58 = arith.addi %mul3A_2, %add3A_57 : i32
    "tpu.region"() ({
      %run_scoped3A = tpu.sem_alloc : memref<!tpu.dma_semaphore, #tpu.memory_space<semaphore_mem>>
      %dma_start3A = arith.constant 0 : i32
      %dma_start3A_78 = arith.constant 0 : i32
      %dma_start3A_79 = tpu.memref_slice %arg12[%dma_start3A, %dma_start3A_78] : memref<128x128xf32, #tpu.memory_space<vmem>> -> memref<64x128xf32, #tpu.memory_space<vmem>>
      %dma_start3A_80 = arith.constant 0 : i32
      %dma_start3A_81 = tpu.memref_slice %arg16[%add3A_58, %dma_start3A_80] : memref<5008x128xf32, #tpu.memory_space<vmem_shared>> -> memref<64x128xf32, #tpu.memory_space<vmem_shared>>
      %dma_start3A_82 = arith.constant 0 : i32
      %dma_start3A_83 = arith.constant 0 : i32
      %dma_start3A_84 = tpu.memref_slice %arg12[%dma_start3A_82, %dma_start3A_83] : memref<128x128xf32, #tpu.memory_space<vmem>> -> memref<64x128xf32, #tpu.memory_space<vmem>>
      %dma_start3A_85 = arith.constant 0 : i32
      %dma_start3A_86 = tpu.memref_slice %arg16[%add3A_58, %dma_start3A_85] : memref<5008x128xf32, #tpu.memory_space<vmem_shared>> -> memref<64x128xf32, #tpu.memory_space<vmem_shared>>
      tpu.enqueue_dma source(%dma_start3A_86 : memref<64x128xf32, #tpu.memory_space<vmem_shared>>) target(%dma_start3A_84 : memref<64x128xf32, #tpu.memory_space<vmem>>) target_semaphore(%run_scoped3A : memref<!tpu.dma_semaphore, #tpu.memory_space<semaphore_mem>>)
      %dma_wait3A = arith.constant 0 : i32
      %dma_wait3A_87 = arith.constant 0 : i32
      %dma_wait3A_88 = tpu.memref_slice %arg12[%dma_wait3A, %dma_wait3A_87] : memref<128x128xf32, #tpu.memory_space<vmem>> -> memref<64x128xf32, #tpu.memory_space<vmem>>
      %dma_wait3A_89 = arith.constant 0 : i32
      %dma_wait3A_90 = tpu.memref_slice %arg16[%add3A_58, %dma_wait3A_89] : memref<5008x128xf32, #tpu.memory_space<vmem_shared>> -> memref<64x128xf32, #tpu.memory_space<vmem_shared>>
      %dma_wait3A_91 = arith.constant 0 : i32
      %dma_wait3A_92 = arith.constant 0 : i32
      %dma_wait3A_93 = tpu.memref_slice %arg12[%dma_wait3A_91, %dma_wait3A_92] : memref<128x128xf32, #tpu.memory_space<vmem>> -> memref<64x128xf32, #tpu.memory_space<vmem>>
      %dma_wait3A_94 = arith.constant 0 : i32
      %dma_wait3A_95 = tpu.memref_slice %arg16[%add3A_58, %dma_wait3A_94] : memref<5008x128xf32, #tpu.memory_space<vmem_shared>> -> memref<64x128xf32, #tpu.memory_space<vmem_shared>>
      tpu.wait_dma2 semaphore(%run_scoped3A : memref<!tpu.dma_semaphore, #tpu.memory_space<semaphore_mem>>) src(%dma_wait3A_95 : memref<64x128xf32, #tpu.memory_space<vmem_shared>>) dst(%dma_wait3A_93 : memref<64x128xf32, #tpu.memory_space<vmem>>)
      tpu.yield
    }) : () -> ()
    %add3A_59 = arith.constant 192 : i32
    %add3A_60 = arith.addi %add3A_32, %add3A_59 : i32
    "tpu.region"() ({
      %run_scoped3A = tpu.sem_alloc : memref<!tpu.dma_semaphore, #tpu.memory_space<semaphore_mem>>
      %dma_start3A = arith.constant 0 : i32
      %dma_start3A_78 = arith.constant 0 : i32
      %dma_start3A_79 = tpu.memref_slice %arg12[%dma_start3A, %dma_start3A_78] : memref<128x128xf32, #tpu.memory_space<vmem>> -> memref<64x128xf32, #tpu.memory_space<vmem>>
      %dma_start3A_80 = arith.constant 0 : i32
      %dma_start3A_81 = tpu.memref_slice %arg7[%add3A_60, %dma_start3A_80] : memref<10016x128xf32, #tpu.memory_space<hbm>> -> memref<64x128xf32, #tpu.memory_space<hbm>>
      %dma_start3A_82 = arith.constant 0 : i32
      %dma_start3A_83 = tpu.memref_slice %arg7[%add3A_60, %dma_start3A_82] : memref<10016x128xf32, #tpu.memory_space<hbm>> -> memref<64x128xf32, #tpu.memory_space<hbm>>
      %dma_start3A_84 = arith.constant 0 : i32
      %dma_start3A_85 = arith.constant 0 : i32
      %dma_start3A_86 = tpu.memref_slice %arg12[%dma_start3A_84, %dma_start3A_85] : memref<128x128xf32, #tpu.memory_space<vmem>> -> memref<64x128xf32, #tpu.memory_space<vmem>>
      tpu.enqueue_dma source(%dma_start3A_86 : memref<64x128xf32, #tpu.memory_space<vmem>>) target(%dma_start3A_83 : memref<64x128xf32, #tpu.memory_space<hbm>>) target_semaphore(%run_scoped3A : memref<!tpu.dma_semaphore, #tpu.memory_space<semaphore_mem>>)
      %dma_wait3A = arith.constant 0 : i32
      %dma_wait3A_87 = arith.constant 0 : i32
      %dma_wait3A_88 = tpu.memref_slice %arg12[%dma_wait3A, %dma_wait3A_87] : memref<128x128xf32, #tpu.memory_space<vmem>> -> memref<64x128xf32, #tpu.memory_space<vmem>>
      %dma_wait3A_89 = arith.constant 0 : i32
      %dma_wait3A_90 = tpu.memref_slice %arg7[%add3A_60, %dma_wait3A_89] : memref<10016x128xf32, #tpu.memory_space<hbm>> -> memref<64x128xf32, #tpu.memory_space<hbm>>
      %dma_wait3A_91 = arith.constant 0 : i32
      %dma_wait3A_92 = tpu.memref_slice %arg7[%add3A_60, %dma_wait3A_91] : memref<10016x128xf32, #tpu.memory_space<hbm>> -> memref<64x128xf32, #tpu.memory_space<hbm>>
      %dma_wait3A_93 = arith.constant 0 : i32
      %dma_wait3A_94 = arith.constant 0 : i32
      %dma_wait3A_95 = tpu.memref_slice %arg12[%dma_wait3A_93, %dma_wait3A_94] : memref<128x128xf32, #tpu.memory_space<vmem>> -> memref<64x128xf32, #tpu.memory_space<vmem>>
      tpu.wait_dma2 semaphore(%run_scoped3A : memref<!tpu.dma_semaphore, #tpu.memory_space<semaphore_mem>>) src(%dma_wait3A_95 : memref<64x128xf32, #tpu.memory_space<vmem>>) dst(%dma_wait3A_92 : memref<64x128xf32, #tpu.memory_space<hbm>>)
      tpu.yield
    }) : () -> ()
    %add3A_61 = arith.constant 192 : i32
    %add3A_62 = arith.addi %mul3A_2, %add3A_61 : i32
    "tpu.region"() ({
      %run_scoped3A = tpu.sem_alloc : memref<!tpu.dma_semaphore, #tpu.memory_space<semaphore_mem>>
      %dma_start3A = arith.constant 0 : i32
      %dma_start3A_78 = arith.constant 0 : i32
      %dma_start3A_79 = tpu.memref_slice %arg12[%dma_start3A, %dma_start3A_78] : memref<128x128xf32, #tpu.memory_space<vmem>> -> memref<64x128xf32, #tpu.memory_space<vmem>>
      %dma_start3A_80 = arith.constant 0 : i32
      %dma_start3A_81 = tpu.memref_slice %arg17[%add3A_62, %dma_start3A_80] : memref<5008x128xf32, #tpu.memory_space<vmem_shared>> -> memref<64x128xf32, #tpu.memory_space<vmem_shared>>
      %dma_start3A_82 = arith.constant 0 : i32
      %dma_start3A_83 = arith.constant 0 : i32
      %dma_start3A_84 = tpu.memref_slice %arg12[%dma_start3A_82, %dma_start3A_83] : memref<128x128xf32, #tpu.memory_space<vmem>> -> memref<64x128xf32, #tpu.memory_space<vmem>>
      %dma_start3A_85 = arith.constant 0 : i32
      %dma_start3A_86 = tpu.memref_slice %arg17[%add3A_62, %dma_start3A_85] : memref<5008x128xf32, #tpu.memory_space<vmem_shared>> -> memref<64x128xf32, #tpu.memory_space<vmem_shared>>
      tpu.enqueue_dma source(%dma_start3A_86 : memref<64x128xf32, #tpu.memory_space<vmem_shared>>) target(%dma_start3A_84 : memref<64x128xf32, #tpu.memory_space<vmem>>) target_semaphore(%run_scoped3A : memref<!tpu.dma_semaphore, #tpu.memory_space<semaphore_mem>>)
      %dma_wait3A = arith.constant 0 : i32
      %dma_wait3A_87 = arith.constant 0 : i32
      %dma_wait3A_88 = tpu.memref_slice %arg12[%dma_wait3A, %dma_wait3A_87] : memref<128x128xf32, #tpu.memory_space<vmem>> -> memref<64x128xf32, #tpu.memory_space<vmem>>
      %dma_wait3A_89 = arith.constant 0 : i32
      %dma_wait3A_90 = tpu.memref_slice %arg17[%add3A_62, %dma_wait3A_89] : memref<5008x128xf32, #tpu.memory_space<vmem_shared>> -> memref<64x128xf32, #tpu.memory_space<vmem_shared>>
      %dma_wait3A_91 = arith.constant 0 : i32
      %dma_wait3A_92 = arith.constant 0 : i32
      %dma_wait3A_93 = tpu.memref_slice %arg12[%dma_wait3A_91, %dma_wait3A_92] : memref<128x128xf32, #tpu.memory_space<vmem>> -> memref<64x128xf32, #tpu.memory_space<vmem>>
      %dma_wait3A_94 = arith.constant 0 : i32
      %dma_wait3A_95 = tpu.memref_slice %arg17[%add3A_62, %dma_wait3A_94] : memref<5008x128xf32, #tpu.memory_space<vmem_shared>> -> memref<64x128xf32, #tpu.memory_space<vmem_shared>>
      tpu.wait_dma2 semaphore(%run_scoped3A : memref<!tpu.dma_semaphore, #tpu.memory_space<semaphore_mem>>) src(%dma_wait3A_95 : memref<64x128xf32, #tpu.memory_space<vmem_shared>>) dst(%dma_wait3A_93 : memref<64x128xf32, #tpu.memory_space<vmem>>)
      tpu.yield
    }) : () -> ()
    %add3A_63 = arith.constant 192 : i32
    %add3A_64 = arith.addi %add3A_32, %add3A_63 : i32
    "tpu.region"() ({
      %run_scoped3A = tpu.sem_alloc : memref<!tpu.dma_semaphore, #tpu.memory_space<semaphore_mem>>
      %dma_start3A = arith.constant 0 : i32
      %dma_start3A_78 = arith.constant 0 : i32
      %dma_start3A_79 = tpu.memref_slice %arg12[%dma_start3A, %dma_start3A_78] : memref<128x128xf32, #tpu.memory_space<vmem>> -> memref<64x128xf32, #tpu.memory_space<vmem>>
      %dma_start3A_80 = arith.constant 0 : i32
      %dma_start3A_81 = tpu.memref_slice %arg8[%add3A_64, %dma_start3A_80] : memref<10016x128xf32, #tpu.memory_space<hbm>> -> memref<64x128xf32, #tpu.memory_space<hbm>>
      %dma_start3A_82 = arith.constant 0 : i32
      %dma_start3A_83 = tpu.memref_slice %arg8[%add3A_64, %dma_start3A_82] : memref<10016x128xf32, #tpu.memory_space<hbm>> -> memref<64x128xf32, #tpu.memory_space<hbm>>
      %dma_start3A_84 = arith.constant 0 : i32
      %dma_start3A_85 = arith.constant 0 : i32
      %dma_start3A_86 = tpu.memref_slice %arg12[%dma_start3A_84, %dma_start3A_85] : memref<128x128xf32, #tpu.memory_space<vmem>> -> memref<64x128xf32, #tpu.memory_space<vmem>>
      tpu.enqueue_dma source(%dma_start3A_86 : memref<64x128xf32, #tpu.memory_space<vmem>>) target(%dma_start3A_83 : memref<64x128xf32, #tpu.memory_space<hbm>>) target_semaphore(%run_scoped3A : memref<!tpu.dma_semaphore, #tpu.memory_space<semaphore_mem>>)
      %dma_wait3A = arith.constant 0 : i32
      %dma_wait3A_87 = arith.constant 0 : i32
      %dma_wait3A_88 = tpu.memref_slice %arg12[%dma_wait3A, %dma_wait3A_87] : memref<128x128xf32, #tpu.memory_space<vmem>> -> memref<64x128xf32, #tpu.memory_space<vmem>>
      %dma_wait3A_89 = arith.constant 0 : i32
      %dma_wait3A_90 = tpu.memref_slice %arg8[%add3A_64, %dma_wait3A_89] : memref<10016x128xf32, #tpu.memory_space<hbm>> -> memref<64x128xf32, #tpu.memory_space<hbm>>
      %dma_wait3A_91 = arith.constant 0 : i32
      %dma_wait3A_92 = tpu.memref_slice %arg8[%add3A_64, %dma_wait3A_91] : memref<10016x128xf32, #tpu.memory_space<hbm>> -> memref<64x128xf32, #tpu.memory_space<hbm>>
      %dma_wait3A_93 = arith.constant 0 : i32
      %dma_wait3A_94 = arith.constant 0 : i32
      %dma_wait3A_95 = tpu.memref_slice %arg12[%dma_wait3A_93, %dma_wait3A_94] : memref<128x128xf32, #tpu.memory_space<vmem>> -> memref<64x128xf32, #tpu.memory_space<vmem>>
      tpu.wait_dma2 semaphore(%run_scoped3A : memref<!tpu.dma_semaphore, #tpu.memory_space<semaphore_mem>>) src(%dma_wait3A_95 : memref<64x128xf32, #tpu.memory_space<vmem>>) dst(%dma_wait3A_92 : memref<64x128xf32, #tpu.memory_space<hbm>>)
      tpu.yield
    }) : () -> ()
    %add3A_65 = arith.constant 256 : i32
    %add3A_66 = arith.addi %mul3A_2, %add3A_65 : i32
    "tpu.region"() ({
      %run_scoped3A = tpu.sem_alloc : memref<!tpu.dma_semaphore, #tpu.memory_space<semaphore_mem>>
      %dma_start3A = arith.constant 0 : i32
      %dma_start3A_78 = arith.constant 0 : i32
      %dma_start3A_79 = tpu.memref_slice %arg12[%dma_start3A, %dma_start3A_78] : memref<128x128xf32, #tpu.memory_space<vmem>> -> memref<56x128xf32, #tpu.memory_space<vmem>>
      %dma_start3A_80 = arith.constant 0 : i32
      %dma_start3A_81 = tpu.memref_slice %arg16[%add3A_66, %dma_start3A_80] : memref<5008x128xf32, #tpu.memory_space<vmem_shared>> -> memref<56x128xf32, #tpu.memory_space<vmem_shared>>
      %dma_start3A_82 = arith.constant 0 : i32
      %dma_start3A_83 = arith.constant 0 : i32
      %dma_start3A_84 = tpu.memref_slice %arg12[%dma_start3A_82, %dma_start3A_83] : memref<128x128xf32, #tpu.memory_space<vmem>> -> memref<56x128xf32, #tpu.memory_space<vmem>>
      %dma_start3A_85 = arith.constant 0 : i32
      %dma_start3A_86 = tpu.memref_slice %arg16[%add3A_66, %dma_start3A_85] : memref<5008x128xf32, #tpu.memory_space<vmem_shared>> -> memref<56x128xf32, #tpu.memory_space<vmem_shared>>
      tpu.enqueue_dma source(%dma_start3A_86 : memref<56x128xf32, #tpu.memory_space<vmem_shared>>) target(%dma_start3A_84 : memref<56x128xf32, #tpu.memory_space<vmem>>) target_semaphore(%run_scoped3A : memref<!tpu.dma_semaphore, #tpu.memory_space<semaphore_mem>>)
      %dma_wait3A = arith.constant 0 : i32
      %dma_wait3A_87 = arith.constant 0 : i32
      %dma_wait3A_88 = tpu.memref_slice %arg12[%dma_wait3A, %dma_wait3A_87] : memref<128x128xf32, #tpu.memory_space<vmem>> -> memref<56x128xf32, #tpu.memory_space<vmem>>
      %dma_wait3A_89 = arith.constant 0 : i32
      %dma_wait3A_90 = tpu.memref_slice %arg16[%add3A_66, %dma_wait3A_89] : memref<5008x128xf32, #tpu.memory_space<vmem_shared>> -> memref<56x128xf32, #tpu.memory_space<vmem_shared>>
      %dma_wait3A_91 = arith.constant 0 : i32
      %dma_wait3A_92 = arith.constant 0 : i32
      %dma_wait3A_93 = tpu.memref_slice %arg12[%dma_wait3A_91, %dma_wait3A_92] : memref<128x128xf32, #tpu.memory_space<vmem>> -> memref<56x128xf32, #tpu.memory_space<vmem>>
      %dma_wait3A_94 = arith.constant 0 : i32
      %dma_wait3A_95 = tpu.memref_slice %arg16[%add3A_66, %dma_wait3A_94] : memref<5008x128xf32, #tpu.memory_space<vmem_shared>> -> memref<56x128xf32, #tpu.memory_space<vmem_shared>>
      tpu.wait_dma2 semaphore(%run_scoped3A : memref<!tpu.dma_semaphore, #tpu.memory_space<semaphore_mem>>) src(%dma_wait3A_95 : memref<56x128xf32, #tpu.memory_space<vmem_shared>>) dst(%dma_wait3A_93 : memref<56x128xf32, #tpu.memory_space<vmem>>)
      tpu.yield
    }) : () -> ()
    %add3A_67 = arith.constant 256 : i32
    %add3A_68 = arith.addi %add3A_32, %add3A_67 : i32
    "tpu.region"() ({
      %run_scoped3A = tpu.sem_alloc : memref<!tpu.dma_semaphore, #tpu.memory_space<semaphore_mem>>
      %dma_start3A = arith.constant 0 : i32
      %dma_start3A_78 = arith.constant 0 : i32
      %dma_start3A_79 = tpu.memref_slice %arg12[%dma_start3A, %dma_start3A_78] : memref<128x128xf32, #tpu.memory_space<vmem>> -> memref<56x128xf32, #tpu.memory_space<vmem>>
      %dma_start3A_80 = arith.constant 0 : i32
      %dma_start3A_81 = tpu.memref_slice %arg7[%add3A_68, %dma_start3A_80] : memref<10016x128xf32, #tpu.memory_space<hbm>> -> memref<56x128xf32, #tpu.memory_space<hbm>>
      %dma_start3A_82 = arith.constant 0 : i32
      %dma_start3A_83 = tpu.memref_slice %arg7[%add3A_68, %dma_start3A_82] : memref<10016x128xf32, #tpu.memory_space<hbm>> -> memref<56x128xf32, #tpu.memory_space<hbm>>
      %dma_start3A_84 = arith.constant 0 : i32
      %dma_start3A_85 = arith.constant 0 : i32
      %dma_start3A_86 = tpu.memref_slice %arg12[%dma_start3A_84, %dma_start3A_85] : memref<128x128xf32, #tpu.memory_space<vmem>> -> memref<56x128xf32, #tpu.memory_space<vmem>>
      tpu.enqueue_dma source(%dma_start3A_86 : memref<56x128xf32, #tpu.memory_space<vmem>>) target(%dma_start3A_83 : memref<56x128xf32, #tpu.memory_space<hbm>>) target_semaphore(%run_scoped3A : memref<!tpu.dma_semaphore, #tpu.memory_space<semaphore_mem>>)
      %dma_wait3A = arith.constant 0 : i32
      %dma_wait3A_87 = arith.constant 0 : i32
      %dma_wait3A_88 = tpu.memref_slice %arg12[%dma_wait3A, %dma_wait3A_87] : memref<128x128xf32, #tpu.memory_space<vmem>> -> memref<56x128xf32, #tpu.memory_space<vmem>>
      %dma_wait3A_89 = arith.constant 0 : i32
      %dma_wait3A_90 = tpu.memref_slice %arg7[%add3A_68, %dma_wait3A_89] : memref<10016x128xf32, #tpu.memory_space<hbm>> -> memref<56x128xf32, #tpu.memory_space<hbm>>
      %dma_wait3A_91 = arith.constant 0 : i32
      %dma_wait3A_92 = tpu.memref_slice %arg7[%add3A_68, %dma_wait3A_91] : memref<10016x128xf32, #tpu.memory_space<hbm>> -> memref<56x128xf32, #tpu.memory_space<hbm>>
      %dma_wait3A_93 = arith.constant 0 : i32
      %dma_wait3A_94 = arith.constant 0 : i32
      %dma_wait3A_95 = tpu.memref_slice %arg12[%dma_wait3A_93, %dma_wait3A_94] : memref<128x128xf32, #tpu.memory_space<vmem>> -> memref<56x128xf32, #tpu.memory_space<vmem>>
      tpu.wait_dma2 semaphore(%run_scoped3A : memref<!tpu.dma_semaphore, #tpu.memory_space<semaphore_mem>>) src(%dma_wait3A_95 : memref<56x128xf32, #tpu.memory_space<vmem>>) dst(%dma_wait3A_92 : memref<56x128xf32, #tpu.memory_space<hbm>>)
      tpu.yield
    }) : () -> ()
    %add3A_69 = arith.constant 256 : i32
    %add3A_70 = arith.addi %mul3A_2, %add3A_69 : i32
    "tpu.region"() ({
      %run_scoped3A = tpu.sem_alloc : memref<!tpu.dma_semaphore, #tpu.memory_space<semaphore_mem>>
      %dma_start3A = arith.constant 0 : i32
      %dma_start3A_78 = arith.constant 0 : i32
      %dma_start3A_79 = tpu.memref_slice %arg12[%dma_start3A, %dma_start3A_78] : memref<128x128xf32, #tpu.memory_space<vmem>> -> memref<56x128xf32, #tpu.memory_space<vmem>>
      %dma_start3A_80 = arith.constant 0 : i32
      %dma_start3A_81 = tpu.memref_slice %arg17[%add3A_70, %dma_start3A_80] : memref<5008x128xf32, #tpu.memory_space<vmem_shared>> -> memref<56x128xf32, #tpu.memory_space<vmem_shared>>
      %dma_start3A_82 = arith.constant 0 : i32
      %dma_start3A_83 = arith.constant 0 : i32
      %dma_start3A_84 = tpu.memref_slice %arg12[%dma_start3A_82, %dma_start3A_83] : memref<128x128xf32, #tpu.memory_space<vmem>> -> memref<56x128xf32, #tpu.memory_space<vmem>>
      %dma_start3A_85 = arith.constant 0 : i32
      %dma_start3A_86 = tpu.memref_slice %arg17[%add3A_70, %dma_start3A_85] : memref<5008x128xf32, #tpu.memory_space<vmem_shared>> -> memref<56x128xf32, #tpu.memory_space<vmem_shared>>
      tpu.enqueue_dma source(%dma_start3A_86 : memref<56x128xf32, #tpu.memory_space<vmem_shared>>) target(%dma_start3A_84 : memref<56x128xf32, #tpu.memory_space<vmem>>) target_semaphore(%run_scoped3A : memref<!tpu.dma_semaphore, #tpu.memory_space<semaphore_mem>>)
      %dma_wait3A = arith.constant 0 : i32
      %dma_wait3A_87 = arith.constant 0 : i32
      %dma_wait3A_88 = tpu.memref_slice %arg12[%dma_wait3A, %dma_wait3A_87] : memref<128x128xf32, #tpu.memory_space<vmem>> -> memref<56x128xf32, #tpu.memory_space<vmem>>
      %dma_wait3A_89 = arith.constant 0 : i32
      %dma_wait3A_90 = tpu.memref_slice %arg17[%add3A_70, %dma_wait3A_89] : memref<5008x128xf32, #tpu.memory_space<vmem_shared>> -> memref<56x128xf32, #tpu.memory_space<vmem_shared>>
      %dma_wait3A_91 = arith.constant 0 : i32
      %dma_wait3A_92 = arith.constant 0 : i32
      %dma_wait3A_93 = tpu.memref_slice %arg12[%dma_wait3A_91, %dma_wait3A_92] : memref<128x128xf32, #tpu.memory_space<vmem>> -> memref<56x128xf32, #tpu.memory_space<vmem>>
      %dma_wait3A_94 = arith.constant 0 : i32
      %dma_wait3A_95 = tpu.memref_slice %arg17[%add3A_70, %dma_wait3A_94] : memref<5008x128xf32, #tpu.memory_space<vmem_shared>> -> memref<56x128xf32, #tpu.memory_space<vmem_shared>>
      tpu.wait_dma2 semaphore(%run_scoped3A : memref<!tpu.dma_semaphore, #tpu.memory_space<semaphore_mem>>) src(%dma_wait3A_95 : memref<56x128xf32, #tpu.memory_space<vmem_shared>>) dst(%dma_wait3A_93 : memref<56x128xf32, #tpu.memory_space<vmem>>)
      tpu.yield
    }) : () -> ()
    %add3A_71 = arith.constant 256 : i32
    %add3A_72 = arith.addi %add3A_32, %add3A_71 : i32
    "tpu.region"() ({
      %run_scoped3A = tpu.sem_alloc : memref<!tpu.dma_semaphore, #tpu.memory_space<semaphore_mem>>
      %dma_start3A = arith.constant 0 : i32
      %dma_start3A_78 = arith.constant 0 : i32
      %dma_start3A_79 = tpu.memref_slice %arg12[%dma_start3A, %dma_start3A_78] : memref<128x128xf32, #tpu.memory_space<vmem>> -> memref<56x128xf32, #tpu.memory_space<vmem>>
      %dma_start3A_80 = arith.constant 0 : i32
      %dma_start3A_81 = tpu.memref_slice %arg8[%add3A_72, %dma_start3A_80] : memref<10016x128xf32, #tpu.memory_space<hbm>> -> memref<56x128xf32, #tpu.memory_space<hbm>>
      %dma_start3A_82 = arith.constant 0 : i32
      %dma_start3A_83 = tpu.memref_slice %arg8[%add3A_72, %dma_start3A_82] : memref<10016x128xf32, #tpu.memory_space<hbm>> -> memref<56x128xf32, #tpu.memory_space<hbm>>
      %dma_start3A_84 = arith.constant 0 : i32
      %dma_start3A_85 = arith.constant 0 : i32
      %dma_start3A_86 = tpu.memref_slice %arg12[%dma_start3A_84, %dma_start3A_85] : memref<128x128xf32, #tpu.memory_space<vmem>> -> memref<56x128xf32, #tpu.memory_space<vmem>>
      tpu.enqueue_dma source(%dma_start3A_86 : memref<56x128xf32, #tpu.memory_space<vmem>>) target(%dma_start3A_83 : memref<56x128xf32, #tpu.memory_space<hbm>>) target_semaphore(%run_scoped3A : memref<!tpu.dma_semaphore, #tpu.memory_space<semaphore_mem>>)
      %dma_wait3A = arith.constant 0 : i32
      %dma_wait3A_87 = arith.constant 0 : i32
      %dma_wait3A_88 = tpu.memref_slice %arg12[%dma_wait3A, %dma_wait3A_87] : memref<128x128xf32, #tpu.memory_space<vmem>> -> memref<56x128xf32, #tpu.memory_space<vmem>>
      %dma_wait3A_89 = arith.constant 0 : i32
      %dma_wait3A_90 = tpu.memref_slice %arg8[%add3A_72, %dma_wait3A_89] : memref<10016x128xf32, #tpu.memory_space<hbm>> -> memref<56x128xf32, #tpu.memory_space<hbm>>
      %dma_wait3A_91 = arith.constant 0 : i32
      %dma_wait3A_92 = tpu.memref_slice %arg8[%add3A_72, %dma_wait3A_91] : memref<10016x128xf32, #tpu.memory_space<hbm>> -> memref<56x128xf32, #tpu.memory_space<hbm>>
      %dma_wait3A_93 = arith.constant 0 : i32
      %dma_wait3A_94 = arith.constant 0 : i32
      %dma_wait3A_95 = tpu.memref_slice %arg12[%dma_wait3A_93, %dma_wait3A_94] : memref<128x128xf32, #tpu.memory_space<vmem>> -> memref<56x128xf32, #tpu.memory_space<vmem>>
      tpu.wait_dma2 semaphore(%run_scoped3A : memref<!tpu.dma_semaphore, #tpu.memory_space<semaphore_mem>>) src(%dma_wait3A_95 : memref<56x128xf32, #tpu.memory_space<vmem>>) dst(%dma_wait3A_92 : memref<56x128xf32, #tpu.memory_space<hbm>>)
      tpu.yield
    }) : () -> ()
    %eq3A_73 = arith.constant 15 : i32
    %eq3A_74 = arith.cmpi eq, %arg1, %eq3A_73 : i32
    %convert_element_type3A_75 = arith.extui %eq3A_74 : i1 to i32
    %cond3A_76 = arith.constant 0 : i32
    %cond3A_77 = arith.cmpi ne, %convert_element_type3A_75, %cond3A_76 : i32
    scf.if %cond3A_77 {
      "tpu.region"() ({
        %run_scoped3A = tpu.sem_alloc : memref<!tpu.dma_semaphore, #tpu.memory_space<semaphore_mem>>
        %dma_start3A = arith.constant 0 : i32
        %dma_start3A_86 = arith.constant 0 : i32
        %dma_start3A_87 = tpu.memref_slice %arg12[%dma_start3A, %dma_start3A_86] : memref<128x128xf32, #tpu.memory_space<vmem>> -> memref<16x128xf32, #tpu.memory_space<vmem>>
        %dma_start3A_88 = arith.constant 4992 : i32
        %dma_start3A_89 = arith.constant 0 : i32
        %dma_start3A_90 = tpu.memref_slice %arg16[%dma_start3A_88, %dma_start3A_89] : memref<5008x128xf32, #tpu.memory_space<vmem_shared>> -> memref<16x128xf32, #tpu.memory_space<vmem_shared>>
        %dma_start3A_91 = arith.constant 0 : i32
        %dma_start3A_92 = arith.constant 0 : i32
        %dma_start3A_93 = tpu.memref_slice %arg12[%dma_start3A_91, %dma_start3A_92] : memref<128x128xf32, #tpu.memory_space<vmem>> -> memref<16x128xf32, #tpu.memory_space<vmem>>
        %dma_start3A_94 = arith.constant 4992 : i32
        %dma_start3A_95 = arith.constant 0 : i32
        %dma_start3A_96 = tpu.memref_slice %arg16[%dma_start3A_94, %dma_start3A_95] : memref<5008x128xf32, #tpu.memory_space<vmem_shared>> -> memref<16x128xf32, #tpu.memory_space<vmem_shared>>
        tpu.enqueue_dma source(%dma_start3A_96 : memref<16x128xf32, #tpu.memory_space<vmem_shared>>) target(%dma_start3A_93 : memref<16x128xf32, #tpu.memory_space<vmem>>) target_semaphore(%run_scoped3A : memref<!tpu.dma_semaphore, #tpu.memory_space<semaphore_mem>>)
        %dma_wait3A = arith.constant 0 : i32
        %dma_wait3A_97 = arith.constant 0 : i32
        %dma_wait3A_98 = tpu.memref_slice %arg12[%dma_wait3A, %dma_wait3A_97] : memref<128x128xf32, #tpu.memory_space<vmem>> -> memref<16x128xf32, #tpu.memory_space<vmem>>
        %dma_wait3A_99 = arith.constant 4992 : i32
        %dma_wait3A_100 = arith.constant 0 : i32
        %dma_wait3A_101 = tpu.memref_slice %arg16[%dma_wait3A_99, %dma_wait3A_100] : memref<5008x128xf32, #tpu.memory_space<vmem_shared>> -> memref<16x128xf32, #tpu.memory_space<vmem_shared>>
        %dma_wait3A_102 = arith.constant 0 : i32
        %dma_wait3A_103 = arith.constant 0 : i32
        %dma_wait3A_104 = tpu.memref_slice %arg12[%dma_wait3A_102, %dma_wait3A_103] : memref<128x128xf32, #tpu.memory_space<vmem>> -> memref<16x128xf32, #tpu.memory_space<vmem>>
        %dma_wait3A_105 = arith.constant 4992 : i32
        %dma_wait3A_106 = arith.constant 0 : i32
        %dma_wait3A_107 = tpu.memref_slice %arg16[%dma_wait3A_105, %dma_wait3A_106] : memref<5008x128xf32, #tpu.memory_space<vmem_shared>> -> memref<16x128xf32, #tpu.memory_space<vmem_shared>>
        tpu.wait_dma2 semaphore(%run_scoped3A : memref<!tpu.dma_semaphore, #tpu.memory_space<semaphore_mem>>) src(%dma_wait3A_107 : memref<16x128xf32, #tpu.memory_space<vmem_shared>>) dst(%dma_wait3A_104 : memref<16x128xf32, #tpu.memory_space<vmem>>)
        tpu.yield
      }) : () -> ()
      %mul3A_78 = arith.constant 5008 : i32
      %mul3A_79 = arith.muli %arg0, %mul3A_78 : i32
      %add3A_80 = arith.constant 4992 : i32
      %add3A_81 = arith.addi %mul3A_79, %add3A_80 : i32
      "tpu.region"() ({
        %run_scoped3A = tpu.sem_alloc : memref<!tpu.dma_semaphore, #tpu.memory_space<semaphore_mem>>
        %dma_start3A = arith.constant 0 : i32
        %dma_start3A_86 = arith.constant 0 : i32
        %dma_start3A_87 = tpu.memref_slice %arg12[%dma_start3A, %dma_start3A_86] : memref<128x128xf32, #tpu.memory_space<vmem>> -> memref<16x128xf32, #tpu.memory_space<vmem>>
        %dma_start3A_88 = arith.constant 0 : i32
        %dma_start3A_89 = tpu.memref_slice %arg7[%add3A_81, %dma_start3A_88] : memref<10016x128xf32, #tpu.memory_space<hbm>> -> memref<16x128xf32, #tpu.memory_space<hbm>>
        %dma_start3A_90 = arith.constant 0 : i32
        %dma_start3A_91 = tpu.memref_slice %arg7[%add3A_81, %dma_start3A_90] : memref<10016x128xf32, #tpu.memory_space<hbm>> -> memref<16x128xf32, #tpu.memory_space<hbm>>
        %dma_start3A_92 = arith.constant 0 : i32
        %dma_start3A_93 = arith.constant 0 : i32
        %dma_start3A_94 = tpu.memref_slice %arg12[%dma_start3A_92, %dma_start3A_93] : memref<128x128xf32, #tpu.memory_space<vmem>> -> memref<16x128xf32, #tpu.memory_space<vmem>>
        tpu.enqueue_dma source(%dma_start3A_94 : memref<16x128xf32, #tpu.memory_space<vmem>>) target(%dma_start3A_91 : memref<16x128xf32, #tpu.memory_space<hbm>>) target_semaphore(%run_scoped3A : memref<!tpu.dma_semaphore, #tpu.memory_space<semaphore_mem>>)
        %dma_wait3A = arith.constant 0 : i32
        %dma_wait3A_95 = arith.constant 0 : i32
        %dma_wait3A_96 = tpu.memref_slice %arg12[%dma_wait3A, %dma_wait3A_95] : memref<128x128xf32, #tpu.memory_space<vmem>> -> memref<16x128xf32, #tpu.memory_space<vmem>>
        %dma_wait3A_97 = arith.constant 0 : i32
        %dma_wait3A_98 = tpu.memref_slice %arg7[%add3A_81, %dma_wait3A_97] : memref<10016x128xf32, #tpu.memory_space<hbm>> -> memref<16x128xf32, #tpu.memory_space<hbm>>
        %dma_wait3A_99 = arith.constant 0 : i32
        %dma_wait3A_100 = tpu.memref_slice %arg7[%add3A_81, %dma_wait3A_99] : memref<10016x128xf32, #tpu.memory_space<hbm>> -> memref<16x128xf32, #tpu.memory_space<hbm>>
        %dma_wait3A_101 = arith.constant 0 : i32
        %dma_wait3A_102 = arith.constant 0 : i32
        %dma_wait3A_103 = tpu.memref_slice %arg12[%dma_wait3A_101, %dma_wait3A_102] : memref<128x128xf32, #tpu.memory_space<vmem>> -> memref<16x128xf32, #tpu.memory_space<vmem>>
        tpu.wait_dma2 semaphore(%run_scoped3A : memref<!tpu.dma_semaphore, #tpu.memory_space<semaphore_mem>>) src(%dma_wait3A_103 : memref<16x128xf32, #tpu.memory_space<vmem>>) dst(%dma_wait3A_100 : memref<16x128xf32, #tpu.memory_space<hbm>>)
        tpu.yield
      }) : () -> ()
      "tpu.region"() ({
        %run_scoped3A = tpu.sem_alloc : memref<!tpu.dma_semaphore, #tpu.memory_space<semaphore_mem>>
        %dma_start3A = arith.constant 0 : i32
        %dma_start3A_86 = arith.constant 0 : i32
        %dma_start3A_87 = tpu.memref_slice %arg12[%dma_start3A, %dma_start3A_86] : memref<128x128xf32, #tpu.memory_space<vmem>> -> memref<16x128xf32, #tpu.memory_space<vmem>>
        %dma_start3A_88 = arith.constant 4992 : i32
        %dma_start3A_89 = arith.constant 0 : i32
        %dma_start3A_90 = tpu.memref_slice %arg17[%dma_start3A_88, %dma_start3A_89] : memref<5008x128xf32, #tpu.memory_space<vmem_shared>> -> memref<16x128xf32, #tpu.memory_space<vmem_shared>>
        %dma_start3A_91 = arith.constant 0 : i32
        %dma_start3A_92 = arith.constant 0 : i32
        %dma_start3A_93 = tpu.memref_slice %arg12[%dma_start3A_91, %dma_start3A_92] : memref<128x128xf32, #tpu.memory_space<vmem>> -> memref<16x128xf32, #tpu.memory_space<vmem>>
        %dma_start3A_94 = arith.constant 4992 : i32
        %dma_start3A_95 = arith.constant 0 : i32
        %dma_start3A_96 = tpu.memref_slice %arg17[%dma_start3A_94, %dma_start3A_95] : memref<5008x128xf32, #tpu.memory_space<vmem_shared>> -> memref<16x128xf32, #tpu.memory_space<vmem_shared>>
        tpu.enqueue_dma source(%dma_start3A_96 : memref<16x128xf32, #tpu.memory_space<vmem_shared>>) target(%dma_start3A_93 : memref<16x128xf32, #tpu.memory_space<vmem>>) target_semaphore(%run_scoped3A : memref<!tpu.dma_semaphore, #tpu.memory_space<semaphore_mem>>)
        %dma_wait3A = arith.constant 0 : i32
        %dma_wait3A_97 = arith.constant 0 : i32
        %dma_wait3A_98 = tpu.memref_slice %arg12[%dma_wait3A, %dma_wait3A_97] : memref<128x128xf32, #tpu.memory_space<vmem>> -> memref<16x128xf32, #tpu.memory_space<vmem>>
        %dma_wait3A_99 = arith.constant 4992 : i32
        %dma_wait3A_100 = arith.constant 0 : i32
        %dma_wait3A_101 = tpu.memref_slice %arg17[%dma_wait3A_99, %dma_wait3A_100] : memref<5008x128xf32, #tpu.memory_space<vmem_shared>> -> memref<16x128xf32, #tpu.memory_space<vmem_shared>>
        %dma_wait3A_102 = arith.constant 0 : i32
        %dma_wait3A_103 = arith.constant 0 : i32
        %dma_wait3A_104 = tpu.memref_slice %arg12[%dma_wait3A_102, %dma_wait3A_103] : memref<128x128xf32, #tpu.memory_space<vmem>> -> memref<16x128xf32, #tpu.memory_space<vmem>>
        %dma_wait3A_105 = arith.constant 4992 : i32
        %dma_wait3A_106 = arith.constant 0 : i32
        %dma_wait3A_107 = tpu.memref_slice %arg17[%dma_wait3A_105, %dma_wait3A_106] : memref<5008x128xf32, #tpu.memory_space<vmem_shared>> -> memref<16x128xf32, #tpu.memory_space<vmem_shared>>
        tpu.wait_dma2 semaphore(%run_scoped3A : memref<!tpu.dma_semaphore, #tpu.memory_space<semaphore_mem>>) src(%dma_wait3A_107 : memref<16x128xf32, #tpu.memory_space<vmem_shared>>) dst(%dma_wait3A_104 : memref<16x128xf32, #tpu.memory_space<vmem>>)
        tpu.yield
      }) : () -> ()
      %mul3A_82 = arith.constant 5008 : i32
      %mul3A_83 = arith.muli %arg0, %mul3A_82 : i32
      %add3A_84 = arith.constant 4992 : i32
      %add3A_85 = arith.addi %mul3A_83, %add3A_84 : i32
      "tpu.region"() ({
        %run_scoped3A = tpu.sem_alloc : memref<!tpu.dma_semaphore, #tpu.memory_space<semaphore_mem>>
        %dma_start3A = arith.constant 0 : i32
        %dma_start3A_86 = arith.constant 0 : i32
        %dma_start3A_87 = tpu.memref_slice %arg12[%dma_start3A, %dma_start3A_86] : memref<128x128xf32, #tpu.memory_space<vmem>> -> memref<16x128xf32, #tpu.memory_space<vmem>>
        %dma_start3A_88 = arith.constant 0 : i32
        %dma_start3A_89 = tpu.memref_slice %arg8[%add3A_85, %dma_start3A_88] : memref<10016x128xf32, #tpu.memory_space<hbm>> -> memref<16x128xf32, #tpu.memory_space<hbm>>
        %dma_start3A_90 = arith.constant 0 : i32
        %dma_start3A_91 = tpu.memref_slice %arg8[%add3A_85, %dma_start3A_90] : memref<10016x128xf32, #tpu.memory_space<hbm>> -> memref<16x128xf32, #tpu.memory_space<hbm>>
        %dma_start3A_92 = arith.constant 0 : i32
        %dma_start3A_93 = arith.constant 0 : i32
        %dma_start3A_94 = tpu.memref_slice %arg12[%dma_start3A_92, %dma_start3A_93] : memref<128x128xf32, #tpu.memory_space<vmem>> -> memref<16x128xf32, #tpu.memory_space<vmem>>
        tpu.enqueue_dma source(%dma_start3A_94 : memref<16x128xf32, #tpu.memory_space<vmem>>) target(%dma_start3A_91 : memref<16x128xf32, #tpu.memory_space<hbm>>) target_semaphore(%run_scoped3A : memref<!tpu.dma_semaphore, #tpu.memory_space<semaphore_mem>>)
        %dma_wait3A = arith.constant 0 : i32
        %dma_wait3A_95 = arith.constant 0 : i32
        %dma_wait3A_96 = tpu.memref_slice %arg12[%dma_wait3A, %dma_wait3A_95] : memref<128x128xf32, #tpu.memory_space<vmem>> -> memref<16x128xf32, #tpu.memory_space<vmem>>
        %dma_wait3A_97 = arith.constant 0 : i32
        %dma_wait3A_98 = tpu.memref_slice %arg8[%add3A_85, %dma_wait3A_97] : memref<10016x128xf32, #tpu.memory_space<hbm>> -> memref<16x128xf32, #tpu.memory_space<hbm>>
        %dma_wait3A_99 = arith.constant 0 : i32
        %dma_wait3A_100 = tpu.memref_slice %arg8[%add3A_85, %dma_wait3A_99] : memref<10016x128xf32, #tpu.memory_space<hbm>> -> memref<16x128xf32, #tpu.memory_space<hbm>>
        %dma_wait3A_101 = arith.constant 0 : i32
        %dma_wait3A_102 = arith.constant 0 : i32
        %dma_wait3A_103 = tpu.memref_slice %arg12[%dma_wait3A_101, %dma_wait3A_102] : memref<128x128xf32, #tpu.memory_space<vmem>> -> memref<16x128xf32, #tpu.memory_space<vmem>>
        tpu.wait_dma2 semaphore(%run_scoped3A : memref<!tpu.dma_semaphore, #tpu.memory_space<semaphore_mem>>) src(%dma_wait3A_103 : memref<16x128xf32, #tpu.memory_space<vmem>>) dst(%dma_wait3A_100 : memref<16x128xf32, #tpu.memory_space<hbm>>)
        tpu.yield
      }) : () -> ()
    } else {
    }
    return
  }
}

module attributes {stable_mosaic.version = 14 : i64} {
  func.func @_tc_passive_body(%arg0: i32, %arg1: memref<1000x128xf32, #tpu.memory_space<vmem>>, %arg2: memref<128x128xf32, #tpu.memory_space<vmem>>, %arg3: memref<1000x128xf32, #tpu.memory_space<vmem>>) attributes {dimension_semantics = [#tpu.dimension_semantics<arbitrary>], iteration_bounds = array<i64: 5>, scalar_prefetch = 0 : i64, scratch_operands = 0 : i64, tpu.core_type = #tpu.core_type<tc>, window_params = [{transform_indices = @transform_0, window_bounds = array<i64: 1000, 128>}, {pipeline_mode = #tpu.pipeline_mode<synchronous>, transform_indices = @transform_1, window_bounds = array<i64: 128, 128>}, {transform_indices = @transform_2, window_bounds = array<i64: 1000, 128>}]} {
    %get3A = arith.constant 0 : index
    %get3A_0 = arith.constant 0 : index
    %get3A_1 = vector.load %arg1[%get3A, %get3A_0] : memref<1000x128xf32, #tpu.memory_space<vmem>>, vector<1000x128xf32>
    %get3A_2 = arith.constant 0 : index
    %get3A_3 = arith.constant 0 : index
    %get3A_4 = vector.load %arg2[%get3A_2, %get3A_3] : memref<128x128xf32, #tpu.memory_space<vmem>>, vector<128x128xf32>
    %dot_general3A = arith.constant dense<0.000000e+00> : vector<1000x128xf32>
    %dot_general3A_5 = tpu.matmul %get3A_1, %get3A_4, %dot_general3A {dimension_numbers = #tpu.dot_dimension_numbers<[1], [0], [0], [1], [0, 0, 1, 1], [], []>, transpose_lhs_hint = false} : vector<1000x128xf32>, vector<128x128xf32>, vector<1000x128xf32> -> vector<1000x128xf32>
    %max3A = arith.constant 0.000000e+00 : f32
    %max3A_6 = vector.broadcast %max3A : f32 to vector<1000x128xf32>
    %max3A_7 = arith.maximumf %dot_general3A_5, %max3A_6 : vector<1000x128xf32>
    %swap3A = arith.constant 0 : index
    %swap3A_8 = arith.constant 0 : index
    %swap3A_9 = vector.load %arg3[%swap3A, %swap3A_8] : memref<1000x128xf32, #tpu.memory_space<vmem>>, vector<1000x128xf32>
    tpu.vector_store %arg3[%swap3A, %swap3A_8], %max3A_7 {strides = array<i32>} : memref<1000x128xf32, #tpu.memory_space<vmem>>, vector<1000x128xf32>,
    return
  }
  func.func @transform_0(%arg0: i32) -> (i32, i32) {
    %c0_i32 = arith.constant 0 : i32
    %c0_i32_0 = arith.constant 0 : i32
    return %arg0, %c0_i32 : i32, i32
  }
  func.func @transform_1(%arg0: i32) -> (i32, i32) {
    %c0_i32 = arith.constant 0 : i32
    %c0_i32_0 = arith.constant 0 : i32
    %c0_i32_1 = arith.constant 0 : i32
    return %c0_i32, %c0_i32_0 : i32, i32
  }
  func.func @transform_2(%arg0: i32) -> (i32, i32) {
    %c0_i32 = arith.constant 0 : i32
    %c0_i32_0 = arith.constant 0 : i32
    return %arg0, %c0_i32 : i32, i32
  }
}

module attributes {stable_mosaic.version = 14 : i64} {
  func.func @_tc_active_body(%arg0: i32, %arg1: memref<1000x128xf32, #tpu.memory_space<vmem>>, %arg2: memref<2x1000x128xf32, #tpu.memory_space<vmem>>, %arg3: memref<2x1000x16xf32, #tpu.memory_space<vmem>>, %arg4: memref<128x128xf32, #tpu.memory_space<vmem>>, %arg5: memref<128x128xf32, #tpu.memory_space<vmem>>, %arg6: memref<16x128xf32, #tpu.memory_space<vmem>>, %arg7: memref<1000x128xf32, #tpu.memory_space<vmem>>) attributes {dimension_semantics = [#tpu.dimension_semantics<arbitrary>], iteration_bounds = array<i64: 5>, scalar_prefetch = 0 : i64, scratch_operands = 0 : i64, tpu.core_type = #tpu.core_type<tc>, window_params = [{transform_indices = @transform_0, window_bounds = array<i64: 1000, 128>}, {transform_indices = @transform_1, window_bounds = array<i64: 2, 1000, 128>}, {transform_indices = @transform_2, window_bounds = array<i64: 2, 1000, 16>}, {pipeline_mode = #tpu.pipeline_mode<synchronous>, transform_indices = @transform_3, window_bounds = array<i64: 128, 128>}, {pipeline_mode = #tpu.pipeline_mode<synchronous>, transform_indices = @transform_4, window_bounds = array<i64: 128, 128>}, {pipeline_mode = #tpu.pipeline_mode<synchronous>, transform_indices = @transform_5, window_bounds = array<i64: 16, 128>}, {transform_indices = @transform_6, window_bounds = array<i64: 1000, 128>}]} {
    %get3A = arith.constant 0 : index
    %get3A_0 = arith.constant 0 : index
    %get3A_1 = arith.constant 0 : index
    %get3A_2 = vector.load %arg2[%get3A, %get3A_0, %get3A_1] : memref<2x1000x128xf32, #tpu.memory_space<vmem>>, vector<1x1000x128xf32>
    %get3A_3 = vector.shape_cast %get3A_2 : vector<1x1000x128xf32> to vector<1000x128xf32>
    %get3A_4 = arith.constant 1 : index
    %get3A_5 = arith.constant 0 : index
    %get3A_6 = arith.constant 0 : index
    %get3A_7 = vector.load %arg2[%get3A_4, %get3A_5, %get3A_6] : memref<2x1000x128xf32, #tpu.memory_space<vmem>>, vector<1x1000x128xf32>
    %get3A_8 = vector.shape_cast %get3A_7 : vector<1x1000x128xf32> to vector<1000x128xf32>
    %add3A = arith.addf %get3A_3, %get3A_8 : vector<1000x128xf32>
    %get3A_9 = arith.constant 0 : index
    %get3A_10 = arith.constant 0 : index
    %get3A_11 = arith.constant 0 : index
    %get3A_12 = vector.load %arg3[%get3A_9, %get3A_10, %get3A_11] : memref<2x1000x16xf32, #tpu.memory_space<vmem>>, vector<1x1000x16xf32>
    %get3A_13 = vector.shape_cast %get3A_12 : vector<1x1000x16xf32> to vector<1000x16xf32>
    %get3A_14 = arith.constant 1 : index
    %get3A_15 = arith.constant 0 : index
    %get3A_16 = arith.constant 0 : index
    %get3A_17 = vector.load %arg3[%get3A_14, %get3A_15, %get3A_16] : memref<2x1000x16xf32, #tpu.memory_space<vmem>>, vector<1x1000x16xf32>
    %get3A_18 = vector.shape_cast %get3A_17 : vector<1x1000x16xf32> to vector<1000x16xf32>
    %add3A_19 = arith.addf %get3A_13, %get3A_18 : vector<1000x16xf32>
    %get3A_20 = arith.constant 0 : index
    %get3A_21 = arith.constant 0 : index
    %get3A_22 = vector.load %arg1[%get3A_20, %get3A_21] : memref<1000x128xf32, #tpu.memory_space<vmem>>, vector<1000x128xf32>
    %get3A_23 = arith.constant 0 : index
    %get3A_24 = arith.constant 0 : index
    %get3A_25 = vector.load %arg4[%get3A_23, %get3A_24] : memref<128x128xf32, #tpu.memory_space<vmem>>, vector<128x128xf32>
    %dot_general3A = arith.constant dense<0.000000e+00> : vector<1000x128xf32>
    %dot_general3A_26 = tpu.matmul %get3A_22, %get3A_25, %dot_general3A {dimension_numbers = #tpu.dot_dimension_numbers<[1], [0], [0], [1], [0, 0, 1, 1], [], []>, transpose_lhs_hint = false} : vector<1000x128xf32>, vector<128x128xf32>, vector<1000x128xf32> -> vector<1000x128xf32>
    %get3A_27 = arith.constant 0 : index
    %get3A_28 = arith.constant 0 : index
    %get3A_29 = vector.load %arg5[%get3A_27, %get3A_28] : memref<128x128xf32, #tpu.memory_space<vmem>>, vector<128x128xf32>
    %dot_general3A_30 = arith.constant dense<0.000000e+00> : vector<1000x128xf32>
    %dot_general3A_31 = tpu.matmul %add3A, %get3A_29, %dot_general3A_30 {dimension_numbers = #tpu.dot_dimension_numbers<[1], [0], [0], [1], [0, 0, 1, 1], [], []>, transpose_lhs_hint = false} : vector<1000x128xf32>, vector<128x128xf32>, vector<1000x128xf32> -> vector<1000x128xf32>
    %add3A_32 = arith.addf %dot_general3A_26, %dot_general3A_31 : vector<1000x128xf32>
    %get3A_33 = arith.constant 0 : index
    %get3A_34 = arith.constant 0 : index
    %get3A_35 = vector.load %arg6[%get3A_33, %get3A_34] : memref<16x128xf32, #tpu.memory_space<vmem>>, vector<16x128xf32>
    %dot_general3A_36 = arith.constant dense<0.000000e+00> : vector<1000x128xf32>
    %dot_general3A_37 = tpu.matmul %add3A_19, %get3A_35, %dot_general3A_36 {dimension_numbers = #tpu.dot_dimension_numbers<[1], [0], [0], [1], [0, 0, 1, 1], [], []>, transpose_lhs_hint = false} : vector<1000x16xf32>, vector<16x128xf32>, vector<1000x128xf32> -> vector<1000x128xf32>
    %add3A_38 = arith.addf %add3A_32, %dot_general3A_37 : vector<1000x128xf32>
    %max3A = arith.constant 0.000000e+00 : f32
    %max3A_39 = vector.broadcast %max3A : f32 to vector<1000x128xf32>
    %max3A_40 = arith.maximumf %add3A_38, %max3A_39 : vector<1000x128xf32>
    %swap3A = arith.constant 0 : index
    %swap3A_41 = arith.constant 0 : index
    %swap3A_42 = vector.load %arg7[%swap3A, %swap3A_41] : memref<1000x128xf32, #tpu.memory_space<vmem>>, vector<1000x128xf32>
    tpu.vector_store %arg7[%swap3A, %swap3A_41], %max3A_40 {strides = array<i32>} : memref<1000x128xf32, #tpu.memory_space<vmem>>, vector<1000x128xf32>,
    return
  }
  func.func @transform_0(%arg0: i32) -> (i32, i32) {
    %c0_i32 = arith.constant 0 : i32
    %c0_i32_0 = arith.constant 0 : i32
    return %arg0, %c0_i32 : i32, i32
  }
  func.func @transform_1(%arg0: i32) -> (i32, i32, i32) {
    %c0_i32 = arith.constant 0 : i32
    %c0_i32_0 = arith.constant 0 : i32
    %c0_i32_1 = arith.constant 0 : i32
    return %c0_i32, %arg0, %c0_i32_0 : i32, i32, i32
  }
  func.func @transform_2(%arg0: i32) -> (i32, i32, i32) {
    %c0_i32 = arith.constant 0 : i32
    %c0_i32_0 = arith.constant 0 : i32
    %c0_i32_1 = arith.constant 0 : i32
    return %c0_i32, %arg0, %c0_i32_0 : i32, i32, i32
  }
  func.func @transform_3(%arg0: i32) -> (i32, i32) {
    %c0_i32 = arith.constant 0 : i32
    %c0_i32_0 = arith.constant 0 : i32
    %c0_i32_1 = arith.constant 0 : i32
    return %c0_i32, %c0_i32_0 : i32, i32
  }
  func.func @transform_4(%arg0: i32) -> (i32, i32) {
    %c0_i32 = arith.constant 0 : i32
    %c0_i32_0 = arith.constant 0 : i32
    %c0_i32_1 = arith.constant 0 : i32
    return %c0_i32, %c0_i32_0 : i32, i32
  }
  func.func @transform_5(%arg0: i32) -> (i32, i32) {
    %c0_i32 = arith.constant 0 : i32
    %c0_i32_0 = arith.constant 0 : i32
    %c0_i32_1 = arith.constant 0 : i32
    return %c0_i32, %c0_i32_0 : i32, i32
  }
  func.func @transform_6(%arg0: i32) -> (i32, i32) {
    %c0_i32 = arith.constant 0 : i32
    %c0_i32_0 = arith.constant 0 : i32
    return %arg0, %c0_i32 : i32, i32
  }
}

</mosaic_0001>

<sc_bundles>
// kernel: kernel.11.cloned.1.call-start
scs
__scs_entry_jumppad:
0x0: {  	(pc) =	sbr.rel $0x88, $3  }
0x1: {  	(tag) =	ssettag $0x0;
	lr =	simm.s32 $0x1  }
0x2: {  	[smem:$0x3F98] =	sst lr;
	_ =	strace $0xD0000000  }
0x3: {  	_ = 	snop  }
0x4: {  	_ = 	snop  }
0x5: {  	_ = 	snop  }
0x6: {  	_ = 	snop  }
0x7: {  	_ = 	snop  }
__scs_overlays_trampoline_lowered:
0x8: {  	[smem:$0x3FA7] =	sst s0  }
0x9: {  	[smem:$0x3FA8] =	sst s1  }
0xa: {  	[smem:$0x3FA9] =	sst s2  }
0xb: {  	[smem:$0x3FAA] =	sst s3  }
0xc: {  	[smem:$0x3FAB] =	sst s4  }
0xd: {  	[smem:$0x3FAC] =	sst s5  }
0xe: {  	[smem:$0x3FAD] =	sst s6  }
0xf: {  	[smem:$0x3FAE] =	sst s7  }
0x10: {  	[smem:$0x3FAF] =	sst s8  }
0x11: {  	[smem:$0x3FB0] =	sst s9;
	s0 =	simm.s32 @!p0 $0x0  }
0x12: {  	s1 =	sld [smem:$0x3F96];
	s0 =	simm.s32 @p0 $0x1  }
0x13: {  	[smem:$0x3FB1] =	sst s0;
	s0 =	simm.s32 @!p1 $0x0  }
0x14: {  	s2 =	sld [smem:$0x3F95];
	s0 =	simm.s32 @p1 $0x1  }
0x15: {  	[smem:$0x3FB2] =	sst s0;
	s0 =	simm.s32 @!p2 $0x0  }
0x16: {  	s3 =	sld [smem:$0x3FDB];
	s0 =	simm.s32 @p2 $0x1  }
0x17: {  	s4 =	simm.s32 $0x1BF5;
	[smem:$0x3FB4] =	sst s0  }
0x18: {  	s0 =	sld [smem:$0x3F97];
	_ =	swait.ge [sflag:s4], $0x0  }
0x19: {  	s7 =	sld [smem:$0x3F98]  }
0x1a: {  	s8 =	sadd.s32 $0xFFFFE003, lr  }
0x1b: {  	s9 =	sadd.s32 $0xFFFFFEF7, lr;
	s5 =	simm.s32 $0xFFFFFFFF;
	p2 =	slt.u32 s8, $0xFFFFF086  }
0x1c: {  	p1 =	slt.u32 s9, $0xF7A;
	s5 =	simm.s32 @!p2 $0x0  }
0x1d: {  	s5 =	simm.s32 @p1 $0x1;
	p0 =	seq.s32 s7, s2  }
0x1e: {  	s7 =	smul.u32 @!p0 $0xF7A, s2;
	p2 =	seq.s32 @!p0 s5, $0x0  }
0x1f: {  	s9 =	smul.u32 $0xF7A, s1;
	s8 =	simm.s32 @!p0 $0x1BF5;
	p2 =	por !p2, p0  }
0x20: {  	[sflag:s8] =	ssyncset.s32 @!p0 $0xFFFFF086;
	s6 =	sadd.s32 @!p0 s3, s7;
	s7 =	simm.s32 @!p0 $0x108  }
0x21: {  	s3 =	sadd.s32 s3, s9;
	s6 =	sadd.s32 @!p0 $0x88, s6;
	s7 =	simm.s32 @p2 $0x1082  }
0x22: {  	[simem:s7], [sflag:s8] =	dma.local @!p0 [hbm:s6], $0xF7A  }
0x23: {  	s9 =	sor.u32 $0xD0000000, s2;
	s6 =	simm.s32 $0x108;
	_ =	swait.ge @!p0 [sflag:s8], $0x0  }
0x24: {  	s3 =	sadd.s32 $0x88, s3;
	s6 =	simm.s32 @!p1 $0x1082;
	[sflag:s4] =	ssyncset.s32 $0xFFFFF086  }
0x25: {  	[simem:s6], [sflag:s4] =	dma.local [hbm:s3], $0xF7A  }
0x26: {  	[smem:$0x3F98] =	sst s1;
	(tag) =	ssettag s2;
	_ =	strace s9  }
0x27: {  	s1 =	sld [smem:$0x3FA8]  }
0x28: {  	s2 =	sld [smem:$0x3FA9]  }
0x29: {  	s4 =	sld [smem:$0x3FAB]  }
0x2a: {  	p0 =	seq.s32 s5, $0x0;
	s5 =	sld [smem:$0x3FAC]  }
0x2b: {  	s6 =	sld [smem:$0x3FAD]  }
0x2c: {  	s7 =	sld [smem:$0x3FAE]  }
0x2d: {  	s3 =	simm.s32 $0x108;
	s8 =	sld [smem:$0x3FAF]  }
0x2e: {  	s3 =	simm.s32 @!p0 $0x1082;
	s9 =	sld [smem:$0x3FB0]  }
0x2f: {  	lr =	sadd.s32 s0, s3;
	s0 =	sld [smem:$0x3FA7]  }
0x30: {  	s3 =	sld [smem:$0x3FAA]  }
0x31: {  	[smem:$0x3FB3] =	sst s10  }
0x32: {  	s10 =	sld [smem:$0x3FB1];
	_ =	sdelay $0x3  }
0x33: {  	p0 =	seq.s32 s10, $0x1;
	s10 =	sld [smem:$0x3FB3];
	_ =	sdelay $0x3  }
0x34: {  	[smem:$0x3FB3] =	sst s10  }
0x35: {  	s10 =	sld [smem:$0x3FB2];
	_ =	sdelay $0x3  }
0x36: {  	p1 =	seq.s32 s10, $0x1;
	s10 =	sld [smem:$0x3FB3];
	_ =	sdelay $0x3  }
0x37: {  	[smem:$0x3FB3] =	sst s10  }
0x38: {  	s10 =	sld [smem:$0x3FB4]  }
0x39: {  	_ = 	snop;
	(pc) =	sbr.ind lr, $3  }
0x3a: {  	_ = 	snop  }
0x3b: {  	_ = 	snop  }
0x3c: {  	p2 =	seq.s32 s10, $0x1;
	s10 =	sld [smem:$0x3FB3]  }
0x3d: {  	_ =	shalt  }
0x3e: {  	_ =	shalt  }
0x3f: {  	_ =	shalt  }
0x40: {  	_ =	shalt  }
0x41: {  	_ =	shalt  }
0x42: {  	_ =	shalt  }
0x43: {  	_ =	shalt  }
0x44: {  	_ =	shalt  }
0x45: {  	_ =	shalt  }
0x46: {  	_ =	shalt  }
0x47: {  	_ =	shalt  }
0x48: {  	_ =	shalt  }
0x49: {  	_ =	shalt  }
0x4a: {  	_ =	shalt  }
0x4b: {  	_ =	shalt  }
0x4c: {  	_ =	shalt  }
0x4d: {  	_ =	shalt  }
0x4e: {  	_ =	shalt  }
0x4f: {  	_ =	shalt  }
0x50: {  	_ =	shalt  }
0x51: {  	_ =	shalt  }
0x52: {  	_ =	shalt  }
0x53: {  	_ =	shalt  }
0x54: {  	_ =	shalt  }
0x55: {  	_ =	shalt  }
0x56: {  	_ =	shalt  }
0x57: {  	_ =	shalt  }
0x58: {  	_ =	shalt  }
0x59: {  	_ =	shalt  }
0x5a: {  	_ =	shalt  }
0x5b: {  	_ =	shalt  }
0x5c: {  	_ =	shalt  }
0x5d: {  	_ =	shalt  }
0x5e: {  	_ =	shalt  }
0x5f: {  	_ =	shalt  }
0x60: {  	_ =	shalt  }
0x61: {  	_ =	shalt  }
0x62: {  	_ =	shalt  }
0x63: {  	_ =	shalt  }
0x64: {  	_ =	shalt  }
0x65: {  	_ =	shalt  }
0x66: {  	_ =	shalt  }
0x67: {  	_ =	shalt  }
0x68: {  	_ =	shalt  }
0x69: {  	_ =	shalt  }
0x6a: {  	_ =	shalt  }
0x6b: {  	_ =	shalt  }
0x6c: {  	_ =	shalt  }
0x6d: {  	_ =	shalt  }
0x6e: {  	_ =	shalt  }
0x6f: {  	_ =	shalt  }
0x70: {  	_ =	shalt  }
0x71: {  	_ =	shalt  }
0x72: {  	_ =	shalt  }
0x73: {  	_ =	shalt  }
0x74: {  	_ =	shalt  }
0x75: {  	_ =	shalt  }
0x76: {  	_ =	shalt  }
0x77: {  	_ =	shalt  }
0x78: {  	_ =	shalt  }
0x79: {  	_ =	shalt  }
0x7a: {  	_ =	shalt  }
0x7b: {  	_ =	shalt  }
0x7c: {  	_ =	shalt  }
0x7d: {  	_ =	shalt  }
0x7e: {  	_ =	shalt  }
0x7f: {  	_ =	shalt  }
0x80: {  	_ =	shalt  }
0x81: {  	_ =	shalt  }
0x82: {  	_ =	shalt  }
0x83: {  	_ =	shalt  }
0x84: {  	_ =	shalt  }
0x85: {  	_ =	shalt  }
0x86: {  	_ =	shalt  }
0x87: {  	_ =	shalt  }
.Lfunc_end0:
.L_simem_size_0:
called_computation.1_lowered:
.L_overlay_start_0:
0x88: {  	s2 =	sld [smem:$0x3FD9]  }
0x89: {  	s3 =	sld [smem:$0x3FFE];
	_ =	sdelay $0x1  }
0x8a: {  	s1 =	srdreg.scid  }
0x8b: {  	s0 =	sand.u32 $0x1, s1  }
0x8c: {  	s17 =	sshll.u32 s0, $0xA;
	s2 =	sadd.s32 s3, s2  }
0x8d: {  	s2 =	sadd.s32 s2, s17  }
0x8e: {  	[smem:$0x3FBF] =	sst s2  }
0x8f: {  	_ = 	snop  }
0x90: {  	s2 =	sld [smem:$0x3FD0];
	(tm) =	ssettm $0x1  }
0x91: {  	s18 =	sld [smem:$0x3FFB];
	_ =	sdelay $0x3  }
0x92: {  	_ =	strace s18  }
0x93: {  	s3 =	sld [smem:$0x3FFC];
	_ =	sdelay $0x3  }
0x94: {  	_ =	strace s3  }
0x95: {  	s3 =	sld [smem:$0x3FFD];
	_ =	sdelay $0x3  }
0x96: {  	_ =	strace s3  }
0x97: {  	_ =	strace $0x8FFFFFFF  }
0x98: {  	s19 =	sld [smem:$0x3FDB];
	_ =	sdelay $0x1  }
0x99: {  	s4 =	simm.s32 $_scs_section_size  }
0x9a: {  	s5 =	simm.s32 $_size__tile_overlayer_lowered;
	s6 =	simm.s32 $_tile_overlayer_lowered  }
0x9b: {  	s22 =	simm.s32 $0x1BFF;
	s21 =	sshll.u32 s6, $0x1;
	s3 =	sadd.s32 s4, s19  }
0x9c: {  	s7 =	simm.s32 $0x0;
	s20 =	sshll.u32 s5, $0x1;
	s5 =	sadd.s32 s21, s3  }
0x9d: {  	[timem:s7], [sflag:s22] =	dma.local [hbm:s5], s20  }
0x9e: {  	_ =	swait.ge [sflag:s22], s20  }
0x9f: {  	s4 =	ssub.s32 $0x0, s20;
	[sflag:s22] =	ssyncset.done $0x0  }
0xa0: {  	[sflag:s22] =	ssyncadd.s32 s4;
	_ =	sdelay $0x1  }
0xa1: {  	s23 =	simm.s32 $0x1B8B  }
0xa2: {  	_ =	swait.ge [sflag:s23], $0x1  }
0xa3: {  	[sflag:s23] =	ssyncset.done $0x0  }
0xa4: {  	s25 =	simm.s32 $0x1B8E;
	s24 =	sld [smem:$0x3FFE];
	[sflag:s23] =	ssyncadd.s32 $0xFFFFFFFF  }
0xa5: {  	s26 =	simm.s32 $execute0_lowered;
	[smem:$0x3FD2] =	sst s25  }
0xa6: {  	s5 =	sshll.u32 s26, $0x1;
	_ =	strace $0x80000049;
	[dreg:$0x1] =	wrdreg $0xFFFFFFFF  }
0xa7: {  	s28 =	simm.s32 $_size_execute0_lowered;
	s3 =	sadd.s32 s3, s5;
	[dreg:$0x0] =	wrdreg $0x0  }
0xa8: {  	s5 =	sshll.u32 s28, $0x1;
	[dreg:$0x2] =	wrdreg s3  }
0xa9: {  	[dreg:$0x3] =	wrdreg s5  }
0xaa: {  	[dreg:$0x4] =	wrdreg $0xC0  }
0xab: {  	_ =	task [dreg:s7], $0x5FFFF  }
0xac: {  	[dreg:$0x1] =	wrdreg $0xFFFFFFFF  }
0xad: {  	[dreg:$0x0] =	wrdreg $0x60  }
0xae: {  	[dreg:$0x2] =	wrdreg s2  }
0xaf: {  	[dreg:$0x3] =	wrdreg s24  }
0xb0: {  	[dreg:$0x4] =	wrdreg $0x84000  }
0xb1: {  	[dreg:$0x5] =	wrdreg $0x120800  }
0xb2: {  	[dreg:$0x6] =	wrdreg $0x9  }
0xb3: {  	_ =	task.clear_ibuf [dreg:s7], $0x7FFFF;
	_ =	strace $0x90000049  }
0xb4: {  	s29 =	simm.s32 $0x9;
	_ =	strace $0x8000004B  }
0xb5: {  	_ =	swait.ge [sflag:s29], $0x1  }
0xb6: {  	[sflag:s29] =	ssyncadd.s32 $0xFFFFFFFF  }
0xb7: {  	_ =	strace $0x9000004B  }
0xb8: {  	_ =	sfence  }
0xb9: {  	s30 =	sld [smem:$0x0];
	_ =	sdelay $0x2  }
0xba: {  	s31 =	sshll.u32 s1, $0xD;
	s1 =	sshrl.u32 s1, $0x2  }
0xbb: {  	s3 =	sand.u32 $0x4000, s31;
	s1 =	sadd.s32 s1, s30  }
0xbc: {  	s0 =	sor.u32 s3, s0;
	s1 =	sshll.u32 s1, $0x11  }
0xbd: {  	s0 =	sor.u32 s1, s0  }
0xbe: {  	s0 =	sadd.s32 $0x8F2B, s0  }
0xbf: {  	[sflag:s0] =	ssyncadd.remote.s32 $0x1  }
0xc0: {  	_ =	sfence.sel $0xFFFF  }
0xc1: {  	[dreg:$0x0] =	wrdreg $0xFFFFFFFF;
	(pc) =	sbr.abs _section_cstart, $3  }
0xc2: {  	[dreg:$0x1] =	wrdreg $0xFFFFFFFF  }
0xc3: {  	_ =	task.clear_ibuf [dreg:s7], $0x2FFFF;
	_ =	strace $0x9FFFFFFF  }
0xc4: {  	(tm) =	ssettm $0x7FFFFFFF  }
0xc5: {  	_ =	shalt  }
tec
execute0_lowered:
.L_overlay_start_1:
0x0: {  	(tag) =	ssettag $0x1  }
0x1: {  	s1 =	rddreg [dreg:$0x0]  }
0x2: {  	s0 =	rddreg [dreg:$0x1]  }
0x3: {  	s2 =	rddreg [dreg:$0x2]  }
0x4: {  	s6 =	rddreg [dreg:$0x3];
	s3 =	simm.s32 $0x0;
	s4 =	srdreg.scid  }
0x5: {  	s15 =	stileid.u32;
	[smem:$0x7FF] =	sst s3  }
0x6: {  	s7 =	sand.u32 $0x1, s4;
	s8 =	smul.u32 $0x138, s15;
	s4 =	sadd.s32 $0xCA00, s0  }
0x7: {  	s5 =	sadd.s32 $0x2A00, s0;
	s10 =	sadd.s32 $0xC0A00, s0;
	s19 =	smul.u32 $0xA00, s15  }
0x8: {  	s11 =	sadd.s32 $0xC1200, s0;
	s0 =	sadd.s32 $0xE8400, s0;
	s9 =	smul.u32 $0x1390, s7  }
0x9: {  	_ =	strace $0x8000004A;
	[dreg:$0x5] =	wrdreg s10;
	s10 =	smul.u32 $0x9C00, s15  }
0xa: {  	s30 =	sadd.s32 $0x9C000, s6;
	p0 =	sne.s32 s15, $0xF;
	s14 =	smul.u32 $0x9C800, s7  }
0xb: {  	s21 =	ssub.s32 $0x2, s7;
	s7 =	smul.u32 $0x500, s7;
	s15 =	simm.s32 $0x0  }
0xc: {  	[dreg:$0x15] =	wrdreg s30;
	s12 =	sshrl.u32 s21, $0x1;
	s8 =	sadd.s32 s8, s9  }
0xd: {  	s9 =	ssub.s32 s21, s12;
	s18 =	sshrl.u32 s14, $0x3;
	s19 =	sadd.s32 s7, s19  }
0xe: {  	s7 =	simm.s32 $0x3;
	s14 =	simm.s32 $0x180;
	s8 =	sshll.u32 s8, $0x4  }
0xf: {  	s22 =	sadd.s32 s11, s8;
	s23 =	sadd.s32 $0x400, s8;
	s13 =	sadd.s32 s0, s8  }
0x10: {  	s25 =	sadd.s32 $0x800, s8;
	s26 =	sadd.s32 $0xC00, s8;
	[dreg:$0x6] =	wrdreg s22  }
0x11: {  	s8 =	sadd.s32 $0x1000, s8;
	[dreg:$0x7] =	wrdreg s13;
	s24 =	sadd.s32 s11, s23  }
0x12: {  	s12 =	sadd.s32 s0, s23;
	s16 =	sadd.s32 s11, s25;
	[dreg:$0x8] =	wrdreg s24  }
0x13: {  	s17 =	sadd.s32 s0, s26;
	s20 =	sadd.s32 s11, s8;
	[dreg:$0x9] =	wrdreg s12  }
0x14: {  	s8 =	sadd.s32 s0, s8;
	s22 =	sadd.s32 $0x2000, s10;
	[dreg:$0xa] =	wrdreg s16  }
0x15: {  	s23 =	sadd.s32 $0x4000, s10;
	s13 =	simm.s32 $0x2;
	[dreg:$0xd] =	wrdreg s17  }
0x16: {  	s12 =	sadd.s32 s0, s25;
	s16 =	sadd.s32 s11, s26;
	[dreg:$0xe] =	wrdreg s20  }
0x17: {  	[dreg:$0xf] =	wrdreg s8;
	s20 =	sadd.s32 s22, s2;
	s17 =	sadd.s32 s23, s2  }
0x18: {  	s24 =	sadd.s32 $0x6000, s10;
	s25 =	sadd.s32 $0x8000, s10;
	s26 =	smax.u32 s9, $0x1  }
0x19: {  	s8 =	simm.s32 $0x200;
	s9 =	simm.s32 $0x80;
	[dreg:$0xb] =	wrdreg s12  }
0x1a: {  	[dreg:$0xc] =	wrdreg s16;
	s12 =	sadd.s32 $0x13800, s18;
	s16 =	sadd.s32 s22, s6  }
0x1b: {  	s18 =	sadd.s32 s23, s6;
	s29 =	sadd.s32 s24, s6;
	[dreg:$0x17] =	wrdreg s26  }
0x1c: {  	s22 =	sadd.s32 s10, s6;
	s28 =	sadd.s32 s24, s2;
	[dreg:$0x14] =	wrdreg s29  }
0x1d: {  	s31 =	sadd.s32 s25, s2;
	s21 =	sadd.s32 s11, s12;
	[dreg:$0x16] =	wrdreg s28  }
0x1e: {  	s0 =	sadd.s32 s0, s12;
	s11 =	simm.s32 $0x1;
	[dreg:$0x10] =	wrdreg s21  }
0x1f: {  	s12 =	simm.s32 $0x100;
	[dreg:$0x11] =	wrdreg s0;
	s0 =	sadd.s32 s25, s6  }
0x20: {  	s21 =	sadd.s32 s10, s2;
	s25 =	sadd.s32 $0x9C000, s2;
	[dreg:$0x12] =	wrdreg s0  }
0x21: {  	s6 =	simm.s32 $0x400;
	s10 =	simm.s32 $0x4400;
	[dreg:$0x13] =	wrdreg s25  }
.LBB2_1:
0x22: {  	s2 =	rddreg [dreg:$0x5]  }
0x23: {  	[tilespmem:s6], [sflag:$0x3] =	stream.linear.gather [hbm4b:s2+s3], $0x2000, $0x38;
	[tilespmem:$0x1BD00] =	vst v63  }
0x24: {  	_ =	swait.ge [sflag:s7], $0x2000  }
0x25: {  	[sflag:s7] =	ssyncset.done $0x0  }
0x26: {  	[sflag:s7] =	ssyncadd.s32 $0xFFFFE000  }
0x27: {  	[spmem:s21] =	stream.linear.scatter [tilespmem:s6], [sflag:$0x3], $0x2000, $0x38;
	[tilespmem:$0x1BD00] =	vst v63  }
0x28: {  	_ =	swait.ge [sflag:s7], $0x2000  }
0x29: {  	[sflag:s7] =	ssyncset.done $0x0  }
0x2a: {  	[sflag:s7] =	ssyncadd.s32 $0xFFFFE000  }
0x2b: {  	[spmem:s22] =	stream.linear.scatter [tilespmem:s6], [sflag:$0x3], $0x2000, $0x38;
	[tilespmem:$0x1BD00] =	vst v63  }
0x2c: {  	_ =	swait.ge [sflag:s7], $0x2000  }
0x2d: {  	[sflag:s7] =	ssyncset.done $0x0  }
0x2e: {  	[sflag:s7] =	ssyncadd.s32 $0xFFFFE000  }
0x2f: {  	[spmem:s20] =	stream.linear.scatter [tilespmem:s6], [sflag:$0x3], $0x2000, $0x38;
	[tilespmem:$0x1BD00] =	vst v63  }
0x30: {  	_ =	swait.ge [sflag:s7], $0x2000  }
0x31: {  	[sflag:s7] =	ssyncset.done $0x0  }
0x32: {  	[sflag:s7] =	ssyncadd.s32 $0xFFFFE000  }
0x33: {  	[spmem:s16] =	stream.linear.scatter [tilespmem:s6], [sflag:$0x3], $0x2000, $0x38;
	[tilespmem:$0x1BD00] =	vst v63  }
0x34: {  	_ =	swait.ge [sflag:s7], $0x2000  }
0x35: {  	[sflag:s7] =	ssyncset.done $0x0  }
0x36: {  	[sflag:s7] =	ssyncadd.s32 $0xFFFFE000  }
0x37: {  	[spmem:s17] =	stream.linear.scatter [tilespmem:s6], [sflag:$0x3], $0x2000, $0x38;
	[tilespmem:$0x1BD00] =	vst v63  }
0x38: {  	_ =	swait.ge [sflag:s7], $0x2000  }
0x39: {  	[sflag:s7] =	ssyncset.done $0x0  }
0x3a: {  	[sflag:s7] =	ssyncadd.s32 $0xFFFFE000  }
0x3b: {  	[spmem:s18] =	stream.linear.scatter [tilespmem:s6], [sflag:$0x3], $0x2000, $0x38;
	[tilespmem:$0x1BD00] =	vst v63  }
0x3c: {  	_ =	swait.ge [sflag:s7], $0x2000  }
0x3d: {  	[sflag:s7] =	ssyncset.done $0x0  }
0x3e: {  	s2 =	smov.u32 s28;
	[sflag:s7] =	ssyncadd.s32 $0xFFFFE000  }
0x3f: {  	[spmem:s2] =	stream.linear.scatter [tilespmem:s6], [sflag:$0x3], $0x2000, $0x38;
	[tilespmem:$0x1BD00] =	vst v63  }
0x40: {  	_ =	swait.ge [sflag:s7], $0x2000  }
0x41: {  	[sflag:s7] =	ssyncset.done $0x0  }
0x42: {  	[sflag:s7] =	ssyncadd.s32 $0xFFFFE000  }
0x43: {  	[spmem:s29] =	stream.linear.scatter [tilespmem:s6], [sflag:$0x3], $0x2000, $0x38;
	[tilespmem:$0x1BD00] =	vst v63  }
0x44: {  	_ =	swait.ge [sflag:s7], $0x2000  }
0x45: {  	[sflag:s7] =	ssyncset.done $0x0  }
0x46: {  	[sflag:s7] =	ssyncadd.s32 $0xFFFFE000  }
0x47: {  	[spmem:s31] =	stream.linear.scatter [tilespmem:s6], [sflag:$0x3], $0x1C00, $0x38;
	[tilespmem:$0x1BD00] =	vst v63  }
0x48: {  	_ =	swait.ge [sflag:s7], $0x1C00  }
0x49: {  	[sflag:s7] =	ssyncset.done $0x0  }
0x4a: {  	s28 =	smov.u32 s18;
	s18 =	smov.u32 s0;
	[sflag:s7] =	ssyncadd.s32 $0xFFFFE400  }
0x4b: {  	[spmem:s18] =	stream.linear.scatter [tilespmem:s6], [sflag:$0x3], $0x1C00, $0x38;
	[tilespmem:$0x1BD00] =	vst v63  }
0x4c: {  	s26 =	smov.u32 s22;
	_ =	swait.ge [sflag:s7], $0x1C00  }
0x4d: {  	s23 =	smov.u32 s17;
	s22 =	smov.u32 s16;
	[sflag:s7] =	ssyncset.done $0x0  }
0x4e: {  	s16 =	simm.s32 @!p0 $0x400;
	s17 =	simm.s32 @!p0 $0x3;
	[sflag:s7] =	ssyncadd.s32 $0xFFFFE400  }
0x4f: {  	[spmem:s25] =	stream.linear.scatter @!p0 [tilespmem:s16], [sflag:$0x3], $0x800, $0x38;
	[tilespmem:$0x1BD00] =	vst v63  }
0x50: {  	_ =	swait.ge @!p0 [sflag:s17], $0x800  }
0x51: {  	[sflag:s17] =	ssyncset.done @!p0 $0x0  }
0x52: {  	s24 =	smov.u32 s21;
	[sflag:s17] =	ssyncadd.s32 @!p0 $0xFFFFF800  }
0x53: {  	[spmem:s30] =	stream.linear.scatter @!p0 [tilespmem:s16], [sflag:$0x3], $0x800, $0x38;
	[tilespmem:$0x1BD00] =	vst v63  }
0x54: {  	s21 =	smov.u32 s20;
	s20 =	sadd.s32 $0x0, s19;
	_ =	swait.ge @!p0 [sflag:s17], $0x800  }
0x55: {  	s25 =	sand.u32 $0x40, s3;
	s16 =	sand.u32 $0xFFFFF80, s20;
	[sflag:s17] =	ssyncset.done @!p0 $0x0  }
0x56: {  	s16 =	sor.u32 s25, s16;
	[sflag:s17] =	ssyncadd.s32 @!p0 $0xFFFFF800  }
0x57: {  	s29 =	sadd.s32 s4, s16;
	[bflag:$0x0] =	sbarrier.arrive $0xFFFF  }
0x58: {  	[tilespmem:s3], [sflag:$0x3] =	stream.linear.gather [hbm4b:s29+s3], $0x200, $0x38;
	[tilespmem:$0x1BD00] =	vst v63  }
0x59: {  	_ =	swait.ge [sflag:s7], $0x200  }
0x5a: {  	[sflag:s7] =	ssyncset.done $0x0  }
0x5b: {  	s16 =	sadd.s32 s5, s16;
	[sflag:s7] =	ssyncadd.s32 $0xFFFFFE00  }
0x5c: {  	[tilespmem:s8], [sflag:$0x3] =	stream.linear.gather [hbm4b:s16+s3], $0x200, $0x38;
	[tilespmem:$0x1BD00] =	vst v63  }
0x5d: {  	_ =	swait.ge [sflag:s7], $0x200  }
0x5e: {  	[sflag:s7] =	ssyncset.done $0x0  }
0x5f: {  	[sflag:s7] =	ssyncadd.s32 $0xFFFFFE00  }
0x60: {  	[tilespmem:s6], [sflag:$0x1] =	stream.indirect.gather [hbm4b:s1+s9], $0x80, s3, s9, $0xb8;
	[tilespmem:$0x1BD00] =	vst v63  }
0x61: {  	_ = 	snop  }
0x62: {  	[tilespmem:s10], [sflag:$0x2] =	stream.indirect.gather [hbm4b:s1+s9], $0x80, s9, s9, $0xb8;
	[tilespmem:$0x1BD00] =	vst v63  }
0x63: {  	_ =	swait.ge [sflag:s11], $0x4000  }
0x64: {  	[sflag:s11] =	ssyncset.done $0x0  }
0x65: {  	[sflag:s11] =	ssyncadd.s32 $0xFFFFC000  }
0x66: {  	[tilespmem:s6], [sflag:$0x1] =	stream.indirect.gather [hbm4b:s1+s9], $0x80, s12, s9, $0xb8;
	[tilespmem:$0x1BD00] =	vst v63  }
0x67: {  	_ =	swait.ge [sflag:s13], $0x4000  }
0x68: {  	[sflag:s13] =	ssyncset.done $0x0  }
0x69: {  	[sflag:s13] =	ssyncadd.s32 $0xFFFFC000  }
0x6a: {  	[tilespmem:s10], [sflag:$0x2] =	stream.indirect.gather [hbm4b:s1+s9], $0x80, s14, s9, $0xb8;
	[tilespmem:$0x1BD00] =	vst v63  }
0x6b: {  	_ =	swait.ge [sflag:s11], $0x4000  }
0x6c: {  	s0 =	smov.u32 s31;
	[sflag:s11] =	ssyncset.done $0x0  }
0x6d: {  	s31 =	sadd.s32 $0x40, s19;
	s30 =	simm.s32 $0x40;
	[sflag:s11] =	ssyncadd.s32 $0xFFFFC000  }
0x6e: {  	s17 =	sand.u32 $0xFFFFF80, s31;
	s16 =	sand.u32 $0x40, s30;
	_ =	swait.ge [sflag:s13], $0x4000  }
0x6f: {  	s16 =	sor.u32 s16, s17;
	s17 =	simm.s32 $0x80;
	[sflag:s13] =	ssyncset.done $0x0  }
.LBB2_2:
0x70: {  	s18 =	sadd.s32 s4, s16  }
0x71: {  	[sflag:s13] =	ssyncadd.s32 $0xFFFFC000;
	s2 =	smov.u32 s17;
	s20 =	sadd.s32 $0x40, s17  }
0x72: {  	[tilespmem:s3], [sflag:$0x3] =	stream.linear.gather [hbm4b:s18+s3], $0x200, $0x38;
	[tilespmem:$0x1BD00] =	vst v63  }
0x73: {  	p1 =	sne.s32 s17, $0x4C0;
	_ =	swait.ge [sflag:s7], $0x200  }
0x74: {  	[sflag:s7] =	ssyncset.done $0x0  }
0x75: {  	s16 =	sadd.s32 s5, s16;
	[sflag:s7] =	ssyncadd.s32 $0xFFFFFE00  }
0x76: {  	[tilespmem:s8], [sflag:$0x3] =	stream.linear.gather [hbm4b:s16+s3], $0x200, $0x38;
	[tilespmem:$0x1BD00] =	vst v63  }
0x77: {  	_ =	swait.ge [sflag:s7], $0x200  }
0x78: {  	[sflag:s7] =	ssyncset.done $0x0  }
0x79: {  	[sflag:s7] =	ssyncadd.s32 $0xFFFFFE00  }
0x7a: {  	[tilespmem:s6], [sflag:$0x1] =	stream.indirect.gather [hbm4b:s1+s9], $0x80, s3, s9, $0xb8;
	[tilespmem:$0x1BD00] =	vst v63  }
0x7b: {  	_ = 	snop  }
0x7c: {  	[tilespmem:s10], [sflag:$0x2] =	stream.indirect.gather [hbm4b:s1+s9], $0x80, s9, s9, $0xb8;
	[tilespmem:$0x1BD00] =	vst v63  }
0x7d: {  	_ =	swait.ge [sflag:s11], $0x4000  }
0x7e: {  	[sflag:s11] =	ssyncset.done $0x0  }
0x7f: {  	[sflag:s11] =	ssyncadd.s32 $0xFFFFC000  }
0x80: {  	[tilespmem:s6], [sflag:$0x1] =	stream.indirect.gather [hbm4b:s1+s9], $0x80, s12, s9, $0xb8;
	[tilespmem:$0x1BD00] =	vst v63  }
0x81: {  	_ =	swait.ge [sflag:s13], $0x4000  }
0x82: {  	[sflag:s13] =	ssyncset.done $0x0  }
0x83: {  	[sflag:s13] =	ssyncadd.s32 $0xFFFFC000  }
0x84: {  	[tilespmem:s10], [sflag:$0x2] =	stream.indirect.gather [hbm4b:s1+s9], $0x80, s14, s9, $0xb8;
	[tilespmem:$0x1BD00] =	vst v63  }
.Ltmp0:
0x85: {  	_ =	swait.ge [sflag:s11], $0x4000;
	(pc) =	sbr.rel @p1 .LBB2_2-.Ltmp0, $4  }
0x86: {  	[sflag:s11] =	ssyncset.done $0x0  }
0x87: {  	s16 =	sadd.s32 s2, s19;
	[sflag:s11] =	ssyncadd.s32 $0xFFFFC000  }
0x88: {  	s2 =	sand.u32 $0x40, s2;
	s16 =	sand.u32 $0xFFFFF80, s16;
	_ =	swait.ge [sflag:s13], $0x4000  }
0x89: {  	s17 =	smov.u32 s20;
	s16 =	sor.u32 s2, s16;
	[sflag:s13] =	ssyncset.done $0x0  }
0x8a: {  	s2 =	sadd.s32 s4, s16;
	[sflag:s13] =	ssyncadd.s32 $0xFFFFC000  }
0x8b: {  	[tilespmem:s3], [sflag:$0x3] =	stream.linear.gather [hbm4b:s2+s3], $0x200, $0x38;
	[tilespmem:$0x1BD00] =	vst v63  }
0x8c: {  	_ =	swait.ge [sflag:s7], $0x200  }
0x8d: {  	[sflag:s7] =	ssyncset.done $0x0  }
0x8e: {  	s17 =	sadd.s32 s5, s16;
	[sflag:s7] =	ssyncadd.s32 $0xFFFFFE00  }
0x8f: {  	[tilespmem:s8], [sflag:$0x3] =	stream.linear.gather [hbm4b:s17+s3], $0x200, $0x38;
	[tilespmem:$0x1BD00] =	vst v63  }
0x90: {  	_ =	swait.ge [sflag:s7], $0x200  }
0x91: {  	[sflag:s7] =	ssyncset.done $0x0  }
0x92: {  	[sflag:s7] =	ssyncadd.s32 $0xFFFFFE00  }
0x93: {  	[tilespmem:s6], [sflag:$0x1] =	stream.indirect.gather [hbm4b:s1+s9], $0x80, s3, s9, $0xb8;
	[tilespmem:$0x1BD00] =	vst v63  }
0x94: {  	_ = 	snop  }
0x95: {  	[tilespmem:s10], [sflag:$0x2] =	stream.indirect.gather [hbm4b:s1+s9], $0x80, s9, s9, $0xb8;
	[tilespmem:$0x1BD00] =	vst v63  }
0x96: {  	_ =	swait.ge [sflag:s11], $0x4000  }
0x97: {  	[sflag:s11] =	ssyncset.done $0x0  }
0x98: {  	[sflag:s11] =	ssyncadd.s32 $0xFFFFC000  }
0x99: {  	[tilespmem:s6], [sflag:$0x1] =	stream.indirect.gather [hbm4b:s1+s9], $0x80, s12, s9, $0xb8;
	[tilespmem:$0x1BD00] =	vst v63  }
0x9a: {  	_ =	swait.ge [sflag:s13], $0x4000  }
0x9b: {  	[sflag:s13] =	ssyncset.done $0x0  }
0x9c: {  	[sflag:s13] =	ssyncadd.s32 $0xFFFFC000  }
0x9d: {  	[tilespmem:s10], [sflag:$0x2] =	stream.indirect.gather [hbm4b:s1+s9], $0x80, s14, s9, $0xb8;
	[tilespmem:$0x1BD00] =	vst v63  }
0x9e: {  	_ =	swait.ge [sflag:s11], $0x4000  }
0x9f: {  	[sflag:s11] =	ssyncset.done $0x0  }
0xa0: {  	[sflag:s11] =	ssyncadd.s32 $0xFFFFC000  }
0xa1: {  	_ =	swait.ge [sflag:s13], $0x4000  }
0xa2: {  	[sflag:s13] =	ssyncset.done $0x0  }
0xa3: {  	[sflag:s13] =	ssyncadd.s32 $0xFFFFC000  }
0xa4: {  	[bflag:$0x0] =	sbarrier.arrive $0xFFFF  }
0xa5: {  	[tilespmem:s6], [sflag:$0x3] =	stream.linear.gather [spmem:s24], $0x2000, $0x38;
	[tilespmem:$0x1BD00] =	vst v63  }
0xa6: {  	_ =	swait.ge [sflag:s7], $0x2000  }
0xa7: {  	[sflag:s7] =	ssyncset.done $0x0  }
0xa8: {  	s18 =	rddreg [dreg:$0x6];
	[sflag:s7] =	ssyncadd.s32 $0xFFFFE000  }
0xa9: {  	[hbm4b:s18+s3] =	stream.linear.scatter [tilespmem:s6], [sflag:$0x3], $0x2000, $0x38;
	[tilespmem:$0x1BD00] =	vst v63  }
0xaa: {  	_ =	swait.ge [sflag:s7], $0x2000  }
0xab: {  	[sflag:s7] =	ssyncset.done $0x0  }
0xac: {  	[sflag:s7] =	ssyncadd.s32 $0xFFFFE000  }
0xad: {  	[tilespmem:s6], [sflag:$0x3] =	stream.linear.gather [spmem:s26], $0x2000, $0x38;
	[tilespmem:$0x1BD00] =	vst v63  }
0xae: {  	_ =	swait.ge [sflag:s7], $0x2000  }
0xaf: {  	[sflag:s7] =	ssyncset.done $0x0  }
0xb0: {  	s20 =	rddreg [dreg:$0x7];
	[sflag:s7] =	ssyncadd.s32 $0xFFFFE000  }
0xb1: {  	[hbm4b:s20+s3] =	stream.linear.scatter [tilespmem:s6], [sflag:$0x3], $0x2000, $0x38;
	[tilespmem:$0x1BD00] =	vst v63  }
0xb2: {  	_ =	swait.ge [sflag:s7], $0x2000  }
0xb3: {  	[sflag:s7] =	ssyncset.done $0x0  }
0xb4: {  	s20 =	smov.u32 s21;
	[sflag:s7] =	ssyncadd.s32 $0xFFFFE000  }
0xb5: {  	[tilespmem:s6], [sflag:$0x3] =	stream.linear.gather [spmem:s20], $0x2000, $0x38;
	[tilespmem:$0x1BD00] =	vst v63  }
0xb6: {  	_ =	swait.ge [sflag:s7], $0x2000  }
0xb7: {  	[sflag:s7] =	ssyncset.done $0x0  }
0xb8: {  	s25 =	rddreg [dreg:$0x8];
	[sflag:s7] =	ssyncadd.s32 $0xFFFFE000  }
0xb9: {  	[hbm4b:s25+s3] =	stream.linear.scatter [tilespmem:s6], [sflag:$0x3], $0x2000, $0x38;
	[tilespmem:$0x1BD00] =	vst v63  }
0xba: {  	_ =	swait.ge [sflag:s7], $0x2000  }
0xbb: {  	[sflag:s7] =	ssyncset.done $0x0  }
0xbc: {  	[sflag:s7] =	ssyncadd.s32 $0xFFFFE000  }
0xbd: {  	[tilespmem:s6], [sflag:$0x3] =	stream.linear.gather [spmem:s22], $0x2000, $0x38;
	[tilespmem:$0x1BD00] =	vst v63  }
0xbe: {  	_ =	swait.ge [sflag:s7], $0x2000  }
0xbf: {  	[sflag:s7] =	ssyncset.done $0x0  }
0xc0: {  	s16 =	rddreg [dreg:$0x9];
	[sflag:s7] =	ssyncadd.s32 $0xFFFFE000  }
0xc1: {  	[hbm4b:s16+s3] =	stream.linear.scatter [tilespmem:s6], [sflag:$0x3], $0x2000, $0x38;
	[tilespmem:$0x1BD00] =	vst v63  }
0xc2: {  	_ =	swait.ge [sflag:s7], $0x2000  }
0xc3: {  	[sflag:s7] =	ssyncset.done $0x0  }
0xc4: {  	[sflag:s7] =	ssyncadd.s32 $0xFFFFE000  }
0xc5: {  	[tilespmem:s6], [sflag:$0x3] =	stream.linear.gather [spmem:s23], $0x2000, $0x38;
	[tilespmem:$0x1BD00] =	vst v63  }
0xc6: {  	_ =	swait.ge [sflag:s7], $0x2000  }
0xc7: {  	[sflag:s7] =	ssyncset.done $0x0  }
0xc8: {  	s17 =	rddreg [dreg:$0xa];
	[sflag:s7] =	ssyncadd.s32 $0xFFFFE000  }
0xc9: {  	[hbm4b:s17+s3] =	stream.linear.scatter [tilespmem:s6], [sflag:$0x3], $0x2000, $0x38;
	[tilespmem:$0x1BD00] =	vst v63  }
0xca: {  	_ =	swait.ge [sflag:s7], $0x2000  }
0xcb: {  	[sflag:s7] =	ssyncset.done $0x0  }
0xcc: {  	[sflag:s7] =	ssyncadd.s32 $0xFFFFE000  }
0xcd: {  	[tilespmem:s6], [sflag:$0x3] =	stream.linear.gather [spmem:s28], $0x2000, $0x38;
	[tilespmem:$0x1BD00] =	vst v63  }
0xce: {  	_ =	swait.ge [sflag:s7], $0x2000  }
0xcf: {  	[sflag:s7] =	ssyncset.done $0x0  }
0xd0: {  	s18 =	rddreg [dreg:$0xb];
	[sflag:s7] =	ssyncadd.s32 $0xFFFFE000  }
0xd1: {  	[hbm4b:s18+s3] =	stream.linear.scatter [tilespmem:s6], [sflag:$0x3], $0x2000, $0x38;
	[tilespmem:$0x1BD00] =	vst v63  }
0xd2: {  	_ =	swait.ge [sflag:s7], $0x2000  }
0xd3: {  	s21 =	smov.u32 s24;
	[sflag:s7] =	ssyncset.done $0x0  }
0xd4: {  	s24 =	smov.u32 s28;
	s28 =	rddreg [dreg:$0x16];
	[sflag:s7] =	ssyncadd.s32 $0xFFFFE000  }
0xd5: {  	[tilespmem:s6], [sflag:$0x3] =	stream.linear.gather [spmem:s28], $0x2000, $0x38;
	[tilespmem:$0x1BD00] =	vst v63  }
0xd6: {  	_ =	swait.ge [sflag:s7], $0x2000  }
0xd7: {  	[sflag:s7] =	ssyncset.done $0x0  }
0xd8: {  	s25 =	rddreg [dreg:$0xc];
	[sflag:s7] =	ssyncadd.s32 $0xFFFFE000  }
0xd9: {  	[hbm4b:s25+s3] =	stream.linear.scatter [tilespmem:s6], [sflag:$0x3], $0x2000, $0x38;
	[tilespmem:$0x1BD00] =	vst v63  }
0xda: {  	_ =	swait.ge [sflag:s7], $0x2000  }
0xdb: {  	[sflag:s7] =	ssyncset.done $0x0  }
0xdc: {  	s29 =	rddreg [dreg:$0x14];
	[sflag:s7] =	ssyncadd.s32 $0xFFFFE000  }
0xdd: {  	[tilespmem:s6], [sflag:$0x3] =	stream.linear.gather [spmem:s29], $0x2000, $0x38;
	[tilespmem:$0x1BD00] =	vst v63  }
0xde: {  	_ =	swait.ge [sflag:s7], $0x2000  }
0xdf: {  	[sflag:s7] =	ssyncset.done $0x0  }
0xe0: {  	s16 =	rddreg [dreg:$0xd];
	[sflag:s7] =	ssyncadd.s32 $0xFFFFE000  }
0xe1: {  	[hbm4b:s16+s3] =	stream.linear.scatter [tilespmem:s6], [sflag:$0x3], $0x2000, $0x38;
	[tilespmem:$0x1BD00] =	vst v63  }
0xe2: {  	_ =	swait.ge [sflag:s7], $0x2000  }
0xe3: {  	[sflag:s7] =	ssyncset.done $0x0  }
0xe4: {  	[sflag:s7] =	ssyncadd.s32 $0xFFFFE000  }
0xe5: {  	[tilespmem:s6], [sflag:$0x3] =	stream.linear.gather [spmem:s0], $0x1C00, $0x38;
	[tilespmem:$0x1BD00] =	vst v63  }
0xe6: {  	_ =	swait.ge [sflag:s7], $0x1C00  }
0xe7: {  	[sflag:s7] =	ssyncset.done $0x0  }
0xe8: {  	s17 =	rddreg [dreg:$0xe];
	[sflag:s7] =	ssyncadd.s32 $0xFFFFE400  }
0xe9: {  	[hbm4b:s17+s3] =	stream.linear.scatter [tilespmem:s6], [sflag:$0x3], $0x1C00, $0x38;
	[tilespmem:$0x1BD00] =	vst v63  }
0xea: {  	_ =	swait.ge [sflag:s7], $0x1C00  }
0xeb: {  	[sflag:s7] =	ssyncset.done $0x0  }
0xec: {  	s31 =	smov.u32 s0;
	s0 =	rddreg [dreg:$0x12];
	[sflag:s7] =	ssyncadd.s32 $0xFFFFE400  }
0xed: {  	[tilespmem:s6], [sflag:$0x3] =	stream.linear.gather [spmem:s0], $0x1C00, $0x38;
	[tilespmem:$0x1BD00] =	vst v63  }
0xee: {  	_ =	swait.ge [sflag:s7], $0x1C00  }
0xef: {  	[sflag:s7] =	ssyncset.done $0x0  }
0xf0: {  	s18 =	rddreg [dreg:$0xf];
	[sflag:s7] =	ssyncadd.s32 $0xFFFFE400  }
0xf1: {  	[hbm4b:s18+s3] =	stream.linear.scatter [tilespmem:s6], [sflag:$0x3], $0x1C00, $0x38;
	[tilespmem:$0x1BD00] =	vst v63  }
0xf2: {  	_ =	swait.ge [sflag:s7], $0x1C00  }
0xf3: {  	s2 =	simm.s32 @!p0 $0x400;
	[sflag:s7] =	ssyncset.done $0x0  }
0xf4: {  	s16 =	simm.s32 @!p0 $0x3;
	s25 =	rddreg [dreg:$0x13];
	[sflag:s7] =	ssyncadd.s32 $0xFFFFE400  }
0xf5: {  	[tilespmem:s2], [sflag:$0x3] =	stream.linear.gather @!p0 [spmem:s25], $0x800, $0x38;
	[tilespmem:$0x1BD00] =	vst v63  }
0xf6: {  	_ =	swait.ge @!p0 [sflag:s16], $0x800  }
0xf7: {  	[sflag:s16] =	ssyncset.done @!p0 $0x0  }
0xf8: {  	s17 =	simm.s32 @!p0 $0x0;
	s18 =	rddreg [dreg:$0x10];
	[sflag:s16] =	ssyncadd.s32 @!p0 $0xFFFFF800  }
0xf9: {  	[hbm4b:s18+s17] =	stream.linear.scatter @!p0 [tilespmem:s2], [sflag:$0x3], $0x800, $0x38;
	[tilespmem:$0x1BD00] =	vst v63  }
0xfa: {  	_ =	swait.ge @!p0 [sflag:s16], $0x800  }
0xfb: {  	[sflag:s16] =	ssyncset.done @!p0 $0x0  }
0xfc: {  	s30 =	rddreg [dreg:$0x15];
	[sflag:s16] =	ssyncadd.s32 @!p0 $0xFFFFF800  }
0xfd: {  	[tilespmem:s2], [sflag:$0x3] =	stream.linear.gather @!p0 [spmem:s30], $0x800, $0x38;
	[tilespmem:$0x1BD00] =	vst v63  }
0xfe: {  	_ =	swait.ge @!p0 [sflag:s16], $0x800  }
0xff: {  	[sflag:s16] =	ssyncset.done @!p0 $0x0  }
0x100: {  	s18 =	rddreg [dreg:$0x11];
	[sflag:s16] =	ssyncadd.s32 @!p0 $0xFFFFF800  }
0x101: {  	[hbm4b:s18+s17] =	stream.linear.scatter @!p0 [tilespmem:s2], [sflag:$0x3], $0x800, $0x38;
	[tilespmem:$0x1BD00] =	vst v63  }
0x102: {  	_ =	swait.ge @!p0 [sflag:s16], $0x800  }
0x103: {  	s15 =	sadd.s32 $0x1, s15;
	s18 =	smov.u32 s24;
	s24 =	rddreg [dreg:$0x17]  }
0x104: {  	p1 =	sne.s32 s15, s24  }
.Ltmp1:
0x105: {  	_ = 	snop;
	(pc) =	sbr.rel @p1 .LBB2_1-.Ltmp1, $3  }
0x106: {  	_ =	sdelay $0x1  }
0x107: {  	s17 =	smov.u32 s23;
	[sflag:s16] =	ssyncset.done @!p0 $0x0  }
0x108: {  	[sflag:s16] =	ssyncadd.s32 @!p0 $0xFFFFF800;
	s16 =	smov.u32 s22;
	s22 =	smov.u32 s26  }
0x109: {  	_ =	sfence.sel $0x180000  }
0x10a: {  	[bflag:$0x0] =	sbarrier.arrive $0xFFFF  }
0x10b: {  	_ =	strace $0x9000004A  }
0x10c: {  	s0 =	stileid.u32;
	[bflag:$0x2] =	sbarrier.arrive $0xFFFF  }
0x10d: {  	p0 =	sne.s32 s0, $0x0;
	s0 =	rddreg [dreg:$0x4]  }
0x10e: {  	s0 =	sadd.s32 @!p0 $0x100000, s0  }
0x10f: {  	[sflag:s0] =	ssyncadd.tile.s32 @!p0 $0x1;
	_ =	shalt  }
.Lfunc_end2:
_tile_overlayer_lowered:
.L_overlay_start_2:
0x110: {  	(tag) =	ssettag $0x2  }
0x111: {  	s0 =	rddreg [dreg:$0x0];
	s2 =	stileid.u32  }
0x112: {  	s1 =	rddreg [dreg:$0x1];
	p0 =	sne.s32 s2, $0x0  }
0x113: {  	s3 =	rddreg [dreg:$0x2];
	[bflag:$0x3] =	sbarrier.arrive $0xFFFF;
	s2 =	simm.s32 @!p0 $0x1C03  }
0x114: {  	[timem:s3], [sflag:s2] =	dma.local @!p0 [hbm:s0], s1  }
0x115: {  	s0 =	simm.s32 @!p0 $0x3  }
0x116: {  	_ =	swait.ge @!p0 [sflag:s0], s1  }
0x117: {  	s1 =	ssub.s32 @!p0 $0x0, s1;
	[sflag:s0] =	ssyncset.done @!p0 $0x0  }
0x118: {  	[sflag:s0] =	ssyncadd.s32 @!p0 s1  }
0x119: {  	[bflag:$0x3] =	sbarrier.arrive $0xFFFF  }
0x11a: {  	_ =	shalt  }

// kernel: kernel.8.cloned.1.call-start
scs
__scs_entry_jumppad:
0x0: {  	(pc) =	sbr.rel $0x88, $3  }
0x1: {  	(tag) =	ssettag $0x0;
	lr =	simm.s32 $0x1  }
0x2: {  	[smem:$0x3F98] =	sst lr;
	_ =	strace $0xD0000000  }
0x3: {  	_ = 	snop  }
0x4: {  	_ = 	snop  }
0x5: {  	_ = 	snop  }
0x6: {  	_ = 	snop  }
0x7: {  	_ = 	snop  }
__scs_overlays_trampoline_lowered:
0x8: {  	[smem:$0x3FA7] =	sst s0  }
0x9: {  	[smem:$0x3FA8] =	sst s1  }
0xa: {  	[smem:$0x3FA9] =	sst s2  }
0xb: {  	[smem:$0x3FAA] =	sst s3  }
0xc: {  	[smem:$0x3FAB] =	sst s4  }
0xd: {  	[smem:$0x3FAC] =	sst s5  }
0xe: {  	[smem:$0x3FAD] =	sst s6  }
0xf: {  	[smem:$0x3FAE] =	sst s7  }
0x10: {  	[smem:$0x3FAF] =	sst s8  }
0x11: {  	[smem:$0x3FB0] =	sst s9;
	s0 =	simm.s32 @!p0 $0x0  }
0x12: {  	s1 =	sld [smem:$0x3F96];
	s0 =	simm.s32 @p0 $0x1  }
0x13: {  	[smem:$0x3FB1] =	sst s0;
	s0 =	simm.s32 @!p1 $0x0  }
0x14: {  	s2 =	sld [smem:$0x3F95];
	s0 =	simm.s32 @p1 $0x1  }
0x15: {  	[smem:$0x3FB2] =	sst s0;
	s0 =	simm.s32 @!p2 $0x0  }
0x16: {  	s3 =	sld [smem:$0x3FDB];
	s0 =	simm.s32 @p2 $0x1  }
0x17: {  	s4 =	simm.s32 $0x1BF5;
	[smem:$0x3FB4] =	sst s0  }
0x18: {  	s0 =	sld [smem:$0x3F97];
	_ =	swait.ge [sflag:s4], $0x0  }
0x19: {  	s7 =	sld [smem:$0x3F98]  }
0x1a: {  	s8 =	sadd.s32 $0xFFFFE003, lr  }
0x1b: {  	s9 =	sadd.s32 $0xFFFFFEF7, lr;
	s5 =	simm.s32 $0xFFFFFFFF;
	p2 =	slt.u32 s8, $0xFFFFF086  }
0x1c: {  	p1 =	slt.u32 s9, $0xF7A;
	s5 =	simm.s32 @!p2 $0x0  }
0x1d: {  	s5 =	simm.s32 @p1 $0x1;
	p0 =	seq.s32 s7, s2  }
0x1e: {  	s7 =	smul.u32 @!p0 $0xF7A, s2;
	p2 =	seq.s32 @!p0 s5, $0x0  }
0x1f: {  	s9 =	smul.u32 $0xF7A, s1;
	s8 =	simm.s32 @!p0 $0x1BF5;
	p2 =	por !p2, p0  }
0x20: {  	[sflag:s8] =	ssyncset.s32 @!p0 $0xFFFFF086;
	s6 =	sadd.s32 @!p0 s3, s7;
	s7 =	simm.s32 @!p0 $0x108  }
0x21: {  	s3 =	sadd.s32 s3, s9;
	s6 =	sadd.s32 @!p0 $0x88, s6;
	s7 =	simm.s32 @p2 $0x1082  }
0x22: {  	[simem:s7], [sflag:s8] =	dma.local @!p0 [hbm:s6], $0xF7A  }
0x23: {  	s9 =	sor.u32 $0xD0000000, s2;
	s6 =	simm.s32 $0x108;
	_ =	swait.ge @!p0 [sflag:s8], $0x0  }
0x24: {  	s3 =	sadd.s32 $0x88, s3;
	s6 =	simm.s32 @!p1 $0x1082;
	[sflag:s4] =	ssyncset.s32 $0xFFFFF086  }
0x25: {  	[simem:s6], [sflag:s4] =	dma.local [hbm:s3], $0xF7A  }
0x26: {  	[smem:$0x3F98] =	sst s1;
	(tag) =	ssettag s2;
	_ =	strace s9  }
0x27: {  	s1 =	sld [smem:$0x3FA8]  }
0x28: {  	s2 =	sld [smem:$0x3FA9]  }
0x29: {  	s4 =	sld [smem:$0x3FAB]  }
0x2a: {  	p0 =	seq.s32 s5, $0x0;
	s5 =	sld [smem:$0x3FAC]  }
0x2b: {  	s6 =	sld [smem:$0x3FAD]  }
0x2c: {  	s7 =	sld [smem:$0x3FAE]  }
0x2d: {  	s3 =	simm.s32 $0x108;
	s8 =	sld [smem:$0x3FAF]  }
0x2e: {  	s3 =	simm.s32 @!p0 $0x1082;
	s9 =	sld [smem:$0x3FB0]  }
0x2f: {  	lr =	sadd.s32 s0, s3;
	s0 =	sld [smem:$0x3FA7]  }
0x30: {  	s3 =	sld [smem:$0x3FAA]  }
0x31: {  	[smem:$0x3FB3] =	sst s10  }
0x32: {  	s10 =	sld [smem:$0x3FB1];
	_ =	sdelay $0x3  }
0x33: {  	p0 =	seq.s32 s10, $0x1;
	s10 =	sld [smem:$0x3FB3];
	_ =	sdelay $0x3  }
0x34: {  	[smem:$0x3FB3] =	sst s10  }
0x35: {  	s10 =	sld [smem:$0x3FB2];
	_ =	sdelay $0x3  }
0x36: {  	p1 =	seq.s32 s10, $0x1;
	s10 =	sld [smem:$0x3FB3];
	_ =	sdelay $0x3  }
0x37: {  	[smem:$0x3FB3] =	sst s10  }
0x38: {  	s10 =	sld [smem:$0x3FB4]  }
0x39: {  	_ = 	snop;
	(pc) =	sbr.ind lr, $3  }
0x3a: {  	_ = 	snop  }
0x3b: {  	_ = 	snop  }
0x3c: {  	p2 =	seq.s32 s10, $0x1;
	s10 =	sld [smem:$0x3FB3]  }
0x3d: {  	_ =	shalt  }
0x3e: {  	_ =	shalt  }
0x3f: {  	_ =	shalt  }
0x40: {  	_ =	shalt  }
0x41: {  	_ =	shalt  }
0x42: {  	_ =	shalt  }
0x43: {  	_ =	shalt  }
0x44: {  	_ =	shalt  }
0x45: {  	_ =	shalt  }
0x46: {  	_ =	shalt  }
0x47: {  	_ =	shalt  }
0x48: {  	_ =	shalt  }
0x49: {  	_ =	shalt  }
0x4a: {  	_ =	shalt  }
0x4b: {  	_ =	shalt  }
0x4c: {  	_ =	shalt  }
0x4d: {  	_ =	shalt  }
0x4e: {  	_ =	shalt  }
0x4f: {  	_ =	shalt  }
0x50: {  	_ =	shalt  }
0x51: {  	_ =	shalt  }
0x52: {  	_ =	shalt  }
0x53: {  	_ =	shalt  }
0x54: {  	_ =	shalt  }
0x55: {  	_ =	shalt  }
0x56: {  	_ =	shalt  }
0x57: {  	_ =	shalt  }
0x58: {  	_ =	shalt  }
0x59: {  	_ =	shalt  }
0x5a: {  	_ =	shalt  }
0x5b: {  	_ =	shalt  }
0x5c: {  	_ =	shalt  }
0x5d: {  	_ =	shalt  }
0x5e: {  	_ =	shalt  }
0x5f: {  	_ =	shalt  }
0x60: {  	_ =	shalt  }
0x61: {  	_ =	shalt  }
0x62: {  	_ =	shalt  }
0x63: {  	_ =	shalt  }
0x64: {  	_ =	shalt  }
0x65: {  	_ =	shalt  }
0x66: {  	_ =	shalt  }
0x67: {  	_ =	shalt  }
0x68: {  	_ =	shalt  }
0x69: {  	_ =	shalt  }
0x6a: {  	_ =	shalt  }
0x6b: {  	_ =	shalt  }
0x6c: {  	_ =	shalt  }
0x6d: {  	_ =	shalt  }
0x6e: {  	_ =	shalt  }
0x6f: {  	_ =	shalt  }
0x70: {  	_ =	shalt  }
0x71: {  	_ =	shalt  }
0x72: {  	_ =	shalt  }
0x73: {  	_ =	shalt  }
0x74: {  	_ =	shalt  }
0x75: {  	_ =	shalt  }
0x76: {  	_ =	shalt  }
0x77: {  	_ =	shalt  }
0x78: {  	_ =	shalt  }
0x79: {  	_ =	shalt  }
0x7a: {  	_ =	shalt  }
0x7b: {  	_ =	shalt  }
0x7c: {  	_ =	shalt  }
0x7d: {  	_ =	shalt  }
0x7e: {  	_ =	shalt  }
0x7f: {  	_ =	shalt  }
0x80: {  	_ =	shalt  }
0x81: {  	_ =	shalt  }
0x82: {  	_ =	shalt  }
0x83: {  	_ =	shalt  }
0x84: {  	_ =	shalt  }
0x85: {  	_ =	shalt  }
0x86: {  	_ =	shalt  }
0x87: {  	_ =	shalt  }
.Lfunc_end0:
.L_simem_size_0:
called_computation_lowered:
.L_overlay_start_0:
0x88: {  	s2 =	sld [smem:$0x3FD9]  }
0x89: {  	s3 =	sld [smem:$0x3FFE];
	_ =	sdelay $0x1  }
0x8a: {  	s1 =	srdreg.scid  }
0x8b: {  	s0 =	sand.u32 $0x1, s1  }
0x8c: {  	s17 =	sshll.u32 s0, $0xA;
	s2 =	sadd.s32 s3, s2  }
0x8d: {  	s2 =	sadd.s32 s2, s17  }
0x8e: {  	[smem:$0x3FBF] =	sst s2  }
0x8f: {  	_ = 	snop  }
0x90: {  	s2 =	sld [smem:$0x3FC9]  }
0x91: {  	s18 =	sld [smem:$0x3FD0];
	(tm) =	ssettm $0x1  }
0x92: {  	s4 =	sld [smem:$0x3FFB];
	_ =	sdelay $0x3  }
0x93: {  	_ =	strace s4  }
0x94: {  	s4 =	sld [smem:$0x3FFC];
	_ =	sdelay $0x3  }
0x95: {  	_ =	strace s4  }
0x96: {  	s4 =	sld [smem:$0x3FFD];
	_ =	sdelay $0x3  }
0x97: {  	_ =	strace s4  }
0x98: {  	_ =	strace $0x8FFFFFFF  }
0x99: {  	s19 =	sld [smem:$0x3FDB];
	_ =	sdelay $0x1  }
0x9a: {  	s5 =	simm.s32 $_scs_section_size  }
0x9b: {  	s6 =	simm.s32 $_size__tile_overlayer_lowered;
	s7 =	simm.s32 $_tile_overlayer_lowered  }
0x9c: {  	s22 =	simm.s32 $0x1BFF;
	s21 =	sshll.u32 s7, $0x1;
	s4 =	sadd.s32 s5, s19  }
0x9d: {  	s8 =	simm.s32 $0x0;
	s20 =	sshll.u32 s6, $0x1;
	s6 =	sadd.s32 s21, s4  }
0x9e: {  	[timem:s8], [sflag:s22] =	dma.local [hbm:s6], s20  }
0x9f: {  	_ =	swait.ge [sflag:s22], s20  }
0xa0: {  	s5 =	ssub.s32 $0x0, s20;
	[sflag:s22] =	ssyncset.done $0x0  }
0xa1: {  	[sflag:s22] =	ssyncadd.s32 s5;
	_ =	sdelay $0x1  }
0xa2: {  	s23 =	simm.s32 $0x1B8B  }
0xa3: {  	_ =	swait.ge [sflag:s23], $0x1  }
0xa4: {  	[sflag:s23] =	ssyncset.done $0x0  }
0xa5: {  	s25 =	simm.s32 $0x1B8E;
	s24 =	sld [smem:$0x3FFE];
	[sflag:s23] =	ssyncadd.s32 $0xFFFFFFFF  }
0xa6: {  	s26 =	simm.s32 $execute0_lowered;
	[smem:$0x3FD2] =	sst s25  }
0xa7: {  	s6 =	sshll.u32 s26, $0x1;
	_ =	strace $0x80000046;
	[dreg:$0x1] =	wrdreg $0xFFFFFFFF  }
0xa8: {  	s28 =	simm.s32 $_size_execute0_lowered;
	s4 =	sadd.s32 s4, s6;
	[dreg:$0x0] =	wrdreg $0x0  }
0xa9: {  	s6 =	sshll.u32 s28, $0x1;
	[dreg:$0x2] =	wrdreg s4  }
0xaa: {  	[dreg:$0x3] =	wrdreg s6  }
0xab: {  	[dreg:$0x4] =	wrdreg $0xC0  }
0xac: {  	_ =	task [dreg:s8], $0x5FFFF  }
0xad: {  	[dreg:$0x1] =	wrdreg $0xFFFFFFFF  }
0xae: {  	[dreg:$0x0] =	wrdreg $0x60  }
0xaf: {  	[dreg:$0x2] =	wrdreg s2  }
0xb0: {  	[dreg:$0x3] =	wrdreg s18  }
0xb1: {  	[dreg:$0x4] =	wrdreg s24  }
0xb2: {  	[dreg:$0x5] =	wrdreg $0x84000  }
0xb3: {  	[dreg:$0x6] =	wrdreg $0x120800  }
0xb4: {  	[dreg:$0x7] =	wrdreg $0x9  }
0xb5: {  	_ =	task.clear_ibuf [dreg:s8], $0x8FFFF;
	_ =	strace $0x90000046  }
0xb6: {  	s29 =	simm.s32 $0x9;
	_ =	strace $0x80000048  }
0xb7: {  	_ =	swait.ge [sflag:s29], $0x1  }
0xb8: {  	[sflag:s29] =	ssyncadd.s32 $0xFFFFFFFF  }
0xb9: {  	_ =	strace $0x90000048  }
0xba: {  	_ =	sfence  }
0xbb: {  	s30 =	sld [smem:$0x0];
	_ =	sdelay $0x2  }
0xbc: {  	s31 =	sshll.u32 s1, $0xD;
	s1 =	sshrl.u32 s1, $0x2  }
0xbd: {  	s3 =	sand.u32 $0x4000, s31;
	s1 =	sadd.s32 s1, s30  }
0xbe: {  	s0 =	sor.u32 s3, s0;
	s1 =	sshll.u32 s1, $0x11  }
0xbf: {  	s0 =	sor.u32 s1, s0  }
0xc0: {  	s0 =	sadd.s32 $0x8F2B, s0  }
0xc1: {  	[sflag:s0] =	ssyncadd.remote.s32 $0x1  }
0xc2: {  	_ =	sfence.sel $0xFFFF  }
0xc3: {  	[dreg:$0x0] =	wrdreg $0xFFFFFFFF;
	(pc) =	sbr.abs _section_cstart, $3  }
0xc4: {  	[dreg:$0x1] =	wrdreg $0xFFFFFFFF  }
0xc5: {  	_ =	task.clear_ibuf [dreg:s8], $0x2FFFF;
	_ =	strace $0x9FFFFFFF  }
0xc6: {  	(tm) =	ssettm $0x7FFFFFFF  }
0xc7: {  	_ =	shalt  }
tec
execute0_lowered:
.L_overlay_start_1:
0x0: {  	(tag) =	ssettag $0x1  }
0x1: {  	s1 =	rddreg [dreg:$0x0]  }
0x2: {  	s2 =	rddreg [dreg:$0x1]  }
0x3: {  	s0 =	rddreg [dreg:$0x2]  }
0x4: {  	s3 =	rddreg [dreg:$0x3]  }
0x5: {  	s6 =	rddreg [dreg:$0x4]  }
0x6: {  	s4 =	simm.s32 $0x0;
	s5 =	srdreg.scid;
	s15 =	stileid.u32  }
0x7: {  	[smem:$0x7FF] =	sst s4;
	s7 =	sand.u32 $0x1, s5;
	s8 =	smul.u32 $0x138, s15  }
0x8: {  	s5 =	sadd.s32 $0x16A00, s0;
	s10 =	sadd.s32 $0xC0A00, s0;
	s19 =	smul.u32 $0xA00, s15  }
0x9: {  	s11 =	sadd.s32 $0xC1200, s0;
	s0 =	sadd.s32 $0xE8400, s0;
	s9 =	smul.u32 $0x1390, s7  }
0xa: {  	_ =	strace $0x80000047;
	[dreg:$0x6] =	wrdreg s10;
	s10 =	smul.u32 $0x9C00, s15  }
0xb: {  	s30 =	sadd.s32 $0x9C000, s6;
	p0 =	sne.s32 s15, $0xF;
	s14 =	smul.u32 $0x9C800, s7  }
0xc: {  	s21 =	ssub.s32 $0x2, s7;
	s7 =	smul.u32 $0x500, s7;
	s15 =	simm.s32 $0x0  }
0xd: {  	[dreg:$0x16] =	wrdreg s30;
	s12 =	sshrl.u32 s21, $0x1;
	s8 =	sadd.s32 s8, s9  }
0xe: {  	s9 =	ssub.s32 s21, s12;
	s18 =	sshrl.u32 s14, $0x3;
	s19 =	sadd.s32 s7, s19  }
0xf: {  	s7 =	simm.s32 $0x3;
	s14 =	simm.s32 $0x180;
	s8 =	sshll.u32 s8, $0x4  }
0x10: {  	s22 =	sadd.s32 s11, s8;
	s23 =	sadd.s32 $0x400, s8;
	s13 =	sadd.s32 s0, s8  }
0x11: {  	s25 =	sadd.s32 $0x800, s8;
	s26 =	sadd.s32 $0xC00, s8;
	[dreg:$0x7] =	wrdreg s22  }
0x12: {  	s8 =	sadd.s32 $0x1000, s8;
	[dreg:$0x8] =	wrdreg s13;
	s24 =	sadd.s32 s11, s23  }
0x13: {  	s12 =	sadd.s32 s0, s23;
	s16 =	sadd.s32 s11, s25;
	[dreg:$0x9] =	wrdreg s24  }
0x14: {  	s17 =	sadd.s32 s0, s26;
	s20 =	sadd.s32 s11, s8;
	[dreg:$0xa] =	wrdreg s12  }
0x15: {  	s8 =	sadd.s32 s0, s8;
	s22 =	sadd.s32 $0x2000, s10;
	[dreg:$0xb] =	wrdreg s16  }
0x16: {  	s23 =	sadd.s32 $0x4000, s10;
	s13 =	simm.s32 $0x2;
	[dreg:$0xe] =	wrdreg s17  }
0x17: {  	s12 =	sadd.s32 s0, s25;
	s16 =	sadd.s32 s11, s26;
	[dreg:$0xf] =	wrdreg s20  }
0x18: {  	[dreg:$0x10] =	wrdreg s8;
	s20 =	sadd.s32 s22, s3;
	s17 =	sadd.s32 s23, s3  }
0x19: {  	s24 =	sadd.s32 $0x6000, s10;
	s25 =	sadd.s32 $0x8000, s10;
	s26 =	smax.u32 s9, $0x1  }
0x1a: {  	s8 =	simm.s32 $0x200;
	s9 =	simm.s32 $0x80;
	[dreg:$0xc] =	wrdreg s12  }
0x1b: {  	[dreg:$0xd] =	wrdreg s16;
	s12 =	sadd.s32 $0x13800, s18;
	s16 =	sadd.s32 s22, s6  }
0x1c: {  	s18 =	sadd.s32 s23, s6;
	s29 =	sadd.s32 s24, s6;
	[dreg:$0x18] =	wrdreg s26  }
0x1d: {  	s22 =	sadd.s32 s10, s6;
	s28 =	sadd.s32 s24, s3;
	[dreg:$0x15] =	wrdreg s29  }
0x1e: {  	s31 =	sadd.s32 s25, s3;
	s21 =	sadd.s32 s11, s12;
	[dreg:$0x17] =	wrdreg s28  }
0x1f: {  	s0 =	sadd.s32 s0, s12;
	s11 =	simm.s32 $0x1;
	[dreg:$0x11] =	wrdreg s21  }
0x20: {  	s12 =	simm.s32 $0x100;
	[dreg:$0x12] =	wrdreg s0;
	s0 =	sadd.s32 s25, s6  }
0x21: {  	s21 =	sadd.s32 s10, s3;
	s25 =	sadd.s32 $0x9C000, s3;
	[dreg:$0x13] =	wrdreg s0  }
0x22: {  	s6 =	simm.s32 $0x400;
	s10 =	simm.s32 $0x4400;
	[dreg:$0x14] =	wrdreg s25  }
.LBB2_1:
0x23: {  	s3 =	rddreg [dreg:$0x6]  }
0x24: {  	[tilespmem:s6], [sflag:$0x3] =	stream.linear.gather [hbm4b:s3+s4], $0x2000, $0x38;
	[tilespmem:$0x1BD00] =	vst v63  }
0x25: {  	_ =	swait.ge [sflag:s7], $0x2000  }
0x26: {  	[sflag:s7] =	ssyncset.done $0x0  }
0x27: {  	[sflag:s7] =	ssyncadd.s32 $0xFFFFE000  }
0x28: {  	[spmem:s21] =	stream.linear.scatter [tilespmem:s6], [sflag:$0x3], $0x2000, $0x38;
	[tilespmem:$0x1BD00] =	vst v63  }
0x29: {  	_ =	swait.ge [sflag:s7], $0x2000  }
0x2a: {  	[sflag:s7] =	ssyncset.done $0x0  }
0x2b: {  	[sflag:s7] =	ssyncadd.s32 $0xFFFFE000  }
0x2c: {  	[spmem:s22] =	stream.linear.scatter [tilespmem:s6], [sflag:$0x3], $0x2000, $0x38;
	[tilespmem:$0x1BD00] =	vst v63  }
0x2d: {  	_ =	swait.ge [sflag:s7], $0x2000  }
0x2e: {  	[sflag:s7] =	ssyncset.done $0x0  }
0x2f: {  	[sflag:s7] =	ssyncadd.s32 $0xFFFFE000  }
0x30: {  	[spmem:s20] =	stream.linear.scatter [tilespmem:s6], [sflag:$0x3], $0x2000, $0x38;
	[tilespmem:$0x1BD00] =	vst v63  }
0x31: {  	_ =	swait.ge [sflag:s7], $0x2000  }
0x32: {  	[sflag:s7] =	ssyncset.done $0x0  }
0x33: {  	[sflag:s7] =	ssyncadd.s32 $0xFFFFE000  }
0x34: {  	[spmem:s16] =	stream.linear.scatter [tilespmem:s6], [sflag:$0x3], $0x2000, $0x38;
	[tilespmem:$0x1BD00] =	vst v63  }
0x35: {  	_ =	swait.ge [sflag:s7], $0x2000  }
0x36: {  	[sflag:s7] =	ssyncset.done $0x0  }
0x37: {  	[sflag:s7] =	ssyncadd.s32 $0xFFFFE000  }
0x38: {  	[spmem:s17] =	stream.linear.scatter [tilespmem:s6], [sflag:$0x3], $0x2000, $0x38;
	[tilespmem:$0x1BD00] =	vst v63  }
0x39: {  	_ =	swait.ge [sflag:s7], $0x2000  }
0x3a: {  	[sflag:s7] =	ssyncset.done $0x0  }
0x3b: {  	[sflag:s7] =	ssyncadd.s32 $0xFFFFE000  }
0x3c: {  	[spmem:s18] =	stream.linear.scatter [tilespmem:s6], [sflag:$0x3], $0x2000, $0x38;
	[tilespmem:$0x1BD00] =	vst v63  }
0x3d: {  	_ =	swait.ge [sflag:s7], $0x2000  }
0x3e: {  	[sflag:s7] =	ssyncset.done $0x0  }
0x3f: {  	s3 =	smov.u32 s28;
	[sflag:s7] =	ssyncadd.s32 $0xFFFFE000  }
0x40: {  	[spmem:s3] =	stream.linear.scatter [tilespmem:s6], [sflag:$0x3], $0x2000, $0x38;
	[tilespmem:$0x1BD00] =	vst v63  }
0x41: {  	_ =	swait.ge [sflag:s7], $0x2000  }
0x42: {  	[sflag:s7] =	ssyncset.done $0x0  }
0x43: {  	[sflag:s7] =	ssyncadd.s32 $0xFFFFE000  }
0x44: {  	[spmem:s29] =	stream.linear.scatter [tilespmem:s6], [sflag:$0x3], $0x2000, $0x38;
	[tilespmem:$0x1BD00] =	vst v63  }
0x45: {  	_ =	swait.ge [sflag:s7], $0x2000  }
0x46: {  	[sflag:s7] =	ssyncset.done $0x0  }
0x47: {  	[sflag:s7] =	ssyncadd.s32 $0xFFFFE000  }
0x48: {  	[spmem:s31] =	stream.linear.scatter [tilespmem:s6], [sflag:$0x3], $0x1C00, $0x38;
	[tilespmem:$0x1BD00] =	vst v63  }
0x49: {  	_ =	swait.ge [sflag:s7], $0x1C00  }
0x4a: {  	[sflag:s7] =	ssyncset.done $0x0  }
0x4b: {  	s28 =	smov.u32 s18;
	s18 =	smov.u32 s0;
	[sflag:s7] =	ssyncadd.s32 $0xFFFFE400  }
0x4c: {  	[spmem:s18] =	stream.linear.scatter [tilespmem:s6], [sflag:$0x3], $0x1C00, $0x38;
	[tilespmem:$0x1BD00] =	vst v63  }
0x4d: {  	s26 =	smov.u32 s22;
	_ =	swait.ge [sflag:s7], $0x1C00  }
0x4e: {  	s23 =	smov.u32 s17;
	s22 =	smov.u32 s16;
	[sflag:s7] =	ssyncset.done $0x0  }
0x4f: {  	s16 =	simm.s32 @!p0 $0x400;
	s17 =	simm.s32 @!p0 $0x3;
	[sflag:s7] =	ssyncadd.s32 $0xFFFFE400  }
0x50: {  	[spmem:s25] =	stream.linear.scatter @!p0 [tilespmem:s16], [sflag:$0x3], $0x800, $0x38;
	[tilespmem:$0x1BD00] =	vst v63  }
0x51: {  	_ =	swait.ge @!p0 [sflag:s17], $0x800  }
0x52: {  	[sflag:s17] =	ssyncset.done @!p0 $0x0  }
0x53: {  	s24 =	smov.u32 s21;
	[sflag:s17] =	ssyncadd.s32 @!p0 $0xFFFFF800  }
0x54: {  	[spmem:s30] =	stream.linear.scatter @!p0 [tilespmem:s16], [sflag:$0x3], $0x800, $0x38;
	[tilespmem:$0x1BD00] =	vst v63  }
0x55: {  	s21 =	smov.u32 s20;
	s20 =	sadd.s32 $0x0, s19;
	_ =	swait.ge @!p0 [sflag:s17], $0x800  }
0x56: {  	s25 =	sand.u32 $0x40, s4;
	s16 =	sand.u32 $0xFFFFF80, s20;
	[sflag:s17] =	ssyncset.done @!p0 $0x0  }
0x57: {  	s16 =	sor.u32 s25, s16;
	[sflag:s17] =	ssyncadd.s32 @!p0 $0xFFFFF800  }
0x58: {  	s29 =	sadd.s32 s2, s16;
	[bflag:$0x0] =	sbarrier.arrive $0xFFFF  }
0x59: {  	[tilespmem:s4], [sflag:$0x3] =	stream.linear.gather [hbm4b:s29+s4], $0x200, $0x38;
	[tilespmem:$0x1BD00] =	vst v63  }
0x5a: {  	_ =	swait.ge [sflag:s7], $0x200  }
0x5b: {  	[sflag:s7] =	ssyncset.done $0x0  }
0x5c: {  	s16 =	sadd.s32 s5, s16;
	[sflag:s7] =	ssyncadd.s32 $0xFFFFFE00  }
0x5d: {  	[tilespmem:s8], [sflag:$0x3] =	stream.linear.gather [hbm4b:s16+s4], $0x200, $0x38;
	[tilespmem:$0x1BD00] =	vst v63  }
0x5e: {  	_ =	swait.ge [sflag:s7], $0x200  }
0x5f: {  	[sflag:s7] =	ssyncset.done $0x0  }
0x60: {  	[sflag:s7] =	ssyncadd.s32 $0xFFFFFE00  }
0x61: {  	[tilespmem:s6], [sflag:$0x1] =	stream.indirect.gather [hbm4b:s1+s9], $0x80, s4, s9, $0xb8;
	[tilespmem:$0x1BD00] =	vst v63  }
0x62: {  	_ = 	snop  }
0x63: {  	[tilespmem:s10], [sflag:$0x2] =	stream.indirect.gather [hbm4b:s1+s9], $0x80, s9, s9, $0xb8;
	[tilespmem:$0x1BD00] =	vst v63  }
0x64: {  	_ =	swait.ge [sflag:s11], $0x4000  }
0x65: {  	[sflag:s11] =	ssyncset.done $0x0  }
0x66: {  	[sflag:s11] =	ssyncadd.s32 $0xFFFFC000  }
0x67: {  	[tilespmem:s6], [sflag:$0x1] =	stream.indirect.gather [hbm4b:s1+s9], $0x80, s12, s9, $0xb8;
	[tilespmem:$0x1BD00] =	vst v63  }
0x68: {  	_ =	swait.ge [sflag:s13], $0x4000  }
0x69: {  	[sflag:s13] =	ssyncset.done $0x0  }
0x6a: {  	[sflag:s13] =	ssyncadd.s32 $0xFFFFC000  }
0x6b: {  	[tilespmem:s10], [sflag:$0x2] =	stream.indirect.gather [hbm4b:s1+s9], $0x80, s14, s9, $0xb8;
	[tilespmem:$0x1BD00] =	vst v63  }
0x6c: {  	_ =	swait.ge [sflag:s11], $0x4000  }
0x6d: {  	s0 =	smov.u32 s31;
	[sflag:s11] =	ssyncset.done $0x0  }
0x6e: {  	s31 =	sadd.s32 $0x40, s19;
	s30 =	simm.s32 $0x40;
	[sflag:s11] =	ssyncadd.s32 $0xFFFFC000  }
0x6f: {  	s17 =	sand.u32 $0xFFFFF80, s31;
	s16 =	sand.u32 $0x40, s30;
	_ =	swait.ge [sflag:s13], $0x4000  }
0x70: {  	s16 =	sor.u32 s16, s17;
	s17 =	simm.s32 $0x80;
	[sflag:s13] =	ssyncset.done $0x0  }
.LBB2_2:
0x71: {  	s18 =	sadd.s32 s2, s16  }
0x72: {  	[sflag:s13] =	ssyncadd.s32 $0xFFFFC000;
	s3 =	smov.u32 s17;
	s20 =	sadd.s32 $0x40, s17  }
0x73: {  	[tilespmem:s4], [sflag:$0x3] =	stream.linear.gather [hbm4b:s18+s4], $0x200, $0x38;
	[tilespmem:$0x1BD00] =	vst v63  }
0x74: {  	p1 =	sne.s32 s17, $0x4C0;
	_ =	swait.ge [sflag:s7], $0x200  }
0x75: {  	[sflag:s7] =	ssyncset.done $0x0  }
0x76: {  	s16 =	sadd.s32 s5, s16;
	[sflag:s7] =	ssyncadd.s32 $0xFFFFFE00  }
0x77: {  	[tilespmem:s8], [sflag:$0x3] =	stream.linear.gather [hbm4b:s16+s4], $0x200, $0x38;
	[tilespmem:$0x1BD00] =	vst v63  }
0x78: {  	_ =	swait.ge [sflag:s7], $0x200  }
0x79: {  	[sflag:s7] =	ssyncset.done $0x0  }
0x7a: {  	[sflag:s7] =	ssyncadd.s32 $0xFFFFFE00  }
0x7b: {  	[tilespmem:s6], [sflag:$0x1] =	stream.indirect.gather [hbm4b:s1+s9], $0x80, s4, s9, $0xb8;
	[tilespmem:$0x1BD00] =	vst v63  }
0x7c: {  	_ = 	snop  }
0x7d: {  	[tilespmem:s10], [sflag:$0x2] =	stream.indirect.gather [hbm4b:s1+s9], $0x80, s9, s9, $0xb8;
	[tilespmem:$0x1BD00] =	vst v63  }
0x7e: {  	_ =	swait.ge [sflag:s11], $0x4000  }
0x7f: {  	[sflag:s11] =	ssyncset.done $0x0  }
0x80: {  	[sflag:s11] =	ssyncadd.s32 $0xFFFFC000  }
0x81: {  	[tilespmem:s6], [sflag:$0x1] =	stream.indirect.gather [hbm4b:s1+s9], $0x80, s12, s9, $0xb8;
	[tilespmem:$0x1BD00] =	vst v63  }
0x82: {  	_ =	swait.ge [sflag:s13], $0x4000  }
0x83: {  	[sflag:s13] =	ssyncset.done $0x0  }
0x84: {  	[sflag:s13] =	ssyncadd.s32 $0xFFFFC000  }
0x85: {  	[tilespmem:s10], [sflag:$0x2] =	stream.indirect.gather [hbm4b:s1+s9], $0x80, s14, s9, $0xb8;
	[tilespmem:$0x1BD00] =	vst v63  }
.Ltmp0:
0x86: {  	_ =	swait.ge [sflag:s11], $0x4000;
	(pc) =	sbr.rel @p1 .LBB2_2-.Ltmp0, $4  }
0x87: {  	[sflag:s11] =	ssyncset.done $0x0  }
0x88: {  	s16 =	sadd.s32 s3, s19;
	[sflag:s11] =	ssyncadd.s32 $0xFFFFC000  }
0x89: {  	s3 =	sand.u32 $0x40, s3;
	s16 =	sand.u32 $0xFFFFF80, s16;
	_ =	swait.ge [sflag:s13], $0x4000  }
0x8a: {  	s17 =	smov.u32 s20;
	s16 =	sor.u32 s3, s16;
	[sflag:s13] =	ssyncset.done $0x0  }
0x8b: {  	s3 =	sadd.s32 s2, s16;
	[sflag:s13] =	ssyncadd.s32 $0xFFFFC000  }
0x8c: {  	[tilespmem:s4], [sflag:$0x3] =	stream.linear.gather [hbm4b:s3+s4], $0x200, $0x38;
	[tilespmem:$0x1BD00] =	vst v63  }
0x8d: {  	_ =	swait.ge [sflag:s7], $0x200  }
0x8e: {  	[sflag:s7] =	ssyncset.done $0x0  }
0x8f: {  	s17 =	sadd.s32 s5, s16;
	[sflag:s7] =	ssyncadd.s32 $0xFFFFFE00  }
0x90: {  	[tilespmem:s8], [sflag:$0x3] =	stream.linear.gather [hbm4b:s17+s4], $0x200, $0x38;
	[tilespmem:$0x1BD00] =	vst v63  }
0x91: {  	_ =	swait.ge [sflag:s7], $0x200  }
0x92: {  	[sflag:s7] =	ssyncset.done $0x0  }
0x93: {  	[sflag:s7] =	ssyncadd.s32 $0xFFFFFE00  }
0x94: {  	[tilespmem:s6], [sflag:$0x1] =	stream.indirect.gather [hbm4b:s1+s9], $0x80, s4, s9, $0xb8;
	[tilespmem:$0x1BD00] =	vst v63  }
0x95: {  	_ = 	snop  }
0x96: {  	[tilespmem:s10], [sflag:$0x2] =	stream.indirect.gather [hbm4b:s1+s9], $0x80, s9, s9, $0xb8;
	[tilespmem:$0x1BD00] =	vst v63  }
0x97: {  	_ =	swait.ge [sflag:s11], $0x4000  }
0x98: {  	[sflag:s11] =	ssyncset.done $0x0  }
0x99: {  	[sflag:s11] =	ssyncadd.s32 $0xFFFFC000  }
0x9a: {  	[tilespmem:s6], [sflag:$0x1] =	stream.indirect.gather [hbm4b:s1+s9], $0x80, s12, s9, $0xb8;
	[tilespmem:$0x1BD00] =	vst v63  }
0x9b: {  	_ =	swait.ge [sflag:s13], $0x4000  }
0x9c: {  	[sflag:s13] =	ssyncset.done $0x0  }
0x9d: {  	[sflag:s13] =	ssyncadd.s32 $0xFFFFC000  }
0x9e: {  	[tilespmem:s10], [sflag:$0x2] =	stream.indirect.gather [hbm4b:s1+s9], $0x80, s14, s9, $0xb8;
	[tilespmem:$0x1BD00] =	vst v63  }
0x9f: {  	_ =	swait.ge [sflag:s11], $0x4000  }
0xa0: {  	[sflag:s11] =	ssyncset.done $0x0  }
0xa1: {  	[sflag:s11] =	ssyncadd.s32 $0xFFFFC000  }
0xa2: {  	_ =	swait.ge [sflag:s13], $0x4000  }
0xa3: {  	[sflag:s13] =	ssyncset.done $0x0  }
0xa4: {  	[sflag:s13] =	ssyncadd.s32 $0xFFFFC000  }
0xa5: {  	[bflag:$0x0] =	sbarrier.arrive $0xFFFF  }
0xa6: {  	[tilespmem:s6], [sflag:$0x3] =	stream.linear.gather [spmem:s24], $0x2000, $0x38;
	[tilespmem:$0x1BD00] =	vst v63  }
0xa7: {  	_ =	swait.ge [sflag:s7], $0x2000  }
0xa8: {  	[sflag:s7] =	ssyncset.done $0x0  }
0xa9: {  	s18 =	rddreg [dreg:$0x7];
	[sflag:s7] =	ssyncadd.s32 $0xFFFFE000  }
0xaa: {  	[hbm4b:s18+s4] =	stream.linear.scatter [tilespmem:s6], [sflag:$0x3], $0x2000, $0x38;
	[tilespmem:$0x1BD00] =	vst v63  }
0xab: {  	_ =	swait.ge [sflag:s7], $0x2000  }
0xac: {  	[sflag:s7] =	ssyncset.done $0x0  }
0xad: {  	[sflag:s7] =	ssyncadd.s32 $0xFFFFE000  }
0xae: {  	[tilespmem:s6], [sflag:$0x3] =	stream.linear.gather [spmem:s26], $0x2000, $0x38;
	[tilespmem:$0x1BD00] =	vst v63  }
0xaf: {  	_ =	swait.ge [sflag:s7], $0x2000  }
0xb0: {  	[sflag:s7] =	ssyncset.done $0x0  }
0xb1: {  	s20 =	rddreg [dreg:$0x8];
	[sflag:s7] =	ssyncadd.s32 $0xFFFFE000  }
0xb2: {  	[hbm4b:s20+s4] =	stream.linear.scatter [tilespmem:s6], [sflag:$0x3], $0x2000, $0x38;
	[tilespmem:$0x1BD00] =	vst v63  }
0xb3: {  	_ =	swait.ge [sflag:s7], $0x2000  }
0xb4: {  	[sflag:s7] =	ssyncset.done $0x0  }
0xb5: {  	s20 =	smov.u32 s21;
	[sflag:s7] =	ssyncadd.s32 $0xFFFFE000  }
0xb6: {  	[tilespmem:s6], [sflag:$0x3] =	stream.linear.gather [spmem:s20], $0x2000, $0x38;
	[tilespmem:$0x1BD00] =	vst v63  }
0xb7: {  	_ =	swait.ge [sflag:s7], $0x2000  }
0xb8: {  	[sflag:s7] =	ssyncset.done $0x0  }
0xb9: {  	s25 =	rddreg [dreg:$0x9];
	[sflag:s7] =	ssyncadd.s32 $0xFFFFE000  }
0xba: {  	[hbm4b:s25+s4] =	stream.linear.scatter [tilespmem:s6], [sflag:$0x3], $0x2000, $0x38;
	[tilespmem:$0x1BD00] =	vst v63  }
0xbb: {  	_ =	swait.ge [sflag:s7], $0x2000  }
0xbc: {  	[sflag:s7] =	ssyncset.done $0x0  }
0xbd: {  	[sflag:s7] =	ssyncadd.s32 $0xFFFFE000  }
0xbe: {  	[tilespmem:s6], [sflag:$0x3] =	stream.linear.gather [spmem:s22], $0x2000, $0x38;
	[tilespmem:$0x1BD00] =	vst v63  }
0xbf: {  	_ =	swait.ge [sflag:s7], $0x2000  }
0xc0: {  	[sflag:s7] =	ssyncset.done $0x0  }
0xc1: {  	s16 =	rddreg [dreg:$0xa];
	[sflag:s7] =	ssyncadd.s32 $0xFFFFE000  }
0xc2: {  	[hbm4b:s16+s4] =	stream.linear.scatter [tilespmem:s6], [sflag:$0x3], $0x2000, $0x38;
	[tilespmem:$0x1BD00] =	vst v63  }
0xc3: {  	_ =	swait.ge [sflag:s7], $0x2000  }
0xc4: {  	[sflag:s7] =	ssyncset.done $0x0  }
0xc5: {  	[sflag:s7] =	ssyncadd.s32 $0xFFFFE000  }
0xc6: {  	[tilespmem:s6], [sflag:$0x3] =	stream.linear.gather [spmem:s23], $0x2000, $0x38;
	[tilespmem:$0x1BD00] =	vst v63  }
0xc7: {  	_ =	swait.ge [sflag:s7], $0x2000  }
0xc8: {  	[sflag:s7] =	ssyncset.done $0x0  }
0xc9: {  	s17 =	rddreg [dreg:$0xb];
	[sflag:s7] =	ssyncadd.s32 $0xFFFFE000  }
0xca: {  	[hbm4b:s17+s4] =	stream.linear.scatter [tilespmem:s6], [sflag:$0x3], $0x2000, $0x38;
	[tilespmem:$0x1BD00] =	vst v63  }
0xcb: {  	_ =	swait.ge [sflag:s7], $0x2000  }
0xcc: {  	[sflag:s7] =	ssyncset.done $0x0  }
0xcd: {  	[sflag:s7] =	ssyncadd.s32 $0xFFFFE000  }
0xce: {  	[tilespmem:s6], [sflag:$0x3] =	stream.linear.gather [spmem:s28], $0x2000, $0x38;
	[tilespmem:$0x1BD00] =	vst v63  }
0xcf: {  	_ =	swait.ge [sflag:s7], $0x2000  }
0xd0: {  	[sflag:s7] =	ssyncset.done $0x0  }
0xd1: {  	s18 =	rddreg [dreg:$0xc];
	[sflag:s7] =	ssyncadd.s32 $0xFFFFE000  }
0xd2: {  	[hbm4b:s18+s4] =	stream.linear.scatter [tilespmem:s6], [sflag:$0x3], $0x2000, $0x38;
	[tilespmem:$0x1BD00] =	vst v63  }
0xd3: {  	_ =	swait.ge [sflag:s7], $0x2000  }
0xd4: {  	s21 =	smov.u32 s24;
	[sflag:s7] =	ssyncset.done $0x0  }
0xd5: {  	s24 =	smov.u32 s28;
	s28 =	rddreg [dreg:$0x17];
	[sflag:s7] =	ssyncadd.s32 $0xFFFFE000  }
0xd6: {  	[tilespmem:s6], [sflag:$0x3] =	stream.linear.gather [spmem:s28], $0x2000, $0x38;
	[tilespmem:$0x1BD00] =	vst v63  }
0xd7: {  	_ =	swait.ge [sflag:s7], $0x2000  }
0xd8: {  	[sflag:s7] =	ssyncset.done $0x0  }
0xd9: {  	s25 =	rddreg [dreg:$0xd];
	[sflag:s7] =	ssyncadd.s32 $0xFFFFE000  }
0xda: {  	[hbm4b:s25+s4] =	stream.linear.scatter [tilespmem:s6], [sflag:$0x3], $0x2000, $0x38;
	[tilespmem:$0x1BD00] =	vst v63  }
0xdb: {  	_ =	swait.ge [sflag:s7], $0x2000  }
0xdc: {  	[sflag:s7] =	ssyncset.done $0x0  }
0xdd: {  	s29 =	rddreg [dreg:$0x15];
	[sflag:s7] =	ssyncadd.s32 $0xFFFFE000  }
0xde: {  	[tilespmem:s6], [sflag:$0x3] =	stream.linear.gather [spmem:s29], $0x2000, $0x38;
	[tilespmem:$0x1BD00] =	vst v63  }
0xdf: {  	_ =	swait.ge [sflag:s7], $0x2000  }
0xe0: {  	[sflag:s7] =	ssyncset.done $0x0  }
0xe1: {  	s16 =	rddreg [dreg:$0xe];
	[sflag:s7] =	ssyncadd.s32 $0xFFFFE000  }
0xe2: {  	[hbm4b:s16+s4] =	stream.linear.scatter [tilespmem:s6], [sflag:$0x3], $0x2000, $0x38;
	[tilespmem:$0x1BD00] =	vst v63  }
0xe3: {  	_ =	swait.ge [sflag:s7], $0x2000  }
0xe4: {  	[sflag:s7] =	ssyncset.done $0x0  }
0xe5: {  	[sflag:s7] =	ssyncadd.s32 $0xFFFFE000  }
0xe6: {  	[tilespmem:s6], [sflag:$0x3] =	stream.linear.gather [spmem:s0], $0x1C00, $0x38;
	[tilespmem:$0x1BD00] =	vst v63  }
0xe7: {  	_ =	swait.ge [sflag:s7], $0x1C00  }
0xe8: {  	[sflag:s7] =	ssyncset.done $0x0  }
0xe9: {  	s17 =	rddreg [dreg:$0xf];
	[sflag:s7] =	ssyncadd.s32 $0xFFFFE400  }
0xea: {  	[hbm4b:s17+s4] =	stream.linear.scatter [tilespmem:s6], [sflag:$0x3], $0x1C00, $0x38;
	[tilespmem:$0x1BD00] =	vst v63  }
0xeb: {  	_ =	swait.ge [sflag:s7], $0x1C00  }
0xec: {  	[sflag:s7] =	ssyncset.done $0x0  }
0xed: {  	s31 =	smov.u32 s0;
	s0 =	rddreg [dreg:$0x13];
	[sflag:s7] =	ssyncadd.s32 $0xFFFFE400  }
0xee: {  	[tilespmem:s6], [sflag:$0x3] =	stream.linear.gather [spmem:s0], $0x1C00, $0x38;
	[tilespmem:$0x1BD00] =	vst v63  }
0xef: {  	_ =	swait.ge [sflag:s7], $0x1C00  }
0xf0: {  	[sflag:s7] =	ssyncset.done $0x0  }
0xf1: {  	s18 =	rddreg [dreg:$0x10];
	[sflag:s7] =	ssyncadd.s32 $0xFFFFE400  }
0xf2: {  	[hbm4b:s18+s4] =	stream.linear.scatter [tilespmem:s6], [sflag:$0x3], $0x1C00, $0x38;
	[tilespmem:$0x1BD00] =	vst v63  }
0xf3: {  	_ =	swait.ge [sflag:s7], $0x1C00  }
0xf4: {  	s3 =	simm.s32 @!p0 $0x400;
	[sflag:s7] =	ssyncset.done $0x0  }
0xf5: {  	s16 =	simm.s32 @!p0 $0x3;
	s25 =	rddreg [dreg:$0x14];
	[sflag:s7] =	ssyncadd.s32 $0xFFFFE400  }
0xf6: {  	[tilespmem:s3], [sflag:$0x3] =	stream.linear.gather @!p0 [spmem:s25], $0x800, $0x38;
	[tilespmem:$0x1BD00] =	vst v63  }
0xf7: {  	_ =	swait.ge @!p0 [sflag:s16], $0x800  }
0xf8: {  	[sflag:s16] =	ssyncset.done @!p0 $0x0  }
0xf9: {  	s17 =	simm.s32 @!p0 $0x0;
	s18 =	rddreg [dreg:$0x11];
	[sflag:s16] =	ssyncadd.s32 @!p0 $0xFFFFF800  }
0xfa: {  	[hbm4b:s18+s17] =	stream.linear.scatter @!p0 [tilespmem:s3], [sflag:$0x3], $0x800, $0x38;
	[tilespmem:$0x1BD00] =	vst v63  }
0xfb: {  	_ =	swait.ge @!p0 [sflag:s16], $0x800  }
0xfc: {  	[sflag:s16] =	ssyncset.done @!p0 $0x0  }
0xfd: {  	s30 =	rddreg [dreg:$0x16];
	[sflag:s16] =	ssyncadd.s32 @!p0 $0xFFFFF800  }
0xfe: {  	[tilespmem:s3], [sflag:$0x3] =	stream.linear.gather @!p0 [spmem:s30], $0x800, $0x38;
	[tilespmem:$0x1BD00] =	vst v63  }
0xff: {  	_ =	swait.ge @!p0 [sflag:s16], $0x800  }
0x100: {  	[sflag:s16] =	ssyncset.done @!p0 $0x0  }
0x101: {  	s18 =	rddreg [dreg:$0x12];
	[sflag:s16] =	ssyncadd.s32 @!p0 $0xFFFFF800  }
0x102: {  	[hbm4b:s18+s17] =	stream.linear.scatter @!p0 [tilespmem:s3], [sflag:$0x3], $0x800, $0x38;
	[tilespmem:$0x1BD00] =	vst v63  }
0x103: {  	_ =	swait.ge @!p0 [sflag:s16], $0x800  }
0x104: {  	s15 =	sadd.s32 $0x1, s15;
	s18 =	smov.u32 s24;
	s24 =	rddreg [dreg:$0x18]  }
0x105: {  	p1 =	sne.s32 s15, s24  }
.Ltmp1:
0x106: {  	_ = 	snop;
	(pc) =	sbr.rel @p1 .LBB2_1-.Ltmp1, $3  }
0x107: {  	_ =	sdelay $0x1  }
0x108: {  	s17 =	smov.u32 s23;
	[sflag:s16] =	ssyncset.done @!p0 $0x0  }
0x109: {  	[sflag:s16] =	ssyncadd.s32 @!p0 $0xFFFFF800;
	s16 =	smov.u32 s22;
	s22 =	smov.u32 s26  }
0x10a: {  	_ =	sfence.sel $0x180000  }
0x10b: {  	[bflag:$0x0] =	sbarrier.arrive $0xFFFF  }
0x10c: {  	_ =	strace $0x90000047  }
0x10d: {  	s0 =	stileid.u32;
	[bflag:$0x2] =	sbarrier.arrive $0xFFFF  }
0x10e: {  	p0 =	sne.s32 s0, $0x0;
	s0 =	rddreg [dreg:$0x5]  }
0x10f: {  	s0 =	sadd.s32 @!p0 $0x100000, s0  }
0x110: {  	[sflag:s0] =	ssyncadd.tile.s32 @!p0 $0x1;
	_ =	shalt  }
.Lfunc_end2:
_tile_overlayer_lowered:
.L_overlay_start_2:
0x111: {  	(tag) =	ssettag $0x2  }
0x112: {  	s0 =	rddreg [dreg:$0x0];
	s2 =	stileid.u32  }
0x113: {  	s1 =	rddreg [dreg:$0x1];
	p0 =	sne.s32 s2, $0x0  }
0x114: {  	s3 =	rddreg [dreg:$0x2];
	[bflag:$0x3] =	sbarrier.arrive $0xFFFF;
	s2 =	simm.s32 @!p0 $0x1C03  }
0x115: {  	[timem:s3], [sflag:s2] =	dma.local @!p0 [hbm:s0], s1  }
0x116: {  	s0 =	simm.s32 @!p0 $0x3  }
0x117: {  	_ =	swait.ge @!p0 [sflag:s0], s1  }
0x118: {  	s1 =	ssub.s32 @!p0 $0x0, s1;
	[sflag:s0] =	ssyncset.done @!p0 $0x0  }
0x119: {  	[sflag:s0] =	ssyncadd.s32 @!p0 s1  }
0x11a: {  	[bflag:$0x3] =	sbarrier.arrive $0xFFFF  }
0x11b: {  	_ =	shalt  }

</sc_bundles>
